<compile_context>
chip_gen: v7x
topology: tpu7x:2x2x1
jax: 0.10.2.dev20260603
libtpu: 0.0.44.dev20260713+nightly
codegen_flags: <defaults>
</compile_context>

<pallas_src>
import functools

import jax
import jax.numpy as jnp
import numpy as np
from jax import lax
from jax.experimental import pallas as pl
from jax.experimental.pallas import tpu as pltpu
from jax.experimental.pallas import tpu_sc as plsc

NC = 2
NS = 16
NW = NC * NS
CH = 128
H = 16


def _sc_aggregate(x, eim, tail, zeros, n_acc, k, rows_per_sub, c_main):
    d = x.shape[1]
    wchunks = rows_per_sub // CH
    nb = 2
    groups = k // H
    mesh = plsc.VectorSubcoreMesh(core_axis_name="c", subcore_axis_name="s",
                                  num_cores=NC, num_subcores=NS)

    @functools.partial(
        pl.kernel,
        out_type=jax.ShapeDtypeStruct((NC, n_acc, d), jnp.float32),
        mesh=mesh,
        scratch_types=[
            pltpu.VMEM((2, H, CH), jnp.int32),
            pltpu.VMEM((2, H, CH), jnp.int32),
            pltpu.VMEM((nb, CH, d), jnp.float32),
            pltpu.VMEM_SHARED((n_acc, d), jnp.float32),
        ] + [pltpu.SemaphoreType.DMA] * (nb + 4),
        compiler_params=pltpu.CompilerParams(use_tc_tiling_on_sc=False),
    )
    def body(x_hbm, eim_hbm, tail_hbm, zero_hbm, p_hbm, sidx, didx, rows_v,
             acc, *sems):
        gsem = sems[:nb]
        isem_s = sems[nb:nb + 2]
        isem_d = sems[nb + 2:nb + 4]
        c = lax.axis_index("c")
        s = lax.axis_index("s")
        wid = s * NC + c
        base = wid * k

        def fire_idx(q0, ib):
            @pl.when(q0 < c_main)
            def _():
                pltpu.async_copy(eim_hbm.at[0, pl.ds(q0, H)], sidx.at[ib],
                                 isem_s[ib])
                pltpu.async_copy(eim_hbm.at[1, pl.ds(q0, H)], didx.at[ib],
                                 isem_d[ib])

            @pl.when(q0 >= c_main)
            def _():
                t0 = q0 - c_main
                pltpu.async_copy(tail_hbm.at[0, pl.ds(t0, H)], sidx.at[ib],
                                 isem_s[ib])
                pltpu.async_copy(tail_hbm.at[1, pl.ds(t0, H)], didx.at[ib],
                                 isem_d[ib])

        def wait_idx(ib):
            pltpu.make_async_copy(
                eim_hbm.at[0, pl.ds(0, H)], sidx.at[ib], isem_s[ib]).wait()
            pltpu.make_async_copy(
                eim_hbm.at[1, pl.ds(0, H)], didx.at[ib], isem_d[ib]).wait()

        pltpu.sync_copy(zero_hbm, rows_v.at[0])
        for t in range(wchunks):
            pltpu.async_copy(
                rows_v.at[0], acc.at[pl.ds(s * rows_per_sub + t * CH, CH)],
                gsem[0])

        fire_idx(base, 0)
        if groups > 1:
            fire_idx(base + H, 1)
        for t in range(wchunks):
            pltpu.make_async_copy(
                rows_v.at[0], acc.at[pl.ds(s * rows_per_sub, CH)],
                gsem[0]).wait()
        plsc.subcore_barrier()

        wait_idx(0)
        for b in range(nb):
            pltpu.async_copy(x_hbm.at[sidx.at[0, b]], rows_v.at[b], gsem[b])

        def group_body(sg, ib):
            for h in range(H):
                b = h % nb
                pltpu.make_async_copy(
                    x_hbm.at[sidx.at[ib, h]], rows_v.at[b], gsem[b]).wait()
                pltpu.sync_copy(rows_v.at[b], acc.at[didx.at[ib, h]],
                                add=True)
                if h + nb < H:
                    pltpu.async_copy(x_hbm.at[sidx.at[ib, h + nb]],
                                     rows_v.at[b], gsem[b])
                else:
                    if h == H - nb:
                        @pl.when(sg + 1 < groups)
                        def _():
                            wait_idx(1 - ib)

                    @pl.when(sg + 1 < groups)
                    def _():
                        pltpu.async_copy(
                            x_hbm.at[sidx.at[1 - ib, h + nb - H]],
                            rows_v.at[b], gsem[b])

            @pl.when(sg + 2 < groups)
            def _():
                fire_idx(base + (sg + 2) * H, ib)

        def group(sg, carry):
            @pl.when(lax.rem(sg, 2) == 0)
            def _():
                group_body(sg, 0)

            @pl.when(lax.rem(sg, 2) == 1)
            def _():
                group_body(sg, 1)

            return carry

        lax.fori_loop(0, groups, group, 0)
        plsc.subcore_barrier()

        for t in range(wchunks):
            b = t % nb
            if t >= nb:
                pltpu.make_async_copy(
                    rows_v.at[b], p_hbm.at[c, pl.ds(s * rows_per_sub, CH)],
                    gsem[b]).wait()
            r0 = s * rows_per_sub + t * CH
            pltpu.sync_copy(acc.at[pl.ds(r0, CH)], rows_v.at[b])
            pltpu.async_copy(rows_v.at[b], p_hbm.at[c, pl.ds(r0, CH)],
                             gsem[b])
        for t in range(max(wchunks - nb, 0), wchunks):
            b = t % nb
            pltpu.make_async_copy(
                rows_v.at[b], p_hbm.at[c, pl.ds(s * rows_per_sub, CH)],
                gsem[b]).wait()

    return body(x, eim, tail, zeros)


def _tc_combine_matmul(p, w, n_out, block):
    d_in, d_out = w.shape

    def body(p_ref, w_ref, o_ref):
        a = p_ref[0] + p_ref[1]
        o_ref[...] = jnp.dot(a, w_ref[...],
                             preferred_element_type=jnp.float32)

    return pl.pallas_call(
        body,
        grid=(n_out // block,),
        in_specs=[
            pl.BlockSpec((NC, block, d_in), lambda i: (0, i, 0)),
            pl.BlockSpec((d_in, d_out), lambda i: (0, 0)),
        ],
        out_specs=pl.BlockSpec((block, d_out), lambda i: (i, 0)),
        out_shape=jax.ShapeDtypeStruct((n_out, d_out), jnp.float32),
    )(p, w)


def kernel(x, edge_index, W):
    n, d = x.shape
    e = edge_index.shape[1]

    kq = 8 * H // np.gcd(8, H)
    k = -(-(-(-e // (NW * CH))) // kq) * kq
    e_pad = NW * k * CH
    rows_per_sub = -(-(n + 1) // (NS * CH)) * CH
    n_acc = NS * rows_per_sub

    ei = edge_index.astype(jnp.int32)
    pad = e_pad - e

    def pad_consts(npad, off):
        r = np.arange(off, off + npad, dtype=np.int32)
        return np.stack([r % n, n + r % (n_acc - n)])

    if e % CH == 0 and e // CH >= H:
        cv = e // CH
        c_main = cv // H * H
        t_chunks = NW * k - c_main
        eim = ei.reshape(2, cv, CH)
        if t_chunks:
            tail = jnp.concatenate(
                [ei[:, c_main * CH:], jnp.asarray(pad_consts(pad, 0))],
                axis=1).reshape(2, t_chunks, CH)
        else:
            tail = jnp.zeros((2, H, CH), jnp.int32)
    else:
        c_main = NW * k
        if pad:
            ei = jnp.concatenate([ei, jnp.asarray(pad_consts(pad, 0))],
                                 axis=1)
        eim = ei.reshape(2, NW * k, CH)
        tail = jnp.zeros((2, H, CH), jnp.int32)

    zeros = jnp.zeros((CH, d), jnp.float32)

    p = _sc_aggregate(x, eim, tail, zeros, n_acc, k, rows_per_sub, c_main)
    return _tc_combine_matmul(p, W, n, block=5000)

# --- scband reference (transcript-rebuilt; emitter-appended) ---
"""Pipeline reference for scband-graph-conv-81784767250907 (READ-ONLY COPY).

The authoritative reference and input builder live on the scoring server;
editing this copy changes nothing except your own understanding.
"""

import jax, jax.numpy as jnp
import numpy as np
import math

N_NODES = 10000
N_EDGES = 320000
D_IN = 128
D_OUT = 128

def setup_inputs(seed: int = 0) -> dict:
    key = jax.random.key(seed)
    k1, k2, k3 = jax.random.split(key, 3)
    x = jax.random.normal(k1, (N_NODES, D_IN), dtype=jnp.float32)
    edge_index = jax.random.randint(k2, (2, N_EDGES), 0, N_NODES).astype(jnp.int64)
    stdv = 1.0 / math.sqrt(D_OUT)
    W = jax.random.uniform(k3, (D_IN, D_OUT), dtype=jnp.float32, minval=-stdv, maxval=stdv)
    return {"x": x, "edge_index": edge_index, "W": W}

def reference(x, edge_index, W):
    # GraphConv: out = A @ (X W)  (sum aggregation over incoming edges)
    h = x @ W                      # dense transform: [N, d_out]
    src = edge_index[0]
    dst = edge_index[1]
    msgs = jnp.take(h, src, axis=0)  # gather per-edge messages: [E, d_out]
    out = jax.ops.segment_sum(msgs, dst, num_segments=x.shape[0])  # scatter-add to dst nodes
    return out

if __name__ == "__main__":
    import jax
    _d = setup_inputs()
    print(jax.jit(kernel)(*tuple(_d.values())))

</pallas_src>

<mosaic_0001>
#map = affine_map<(d0, d1) -> (0, 0)>
#map1 = affine_map<(d0, d1) -> (0, 0, 0)>
module attributes {stable_mosaic.version = 14 : i64} {
  func.func @body(%arg0: i32, %arg1: i32, %arg2: memref<10000x128xf32, #tpu.memory_space<hbm>>, %arg3: memref<2x2500x128xi32, #tpu.memory_space<hbm>>, %arg4: memref<2x64x128xi32, #tpu.memory_space<hbm>>, %arg5: memref<128x128xf32, #tpu.memory_space<hbm>>, %arg6: memref<2x10240x128xf32, #tpu.memory_space<hbm>>, %arg7: memref<2x16x128xi32, #tpu.memory_space<vmem>>, %arg8: memref<2x16x128xi32, #tpu.memory_space<vmem>>, %arg9: memref<2x128x128xf32, #tpu.memory_space<vmem>>, %arg10: memref<10240x128xf32, #tpu.memory_space<vmem_shared>>, %arg11: memref<!tpu.dma_semaphore, #tpu.memory_space<semaphore_mem>>, %arg12: memref<!tpu.dma_semaphore, #tpu.memory_space<semaphore_mem>>, %arg13: memref<!tpu.dma_semaphore, #tpu.memory_space<semaphore_mem>>, %arg14: memref<!tpu.dma_semaphore, #tpu.memory_space<semaphore_mem>>, %arg15: memref<!tpu.dma_semaphore, #tpu.memory_space<semaphore_mem>>, %arg16: memref<!tpu.dma_semaphore, #tpu.memory_space<semaphore_mem>>) attributes {dimension_semantics = [#tpu.dimension_semantics<core_parallel>, #tpu.dimension_semantics<subcore_parallel>], iteration_bounds = array<i64: 2, 16>, scalar_prefetch = 0 : i64, scratch_operands = 10 : i64, tpu.core_type = #tpu.core_type<sc_vector_subcore>, window_params = [{transform_indices = #map}, {transform_indices = #map1}, {transform_indices = #map1}, {transform_indices = #map}, {transform_indices = #map1}]} {
    %mul3A = arith.constant 2 : i32
    %mul3A_0 = arith.muli %arg1, %mul3A : i32
    %add3A = arith.addi %mul3A_0, %arg0 : i32
    %mul3A_1 = arith.constant 80 : i32
    %mul3A_2 = arith.muli %add3A, %mul3A_1 : i32
    %run_scoped3A = arith.constant 0 : i32
    "tpu.region"() ({
      %run_scoped3A_432 = tpu.sem_alloc : memref<!tpu.dma_semaphore, #tpu.memory_space<semaphore_mem>>
      %dma_start3A_433 = arith.constant 0 : i32
      %dma_start3A_434 = arith.constant 0 : i32
      %dma_start3A_435 = tpu.memref_slice %arg9[%run_scoped3A, %dma_start3A_433, %dma_start3A_434] : memref<2x128x128xf32, #tpu.memory_space<vmem>> -> memref<1x128x128xf32, #tpu.memory_space<vmem>>
      %dma_start3A_436 = tpu.memref_squeeze %dma_start3A_435 : memref<1x128x128xf32, #tpu.memory_space<vmem>> -> memref<128x128xf32, #tpu.memory_space<vmem>>
      %dma_start3A_437 = arith.constant 0 : i32
      %dma_start3A_438 = arith.constant 0 : i32
      %dma_start3A_439 = tpu.memref_slice %arg9[%run_scoped3A, %dma_start3A_437, %dma_start3A_438] : memref<2x128x128xf32, #tpu.memory_space<vmem>> -> memref<1x128x128xf32, #tpu.memory_space<vmem>>
      %dma_start3A_440 = tpu.memref_squeeze %dma_start3A_439 : memref<1x128x128xf32, #tpu.memory_space<vmem>> -> memref<128x128xf32, #tpu.memory_space<vmem>>
      tpu.enqueue_dma source(%arg5 : memref<128x128xf32, #tpu.memory_space<hbm>>) target(%dma_start3A_440 : memref<128x128xf32, #tpu.memory_space<vmem>>) target_semaphore(%run_scoped3A_432 : memref<!tpu.dma_semaphore, #tpu.memory_space<semaphore_mem>>)
      %dma_wait3A_441 = arith.constant 0 : i32
      %dma_wait3A_442 = arith.constant 0 : i32
      %dma_wait3A_443 = tpu.memref_slice %arg9[%run_scoped3A, %dma_wait3A_441, %dma_wait3A_442] : memref<2x128x128xf32, #tpu.memory_space<vmem>> -> memref<1x128x128xf32, #tpu.memory_space<vmem>>
      %dma_wait3A_444 = tpu.memref_squeeze %dma_wait3A_443 : memref<1x128x128xf32, #tpu.memory_space<vmem>> -> memref<128x128xf32, #tpu.memory_space<vmem>>
      %dma_wait3A_445 = arith.constant 0 : i32
      %dma_wait3A_446 = arith.constant 0 : i32
      %dma_wait3A_447 = tpu.memref_slice %arg9[%run_scoped3A, %dma_wait3A_445, %dma_wait3A_446] : memref<2x128x128xf32, #tpu.memory_space<vmem>> -> memref<1x128x128xf32, #tpu.memory_space<vmem>>
      %dma_wait3A_448 = tpu.memref_squeeze %dma_wait3A_447 : memref<1x128x128xf32, #tpu.memory_space<vmem>> -> memref<128x128xf32, #tpu.memory_space<vmem>>
      tpu.wait_dma2 semaphore(%run_scoped3A_432 : memref<!tpu.dma_semaphore, #tpu.memory_space<semaphore_mem>>) src(%arg5 : memref<128x128xf32, #tpu.memory_space<hbm>>) dst(%dma_wait3A_448 : memref<128x128xf32, #tpu.memory_space<vmem>>)
      tpu.yield
    }) : () -> ()
    %mul3A_3 = arith.constant 640 : i32
    %mul3A_4 = arith.muli %arg1, %mul3A_3 : i32
    %add3A_5 = arith.constant 0 : i32
    %add3A_6 = arith.addi %mul3A_4, %add3A_5 : i32
    %dma_start3A = arith.constant 0 : i32
    %dma_start3A_7 = arith.constant 0 : i32
    %dma_start3A_8 = arith.constant 0 : i32
    %dma_start3A_9 = tpu.memref_slice %arg9[%dma_start3A, %dma_start3A_7, %dma_start3A_8] : memref<2x128x128xf32, #tpu.memory_space<vmem>> -> memref<1x128x128xf32, #tpu.memory_space<vmem>>
    %dma_start3A_10 = tpu.memref_squeeze %dma_start3A_9 : memref<1x128x128xf32, #tpu.memory_space<vmem>> -> memref<128x128xf32, #tpu.memory_space<vmem>>
    %dma_start3A_11 = arith.constant 0 : i32
    %dma_start3A_12 = tpu.memref_slice %arg10[%add3A_6, %dma_start3A_11] : memref<10240x128xf32, #tpu.memory_space<vmem_shared>> -> memref<128x128xf32, #tpu.memory_space<vmem_shared>>
    %dma_start3A_13 = arith.constant 0 : i32
    %dma_start3A_14 = tpu.memref_slice %arg10[%add3A_6, %dma_start3A_13] : memref<10240x128xf32, #tpu.memory_space<vmem_shared>> -> memref<128x128xf32, #tpu.memory_space<vmem_shared>>
    %dma_start3A_15 = arith.constant 0 : i32
    %dma_start3A_16 = arith.constant 0 : i32
    %dma_start3A_17 = tpu.memref_slice %arg9[%dma_start3A, %dma_start3A_15, %dma_start3A_16] : memref<2x128x128xf32, #tpu.memory_space<vmem>> -> memref<1x128x128xf32, #tpu.memory_space<vmem>>
    %dma_start3A_18 = tpu.memref_squeeze %dma_start3A_17 : memref<1x128x128xf32, #tpu.memory_space<vmem>> -> memref<128x128xf32, #tpu.memory_space<vmem>>
    tpu.enqueue_dma source(%dma_start3A_18 : memref<128x128xf32, #tpu.memory_space<vmem>>) target(%dma_start3A_14 : memref<128x128xf32, #tpu.memory_space<vmem_shared>>) target_semaphore(%arg11 : memref<!tpu.dma_semaphore, #tpu.memory_space<semaphore_mem>>)
    %mul3A_19 = arith.constant 640 : i32
    %mul3A_20 = arith.muli %arg1, %mul3A_19 : i32
    %add3A_21 = arith.constant 128 : i32
    %add3A_22 = arith.addi %mul3A_20, %add3A_21 : i32
    %dma_start3A_23 = arith.constant 0 : i32
    %dma_start3A_24 = arith.constant 0 : i32
    %dma_start3A_25 = arith.constant 0 : i32
    %dma_start3A_26 = tpu.memref_slice %arg9[%dma_start3A_23, %dma_start3A_24, %dma_start3A_25] : memref<2x128x128xf32, #tpu.memory_space<vmem>> -> memref<1x128x128xf32, #tpu.memory_space<vmem>>
    %dma_start3A_27 = tpu.memref_squeeze %dma_start3A_26 : memref<1x128x128xf32, #tpu.memory_space<vmem>> -> memref<128x128xf32, #tpu.memory_space<vmem>>
    %dma_start3A_28 = arith.constant 0 : i32
    %dma_start3A_29 = tpu.memref_slice %arg10[%add3A_22, %dma_start3A_28] : memref<10240x128xf32, #tpu.memory_space<vmem_shared>> -> memref<128x128xf32, #tpu.memory_space<vmem_shared>>
    %dma_start3A_30 = arith.constant 0 : i32
    %dma_start3A_31 = tpu.memref_slice %arg10[%add3A_22, %dma_start3A_30] : memref<10240x128xf32, #tpu.memory_space<vmem_shared>> -> memref<128x128xf32, #tpu.memory_space<vmem_shared>>
    %dma_start3A_32 = arith.constant 0 : i32
    %dma_start3A_33 = arith.constant 0 : i32
    %dma_start3A_34 = tpu.memref_slice %arg9[%dma_start3A_23, %dma_start3A_32, %dma_start3A_33] : memref<2x128x128xf32, #tpu.memory_space<vmem>> -> memref<1x128x128xf32, #tpu.memory_space<vmem>>
    %dma_start3A_35 = tpu.memref_squeeze %dma_start3A_34 : memref<1x128x128xf32, #tpu.memory_space<vmem>> -> memref<128x128xf32, #tpu.memory_space<vmem>>
    tpu.enqueue_dma source(%dma_start3A_35 : memref<128x128xf32, #tpu.memory_space<vmem>>) target(%dma_start3A_31 : memref<128x128xf32, #tpu.memory_space<vmem_shared>>) target_semaphore(%arg11 : memref<!tpu.dma_semaphore, #tpu.memory_space<semaphore_mem>>)
    %mul3A_36 = arith.constant 640 : i32
    %mul3A_37 = arith.muli %arg1, %mul3A_36 : i32
    %add3A_38 = arith.constant 256 : i32
    %add3A_39 = arith.addi %mul3A_37, %add3A_38 : i32
    %dma_start3A_40 = arith.constant 0 : i32
    %dma_start3A_41 = arith.constant 0 : i32
    %dma_start3A_42 = arith.constant 0 : i32
    %dma_start3A_43 = tpu.memref_slice %arg9[%dma_start3A_40, %dma_start3A_41, %dma_start3A_42] : memref<2x128x128xf32, #tpu.memory_space<vmem>> -> memref<1x128x128xf32, #tpu.memory_space<vmem>>
    %dma_start3A_44 = tpu.memref_squeeze %dma_start3A_43 : memref<1x128x128xf32, #tpu.memory_space<vmem>> -> memref<128x128xf32, #tpu.memory_space<vmem>>
    %dma_start3A_45 = arith.constant 0 : i32
    %dma_start3A_46 = tpu.memref_slice %arg10[%add3A_39, %dma_start3A_45] : memref<10240x128xf32, #tpu.memory_space<vmem_shared>> -> memref<128x128xf32, #tpu.memory_space<vmem_shared>>
    %dma_start3A_47 = arith.constant 0 : i32
    %dma_start3A_48 = tpu.memref_slice %arg10[%add3A_39, %dma_start3A_47] : memref<10240x128xf32, #tpu.memory_space<vmem_shared>> -> memref<128x128xf32, #tpu.memory_space<vmem_shared>>
    %dma_start3A_49 = arith.constant 0 : i32
    %dma_start3A_50 = arith.constant 0 : i32
    %dma_start3A_51 = tpu.memref_slice %arg9[%dma_start3A_40, %dma_start3A_49, %dma_start3A_50] : memref<2x128x128xf32, #tpu.memory_space<vmem>> -> memref<1x128x128xf32, #tpu.memory_space<vmem>>
    %dma_start3A_52 = tpu.memref_squeeze %dma_start3A_51 : memref<1x128x128xf32, #tpu.memory_space<vmem>> -> memref<128x128xf32, #tpu.memory_space<vmem>>
    tpu.enqueue_dma source(%dma_start3A_52 : memref<128x128xf32, #tpu.memory_space<vmem>>) target(%dma_start3A_48 : memref<128x128xf32, #tpu.memory_space<vmem_shared>>) target_semaphore(%arg11 : memref<!tpu.dma_semaphore, #tpu.memory_space<semaphore_mem>>)
    %mul3A_53 = arith.constant 640 : i32
    %mul3A_54 = arith.muli %arg1, %mul3A_53 : i32
    %add3A_55 = arith.constant 384 : i32
    %add3A_56 = arith.addi %mul3A_54, %add3A_55 : i32
    %dma_start3A_57 = arith.constant 0 : i32
    %dma_start3A_58 = arith.constant 0 : i32
    %dma_start3A_59 = arith.constant 0 : i32
    %dma_start3A_60 = tpu.memref_slice %arg9[%dma_start3A_57, %dma_start3A_58, %dma_start3A_59] : memref<2x128x128xf32, #tpu.memory_space<vmem>> -> memref<1x128x128xf32, #tpu.memory_space<vmem>>
    %dma_start3A_61 = tpu.memref_squeeze %dma_start3A_60 : memref<1x128x128xf32, #tpu.memory_space<vmem>> -> memref<128x128xf32, #tpu.memory_space<vmem>>
    %dma_start3A_62 = arith.constant 0 : i32
    %dma_start3A_63 = tpu.memref_slice %arg10[%add3A_56, %dma_start3A_62] : memref<10240x128xf32, #tpu.memory_space<vmem_shared>> -> memref<128x128xf32, #tpu.memory_space<vmem_shared>>
    %dma_start3A_64 = arith.constant 0 : i32
    %dma_start3A_65 = tpu.memref_slice %arg10[%add3A_56, %dma_start3A_64] : memref<10240x128xf32, #tpu.memory_space<vmem_shared>> -> memref<128x128xf32, #tpu.memory_space<vmem_shared>>
    %dma_start3A_66 = arith.constant 0 : i32
    %dma_start3A_67 = arith.constant 0 : i32
    %dma_start3A_68 = tpu.memref_slice %arg9[%dma_start3A_57, %dma_start3A_66, %dma_start3A_67] : memref<2x128x128xf32, #tpu.memory_space<vmem>> -> memref<1x128x128xf32, #tpu.memory_space<vmem>>
    %dma_start3A_69 = tpu.memref_squeeze %dma_start3A_68 : memref<1x128x128xf32, #tpu.memory_space<vmem>> -> memref<128x128xf32, #tpu.memory_space<vmem>>
    tpu.enqueue_dma source(%dma_start3A_69 : memref<128x128xf32, #tpu.memory_space<vmem>>) target(%dma_start3A_65 : memref<128x128xf32, #tpu.memory_space<vmem_shared>>) target_semaphore(%arg11 : memref<!tpu.dma_semaphore, #tpu.memory_space<semaphore_mem>>)
    %mul3A_70 = arith.constant 640 : i32
    %mul3A_71 = arith.muli %arg1, %mul3A_70 : i32
    %add3A_72 = arith.constant 512 : i32
    %add3A_73 = arith.addi %mul3A_71, %add3A_72 : i32
    %dma_start3A_74 = arith.constant 0 : i32
    %dma_start3A_75 = arith.constant 0 : i32
    %dma_start3A_76 = arith.constant 0 : i32
    %dma_start3A_77 = tpu.memref_slice %arg9[%dma_start3A_74, %dma_start3A_75, %dma_start3A_76] : memref<2x128x128xf32, #tpu.memory_space<vmem>> -> memref<1x128x128xf32, #tpu.memory_space<vmem>>
    %dma_start3A_78 = tpu.memref_squeeze %dma_start3A_77 : memref<1x128x128xf32, #tpu.memory_space<vmem>> -> memref<128x128xf32, #tpu.memory_space<vmem>>
    %dma_start3A_79 = arith.constant 0 : i32
    %dma_start3A_80 = tpu.memref_slice %arg10[%add3A_73, %dma_start3A_79] : memref<10240x128xf32, #tpu.memory_space<vmem_shared>> -> memref<128x128xf32, #tpu.memory_space<vmem_shared>>
    %dma_start3A_81 = arith.constant 0 : i32
    %dma_start3A_82 = tpu.memref_slice %arg10[%add3A_73, %dma_start3A_81] : memref<10240x128xf32, #tpu.memory_space<vmem_shared>> -> memref<128x128xf32, #tpu.memory_space<vmem_shared>>
    %dma_start3A_83 = arith.constant 0 : i32
    %dma_start3A_84 = arith.constant 0 : i32
    %dma_start3A_85 = tpu.memref_slice %arg9[%dma_start3A_74, %dma_start3A_83, %dma_start3A_84] : memref<2x128x128xf32, #tpu.memory_space<vmem>> -> memref<1x128x128xf32, #tpu.memory_space<vmem>>
    %dma_start3A_86 = tpu.memref_squeeze %dma_start3A_85 : memref<1x128x128xf32, #tpu.memory_space<vmem>> -> memref<128x128xf32, #tpu.memory_space<vmem>>
    tpu.enqueue_dma source(%dma_start3A_86 : memref<128x128xf32, #tpu.memory_space<vmem>>) target(%dma_start3A_82 : memref<128x128xf32, #tpu.memory_space<vmem_shared>>) target_semaphore(%arg11 : memref<!tpu.dma_semaphore, #tpu.memory_space<semaphore_mem>>)
    %lt3A = arith.constant 2496 : i32
    %lt3A_87 = arith.cmpi slt, %mul3A_2, %lt3A : i32
    %convert_element_type3A = arith.extui %lt3A_87 : i1 to i32
    %cond3A = arith.constant 0 : i32
    %cond3A_88 = arith.cmpi ne, %convert_element_type3A, %cond3A : i32
    scf.if %cond3A_88 {
      %dma_start3A_432 = arith.constant 0 : i32
      %dma_start3A_433 = arith.constant 0 : i32
      %dma_start3A_434 = arith.constant 0 : i32
      %dma_start3A_435 = arith.constant 0 : i32
      %dma_start3A_436 = tpu.memref_slice %arg7[%dma_start3A_433, %dma_start3A_434, %dma_start3A_435] : memref<2x16x128xi32, #tpu.memory_space<vmem>> -> memref<1x16x128xi32, #tpu.memory_space<vmem>>
      %dma_start3A_437 = tpu.memref_squeeze %dma_start3A_436 : memref<1x16x128xi32, #tpu.memory_space<vmem>> -> memref<16x128xi32, #tpu.memory_space<vmem>>
      %dma_start3A_438 = arith.constant 0 : i32
      %dma_start3A_439 = tpu.memref_slice %arg3[%dma_start3A_432, %mul3A_2, %dma_start3A_438] : memref<2x2500x128xi32, #tpu.memory_space<hbm>> -> memref<1x16x128xi32, #tpu.memory_space<hbm>>
      %dma_start3A_440 = tpu.memref_squeeze %dma_start3A_439 : memref<1x16x128xi32, #tpu.memory_space<hbm>> -> memref<16x128xi32, #tpu.memory_space<hbm>>
      %dma_start3A_441 = arith.constant 0 : i32
      %dma_start3A_442 = arith.constant 0 : i32
      %dma_start3A_443 = tpu.memref_slice %arg7[%dma_start3A_433, %dma_start3A_441, %dma_start3A_442] : memref<2x16x128xi32, #tpu.memory_space<vmem>> -> memref<1x16x128xi32, #tpu.memory_space<vmem>>
      %dma_start3A_444 = tpu.memref_squeeze %dma_start3A_443 : memref<1x16x128xi32, #tpu.memory_space<vmem>> -> memref<16x128xi32, #tpu.memory_space<vmem>>
      %dma_start3A_445 = arith.constant 0 : i32
      %dma_start3A_446 = tpu.memref_slice %arg3[%dma_start3A_432, %mul3A_2, %dma_start3A_445] : memref<2x2500x128xi32, #tpu.memory_space<hbm>> -> memref<1x16x128xi32, #tpu.memory_space<hbm>>
      %dma_start3A_447 = tpu.memref_squeeze %dma_start3A_446 : memref<1x16x128xi32, #tpu.memory_space<hbm>> -> memref<16x128xi32, #tpu.memory_space<hbm>>
      tpu.enqueue_dma source(%dma_start3A_447 : memref<16x128xi32, #tpu.memory_space<hbm>>) target(%dma_start3A_444 : memref<16x128xi32, #tpu.memory_space<vmem>>) target_semaphore(%arg13 : memref<!tpu.dma_semaphore, #tpu.memory_space<semaphore_mem>>)
      %dma_start3A_448 = arith.constant 1 : i32
      %dma_start3A_449 = arith.constant 0 : i32
      %dma_start3A_450 = arith.constant 0 : i32
      %dma_start3A_451 = arith.constant 0 : i32
      %dma_start3A_452 = tpu.memref_slice %arg8[%dma_start3A_449, %dma_start3A_450, %dma_start3A_451] : memref<2x16x128xi32, #tpu.memory_space<vmem>> -> memref<1x16x128xi32, #tpu.memory_space<vmem>>
      %dma_start3A_453 = tpu.memref_squeeze %dma_start3A_452 : memref<1x16x128xi32, #tpu.memory_space<vmem>> -> memref<16x128xi32, #tpu.memory_space<vmem>>
      %dma_start3A_454 = arith.constant 0 : i32
      %dma_start3A_455 = tpu.memref_slice %arg3[%dma_start3A_448, %mul3A_2, %dma_start3A_454] : memref<2x2500x128xi32, #tpu.memory_space<hbm>> -> memref<1x16x128xi32, #tpu.memory_space<hbm>>
      %dma_start3A_456 = tpu.memref_squeeze %dma_start3A_455 : memref<1x16x128xi32, #tpu.memory_space<hbm>> -> memref<16x128xi32, #tpu.memory_space<hbm>>
      %dma_start3A_457 = arith.constant 0 : i32
      %dma_start3A_458 = arith.constant 0 : i32
      %dma_start3A_459 = tpu.memref_slice %arg8[%dma_start3A_449, %dma_start3A_457, %dma_start3A_458] : memref<2x16x128xi32, #tpu.memory_space<vmem>> -> memref<1x16x128xi32, #tpu.memory_space<vmem>>
      %dma_start3A_460 = tpu.memref_squeeze %dma_start3A_459 : memref<1x16x128xi32, #tpu.memory_space<vmem>> -> memref<16x128xi32, #tpu.memory_space<vmem>>
      %dma_start3A_461 = arith.constant 0 : i32
      %dma_start3A_462 = tpu.memref_slice %arg3[%dma_start3A_448, %mul3A_2, %dma_start3A_461] : memref<2x2500x128xi32, #tpu.memory_space<hbm>> -> memref<1x16x128xi32, #tpu.memory_space<hbm>>
      %dma_start3A_463 = tpu.memref_squeeze %dma_start3A_462 : memref<1x16x128xi32, #tpu.memory_space<hbm>> -> memref<16x128xi32, #tpu.memory_space<hbm>>
      tpu.enqueue_dma source(%dma_start3A_463 : memref<16x128xi32, #tpu.memory_space<hbm>>) target(%dma_start3A_460 : memref<16x128xi32, #tpu.memory_space<vmem>>) target_semaphore(%arg15 : memref<!tpu.dma_semaphore, #tpu.memory_space<semaphore_mem>>)
    } else {
    }
    %ge3A = arith.constant 2496 : i32
    %ge3A_89 = arith.cmpi sge, %mul3A_2, %ge3A : i32
    %convert_element_type3A_90 = arith.extui %ge3A_89 : i1 to i32
    %cond3A_91 = arith.constant 0 : i32
    %cond3A_92 = arith.cmpi ne, %convert_element_type3A_90, %cond3A_91 : i32
    scf.if %cond3A_92 {
      %sub3A = arith.constant 2496 : i32
      %sub3A_432 = arith.subi %mul3A_2, %sub3A : i32
      %dma_start3A_433 = arith.constant 0 : i32
      %dma_start3A_434 = arith.constant 0 : i32
      %dma_start3A_435 = arith.constant 0 : i32
      %dma_start3A_436 = arith.constant 0 : i32
      %dma_start3A_437 = tpu.memref_slice %arg7[%dma_start3A_434, %dma_start3A_435, %dma_start3A_436] : memref<2x16x128xi32, #tpu.memory_space<vmem>> -> memref<1x16x128xi32, #tpu.memory_space<vmem>>
      %dma_start3A_438 = tpu.memref_squeeze %dma_start3A_437 : memref<1x16x128xi32, #tpu.memory_space<vmem>> -> memref<16x128xi32, #tpu.memory_space<vmem>>
      %dma_start3A_439 = arith.constant 0 : i32
      %dma_start3A_440 = tpu.memref_slice %arg4[%dma_start3A_433, %sub3A_432, %dma_start3A_439] : memref<2x64x128xi32, #tpu.memory_space<hbm>> -> memref<1x16x128xi32, #tpu.memory_space<hbm>>
      %dma_start3A_441 = tpu.memref_squeeze %dma_start3A_440 : memref<1x16x128xi32, #tpu.memory_space<hbm>> -> memref<16x128xi32, #tpu.memory_space<hbm>>
      %dma_start3A_442 = arith.constant 0 : i32
      %dma_start3A_443 = arith.constant 0 : i32
      %dma_start3A_444 = tpu.memref_slice %arg7[%dma_start3A_434, %dma_start3A_442, %dma_start3A_443] : memref<2x16x128xi32, #tpu.memory_space<vmem>> -> memref<1x16x128xi32, #tpu.memory_space<vmem>>
      %dma_start3A_445 = tpu.memref_squeeze %dma_start3A_444 : memref<1x16x128xi32, #tpu.memory_space<vmem>> -> memref<16x128xi32, #tpu.memory_space<vmem>>
      %dma_start3A_446 = arith.constant 0 : i32
      %dma_start3A_447 = tpu.memref_slice %arg4[%dma_start3A_433, %sub3A_432, %dma_start3A_446] : memref<2x64x128xi32, #tpu.memory_space<hbm>> -> memref<1x16x128xi32, #tpu.memory_space<hbm>>
      %dma_start3A_448 = tpu.memref_squeeze %dma_start3A_447 : memref<1x16x128xi32, #tpu.memory_space<hbm>> -> memref<16x128xi32, #tpu.memory_space<hbm>>
      tpu.enqueue_dma source(%dma_start3A_448 : memref<16x128xi32, #tpu.memory_space<hbm>>) target(%dma_start3A_445 : memref<16x128xi32, #tpu.memory_space<vmem>>) target_semaphore(%arg13 : memref<!tpu.dma_semaphore, #tpu.memory_space<semaphore_mem>>)
      %dma_start3A_449 = arith.constant 1 : i32
      %dma_start3A_450 = arith.constant 0 : i32
      %dma_start3A_451 = arith.constant 0 : i32
      %dma_start3A_452 = arith.constant 0 : i32
      %dma_start3A_453 = tpu.memref_slice %arg8[%dma_start3A_450, %dma_start3A_451, %dma_start3A_452] : memref<2x16x128xi32, #tpu.memory_space<vmem>> -> memref<1x16x128xi32, #tpu.memory_space<vmem>>
      %dma_start3A_454 = tpu.memref_squeeze %dma_start3A_453 : memref<1x16x128xi32, #tpu.memory_space<vmem>> -> memref<16x128xi32, #tpu.memory_space<vmem>>
      %dma_start3A_455 = arith.constant 0 : i32
      %dma_start3A_456 = tpu.memref_slice %arg4[%dma_start3A_449, %sub3A_432, %dma_start3A_455] : memref<2x64x128xi32, #tpu.memory_space<hbm>> -> memref<1x16x128xi32, #tpu.memory_space<hbm>>
      %dma_start3A_457 = tpu.memref_squeeze %dma_start3A_456 : memref<1x16x128xi32, #tpu.memory_space<hbm>> -> memref<16x128xi32, #tpu.memory_space<hbm>>
      %dma_start3A_458 = arith.constant 0 : i32
      %dma_start3A_459 = arith.constant 0 : i32
      %dma_start3A_460 = tpu.memref_slice %arg8[%dma_start3A_450, %dma_start3A_458, %dma_start3A_459] : memref<2x16x128xi32, #tpu.memory_space<vmem>> -> memref<1x16x128xi32, #tpu.memory_space<vmem>>
      %dma_start3A_461 = tpu.memref_squeeze %dma_start3A_460 : memref<1x16x128xi32, #tpu.memory_space<vmem>> -> memref<16x128xi32, #tpu.memory_space<vmem>>
      %dma_start3A_462 = arith.constant 0 : i32
      %dma_start3A_463 = tpu.memref_slice %arg4[%dma_start3A_449, %sub3A_432, %dma_start3A_462] : memref<2x64x128xi32, #tpu.memory_space<hbm>> -> memref<1x16x128xi32, #tpu.memory_space<hbm>>
      %dma_start3A_464 = tpu.memref_squeeze %dma_start3A_463 : memref<1x16x128xi32, #tpu.memory_space<hbm>> -> memref<16x128xi32, #tpu.memory_space<hbm>>
      tpu.enqueue_dma source(%dma_start3A_464 : memref<16x128xi32, #tpu.memory_space<hbm>>) target(%dma_start3A_461 : memref<16x128xi32, #tpu.memory_space<vmem>>) target_semaphore(%arg15 : memref<!tpu.dma_semaphore, #tpu.memory_space<semaphore_mem>>)
    } else {
    }
    %add3A_93 = arith.constant 16 : i32
    %add3A_94 = arith.addi %mul3A_2, %add3A_93 : i32
    %lt3A_95 = arith.constant 2496 : i32
    %lt3A_96 = arith.cmpi slt, %add3A_94, %lt3A_95 : i32
    %convert_element_type3A_97 = arith.extui %lt3A_96 : i1 to i32
    %cond3A_98 = arith.constant 0 : i32
    %cond3A_99 = arith.cmpi ne, %convert_element_type3A_97, %cond3A_98 : i32
    scf.if %cond3A_99 {
      %dma_start3A_432 = arith.constant 0 : i32
      %dma_start3A_433 = arith.constant 1 : i32
      %dma_start3A_434 = arith.constant 0 : i32
      %dma_start3A_435 = arith.constant 0 : i32
      %dma_start3A_436 = tpu.memref_slice %arg7[%dma_start3A_433, %dma_start3A_434, %dma_start3A_435] : memref<2x16x128xi32, #tpu.memory_space<vmem>> -> memref<1x16x128xi32, #tpu.memory_space<vmem>>
      %dma_start3A_437 = tpu.memref_squeeze %dma_start3A_436 : memref<1x16x128xi32, #tpu.memory_space<vmem>> -> memref<16x128xi32, #tpu.memory_space<vmem>>
      %dma_start3A_438 = arith.constant 0 : i32
      %dma_start3A_439 = tpu.memref_slice %arg3[%dma_start3A_432, %add3A_94, %dma_start3A_438] : memref<2x2500x128xi32, #tpu.memory_space<hbm>> -> memref<1x16x128xi32, #tpu.memory_space<hbm>>
      %dma_start3A_440 = tpu.memref_squeeze %dma_start3A_439 : memref<1x16x128xi32, #tpu.memory_space<hbm>> -> memref<16x128xi32, #tpu.memory_space<hbm>>
      %dma_start3A_441 = arith.constant 0 : i32
      %dma_start3A_442 = arith.constant 0 : i32
      %dma_start3A_443 = tpu.memref_slice %arg7[%dma_start3A_433, %dma_start3A_441, %dma_start3A_442] : memref<2x16x128xi32, #tpu.memory_space<vmem>> -> memref<1x16x128xi32, #tpu.memory_space<vmem>>
      %dma_start3A_444 = tpu.memref_squeeze %dma_start3A_443 : memref<1x16x128xi32, #tpu.memory_space<vmem>> -> memref<16x128xi32, #tpu.memory_space<vmem>>
      %dma_start3A_445 = arith.constant 0 : i32
      %dma_start3A_446 = tpu.memref_slice %arg3[%dma_start3A_432, %add3A_94, %dma_start3A_445] : memref<2x2500x128xi32, #tpu.memory_space<hbm>> -> memref<1x16x128xi32, #tpu.memory_space<hbm>>
      %dma_start3A_447 = tpu.memref_squeeze %dma_start3A_446 : memref<1x16x128xi32, #tpu.memory_space<hbm>> -> memref<16x128xi32, #tpu.memory_space<hbm>>
      tpu.enqueue_dma source(%dma_start3A_447 : memref<16x128xi32, #tpu.memory_space<hbm>>) target(%dma_start3A_444 : memref<16x128xi32, #tpu.memory_space<vmem>>) target_semaphore(%arg14 : memref<!tpu.dma_semaphore, #tpu.memory_space<semaphore_mem>>)
      %dma_start3A_448 = arith.constant 1 : i32
      %dma_start3A_449 = arith.constant 1 : i32
      %dma_start3A_450 = arith.constant 0 : i32
      %dma_start3A_451 = arith.constant 0 : i32
      %dma_start3A_452 = tpu.memref_slice %arg8[%dma_start3A_449, %dma_start3A_450, %dma_start3A_451] : memref<2x16x128xi32, #tpu.memory_space<vmem>> -> memref<1x16x128xi32, #tpu.memory_space<vmem>>
      %dma_start3A_453 = tpu.memref_squeeze %dma_start3A_452 : memref<1x16x128xi32, #tpu.memory_space<vmem>> -> memref<16x128xi32, #tpu.memory_space<vmem>>
      %dma_start3A_454 = arith.constant 0 : i32
      %dma_start3A_455 = tpu.memref_slice %arg3[%dma_start3A_448, %add3A_94, %dma_start3A_454] : memref<2x2500x128xi32, #tpu.memory_space<hbm>> -> memref<1x16x128xi32, #tpu.memory_space<hbm>>
      %dma_start3A_456 = tpu.memref_squeeze %dma_start3A_455 : memref<1x16x128xi32, #tpu.memory_space<hbm>> -> memref<16x128xi32, #tpu.memory_space<hbm>>
      %dma_start3A_457 = arith.constant 0 : i32
      %dma_start3A_458 = arith.constant 0 : i32
      %dma_start3A_459 = tpu.memref_slice %arg8[%dma_start3A_449, %dma_start3A_457, %dma_start3A_458] : memref<2x16x128xi32, #tpu.memory_space<vmem>> -> memref<1x16x128xi32, #tpu.memory_space<vmem>>
      %dma_start3A_460 = tpu.memref_squeeze %dma_start3A_459 : memref<1x16x128xi32, #tpu.memory_space<vmem>> -> memref<16x128xi32, #tpu.memory_space<vmem>>
      %dma_start3A_461 = arith.constant 0 : i32
      %dma_start3A_462 = tpu.memref_slice %arg3[%dma_start3A_448, %add3A_94, %dma_start3A_461] : memref<2x2500x128xi32, #tpu.memory_space<hbm>> -> memref<1x16x128xi32, #tpu.memory_space<hbm>>
      %dma_start3A_463 = tpu.memref_squeeze %dma_start3A_462 : memref<1x16x128xi32, #tpu.memory_space<hbm>> -> memref<16x128xi32, #tpu.memory_space<hbm>>
      tpu.enqueue_dma source(%dma_start3A_463 : memref<16x128xi32, #tpu.memory_space<hbm>>) target(%dma_start3A_460 : memref<16x128xi32, #tpu.memory_space<vmem>>) target_semaphore(%arg16 : memref<!tpu.dma_semaphore, #tpu.memory_space<semaphore_mem>>)
    } else {
    }
    %ge3A_100 = arith.constant 2496 : i32
    %ge3A_101 = arith.cmpi sge, %add3A_94, %ge3A_100 : i32
    %convert_element_type3A_102 = arith.extui %ge3A_101 : i1 to i32
    %cond3A_103 = arith.constant 0 : i32
    %cond3A_104 = arith.cmpi ne, %convert_element_type3A_102, %cond3A_103 : i32
    scf.if %cond3A_104 {
      %sub3A = arith.constant 2496 : i32
      %sub3A_432 = arith.subi %add3A_94, %sub3A : i32
      %dma_start3A_433 = arith.constant 0 : i32
      %dma_start3A_434 = arith.constant 1 : i32
      %dma_start3A_435 = arith.constant 0 : i32
      %dma_start3A_436 = arith.constant 0 : i32
      %dma_start3A_437 = tpu.memref_slice %arg7[%dma_start3A_434, %dma_start3A_435, %dma_start3A_436] : memref<2x16x128xi32, #tpu.memory_space<vmem>> -> memref<1x16x128xi32, #tpu.memory_space<vmem>>
      %dma_start3A_438 = tpu.memref_squeeze %dma_start3A_437 : memref<1x16x128xi32, #tpu.memory_space<vmem>> -> memref<16x128xi32, #tpu.memory_space<vmem>>
      %dma_start3A_439 = arith.constant 0 : i32
      %dma_start3A_440 = tpu.memref_slice %arg4[%dma_start3A_433, %sub3A_432, %dma_start3A_439] : memref<2x64x128xi32, #tpu.memory_space<hbm>> -> memref<1x16x128xi32, #tpu.memory_space<hbm>>
      %dma_start3A_441 = tpu.memref_squeeze %dma_start3A_440 : memref<1x16x128xi32, #tpu.memory_space<hbm>> -> memref<16x128xi32, #tpu.memory_space<hbm>>
      %dma_start3A_442 = arith.constant 0 : i32
      %dma_start3A_443 = arith.constant 0 : i32
      %dma_start3A_444 = tpu.memref_slice %arg7[%dma_start3A_434, %dma_start3A_442, %dma_start3A_443] : memref<2x16x128xi32, #tpu.memory_space<vmem>> -> memref<1x16x128xi32, #tpu.memory_space<vmem>>
      %dma_start3A_445 = tpu.memref_squeeze %dma_start3A_444 : memref<1x16x128xi32, #tpu.memory_space<vmem>> -> memref<16x128xi32, #tpu.memory_space<vmem>>
      %dma_start3A_446 = arith.constant 0 : i32
      %dma_start3A_447 = tpu.memref_slice %arg4[%dma_start3A_433, %sub3A_432, %dma_start3A_446] : memref<2x64x128xi32, #tpu.memory_space<hbm>> -> memref<1x16x128xi32, #tpu.memory_space<hbm>>
      %dma_start3A_448 = tpu.memref_squeeze %dma_start3A_447 : memref<1x16x128xi32, #tpu.memory_space<hbm>> -> memref<16x128xi32, #tpu.memory_space<hbm>>
      tpu.enqueue_dma source(%dma_start3A_448 : memref<16x128xi32, #tpu.memory_space<hbm>>) target(%dma_start3A_445 : memref<16x128xi32, #tpu.memory_space<vmem>>) target_semaphore(%arg14 : memref<!tpu.dma_semaphore, #tpu.memory_space<semaphore_mem>>)
      %dma_start3A_449 = arith.constant 1 : i32
      %dma_start3A_450 = arith.constant 1 : i32
      %dma_start3A_451 = arith.constant 0 : i32
      %dma_start3A_452 = arith.constant 0 : i32
      %dma_start3A_453 = tpu.memref_slice %arg8[%dma_start3A_450, %dma_start3A_451, %dma_start3A_452] : memref<2x16x128xi32, #tpu.memory_space<vmem>> -> memref<1x16x128xi32, #tpu.memory_space<vmem>>
      %dma_start3A_454 = tpu.memref_squeeze %dma_start3A_453 : memref<1x16x128xi32, #tpu.memory_space<vmem>> -> memref<16x128xi32, #tpu.memory_space<vmem>>
      %dma_start3A_455 = arith.constant 0 : i32
      %dma_start3A_456 = tpu.memref_slice %arg4[%dma_start3A_449, %sub3A_432, %dma_start3A_455] : memref<2x64x128xi32, #tpu.memory_space<hbm>> -> memref<1x16x128xi32, #tpu.memory_space<hbm>>
      %dma_start3A_457 = tpu.memref_squeeze %dma_start3A_456 : memref<1x16x128xi32, #tpu.memory_space<hbm>> -> memref<16x128xi32, #tpu.memory_space<hbm>>
      %dma_start3A_458 = arith.constant 0 : i32
      %dma_start3A_459 = arith.constant 0 : i32
      %dma_start3A_460 = tpu.memref_slice %arg8[%dma_start3A_450, %dma_start3A_458, %dma_start3A_459] : memref<2x16x128xi32, #tpu.memory_space<vmem>> -> memref<1x16x128xi32, #tpu.memory_space<vmem>>
      %dma_start3A_461 = tpu.memref_squeeze %dma_start3A_460 : memref<1x16x128xi32, #tpu.memory_space<vmem>> -> memref<16x128xi32, #tpu.memory_space<vmem>>
      %dma_start3A_462 = arith.constant 0 : i32
      %dma_start3A_463 = tpu.memref_slice %arg4[%dma_start3A_449, %sub3A_432, %dma_start3A_462] : memref<2x64x128xi32, #tpu.memory_space<hbm>> -> memref<1x16x128xi32, #tpu.memory_space<hbm>>
      %dma_start3A_464 = tpu.memref_squeeze %dma_start3A_463 : memref<1x16x128xi32, #tpu.memory_space<hbm>> -> memref<16x128xi32, #tpu.memory_space<hbm>>
      tpu.enqueue_dma source(%dma_start3A_464 : memref<16x128xi32, #tpu.memory_space<hbm>>) target(%dma_start3A_461 : memref<16x128xi32, #tpu.memory_space<vmem>>) target_semaphore(%arg16 : memref<!tpu.dma_semaphore, #tpu.memory_space<semaphore_mem>>)
    } else {
    }
    %mul3A_105 = arith.constant 640 : i32
    %mul3A_106 = arith.muli %arg1, %mul3A_105 : i32
    %dma_wait3A = arith.constant 0 : i32
    %dma_wait3A_107 = arith.constant 0 : i32
    %dma_wait3A_108 = arith.constant 0 : i32
    %dma_wait3A_109 = tpu.memref_slice %arg9[%dma_wait3A, %dma_wait3A_107, %dma_wait3A_108] : memref<2x128x128xf32, #tpu.memory_space<vmem>> -> memref<1x128x128xf32, #tpu.memory_space<vmem>>
    %dma_wait3A_110 = tpu.memref_squeeze %dma_wait3A_109 : memref<1x128x128xf32, #tpu.memory_space<vmem>> -> memref<128x128xf32, #tpu.memory_space<vmem>>
    %dma_wait3A_111 = arith.constant 0 : i32
    %dma_wait3A_112 = tpu.memref_slice %arg10[%mul3A_106, %dma_wait3A_111] : memref<10240x128xf32, #tpu.memory_space<vmem_shared>> -> memref<128x128xf32, #tpu.memory_space<vmem_shared>>
    %dma_wait3A_113 = arith.constant 0 : i32
    %dma_wait3A_114 = tpu.memref_slice %arg10[%mul3A_106, %dma_wait3A_113] : memref<10240x128xf32, #tpu.memory_space<vmem_shared>> -> memref<128x128xf32, #tpu.memory_space<vmem_shared>>
    %dma_wait3A_115 = arith.constant 0 : i32
    %dma_wait3A_116 = arith.constant 0 : i32
    %dma_wait3A_117 = tpu.memref_slice %arg9[%dma_wait3A, %dma_wait3A_115, %dma_wait3A_116] : memref<2x128x128xf32, #tpu.memory_space<vmem>> -> memref<1x128x128xf32, #tpu.memory_space<vmem>>
    %dma_wait3A_118 = tpu.memref_squeeze %dma_wait3A_117 : memref<1x128x128xf32, #tpu.memory_space<vmem>> -> memref<128x128xf32, #tpu.memory_space<vmem>>
    tpu.wait_dma2 semaphore(%arg11 : memref<!tpu.dma_semaphore, #tpu.memory_space<semaphore_mem>>) src(%dma_wait3A_118 : memref<128x128xf32, #tpu.memory_space<vmem>>) dst(%dma_wait3A_114 : memref<128x128xf32, #tpu.memory_space<vmem_shared>>)
    %mul3A_119 = arith.constant 640 : i32
    %mul3A_120 = arith.muli %arg1, %mul3A_119 : i32
    %dma_wait3A_121 = arith.constant 0 : i32
    %dma_wait3A_122 = arith.constant 0 : i32
    %dma_wait3A_123 = arith.constant 0 : i32
    %dma_wait3A_124 = tpu.memref_slice %arg9[%dma_wait3A_121, %dma_wait3A_122, %dma_wait3A_123] : memref<2x128x128xf32, #tpu.memory_space<vmem>> -> memref<1x128x128xf32, #tpu.memory_space<vmem>>
    %dma_wait3A_125 = tpu.memref_squeeze %dma_wait3A_124 : memref<1x128x128xf32, #tpu.memory_space<vmem>> -> memref<128x128xf32, #tpu.memory_space<vmem>>
    %dma_wait3A_126 = arith.constant 0 : i32
    %dma_wait3A_127 = tpu.memref_slice %arg10[%mul3A_120, %dma_wait3A_126] : memref<10240x128xf32, #tpu.memory_space<vmem_shared>> -> memref<128x128xf32, #tpu.memory_space<vmem_shared>>
    %dma_wait3A_128 = arith.constant 0 : i32
    %dma_wait3A_129 = tpu.memref_slice %arg10[%mul3A_120, %dma_wait3A_128] : memref<10240x128xf32, #tpu.memory_space<vmem_shared>> -> memref<128x128xf32, #tpu.memory_space<vmem_shared>>
    %dma_wait3A_130 = arith.constant 0 : i32
    %dma_wait3A_131 = arith.constant 0 : i32
    %dma_wait3A_132 = tpu.memref_slice %arg9[%dma_wait3A_121, %dma_wait3A_130, %dma_wait3A_131] : memref<2x128x128xf32, #tpu.memory_space<vmem>> -> memref<1x128x128xf32, #tpu.memory_space<vmem>>
    %dma_wait3A_133 = tpu.memref_squeeze %dma_wait3A_132 : memref<1x128x128xf32, #tpu.memory_space<vmem>> -> memref<128x128xf32, #tpu.memory_space<vmem>>
    tpu.wait_dma2 semaphore(%arg11 : memref<!tpu.dma_semaphore, #tpu.memory_space<semaphore_mem>>) src(%dma_wait3A_133 : memref<128x128xf32, #tpu.memory_space<vmem>>) dst(%dma_wait3A_129 : memref<128x128xf32, #tpu.memory_space<vmem_shared>>)
    %mul3A_134 = arith.constant 640 : i32
    %mul3A_135 = arith.muli %arg1, %mul3A_134 : i32
    %dma_wait3A_136 = arith.constant 0 : i32
    %dma_wait3A_137 = arith.constant 0 : i32
    %dma_wait3A_138 = arith.constant 0 : i32
    %dma_wait3A_139 = tpu.memref_slice %arg9[%dma_wait3A_136, %dma_wait3A_137, %dma_wait3A_138] : memref<2x128x128xf32, #tpu.memory_space<vmem>> -> memref<1x128x128xf32, #tpu.memory_space<vmem>>
    %dma_wait3A_140 = tpu.memref_squeeze %dma_wait3A_139 : memref<1x128x128xf32, #tpu.memory_space<vmem>> -> memref<128x128xf32, #tpu.memory_space<vmem>>
    %dma_wait3A_141 = arith.constant 0 : i32
    %dma_wait3A_142 = tpu.memref_slice %arg10[%mul3A_135, %dma_wait3A_141] : memref<10240x128xf32, #tpu.memory_space<vmem_shared>> -> memref<128x128xf32, #tpu.memory_space<vmem_shared>>
    %dma_wait3A_143 = arith.constant 0 : i32
    %dma_wait3A_144 = tpu.memref_slice %arg10[%mul3A_135, %dma_wait3A_143] : memref<10240x128xf32, #tpu.memory_space<vmem_shared>> -> memref<128x128xf32, #tpu.memory_space<vmem_shared>>
    %dma_wait3A_145 = arith.constant 0 : i32
    %dma_wait3A_146 = arith.constant 0 : i32
    %dma_wait3A_147 = tpu.memref_slice %arg9[%dma_wait3A_136, %dma_wait3A_145, %dma_wait3A_146] : memref<2x128x128xf32, #tpu.memory_space<vmem>> -> memref<1x128x128xf32, #tpu.memory_space<vmem>>
    %dma_wait3A_148 = tpu.memref_squeeze %dma_wait3A_147 : memref<1x128x128xf32, #tpu.memory_space<vmem>> -> memref<128x128xf32, #tpu.memory_space<vmem>>
    tpu.wait_dma2 semaphore(%arg11 : memref<!tpu.dma_semaphore, #tpu.memory_space<semaphore_mem>>) src(%dma_wait3A_148 : memref<128x128xf32, #tpu.memory_space<vmem>>) dst(%dma_wait3A_144 : memref<128x128xf32, #tpu.memory_space<vmem_shared>>)
    %mul3A_149 = arith.constant 640 : i32
    %mul3A_150 = arith.muli %arg1, %mul3A_149 : i32
    %dma_wait3A_151 = arith.constant 0 : i32
    %dma_wait3A_152 = arith.constant 0 : i32
    %dma_wait3A_153 = arith.constant 0 : i32
    %dma_wait3A_154 = tpu.memref_slice %arg9[%dma_wait3A_151, %dma_wait3A_152, %dma_wait3A_153] : memref<2x128x128xf32, #tpu.memory_space<vmem>> -> memref<1x128x128xf32, #tpu.memory_space<vmem>>
    %dma_wait3A_155 = tpu.memref_squeeze %dma_wait3A_154 : memref<1x128x128xf32, #tpu.memory_space<vmem>> -> memref<128x128xf32, #tpu.memory_space<vmem>>
    %dma_wait3A_156 = arith.constant 0 : i32
    %dma_wait3A_157 = tpu.memref_slice %arg10[%mul3A_150, %dma_wait3A_156] : memref<10240x128xf32, #tpu.memory_space<vmem_shared>> -> memref<128x128xf32, #tpu.memory_space<vmem_shared>>
    %dma_wait3A_158 = arith.constant 0 : i32
    %dma_wait3A_159 = tpu.memref_slice %arg10[%mul3A_150, %dma_wait3A_158] : memref<10240x128xf32, #tpu.memory_space<vmem_shared>> -> memref<128x128xf32, #tpu.memory_space<vmem_shared>>
    %dma_wait3A_160 = arith.constant 0 : i32
    %dma_wait3A_161 = arith.constant 0 : i32
    %dma_wait3A_162 = tpu.memref_slice %arg9[%dma_wait3A_151, %dma_wait3A_160, %dma_wait3A_161] : memref<2x128x128xf32, #tpu.memory_space<vmem>> -> memref<1x128x128xf32, #tpu.memory_space<vmem>>
    %dma_wait3A_163 = tpu.memref_squeeze %dma_wait3A_162 : memref<1x128x128xf32, #tpu.memory_space<vmem>> -> memref<128x128xf32, #tpu.memory_space<vmem>>
    tpu.wait_dma2 semaphore(%arg11 : memref<!tpu.dma_semaphore, #tpu.memory_space<semaphore_mem>>) src(%dma_wait3A_163 : memref<128x128xf32, #tpu.memory_space<vmem>>) dst(%dma_wait3A_159 : memref<128x128xf32, #tpu.memory_space<vmem_shared>>)
    %mul3A_164 = arith.constant 640 : i32
    %mul3A_165 = arith.muli %arg1, %mul3A_164 : i32
    %dma_wait3A_166 = arith.constant 0 : i32
    %dma_wait3A_167 = arith.constant 0 : i32
    %dma_wait3A_168 = arith.constant 0 : i32
    %dma_wait3A_169 = tpu.memref_slice %arg9[%dma_wait3A_166, %dma_wait3A_167, %dma_wait3A_168] : memref<2x128x128xf32, #tpu.memory_space<vmem>> -> memref<1x128x128xf32, #tpu.memory_space<vmem>>
    %dma_wait3A_170 = tpu.memref_squeeze %dma_wait3A_169 : memref<1x128x128xf32, #tpu.memory_space<vmem>> -> memref<128x128xf32, #tpu.memory_space<vmem>>
    %dma_wait3A_171 = arith.constant 0 : i32
    %dma_wait3A_172 = tpu.memref_slice %arg10[%mul3A_165, %dma_wait3A_171] : memref<10240x128xf32, #tpu.memory_space<vmem_shared>> -> memref<128x128xf32, #tpu.memory_space<vmem_shared>>
    %dma_wait3A_173 = arith.constant 0 : i32
    %dma_wait3A_174 = tpu.memref_slice %arg10[%mul3A_165, %dma_wait3A_173] : memref<10240x128xf32, #tpu.memory_space<vmem_shared>> -> memref<128x128xf32, #tpu.memory_space<vmem_shared>>
    %dma_wait3A_175 = arith.constant 0 : i32
    %dma_wait3A_176 = arith.constant 0 : i32
    %dma_wait3A_177 = tpu.memref_slice %arg9[%dma_wait3A_166, %dma_wait3A_175, %dma_wait3A_176] : memref<2x128x128xf32, #tpu.memory_space<vmem>> -> memref<1x128x128xf32, #tpu.memory_space<vmem>>
    %dma_wait3A_178 = tpu.memref_squeeze %dma_wait3A_177 : memref<1x128x128xf32, #tpu.memory_space<vmem>> -> memref<128x128xf32, #tpu.memory_space<vmem>>
    tpu.wait_dma2 semaphore(%arg11 : memref<!tpu.dma_semaphore, #tpu.memory_space<semaphore_mem>>) src(%dma_wait3A_178 : memref<128x128xf32, #tpu.memory_space<vmem>>) dst(%dma_wait3A_174 : memref<128x128xf32, #tpu.memory_space<vmem_shared>>)
    %barrier3A = arith.constant 0 : index
    tpu.barrier barrier_id(%barrier3A)
    %dma_wait3A_179 = arith.constant 0 : i32
    %dma_wait3A_180 = arith.constant 0 : i32
    %dma_wait3A_181 = arith.constant 0 : i32
    %dma_wait3A_182 = arith.constant 0 : i32
    %dma_wait3A_183 = tpu.memref_slice %arg7[%dma_wait3A_180, %dma_wait3A_181, %dma_wait3A_182] : memref<2x16x128xi32, #tpu.memory_space<vmem>> -> memref<1x16x128xi32, #tpu.memory_space<vmem>>
    %dma_wait3A_184 = tpu.memref_squeeze %dma_wait3A_183 : memref<1x16x128xi32, #tpu.memory_space<vmem>> -> memref<16x128xi32, #tpu.memory_space<vmem>>
    %dma_wait3A_185 = arith.constant 0 : i32
    %dma_wait3A_186 = arith.constant 0 : i32
    %dma_wait3A_187 = tpu.memref_slice %arg3[%dma_wait3A_179, %dma_wait3A_185, %dma_wait3A_186] : memref<2x2500x128xi32, #tpu.memory_space<hbm>> -> memref<1x16x128xi32, #tpu.memory_space<hbm>>
    %dma_wait3A_188 = tpu.memref_squeeze %dma_wait3A_187 : memref<1x16x128xi32, #tpu.memory_space<hbm>> -> memref<16x128xi32, #tpu.memory_space<hbm>>
    %dma_wait3A_189 = arith.constant 0 : i32
    %dma_wait3A_190 = arith.constant 0 : i32
    %dma_wait3A_191 = tpu.memref_slice %arg7[%dma_wait3A_180, %dma_wait3A_189, %dma_wait3A_190] : memref<2x16x128xi32, #tpu.memory_space<vmem>> -> memref<1x16x128xi32, #tpu.memory_space<vmem>>
    %dma_wait3A_192 = tpu.memref_squeeze %dma_wait3A_191 : memref<1x16x128xi32, #tpu.memory_space<vmem>> -> memref<16x128xi32, #tpu.memory_space<vmem>>
    %dma_wait3A_193 = arith.constant 0 : i32
    %dma_wait3A_194 = arith.constant 0 : i32
    %dma_wait3A_195 = tpu.memref_slice %arg3[%dma_wait3A_179, %dma_wait3A_193, %dma_wait3A_194] : memref<2x2500x128xi32, #tpu.memory_space<hbm>> -> memref<1x16x128xi32, #tpu.memory_space<hbm>>
    %dma_wait3A_196 = tpu.memref_squeeze %dma_wait3A_195 : memref<1x16x128xi32, #tpu.memory_space<hbm>> -> memref<16x128xi32, #tpu.memory_space<hbm>>
    tpu.wait_dma2 semaphore(%arg13 : memref<!tpu.dma_semaphore, #tpu.memory_space<semaphore_mem>>) src(%dma_wait3A_196 : memref<16x128xi32, #tpu.memory_space<hbm>>) dst(%dma_wait3A_192 : memref<16x128xi32, #tpu.memory_space<vmem>>)
    %dma_wait3A_197 = arith.constant 1 : i32
    %dma_wait3A_198 = arith.constant 0 : i32
    %dma_wait3A_199 = arith.constant 0 : i32
    %dma_wait3A_200 = arith.constant 0 : i32
    %dma_wait3A_201 = tpu.memref_slice %arg8[%dma_wait3A_198, %dma_wait3A_199, %dma_wait3A_200] : memref<2x16x128xi32, #tpu.memory_space<vmem>> -> memref<1x16x128xi32, #tpu.memory_space<vmem>>
    %dma_wait3A_202 = tpu.memref_squeeze %dma_wait3A_201 : memref<1x16x128xi32, #tpu.memory_space<vmem>> -> memref<16x128xi32, #tpu.memory_space<vmem>>
    %dma_wait3A_203 = arith.constant 0 : i32
    %dma_wait3A_204 = arith.constant 0 : i32
    %dma_wait3A_205 = tpu.memref_slice %arg3[%dma_wait3A_197, %dma_wait3A_203, %dma_wait3A_204] : memref<2x2500x128xi32, #tpu.memory_space<hbm>> -> memref<1x16x128xi32, #tpu.memory_space<hbm>>
    %dma_wait3A_206 = tpu.memref_squeeze %dma_wait3A_205 : memref<1x16x128xi32, #tpu.memory_space<hbm>> -> memref<16x128xi32, #tpu.memory_space<hbm>>
    %dma_wait3A_207 = arith.constant 0 : i32
    %dma_wait3A_208 = arith.constant 0 : i32
    %dma_wait3A_209 = tpu.memref_slice %arg8[%dma_wait3A_198, %dma_wait3A_207, %dma_wait3A_208] : memref<2x16x128xi32, #tpu.memory_space<vmem>> -> memref<1x16x128xi32, #tpu.memory_space<vmem>>
    %dma_wait3A_210 = tpu.memref_squeeze %dma_wait3A_209 : memref<1x16x128xi32, #tpu.memory_space<vmem>> -> memref<16x128xi32, #tpu.memory_space<vmem>>
    %dma_wait3A_211 = arith.constant 0 : i32
    %dma_wait3A_212 = arith.constant 0 : i32
    %dma_wait3A_213 = tpu.memref_slice %arg3[%dma_wait3A_197, %dma_wait3A_211, %dma_wait3A_212] : memref<2x2500x128xi32, #tpu.memory_space<hbm>> -> memref<1x16x128xi32, #tpu.memory_space<hbm>>
    %dma_wait3A_214 = tpu.memref_squeeze %dma_wait3A_213 : memref<1x16x128xi32, #tpu.memory_space<hbm>> -> memref<16x128xi32, #tpu.memory_space<hbm>>
    tpu.wait_dma2 semaphore(%arg15 : memref<!tpu.dma_semaphore, #tpu.memory_space<semaphore_mem>>) src(%dma_wait3A_214 : memref<16x128xi32, #tpu.memory_space<hbm>>) dst(%dma_wait3A_210 : memref<16x128xi32, #tpu.memory_space<vmem>>)
    %dma_start3A_215 = arith.constant 0 : i32
    %dma_start3A_216 = arith.constant 0 : i32
    %dma_start3A_217 = arith.constant 0 : i32
    %dma_start3A_218 = arith.constant 0 : i32
    %dma_start3A_219 = arith.constant 0 : i32
    %dma_start3A_220 = tpu.memref_slice %arg9[%dma_start3A_217, %dma_start3A_218, %dma_start3A_219] : memref<2x128x128xf32, #tpu.memory_space<vmem>> -> memref<1x128x128xf32, #tpu.memory_space<vmem>>
    %dma_start3A_221 = tpu.memref_squeeze %dma_start3A_220 : memref<1x128x128xf32, #tpu.memory_space<vmem>> -> memref<128x128xf32, #tpu.memory_space<vmem>>
    %dma_start3A_222 = arith.constant 0 : i32
    %dma_start3A_223 = tpu.memref_slice %arg7[%dma_start3A_215, %dma_start3A_216, %dma_start3A_222] : memref<2x16x128xi32, #tpu.memory_space<vmem>> -> memref<1x1x128xi32, #tpu.memory_space<vmem>>
    %dma_start3A_224 = tpu.memref_squeeze %dma_start3A_223 : memref<1x1x128xi32, #tpu.memory_space<vmem>> -> memref<128xi32, #tpu.memory_space<vmem>>
    %dma_start3A_225 = arith.constant 0 : i32
    %dma_start3A_226 = arith.constant 0 : i32
    %dma_start3A_227 = tpu.memref_slice %arg2[%dma_start3A_225, %dma_start3A_226] : memref<10000x128xf32, #tpu.memory_space<hbm>> -> memref<10000x128xf32, #tpu.memory_space<hbm>>
    tpu.enqueue_indirect_dma source(%dma_start3A_227 : memref<10000x128xf32, #tpu.memory_space<hbm>>) target(%dma_start3A_221 : memref<128x128xf32, #tpu.memory_space<vmem>>) offsets(%dma_start3A_224 : memref<128xi32, #tpu.memory_space<vmem>>) semaphore(%arg11 : memref<!tpu.dma_semaphore, #tpu.memory_space<semaphore_mem>>)
    %dma_start3A_228 = arith.constant 0 : i32
    %dma_start3A_229 = arith.constant 1 : i32
    %dma_start3A_230 = arith.constant 1 : i32
    %dma_start3A_231 = arith.constant 0 : i32
    %dma_start3A_232 = arith.constant 0 : i32
    %dma_start3A_233 = tpu.memref_slice %arg9[%dma_start3A_230, %dma_start3A_231, %dma_start3A_232] : memref<2x128x128xf32, #tpu.memory_space<vmem>> -> memref<1x128x128xf32, #tpu.memory_space<vmem>>
    %dma_start3A_234 = tpu.memref_squeeze %dma_start3A_233 : memref<1x128x128xf32, #tpu.memory_space<vmem>> -> memref<128x128xf32, #tpu.memory_space<vmem>>
    %dma_start3A_235 = arith.constant 0 : i32
    %dma_start3A_236 = tpu.memref_slice %arg7[%dma_start3A_228, %dma_start3A_229, %dma_start3A_235] : memref<2x16x128xi32, #tpu.memory_space<vmem>> -> memref<1x1x128xi32, #tpu.memory_space<vmem>>
    %dma_start3A_237 = tpu.memref_squeeze %dma_start3A_236 : memref<1x1x128xi32, #tpu.memory_space<vmem>> -> memref<128xi32, #tpu.memory_space<vmem>>
    %dma_start3A_238 = arith.constant 0 : i32
    %dma_start3A_239 = arith.constant 0 : i32
    %dma_start3A_240 = tpu.memref_slice %arg2[%dma_start3A_238, %dma_start3A_239] : memref<10000x128xf32, #tpu.memory_space<hbm>> -> memref<10000x128xf32, #tpu.memory_space<hbm>>
    tpu.enqueue_indirect_dma source(%dma_start3A_240 : memref<10000x128xf32, #tpu.memory_space<hbm>>) target(%dma_start3A_234 : memref<128x128xf32, #tpu.memory_space<vmem>>) offsets(%dma_start3A_237 : memref<128xi32, #tpu.memory_space<vmem>>) semaphore(%arg12 : memref<!tpu.dma_semaphore, #tpu.memory_space<semaphore_mem>>)
    %scan3A = arith.constant 0 : i32
    %scan3A_241 = arith.constant 0 : i32
    %scan3A_242 = arith.constant 5 : i32
    %scan3A_243 = arith.addi %scan3A_241, %scan3A_242 : i32
    %scan3A_244 = arith.constant 1 : i32
    scf.for %scan3A_432 = %scan3A_241 to %scan3A_243 step %scan3A_244  : i32 {
      %rem3A = arith.constant 2 : i32
      %rem3A_433 = arith.remsi %scan3A_432, %rem3A : i32
      %eq3A = arith.constant 0 : i32
      %eq3A_434 = arith.cmpi eq, %rem3A_433, %eq3A : i32
      %convert_element_type3A_435 = arith.extui %eq3A_434 : i1 to i32
      %cond3A_436 = arith.constant 0 : i32
      %cond3A_437 = arith.cmpi ne, %convert_element_type3A_435, %cond3A_436 : i32
      scf.if %cond3A_437 {
        %dma_wait3A_445 = arith.constant 0 : i32
        %dma_wait3A_446 = arith.constant 0 : i32
        %dma_wait3A_447 = arith.constant 0 : i32
        %dma_wait3A_448 = arith.constant 0 : i32
        %dma_wait3A_449 = arith.constant 0 : i32
        %dma_wait3A_450 = tpu.memref_slice %arg9[%dma_wait3A_447, %dma_wait3A_448, %dma_wait3A_449] : memref<2x128x128xf32, #tpu.memory_space<vmem>> -> memref<1x128x128xf32, #tpu.memory_space<vmem>>
        %dma_wait3A_451 = tpu.memref_squeeze %dma_wait3A_450 : memref<1x128x128xf32, #tpu.memory_space<vmem>> -> memref<128x128xf32, #tpu.memory_space<vmem>>
        %dma_wait3A_452 = arith.constant 0 : i32
        %dma_wait3A_453 = tpu.memref_slice %arg7[%dma_wait3A_445, %dma_wait3A_446, %dma_wait3A_452] : memref<2x16x128xi32, #tpu.memory_space<vmem>> -> memref<1x1x128xi32, #tpu.memory_space<vmem>>
        %dma_wait3A_454 = tpu.memref_squeeze %dma_wait3A_453 : memref<1x1x128xi32, #tpu.memory_space<vmem>> -> memref<128xi32, #tpu.memory_space<vmem>>
        %dma_wait3A_455 = arith.constant 0 : i32
        %dma_wait3A_456 = arith.constant 0 : i32
        %dma_wait3A_457 = tpu.memref_slice %arg2[%dma_wait3A_455, %dma_wait3A_456] : memref<10000x128xf32, #tpu.memory_space<hbm>> -> memref<10000x128xf32, #tpu.memory_space<hbm>>
        tpu.wait_indirect_dma semaphore(%arg11 : memref<!tpu.dma_semaphore, #tpu.memory_space<semaphore_mem>>) src(%dma_wait3A_457 : memref<10000x128xf32, #tpu.memory_space<hbm>>) dst(%dma_wait3A_451 : memref<128x128xf32, #tpu.memory_space<vmem>>)
        %run_scoped3A_458 = arith.constant 0 : i32
        %run_scoped3A_459 = arith.constant 0 : i32
        %run_scoped3A_460 = arith.constant 0 : i32
        "tpu.region"() ({
          %run_scoped3A_911 = tpu.sem_alloc : memref<!tpu.dma_semaphore, #tpu.memory_space<semaphore_mem>>
          %dma_start3A_912 = arith.constant 0 : i32
          %dma_start3A_913 = arith.constant 0 : i32
          %dma_start3A_914 = tpu.memref_slice %arg9[%run_scoped3A_458, %dma_start3A_912, %dma_start3A_913] : memref<2x128x128xf32, #tpu.memory_space<vmem>> -> memref<1x128x128xf32, #tpu.memory_space<vmem>>
          %dma_start3A_915 = tpu.memref_squeeze %dma_start3A_914 : memref<1x128x128xf32, #tpu.memory_space<vmem>> -> memref<128x128xf32, #tpu.memory_space<vmem>>
          %dma_start3A_916 = arith.constant 0 : i32
          %dma_start3A_917 = tpu.memref_slice %arg8[%run_scoped3A_459, %run_scoped3A_460, %dma_start3A_916] : memref<2x16x128xi32, #tpu.memory_space<vmem>> -> memref<1x1x128xi32, #tpu.memory_space<vmem>>
          %dma_start3A_918 = tpu.memref_squeeze %dma_start3A_917 : memref<1x1x128xi32, #tpu.memory_space<vmem>> -> memref<128xi32, #tpu.memory_space<vmem>>
          %dma_start3A_919 = arith.constant 0 : i32
          %dma_start3A_920 = arith.constant 0 : i32
          %dma_start3A_921 = tpu.memref_slice %arg10[%dma_start3A_919, %dma_start3A_920] : memref<10240x128xf32, #tpu.memory_space<vmem_shared>> -> memref<10240x128xf32, #tpu.memory_space<vmem_shared>>
          tpu.enqueue_indirect_dma source(%dma_start3A_915 : memref<128x128xf32, #tpu.memory_space<vmem>>) target(%dma_start3A_921 : memref<10240x128xf32, #tpu.memory_space<vmem_shared>>) offsets(%dma_start3A_918 : memref<128xi32, #tpu.memory_space<vmem>>) semaphore(%run_scoped3A_911 : memref<!tpu.dma_semaphore, #tpu.memory_space<semaphore_mem>>) {add = true}
          %dma_wait3A_922 = arith.constant 0 : i32
          %dma_wait3A_923 = arith.constant 0 : i32
          %dma_wait3A_924 = tpu.memref_slice %arg9[%run_scoped3A_458, %dma_wait3A_922, %dma_wait3A_923] : memref<2x128x128xf32, #tpu.memory_space<vmem>> -> memref<1x128x128xf32, #tpu.memory_space<vmem>>
          %dma_wait3A_925 = tpu.memref_squeeze %dma_wait3A_924 : memref<1x128x128xf32, #tpu.memory_space<vmem>> -> memref<128x128xf32, #tpu.memory_space<vmem>>
          %dma_wait3A_926 = arith.constant 0 : i32
          %dma_wait3A_927 = tpu.memref_slice %arg8[%run_scoped3A_459, %run_scoped3A_460, %dma_wait3A_926] : memref<2x16x128xi32, #tpu.memory_space<vmem>> -> memref<1x1x128xi32, #tpu.memory_space<vmem>>
          %dma_wait3A_928 = tpu.memref_squeeze %dma_wait3A_927 : memref<1x1x128xi32, #tpu.memory_space<vmem>> -> memref<128xi32, #tpu.memory_space<vmem>>
          %dma_wait3A_929 = arith.constant 0 : i32
          %dma_wait3A_930 = arith.constant 0 : i32
          %dma_wait3A_931 = tpu.memref_slice %arg10[%dma_wait3A_929, %dma_wait3A_930] : memref<10240x128xf32, #tpu.memory_space<vmem_shared>> -> memref<10240x128xf32, #tpu.memory_space<vmem_shared>>
          tpu.wait_indirect_dma semaphore(%run_scoped3A_911 : memref<!tpu.dma_semaphore, #tpu.memory_space<semaphore_mem>>) src(%dma_wait3A_925 : memref<128x128xf32, #tpu.memory_space<vmem>>) dst(%dma_wait3A_931 : memref<10240x128xf32, #tpu.memory_space<vmem_shared>>)
          tpu.yield
        }) : () -> ()
        %dma_start3A_461 = arith.constant 0 : i32
        %dma_start3A_462 = arith.constant 2 : i32
        %dma_start3A_463 = arith.constant 0 : i32
        %dma_start3A_464 = arith.constant 0 : i32
        %dma_start3A_465 = arith.constant 0 : i32
        %dma_start3A_466 = tpu.memref_slice %arg9[%dma_start3A_463, %dma_start3A_464, %dma_start3A_465] : memref<2x128x128xf32, #tpu.memory_space<vmem>> -> memref<1x128x128xf32, #tpu.memory_space<vmem>>
        %dma_start3A_467 = tpu.memref_squeeze %dma_start3A_466 : memref<1x128x128xf32, #tpu.memory_space<vmem>> -> memref<128x128xf32, #tpu.memory_space<vmem>>
        %dma_start3A_468 = arith.constant 0 : i32
        %dma_start3A_469 = tpu.memref_slice %arg7[%dma_start3A_461, %dma_start3A_462, %dma_start3A_468] : memref<2x16x128xi32, #tpu.memory_space<vmem>> -> memref<1x1x128xi32, #tpu.memory_space<vmem>>
        %dma_start3A_470 = tpu.memref_squeeze %dma_start3A_469 : memref<1x1x128xi32, #tpu.memory_space<vmem>> -> memref<128xi32, #tpu.memory_space<vmem>>
        %dma_start3A_471 = arith.constant 0 : i32
        %dma_start3A_472 = arith.constant 0 : i32
        %dma_start3A_473 = tpu.memref_slice %arg2[%dma_start3A_471, %dma_start3A_472] : memref<10000x128xf32, #tpu.memory_space<hbm>> -> memref<10000x128xf32, #tpu.memory_space<hbm>>
        tpu.enqueue_indirect_dma source(%dma_start3A_473 : memref<10000x128xf32, #tpu.memory_space<hbm>>) target(%dma_start3A_467 : memref<128x128xf32, #tpu.memory_space<vmem>>) offsets(%dma_start3A_470 : memref<128xi32, #tpu.memory_space<vmem>>) semaphore(%arg11 : memref<!tpu.dma_semaphore, #tpu.memory_space<semaphore_mem>>)
        %dma_wait3A_474 = arith.constant 0 : i32
        %dma_wait3A_475 = arith.constant 1 : i32
        %dma_wait3A_476 = arith.constant 1 : i32
        %dma_wait3A_477 = arith.constant 0 : i32
        %dma_wait3A_478 = arith.constant 0 : i32
        %dma_wait3A_479 = tpu.memref_slice %arg9[%dma_wait3A_476, %dma_wait3A_477, %dma_wait3A_478] : memref<2x128x128xf32, #tpu.memory_space<vmem>> -> memref<1x128x128xf32, #tpu.memory_space<vmem>>
        %dma_wait3A_480 = tpu.memref_squeeze %dma_wait3A_479 : memref<1x128x128xf32, #tpu.memory_space<vmem>> -> memref<128x128xf32, #tpu.memory_space<vmem>>
        %dma_wait3A_481 = arith.constant 0 : i32
        %dma_wait3A_482 = tpu.memref_slice %arg7[%dma_wait3A_474, %dma_wait3A_475, %dma_wait3A_481] : memref<2x16x128xi32, #tpu.memory_space<vmem>> -> memref<1x1x128xi32, #tpu.memory_space<vmem>>
        %dma_wait3A_483 = tpu.memref_squeeze %dma_wait3A_482 : memref<1x1x128xi32, #tpu.memory_space<vmem>> -> memref<128xi32, #tpu.memory_space<vmem>>
        %dma_wait3A_484 = arith.constant 0 : i32
        %dma_wait3A_485 = arith.constant 0 : i32
        %dma_wait3A_486 = tpu.memref_slice %arg2[%dma_wait3A_484, %dma_wait3A_485] : memref<10000x128xf32, #tpu.memory_space<hbm>> -> memref<10000x128xf32, #tpu.memory_space<hbm>>
        tpu.wait_indirect_dma semaphore(%arg12 : memref<!tpu.dma_semaphore, #tpu.memory_space<semaphore_mem>>) src(%dma_wait3A_486 : memref<10000x128xf32, #tpu.memory_space<hbm>>) dst(%dma_wait3A_480 : memref<128x128xf32, #tpu.memory_space<vmem>>)
        %run_scoped3A_487 = arith.constant 1 : i32
        %run_scoped3A_488 = arith.constant 0 : i32
        %run_scoped3A_489 = arith.constant 1 : i32
        "tpu.region"() ({
          %run_scoped3A_911 = tpu.sem_alloc : memref<!tpu.dma_semaphore, #tpu.memory_space<semaphore_mem>>
          %dma_start3A_912 = arith.constant 0 : i32
          %dma_start3A_913 = arith.constant 0 : i32
          %dma_start3A_914 = tpu.memref_slice %arg9[%run_scoped3A_487, %dma_start3A_912, %dma_start3A_913] : memref<2x128x128xf32, #tpu.memory_space<vmem>> -> memref<1x128x128xf32, #tpu.memory_space<vmem>>
          %dma_start3A_915 = tpu.memref_squeeze %dma_start3A_914 : memref<1x128x128xf32, #tpu.memory_space<vmem>> -> memref<128x128xf32, #tpu.memory_space<vmem>>
          %dma_start3A_916 = arith.constant 0 : i32
          %dma_start3A_917 = tpu.memref_slice %arg8[%run_scoped3A_488, %run_scoped3A_489, %dma_start3A_916] : memref<2x16x128xi32, #tpu.memory_space<vmem>> -> memref<1x1x128xi32, #tpu.memory_space<vmem>>
          %dma_start3A_918 = tpu.memref_squeeze %dma_start3A_917 : memref<1x1x128xi32, #tpu.memory_space<vmem>> -> memref<128xi32, #tpu.memory_space<vmem>>
          %dma_start3A_919 = arith.constant 0 : i32
          %dma_start3A_920 = arith.constant 0 : i32
          %dma_start3A_921 = tpu.memref_slice %arg10[%dma_start3A_919, %dma_start3A_920] : memref<10240x128xf32, #tpu.memory_space<vmem_shared>> -> memref<10240x128xf32, #tpu.memory_space<vmem_shared>>
          tpu.enqueue_indirect_dma source(%dma_start3A_915 : memref<128x128xf32, #tpu.memory_space<vmem>>) target(%dma_start3A_921 : memref<10240x128xf32, #tpu.memory_space<vmem_shared>>) offsets(%dma_start3A_918 : memref<128xi32, #tpu.memory_space<vmem>>) semaphore(%run_scoped3A_911 : memref<!tpu.dma_semaphore, #tpu.memory_space<semaphore_mem>>) {add = true}
          %dma_wait3A_922 = arith.constant 0 : i32
          %dma_wait3A_923 = arith.constant 0 : i32
          %dma_wait3A_924 = tpu.memref_slice %arg9[%run_scoped3A_487, %dma_wait3A_922, %dma_wait3A_923] : memref<2x128x128xf32, #tpu.memory_space<vmem>> -> memref<1x128x128xf32, #tpu.memory_space<vmem>>
          %dma_wait3A_925 = tpu.memref_squeeze %dma_wait3A_924 : memref<1x128x128xf32, #tpu.memory_space<vmem>> -> memref<128x128xf32, #tpu.memory_space<vmem>>
          %dma_wait3A_926 = arith.constant 0 : i32
          %dma_wait3A_927 = tpu.memref_slice %arg8[%run_scoped3A_488, %run_scoped3A_489, %dma_wait3A_926] : memref<2x16x128xi32, #tpu.memory_space<vmem>> -> memref<1x1x128xi32, #tpu.memory_space<vmem>>
          %dma_wait3A_928 = tpu.memref_squeeze %dma_wait3A_927 : memref<1x1x128xi32, #tpu.memory_space<vmem>> -> memref<128xi32, #tpu.memory_space<vmem>>
          %dma_wait3A_929 = arith.constant 0 : i32
          %dma_wait3A_930 = arith.constant 0 : i32
          %dma_wait3A_931 = tpu.memref_slice %arg10[%dma_wait3A_929, %dma_wait3A_930] : memref<10240x128xf32, #tpu.memory_space<vmem_shared>> -> memref<10240x128xf32, #tpu.memory_space<vmem_shared>>
          tpu.wait_indirect_dma semaphore(%run_scoped3A_911 : memref<!tpu.dma_semaphore, #tpu.memory_space<semaphore_mem>>) src(%dma_wait3A_925 : memref<128x128xf32, #tpu.memory_space<vmem>>) dst(%dma_wait3A_931 : memref<10240x128xf32, #tpu.memory_space<vmem_shared>>)
          tpu.yield
        }) : () -> ()
        %dma_start3A_490 = arith.constant 0 : i32
        %dma_start3A_491 = arith.constant 3 : i32
        %dma_start3A_492 = arith.constant 1 : i32
        %dma_start3A_493 = arith.constant 0 : i32
        %dma_start3A_494 = arith.constant 0 : i32
        %dma_start3A_495 = tpu.memref_slice %arg9[%dma_start3A_492, %dma_start3A_493, %dma_start3A_494] : memref<2x128x128xf32, #tpu.memory_space<vmem>> -> memref<1x128x128xf32, #tpu.memory_space<vmem>>
        %dma_start3A_496 = tpu.memref_squeeze %dma_start3A_495 : memref<1x128x128xf32, #tpu.memory_space<vmem>> -> memref<128x128xf32, #tpu.memory_space<vmem>>
        %dma_start3A_497 = arith.constant 0 : i32
        %dma_start3A_498 = tpu.memref_slice %arg7[%dma_start3A_490, %dma_start3A_491, %dma_start3A_497] : memref<2x16x128xi32, #tpu.memory_space<vmem>> -> memref<1x1x128xi32, #tpu.memory_space<vmem>>
        %dma_start3A_499 = tpu.memref_squeeze %dma_start3A_498 : memref<1x1x128xi32, #tpu.memory_space<vmem>> -> memref<128xi32, #tpu.memory_space<vmem>>
        %dma_start3A_500 = arith.constant 0 : i32
        %dma_start3A_501 = arith.constant 0 : i32
        %dma_start3A_502 = tpu.memref_slice %arg2[%dma_start3A_500, %dma_start3A_501] : memref<10000x128xf32, #tpu.memory_space<hbm>> -> memref<10000x128xf32, #tpu.memory_space<hbm>>
        tpu.enqueue_indirect_dma source(%dma_start3A_502 : memref<10000x128xf32, #tpu.memory_space<hbm>>) target(%dma_start3A_496 : memref<128x128xf32, #tpu.memory_space<vmem>>) offsets(%dma_start3A_499 : memref<128xi32, #tpu.memory_space<vmem>>) semaphore(%arg12 : memref<!tpu.dma_semaphore, #tpu.memory_space<semaphore_mem>>)
        %dma_wait3A_503 = arith.constant 0 : i32
        %dma_wait3A_504 = arith.constant 2 : i32
        %dma_wait3A_505 = arith.constant 0 : i32
        %dma_wait3A_506 = arith.constant 0 : i32
        %dma_wait3A_507 = arith.constant 0 : i32
        %dma_wait3A_508 = tpu.memref_slice %arg9[%dma_wait3A_505, %dma_wait3A_506, %dma_wait3A_507] : memref<2x128x128xf32, #tpu.memory_space<vmem>> -> memref<1x128x128xf32, #tpu.memory_space<vmem>>
        %dma_wait3A_509 = tpu.memref_squeeze %dma_wait3A_508 : memref<1x128x128xf32, #tpu.memory_space<vmem>> -> memref<128x128xf32, #tpu.memory_space<vmem>>
        %dma_wait3A_510 = arith.constant 0 : i32
        %dma_wait3A_511 = tpu.memref_slice %arg7[%dma_wait3A_503, %dma_wait3A_504, %dma_wait3A_510] : memref<2x16x128xi32, #tpu.memory_space<vmem>> -> memref<1x1x128xi32, #tpu.memory_space<vmem>>
        %dma_wait3A_512 = tpu.memref_squeeze %dma_wait3A_511 : memref<1x1x128xi32, #tpu.memory_space<vmem>> -> memref<128xi32, #tpu.memory_space<vmem>>
        %dma_wait3A_513 = arith.constant 0 : i32
        %dma_wait3A_514 = arith.constant 0 : i32
        %dma_wait3A_515 = tpu.memref_slice %arg2[%dma_wait3A_513, %dma_wait3A_514] : memref<10000x128xf32, #tpu.memory_space<hbm>> -> memref<10000x128xf32, #tpu.memory_space<hbm>>
        tpu.wait_indirect_dma semaphore(%arg11 : memref<!tpu.dma_semaphore, #tpu.memory_space<semaphore_mem>>) src(%dma_wait3A_515 : memref<10000x128xf32, #tpu.memory_space<hbm>>) dst(%dma_wait3A_509 : memref<128x128xf32, #tpu.memory_space<vmem>>)
        %run_scoped3A_516 = arith.constant 0 : i32
        %run_scoped3A_517 = arith.constant 0 : i32
        %run_scoped3A_518 = arith.constant 2 : i32
        "tpu.region"() ({
          %run_scoped3A_911 = tpu.sem_alloc : memref<!tpu.dma_semaphore, #tpu.memory_space<semaphore_mem>>
          %dma_start3A_912 = arith.constant 0 : i32
          %dma_start3A_913 = arith.constant 0 : i32
          %dma_start3A_914 = tpu.memref_slice %arg9[%run_scoped3A_516, %dma_start3A_912, %dma_start3A_913] : memref<2x128x128xf32, #tpu.memory_space<vmem>> -> memref<1x128x128xf32, #tpu.memory_space<vmem>>
          %dma_start3A_915 = tpu.memref_squeeze %dma_start3A_914 : memref<1x128x128xf32, #tpu.memory_space<vmem>> -> memref<128x128xf32, #tpu.memory_space<vmem>>
          %dma_start3A_916 = arith.constant 0 : i32
          %dma_start3A_917 = tpu.memref_slice %arg8[%run_scoped3A_517, %run_scoped3A_518, %dma_start3A_916] : memref<2x16x128xi32, #tpu.memory_space<vmem>> -> memref<1x1x128xi32, #tpu.memory_space<vmem>>
          %dma_start3A_918 = tpu.memref_squeeze %dma_start3A_917 : memref<1x1x128xi32, #tpu.memory_space<vmem>> -> memref<128xi32, #tpu.memory_space<vmem>>
          %dma_start3A_919 = arith.constant 0 : i32
          %dma_start3A_920 = arith.constant 0 : i32
          %dma_start3A_921 = tpu.memref_slice %arg10[%dma_start3A_919, %dma_start3A_920] : memref<10240x128xf32, #tpu.memory_space<vmem_shared>> -> memref<10240x128xf32, #tpu.memory_space<vmem_shared>>
          tpu.enqueue_indirect_dma source(%dma_start3A_915 : memref<128x128xf32, #tpu.memory_space<vmem>>) target(%dma_start3A_921 : memref<10240x128xf32, #tpu.memory_space<vmem_shared>>) offsets(%dma_start3A_918 : memref<128xi32, #tpu.memory_space<vmem>>) semaphore(%run_scoped3A_911 : memref<!tpu.dma_semaphore, #tpu.memory_space<semaphore_mem>>) {add = true}
          %dma_wait3A_922 = arith.constant 0 : i32
          %dma_wait3A_923 = arith.constant 0 : i32
          %dma_wait3A_924 = tpu.memref_slice %arg9[%run_scoped3A_516, %dma_wait3A_922, %dma_wait3A_923] : memref<2x128x128xf32, #tpu.memory_space<vmem>> -> memref<1x128x128xf32, #tpu.memory_space<vmem>>
          %dma_wait3A_925 = tpu.memref_squeeze %dma_wait3A_924 : memref<1x128x128xf32, #tpu.memory_space<vmem>> -> memref<128x128xf32, #tpu.memory_space<vmem>>
          %dma_wait3A_926 = arith.constant 0 : i32
          %dma_wait3A_927 = tpu.memref_slice %arg8[%run_scoped3A_517, %run_scoped3A_518, %dma_wait3A_926] : memref<2x16x128xi32, #tpu.memory_space<vmem>> -> memref<1x1x128xi32, #tpu.memory_space<vmem>>
          %dma_wait3A_928 = tpu.memref_squeeze %dma_wait3A_927 : memref<1x1x128xi32, #tpu.memory_space<vmem>> -> memref<128xi32, #tpu.memory_space<vmem>>
          %dma_wait3A_929 = arith.constant 0 : i32
          %dma_wait3A_930 = arith.constant 0 : i32
          %dma_wait3A_931 = tpu.memref_slice %arg10[%dma_wait3A_929, %dma_wait3A_930] : memref<10240x128xf32, #tpu.memory_space<vmem_shared>> -> memref<10240x128xf32, #tpu.memory_space<vmem_shared>>
          tpu.wait_indirect_dma semaphore(%run_scoped3A_911 : memref<!tpu.dma_semaphore, #tpu.memory_space<semaphore_mem>>) src(%dma_wait3A_925 : memref<128x128xf32, #tpu.memory_space<vmem>>) dst(%dma_wait3A_931 : memref<10240x128xf32, #tpu.memory_space<vmem_shared>>)
          tpu.yield
        }) : () -> ()
        %dma_start3A_519 = arith.constant 0 : i32
        %dma_start3A_520 = arith.constant 4 : i32
        %dma_start3A_521 = arith.constant 0 : i32
        %dma_start3A_522 = arith.constant 0 : i32
        %dma_start3A_523 = arith.constant 0 : i32
        %dma_start3A_524 = tpu.memref_slice %arg9[%dma_start3A_521, %dma_start3A_522, %dma_start3A_523] : memref<2x128x128xf32, #tpu.memory_space<vmem>> -> memref<1x128x128xf32, #tpu.memory_space<vmem>>
        %dma_start3A_525 = tpu.memref_squeeze %dma_start3A_524 : memref<1x128x128xf32, #tpu.memory_space<vmem>> -> memref<128x128xf32, #tpu.memory_space<vmem>>
        %dma_start3A_526 = arith.constant 0 : i32
        %dma_start3A_527 = tpu.memref_slice %arg7[%dma_start3A_519, %dma_start3A_520, %dma_start3A_526] : memref<2x16x128xi32, #tpu.memory_space<vmem>> -> memref<1x1x128xi32, #tpu.memory_space<vmem>>
        %dma_start3A_528 = tpu.memref_squeeze %dma_start3A_527 : memref<1x1x128xi32, #tpu.memory_space<vmem>> -> memref<128xi32, #tpu.memory_space<vmem>>
        %dma_start3A_529 = arith.constant 0 : i32
        %dma_start3A_530 = arith.constant 0 : i32
        %dma_start3A_531 = tpu.memref_slice %arg2[%dma_start3A_529, %dma_start3A_530] : memref<10000x128xf32, #tpu.memory_space<hbm>> -> memref<10000x128xf32, #tpu.memory_space<hbm>>
        tpu.enqueue_indirect_dma source(%dma_start3A_531 : memref<10000x128xf32, #tpu.memory_space<hbm>>) target(%dma_start3A_525 : memref<128x128xf32, #tpu.memory_space<vmem>>) offsets(%dma_start3A_528 : memref<128xi32, #tpu.memory_space<vmem>>) semaphore(%arg11 : memref<!tpu.dma_semaphore, #tpu.memory_space<semaphore_mem>>)
        %dma_wait3A_532 = arith.constant 0 : i32
        %dma_wait3A_533 = arith.constant 3 : i32
        %dma_wait3A_534 = arith.constant 1 : i32
        %dma_wait3A_535 = arith.constant 0 : i32
        %dma_wait3A_536 = arith.constant 0 : i32
        %dma_wait3A_537 = tpu.memref_slice %arg9[%dma_wait3A_534, %dma_wait3A_535, %dma_wait3A_536] : memref<2x128x128xf32, #tpu.memory_space<vmem>> -> memref<1x128x128xf32, #tpu.memory_space<vmem>>
        %dma_wait3A_538 = tpu.memref_squeeze %dma_wait3A_537 : memref<1x128x128xf32, #tpu.memory_space<vmem>> -> memref<128x128xf32, #tpu.memory_space<vmem>>
        %dma_wait3A_539 = arith.constant 0 : i32
        %dma_wait3A_540 = tpu.memref_slice %arg7[%dma_wait3A_532, %dma_wait3A_533, %dma_wait3A_539] : memref<2x16x128xi32, #tpu.memory_space<vmem>> -> memref<1x1x128xi32, #tpu.memory_space<vmem>>
        %dma_wait3A_541 = tpu.memref_squeeze %dma_wait3A_540 : memref<1x1x128xi32, #tpu.memory_space<vmem>> -> memref<128xi32, #tpu.memory_space<vmem>>
        %dma_wait3A_542 = arith.constant 0 : i32
        %dma_wait3A_543 = arith.constant 0 : i32
        %dma_wait3A_544 = tpu.memref_slice %arg2[%dma_wait3A_542, %dma_wait3A_543] : memref<10000x128xf32, #tpu.memory_space<hbm>> -> memref<10000x128xf32, #tpu.memory_space<hbm>>
        tpu.wait_indirect_dma semaphore(%arg12 : memref<!tpu.dma_semaphore, #tpu.memory_space<semaphore_mem>>) src(%dma_wait3A_544 : memref<10000x128xf32, #tpu.memory_space<hbm>>) dst(%dma_wait3A_538 : memref<128x128xf32, #tpu.memory_space<vmem>>)
        %run_scoped3A_545 = arith.constant 1 : i32
        %run_scoped3A_546 = arith.constant 0 : i32
        %run_scoped3A_547 = arith.constant 3 : i32
        "tpu.region"() ({
          %run_scoped3A_911 = tpu.sem_alloc : memref<!tpu.dma_semaphore, #tpu.memory_space<semaphore_mem>>
          %dma_start3A_912 = arith.constant 0 : i32
          %dma_start3A_913 = arith.constant 0 : i32
          %dma_start3A_914 = tpu.memref_slice %arg9[%run_scoped3A_545, %dma_start3A_912, %dma_start3A_913] : memref<2x128x128xf32, #tpu.memory_space<vmem>> -> memref<1x128x128xf32, #tpu.memory_space<vmem>>
          %dma_start3A_915 = tpu.memref_squeeze %dma_start3A_914 : memref<1x128x128xf32, #tpu.memory_space<vmem>> -> memref<128x128xf32, #tpu.memory_space<vmem>>
          %dma_start3A_916 = arith.constant 0 : i32
          %dma_start3A_917 = tpu.memref_slice %arg8[%run_scoped3A_546, %run_scoped3A_547, %dma_start3A_916] : memref<2x16x128xi32, #tpu.memory_space<vmem>> -> memref<1x1x128xi32, #tpu.memory_space<vmem>>
          %dma_start3A_918 = tpu.memref_squeeze %dma_start3A_917 : memref<1x1x128xi32, #tpu.memory_space<vmem>> -> memref<128xi32, #tpu.memory_space<vmem>>
          %dma_start3A_919 = arith.constant 0 : i32
          %dma_start3A_920 = arith.constant 0 : i32
          %dma_start3A_921 = tpu.memref_slice %arg10[%dma_start3A_919, %dma_start3A_920] : memref<10240x128xf32, #tpu.memory_space<vmem_shared>> -> memref<10240x128xf32, #tpu.memory_space<vmem_shared>>
          tpu.enqueue_indirect_dma source(%dma_start3A_915 : memref<128x128xf32, #tpu.memory_space<vmem>>) target(%dma_start3A_921 : memref<10240x128xf32, #tpu.memory_space<vmem_shared>>) offsets(%dma_start3A_918 : memref<128xi32, #tpu.memory_space<vmem>>) semaphore(%run_scoped3A_911 : memref<!tpu.dma_semaphore, #tpu.memory_space<semaphore_mem>>) {add = true}
          %dma_wait3A_922 = arith.constant 0 : i32
          %dma_wait3A_923 = arith.constant 0 : i32
          %dma_wait3A_924 = tpu.memref_slice %arg9[%run_scoped3A_545, %dma_wait3A_922, %dma_wait3A_923] : memref<2x128x128xf32, #tpu.memory_space<vmem>> -> memref<1x128x128xf32, #tpu.memory_space<vmem>>
          %dma_wait3A_925 = tpu.memref_squeeze %dma_wait3A_924 : memref<1x128x128xf32, #tpu.memory_space<vmem>> -> memref<128x128xf32, #tpu.memory_space<vmem>>
          %dma_wait3A_926 = arith.constant 0 : i32
          %dma_wait3A_927 = tpu.memref_slice %arg8[%run_scoped3A_546, %run_scoped3A_547, %dma_wait3A_926] : memref<2x16x128xi32, #tpu.memory_space<vmem>> -> memref<1x1x128xi32, #tpu.memory_space<vmem>>
          %dma_wait3A_928 = tpu.memref_squeeze %dma_wait3A_927 : memref<1x1x128xi32, #tpu.memory_space<vmem>> -> memref<128xi32, #tpu.memory_space<vmem>>
          %dma_wait3A_929 = arith.constant 0 : i32
          %dma_wait3A_930 = arith.constant 0 : i32
          %dma_wait3A_931 = tpu.memref_slice %arg10[%dma_wait3A_929, %dma_wait3A_930] : memref<10240x128xf32, #tpu.memory_space<vmem_shared>> -> memref<10240x128xf32, #tpu.memory_space<vmem_shared>>
          tpu.wait_indirect_dma semaphore(%run_scoped3A_911 : memref<!tpu.dma_semaphore, #tpu.memory_space<semaphore_mem>>) src(%dma_wait3A_925 : memref<128x128xf32, #tpu.memory_space<vmem>>) dst(%dma_wait3A_931 : memref<10240x128xf32, #tpu.memory_space<vmem_shared>>)
          tpu.yield
        }) : () -> ()
        %dma_start3A_548 = arith.constant 0 : i32
        %dma_start3A_549 = arith.constant 5 : i32
        %dma_start3A_550 = arith.constant 1 : i32
        %dma_start3A_551 = arith.constant 0 : i32
        %dma_start3A_552 = arith.constant 0 : i32
        %dma_start3A_553 = tpu.memref_slice %arg9[%dma_start3A_550, %dma_start3A_551, %dma_start3A_552] : memref<2x128x128xf32, #tpu.memory_space<vmem>> -> memref<1x128x128xf32, #tpu.memory_space<vmem>>
        %dma_start3A_554 = tpu.memref_squeeze %dma_start3A_553 : memref<1x128x128xf32, #tpu.memory_space<vmem>> -> memref<128x128xf32, #tpu.memory_space<vmem>>
        %dma_start3A_555 = arith.constant 0 : i32
        %dma_start3A_556 = tpu.memref_slice %arg7[%dma_start3A_548, %dma_start3A_549, %dma_start3A_555] : memref<2x16x128xi32, #tpu.memory_space<vmem>> -> memref<1x1x128xi32, #tpu.memory_space<vmem>>
        %dma_start3A_557 = tpu.memref_squeeze %dma_start3A_556 : memref<1x1x128xi32, #tpu.memory_space<vmem>> -> memref<128xi32, #tpu.memory_space<vmem>>
        %dma_start3A_558 = arith.constant 0 : i32
        %dma_start3A_559 = arith.constant 0 : i32
        %dma_start3A_560 = tpu.memref_slice %arg2[%dma_start3A_558, %dma_start3A_559] : memref<10000x128xf32, #tpu.memory_space<hbm>> -> memref<10000x128xf32, #tpu.memory_space<hbm>>
        tpu.enqueue_indirect_dma source(%dma_start3A_560 : memref<10000x128xf32, #tpu.memory_space<hbm>>) target(%dma_start3A_554 : memref<128x128xf32, #tpu.memory_space<vmem>>) offsets(%dma_start3A_557 : memref<128xi32, #tpu.memory_space<vmem>>) semaphore(%arg12 : memref<!tpu.dma_semaphore, #tpu.memory_space<semaphore_mem>>)
        %dma_wait3A_561 = arith.constant 0 : i32
        %dma_wait3A_562 = arith.constant 4 : i32
        %dma_wait3A_563 = arith.constant 0 : i32
        %dma_wait3A_564 = arith.constant 0 : i32
        %dma_wait3A_565 = arith.constant 0 : i32
        %dma_wait3A_566 = tpu.memref_slice %arg9[%dma_wait3A_563, %dma_wait3A_564, %dma_wait3A_565] : memref<2x128x128xf32, #tpu.memory_space<vmem>> -> memref<1x128x128xf32, #tpu.memory_space<vmem>>
        %dma_wait3A_567 = tpu.memref_squeeze %dma_wait3A_566 : memref<1x128x128xf32, #tpu.memory_space<vmem>> -> memref<128x128xf32, #tpu.memory_space<vmem>>
        %dma_wait3A_568 = arith.constant 0 : i32
        %dma_wait3A_569 = tpu.memref_slice %arg7[%dma_wait3A_561, %dma_wait3A_562, %dma_wait3A_568] : memref<2x16x128xi32, #tpu.memory_space<vmem>> -> memref<1x1x128xi32, #tpu.memory_space<vmem>>
        %dma_wait3A_570 = tpu.memref_squeeze %dma_wait3A_569 : memref<1x1x128xi32, #tpu.memory_space<vmem>> -> memref<128xi32, #tpu.memory_space<vmem>>
        %dma_wait3A_571 = arith.constant 0 : i32
        %dma_wait3A_572 = arith.constant 0 : i32
        %dma_wait3A_573 = tpu.memref_slice %arg2[%dma_wait3A_571, %dma_wait3A_572] : memref<10000x128xf32, #tpu.memory_space<hbm>> -> memref<10000x128xf32, #tpu.memory_space<hbm>>
        tpu.wait_indirect_dma semaphore(%arg11 : memref<!tpu.dma_semaphore, #tpu.memory_space<semaphore_mem>>) src(%dma_wait3A_573 : memref<10000x128xf32, #tpu.memory_space<hbm>>) dst(%dma_wait3A_567 : memref<128x128xf32, #tpu.memory_space<vmem>>)
        %run_scoped3A_574 = arith.constant 0 : i32
        %run_scoped3A_575 = arith.constant 0 : i32
        %run_scoped3A_576 = arith.constant 4 : i32
        "tpu.region"() ({
          %run_scoped3A_911 = tpu.sem_alloc : memref<!tpu.dma_semaphore, #tpu.memory_space<semaphore_mem>>
          %dma_start3A_912 = arith.constant 0 : i32
          %dma_start3A_913 = arith.constant 0 : i32
          %dma_start3A_914 = tpu.memref_slice %arg9[%run_scoped3A_574, %dma_start3A_912, %dma_start3A_913] : memref<2x128x128xf32, #tpu.memory_space<vmem>> -> memref<1x128x128xf32, #tpu.memory_space<vmem>>
          %dma_start3A_915 = tpu.memref_squeeze %dma_start3A_914 : memref<1x128x128xf32, #tpu.memory_space<vmem>> -> memref<128x128xf32, #tpu.memory_space<vmem>>
          %dma_start3A_916 = arith.constant 0 : i32
          %dma_start3A_917 = tpu.memref_slice %arg8[%run_scoped3A_575, %run_scoped3A_576, %dma_start3A_916] : memref<2x16x128xi32, #tpu.memory_space<vmem>> -> memref<1x1x128xi32, #tpu.memory_space<vmem>>
          %dma_start3A_918 = tpu.memref_squeeze %dma_start3A_917 : memref<1x1x128xi32, #tpu.memory_space<vmem>> -> memref<128xi32, #tpu.memory_space<vmem>>
          %dma_start3A_919 = arith.constant 0 : i32
          %dma_start3A_920 = arith.constant 0 : i32
          %dma_start3A_921 = tpu.memref_slice %arg10[%dma_start3A_919, %dma_start3A_920] : memref<10240x128xf32, #tpu.memory_space<vmem_shared>> -> memref<10240x128xf32, #tpu.memory_space<vmem_shared>>
          tpu.enqueue_indirect_dma source(%dma_start3A_915 : memref<128x128xf32, #tpu.memory_space<vmem>>) target(%dma_start3A_921 : memref<10240x128xf32, #tpu.memory_space<vmem_shared>>) offsets(%dma_start3A_918 : memref<128xi32, #tpu.memory_space<vmem>>) semaphore(%run_scoped3A_911 : memref<!tpu.dma_semaphore, #tpu.memory_space<semaphore_mem>>) {add = true}
          %dma_wait3A_922 = arith.constant 0 : i32
          %dma_wait3A_923 = arith.constant 0 : i32
          %dma_wait3A_924 = tpu.memref_slice %arg9[%run_scoped3A_574, %dma_wait3A_922, %dma_wait3A_923] : memref<2x128x128xf32, #tpu.memory_space<vmem>> -> memref<1x128x128xf32, #tpu.memory_space<vmem>>
          %dma_wait3A_925 = tpu.memref_squeeze %dma_wait3A_924 : memref<1x128x128xf32, #tpu.memory_space<vmem>> -> memref<128x128xf32, #tpu.memory_space<vmem>>
          %dma_wait3A_926 = arith.constant 0 : i32
          %dma_wait3A_927 = tpu.memref_slice %arg8[%run_scoped3A_575, %run_scoped3A_576, %dma_wait3A_926] : memref<2x16x128xi32, #tpu.memory_space<vmem>> -> memref<1x1x128xi32, #tpu.memory_space<vmem>>
          %dma_wait3A_928 = tpu.memref_squeeze %dma_wait3A_927 : memref<1x1x128xi32, #tpu.memory_space<vmem>> -> memref<128xi32, #tpu.memory_space<vmem>>
          %dma_wait3A_929 = arith.constant 0 : i32
          %dma_wait3A_930 = arith.constant 0 : i32
          %dma_wait3A_931 = tpu.memref_slice %arg10[%dma_wait3A_929, %dma_wait3A_930] : memref<10240x128xf32, #tpu.memory_space<vmem_shared>> -> memref<10240x128xf32, #tpu.memory_space<vmem_shared>>
          tpu.wait_indirect_dma semaphore(%run_scoped3A_911 : memref<!tpu.dma_semaphore, #tpu.memory_space<semaphore_mem>>) src(%dma_wait3A_925 : memref<128x128xf32, #tpu.memory_space<vmem>>) dst(%dma_wait3A_931 : memref<10240x128xf32, #tpu.memory_space<vmem_shared>>)
          tpu.yield
        }) : () -> ()
        %dma_start3A_577 = arith.constant 0 : i32
        %dma_start3A_578 = arith.constant 6 : i32
        %dma_start3A_579 = arith.constant 0 : i32
        %dma_start3A_580 = arith.constant 0 : i32
        %dma_start3A_581 = arith.constant 0 : i32
        %dma_start3A_582 = tpu.memref_slice %arg9[%dma_start3A_579, %dma_start3A_580, %dma_start3A_581] : memref<2x128x128xf32, #tpu.memory_space<vmem>> -> memref<1x128x128xf32, #tpu.memory_space<vmem>>
        %dma_start3A_583 = tpu.memref_squeeze %dma_start3A_582 : memref<1x128x128xf32, #tpu.memory_space<vmem>> -> memref<128x128xf32, #tpu.memory_space<vmem>>
        %dma_start3A_584 = arith.constant 0 : i32
        %dma_start3A_585 = tpu.memref_slice %arg7[%dma_start3A_577, %dma_start3A_578, %dma_start3A_584] : memref<2x16x128xi32, #tpu.memory_space<vmem>> -> memref<1x1x128xi32, #tpu.memory_space<vmem>>
        %dma_start3A_586 = tpu.memref_squeeze %dma_start3A_585 : memref<1x1x128xi32, #tpu.memory_space<vmem>> -> memref<128xi32, #tpu.memory_space<vmem>>
        %dma_start3A_587 = arith.constant 0 : i32
        %dma_start3A_588 = arith.constant 0 : i32
        %dma_start3A_589 = tpu.memref_slice %arg2[%dma_start3A_587, %dma_start3A_588] : memref<10000x128xf32, #tpu.memory_space<hbm>> -> memref<10000x128xf32, #tpu.memory_space<hbm>>
        tpu.enqueue_indirect_dma source(%dma_start3A_589 : memref<10000x128xf32, #tpu.memory_space<hbm>>) target(%dma_start3A_583 : memref<128x128xf32, #tpu.memory_space<vmem>>) offsets(%dma_start3A_586 : memref<128xi32, #tpu.memory_space<vmem>>) semaphore(%arg11 : memref<!tpu.dma_semaphore, #tpu.memory_space<semaphore_mem>>)
        %dma_wait3A_590 = arith.constant 0 : i32
        %dma_wait3A_591 = arith.constant 5 : i32
        %dma_wait3A_592 = arith.constant 1 : i32
        %dma_wait3A_593 = arith.constant 0 : i32
        %dma_wait3A_594 = arith.constant 0 : i32
        %dma_wait3A_595 = tpu.memref_slice %arg9[%dma_wait3A_592, %dma_wait3A_593, %dma_wait3A_594] : memref<2x128x128xf32, #tpu.memory_space<vmem>> -> memref<1x128x128xf32, #tpu.memory_space<vmem>>
        %dma_wait3A_596 = tpu.memref_squeeze %dma_wait3A_595 : memref<1x128x128xf32, #tpu.memory_space<vmem>> -> memref<128x128xf32, #tpu.memory_space<vmem>>
        %dma_wait3A_597 = arith.constant 0 : i32
        %dma_wait3A_598 = tpu.memref_slice %arg7[%dma_wait3A_590, %dma_wait3A_591, %dma_wait3A_597] : memref<2x16x128xi32, #tpu.memory_space<vmem>> -> memref<1x1x128xi32, #tpu.memory_space<vmem>>
        %dma_wait3A_599 = tpu.memref_squeeze %dma_wait3A_598 : memref<1x1x128xi32, #tpu.memory_space<vmem>> -> memref<128xi32, #tpu.memory_space<vmem>>
        %dma_wait3A_600 = arith.constant 0 : i32
        %dma_wait3A_601 = arith.constant 0 : i32
        %dma_wait3A_602 = tpu.memref_slice %arg2[%dma_wait3A_600, %dma_wait3A_601] : memref<10000x128xf32, #tpu.memory_space<hbm>> -> memref<10000x128xf32, #tpu.memory_space<hbm>>
        tpu.wait_indirect_dma semaphore(%arg12 : memref<!tpu.dma_semaphore, #tpu.memory_space<semaphore_mem>>) src(%dma_wait3A_602 : memref<10000x128xf32, #tpu.memory_space<hbm>>) dst(%dma_wait3A_596 : memref<128x128xf32, #tpu.memory_space<vmem>>)
        %run_scoped3A_603 = arith.constant 1 : i32
        %run_scoped3A_604 = arith.constant 0 : i32
        %run_scoped3A_605 = arith.constant 5 : i32
        "tpu.region"() ({
          %run_scoped3A_911 = tpu.sem_alloc : memref<!tpu.dma_semaphore, #tpu.memory_space<semaphore_mem>>
          %dma_start3A_912 = arith.constant 0 : i32
          %dma_start3A_913 = arith.constant 0 : i32
          %dma_start3A_914 = tpu.memref_slice %arg9[%run_scoped3A_603, %dma_start3A_912, %dma_start3A_913] : memref<2x128x128xf32, #tpu.memory_space<vmem>> -> memref<1x128x128xf32, #tpu.memory_space<vmem>>
          %dma_start3A_915 = tpu.memref_squeeze %dma_start3A_914 : memref<1x128x128xf32, #tpu.memory_space<vmem>> -> memref<128x128xf32, #tpu.memory_space<vmem>>
          %dma_start3A_916 = arith.constant 0 : i32
          %dma_start3A_917 = tpu.memref_slice %arg8[%run_scoped3A_604, %run_scoped3A_605, %dma_start3A_916] : memref<2x16x128xi32, #tpu.memory_space<vmem>> -> memref<1x1x128xi32, #tpu.memory_space<vmem>>
          %dma_start3A_918 = tpu.memref_squeeze %dma_start3A_917 : memref<1x1x128xi32, #tpu.memory_space<vmem>> -> memref<128xi32, #tpu.memory_space<vmem>>
          %dma_start3A_919 = arith.constant 0 : i32
          %dma_start3A_920 = arith.constant 0 : i32
          %dma_start3A_921 = tpu.memref_slice %arg10[%dma_start3A_919, %dma_start3A_920] : memref<10240x128xf32, #tpu.memory_space<vmem_shared>> -> memref<10240x128xf32, #tpu.memory_space<vmem_shared>>
          tpu.enqueue_indirect_dma source(%dma_start3A_915 : memref<128x128xf32, #tpu.memory_space<vmem>>) target(%dma_start3A_921 : memref<10240x128xf32, #tpu.memory_space<vmem_shared>>) offsets(%dma_start3A_918 : memref<128xi32, #tpu.memory_space<vmem>>) semaphore(%run_scoped3A_911 : memref<!tpu.dma_semaphore, #tpu.memory_space<semaphore_mem>>) {add = true}
          %dma_wait3A_922 = arith.constant 0 : i32
          %dma_wait3A_923 = arith.constant 0 : i32
          %dma_wait3A_924 = tpu.memref_slice %arg9[%run_scoped3A_603, %dma_wait3A_922, %dma_wait3A_923] : memref<2x128x128xf32, #tpu.memory_space<vmem>> -> memref<1x128x128xf32, #tpu.memory_space<vmem>>
          %dma_wait3A_925 = tpu.memref_squeeze %dma_wait3A_924 : memref<1x128x128xf32, #tpu.memory_space<vmem>> -> memref<128x128xf32, #tpu.memory_space<vmem>>
          %dma_wait3A_926 = arith.constant 0 : i32
          %dma_wait3A_927 = tpu.memref_slice %arg8[%run_scoped3A_604, %run_scoped3A_605, %dma_wait3A_926] : memref<2x16x128xi32, #tpu.memory_space<vmem>> -> memref<1x1x128xi32, #tpu.memory_space<vmem>>
          %dma_wait3A_928 = tpu.memref_squeeze %dma_wait3A_927 : memref<1x1x128xi32, #tpu.memory_space<vmem>> -> memref<128xi32, #tpu.memory_space<vmem>>
          %dma_wait3A_929 = arith.constant 0 : i32
          %dma_wait3A_930 = arith.constant 0 : i32
          %dma_wait3A_931 = tpu.memref_slice %arg10[%dma_wait3A_929, %dma_wait3A_930] : memref<10240x128xf32, #tpu.memory_space<vmem_shared>> -> memref<10240x128xf32, #tpu.memory_space<vmem_shared>>
          tpu.wait_indirect_dma semaphore(%run_scoped3A_911 : memref<!tpu.dma_semaphore, #tpu.memory_space<semaphore_mem>>) src(%dma_wait3A_925 : memref<128x128xf32, #tpu.memory_space<vmem>>) dst(%dma_wait3A_931 : memref<10240x128xf32, #tpu.memory_space<vmem_shared>>)
          tpu.yield
        }) : () -> ()
        %dma_start3A_606 = arith.constant 0 : i32
        %dma_start3A_607 = arith.constant 7 : i32
        %dma_start3A_608 = arith.constant 1 : i32
        %dma_start3A_609 = arith.constant 0 : i32
        %dma_start3A_610 = arith.constant 0 : i32
        %dma_start3A_611 = tpu.memref_slice %arg9[%dma_start3A_608, %dma_start3A_609, %dma_start3A_610] : memref<2x128x128xf32, #tpu.memory_space<vmem>> -> memref<1x128x128xf32, #tpu.memory_space<vmem>>
        %dma_start3A_612 = tpu.memref_squeeze %dma_start3A_611 : memref<1x128x128xf32, #tpu.memory_space<vmem>> -> memref<128x128xf32, #tpu.memory_space<vmem>>
        %dma_start3A_613 = arith.constant 0 : i32
        %dma_start3A_614 = tpu.memref_slice %arg7[%dma_start3A_606, %dma_start3A_607, %dma_start3A_613] : memref<2x16x128xi32, #tpu.memory_space<vmem>> -> memref<1x1x128xi32, #tpu.memory_space<vmem>>
        %dma_start3A_615 = tpu.memref_squeeze %dma_start3A_614 : memref<1x1x128xi32, #tpu.memory_space<vmem>> -> memref<128xi32, #tpu.memory_space<vmem>>
        %dma_start3A_616 = arith.constant 0 : i32
        %dma_start3A_617 = arith.constant 0 : i32
        %dma_start3A_618 = tpu.memref_slice %arg2[%dma_start3A_616, %dma_start3A_617] : memref<10000x128xf32, #tpu.memory_space<hbm>> -> memref<10000x128xf32, #tpu.memory_space<hbm>>
        tpu.enqueue_indirect_dma source(%dma_start3A_618 : memref<10000x128xf32, #tpu.memory_space<hbm>>) target(%dma_start3A_612 : memref<128x128xf32, #tpu.memory_space<vmem>>) offsets(%dma_start3A_615 : memref<128xi32, #tpu.memory_space<vmem>>) semaphore(%arg12 : memref<!tpu.dma_semaphore, #tpu.memory_space<semaphore_mem>>)
        %dma_wait3A_619 = arith.constant 0 : i32
        %dma_wait3A_620 = arith.constant 6 : i32
        %dma_wait3A_621 = arith.constant 0 : i32
        %dma_wait3A_622 = arith.constant 0 : i32
        %dma_wait3A_623 = arith.constant 0 : i32
        %dma_wait3A_624 = tpu.memref_slice %arg9[%dma_wait3A_621, %dma_wait3A_622, %dma_wait3A_623] : memref<2x128x128xf32, #tpu.memory_space<vmem>> -> memref<1x128x128xf32, #tpu.memory_space<vmem>>
        %dma_wait3A_625 = tpu.memref_squeeze %dma_wait3A_624 : memref<1x128x128xf32, #tpu.memory_space<vmem>> -> memref<128x128xf32, #tpu.memory_space<vmem>>
        %dma_wait3A_626 = arith.constant 0 : i32
        %dma_wait3A_627 = tpu.memref_slice %arg7[%dma_wait3A_619, %dma_wait3A_620, %dma_wait3A_626] : memref<2x16x128xi32, #tpu.memory_space<vmem>> -> memref<1x1x128xi32, #tpu.memory_space<vmem>>
        %dma_wait3A_628 = tpu.memref_squeeze %dma_wait3A_627 : memref<1x1x128xi32, #tpu.memory_space<vmem>> -> memref<128xi32, #tpu.memory_space<vmem>>
        %dma_wait3A_629 = arith.constant 0 : i32
        %dma_wait3A_630 = arith.constant 0 : i32
        %dma_wait3A_631 = tpu.memref_slice %arg2[%dma_wait3A_629, %dma_wait3A_630] : memref<10000x128xf32, #tpu.memory_space<hbm>> -> memref<10000x128xf32, #tpu.memory_space<hbm>>
        tpu.wait_indirect_dma semaphore(%arg11 : memref<!tpu.dma_semaphore, #tpu.memory_space<semaphore_mem>>) src(%dma_wait3A_631 : memref<10000x128xf32, #tpu.memory_space<hbm>>) dst(%dma_wait3A_625 : memref<128x128xf32, #tpu.memory_space<vmem>>)
        %run_scoped3A_632 = arith.constant 0 : i32
        %run_scoped3A_633 = arith.constant 0 : i32
        %run_scoped3A_634 = arith.constant 6 : i32
        "tpu.region"() ({
          %run_scoped3A_911 = tpu.sem_alloc : memref<!tpu.dma_semaphore, #tpu.memory_space<semaphore_mem>>
          %dma_start3A_912 = arith.constant 0 : i32
          %dma_start3A_913 = arith.constant 0 : i32
          %dma_start3A_914 = tpu.memref_slice %arg9[%run_scoped3A_632, %dma_start3A_912, %dma_start3A_913] : memref<2x128x128xf32, #tpu.memory_space<vmem>> -> memref<1x128x128xf32, #tpu.memory_space<vmem>>
          %dma_start3A_915 = tpu.memref_squeeze %dma_start3A_914 : memref<1x128x128xf32, #tpu.memory_space<vmem>> -> memref<128x128xf32, #tpu.memory_space<vmem>>
          %dma_start3A_916 = arith.constant 0 : i32
          %dma_start3A_917 = tpu.memref_slice %arg8[%run_scoped3A_633, %run_scoped3A_634, %dma_start3A_916] : memref<2x16x128xi32, #tpu.memory_space<vmem>> -> memref<1x1x128xi32, #tpu.memory_space<vmem>>
          %dma_start3A_918 = tpu.memref_squeeze %dma_start3A_917 : memref<1x1x128xi32, #tpu.memory_space<vmem>> -> memref<128xi32, #tpu.memory_space<vmem>>
          %dma_start3A_919 = arith.constant 0 : i32
          %dma_start3A_920 = arith.constant 0 : i32
          %dma_start3A_921 = tpu.memref_slice %arg10[%dma_start3A_919, %dma_start3A_920] : memref<10240x128xf32, #tpu.memory_space<vmem_shared>> -> memref<10240x128xf32, #tpu.memory_space<vmem_shared>>
          tpu.enqueue_indirect_dma source(%dma_start3A_915 : memref<128x128xf32, #tpu.memory_space<vmem>>) target(%dma_start3A_921 : memref<10240x128xf32, #tpu.memory_space<vmem_shared>>) offsets(%dma_start3A_918 : memref<128xi32, #tpu.memory_space<vmem>>) semaphore(%run_scoped3A_911 : memref<!tpu.dma_semaphore, #tpu.memory_space<semaphore_mem>>) {add = true}
          %dma_wait3A_922 = arith.constant 0 : i32
          %dma_wait3A_923 = arith.constant 0 : i32
          %dma_wait3A_924 = tpu.memref_slice %arg9[%run_scoped3A_632, %dma_wait3A_922, %dma_wait3A_923] : memref<2x128x128xf32, #tpu.memory_space<vmem>> -> memref<1x128x128xf32, #tpu.memory_space<vmem>>
          %dma_wait3A_925 = tpu.memref_squeeze %dma_wait3A_924 : memref<1x128x128xf32, #tpu.memory_space<vmem>> -> memref<128x128xf32, #tpu.memory_space<vmem>>
          %dma_wait3A_926 = arith.constant 0 : i32
          %dma_wait3A_927 = tpu.memref_slice %arg8[%run_scoped3A_633, %run_scoped3A_634, %dma_wait3A_926] : memref<2x16x128xi32, #tpu.memory_space<vmem>> -> memref<1x1x128xi32, #tpu.memory_space<vmem>>
          %dma_wait3A_928 = tpu.memref_squeeze %dma_wait3A_927 : memref<1x1x128xi32, #tpu.memory_space<vmem>> -> memref<128xi32, #tpu.memory_space<vmem>>
          %dma_wait3A_929 = arith.constant 0 : i32
          %dma_wait3A_930 = arith.constant 0 : i32
          %dma_wait3A_931 = tpu.memref_slice %arg10[%dma_wait3A_929, %dma_wait3A_930] : memref<10240x128xf32, #tpu.memory_space<vmem_shared>> -> memref<10240x128xf32, #tpu.memory_space<vmem_shared>>
          tpu.wait_indirect_dma semaphore(%run_scoped3A_911 : memref<!tpu.dma_semaphore, #tpu.memory_space<semaphore_mem>>) src(%dma_wait3A_925 : memref<128x128xf32, #tpu.memory_space<vmem>>) dst(%dma_wait3A_931 : memref<10240x128xf32, #tpu.memory_space<vmem_shared>>)
          tpu.yield
        }) : () -> ()
        %dma_start3A_635 = arith.constant 0 : i32
        %dma_start3A_636 = arith.constant 8 : i32
        %dma_start3A_637 = arith.constant 0 : i32
        %dma_start3A_638 = arith.constant 0 : i32
        %dma_start3A_639 = arith.constant 0 : i32
        %dma_start3A_640 = tpu.memref_slice %arg9[%dma_start3A_637, %dma_start3A_638, %dma_start3A_639] : memref<2x128x128xf32, #tpu.memory_space<vmem>> -> memref<1x128x128xf32, #tpu.memory_space<vmem>>
        %dma_start3A_641 = tpu.memref_squeeze %dma_start3A_640 : memref<1x128x128xf32, #tpu.memory_space<vmem>> -> memref<128x128xf32, #tpu.memory_space<vmem>>
        %dma_start3A_642 = arith.constant 0 : i32
        %dma_start3A_643 = tpu.memref_slice %arg7[%dma_start3A_635, %dma_start3A_636, %dma_start3A_642] : memref<2x16x128xi32, #tpu.memory_space<vmem>> -> memref<1x1x128xi32, #tpu.memory_space<vmem>>
        %dma_start3A_644 = tpu.memref_squeeze %dma_start3A_643 : memref<1x1x128xi32, #tpu.memory_space<vmem>> -> memref<128xi32, #tpu.memory_space<vmem>>
        %dma_start3A_645 = arith.constant 0 : i32
        %dma_start3A_646 = arith.constant 0 : i32
        %dma_start3A_647 = tpu.memref_slice %arg2[%dma_start3A_645, %dma_start3A_646] : memref<10000x128xf32, #tpu.memory_space<hbm>> -> memref<10000x128xf32, #tpu.memory_space<hbm>>
        tpu.enqueue_indirect_dma source(%dma_start3A_647 : memref<10000x128xf32, #tpu.memory_space<hbm>>) target(%dma_start3A_641 : memref<128x128xf32, #tpu.memory_space<vmem>>) offsets(%dma_start3A_644 : memref<128xi32, #tpu.memory_space<vmem>>) semaphore(%arg11 : memref<!tpu.dma_semaphore, #tpu.memory_space<semaphore_mem>>)
        %dma_wait3A_648 = arith.constant 0 : i32
        %dma_wait3A_649 = arith.constant 7 : i32
        %dma_wait3A_650 = arith.constant 1 : i32
        %dma_wait3A_651 = arith.constant 0 : i32
        %dma_wait3A_652 = arith.constant 0 : i32
        %dma_wait3A_653 = tpu.memref_slice %arg9[%dma_wait3A_650, %dma_wait3A_651, %dma_wait3A_652] : memref<2x128x128xf32, #tpu.memory_space<vmem>> -> memref<1x128x128xf32, #tpu.memory_space<vmem>>
        %dma_wait3A_654 = tpu.memref_squeeze %dma_wait3A_653 : memref<1x128x128xf32, #tpu.memory_space<vmem>> -> memref<128x128xf32, #tpu.memory_space<vmem>>
        %dma_wait3A_655 = arith.constant 0 : i32
        %dma_wait3A_656 = tpu.memref_slice %arg7[%dma_wait3A_648, %dma_wait3A_649, %dma_wait3A_655] : memref<2x16x128xi32, #tpu.memory_space<vmem>> -> memref<1x1x128xi32, #tpu.memory_space<vmem>>
        %dma_wait3A_657 = tpu.memref_squeeze %dma_wait3A_656 : memref<1x1x128xi32, #tpu.memory_space<vmem>> -> memref<128xi32, #tpu.memory_space<vmem>>
        %dma_wait3A_658 = arith.constant 0 : i32
        %dma_wait3A_659 = arith.constant 0 : i32
        %dma_wait3A_660 = tpu.memref_slice %arg2[%dma_wait3A_658, %dma_wait3A_659] : memref<10000x128xf32, #tpu.memory_space<hbm>> -> memref<10000x128xf32, #tpu.memory_space<hbm>>
        tpu.wait_indirect_dma semaphore(%arg12 : memref<!tpu.dma_semaphore, #tpu.memory_space<semaphore_mem>>) src(%dma_wait3A_660 : memref<10000x128xf32, #tpu.memory_space<hbm>>) dst(%dma_wait3A_654 : memref<128x128xf32, #tpu.memory_space<vmem>>)
        %run_scoped3A_661 = arith.constant 1 : i32
        %run_scoped3A_662 = arith.constant 0 : i32
        %run_scoped3A_663 = arith.constant 7 : i32
        "tpu.region"() ({
          %run_scoped3A_911 = tpu.sem_alloc : memref<!tpu.dma_semaphore, #tpu.memory_space<semaphore_mem>>
          %dma_start3A_912 = arith.constant 0 : i32
          %dma_start3A_913 = arith.constant 0 : i32
          %dma_start3A_914 = tpu.memref_slice %arg9[%run_scoped3A_661, %dma_start3A_912, %dma_start3A_913] : memref<2x128x128xf32, #tpu.memory_space<vmem>> -> memref<1x128x128xf32, #tpu.memory_space<vmem>>
          %dma_start3A_915 = tpu.memref_squeeze %dma_start3A_914 : memref<1x128x128xf32, #tpu.memory_space<vmem>> -> memref<128x128xf32, #tpu.memory_space<vmem>>
          %dma_start3A_916 = arith.constant 0 : i32
          %dma_start3A_917 = tpu.memref_slice %arg8[%run_scoped3A_662, %run_scoped3A_663, %dma_start3A_916] : memref<2x16x128xi32, #tpu.memory_space<vmem>> -> memref<1x1x128xi32, #tpu.memory_space<vmem>>
          %dma_start3A_918 = tpu.memref_squeeze %dma_start3A_917 : memref<1x1x128xi32, #tpu.memory_space<vmem>> -> memref<128xi32, #tpu.memory_space<vmem>>
          %dma_start3A_919 = arith.constant 0 : i32
          %dma_start3A_920 = arith.constant 0 : i32
          %dma_start3A_921 = tpu.memref_slice %arg10[%dma_start3A_919, %dma_start3A_920] : memref<10240x128xf32, #tpu.memory_space<vmem_shared>> -> memref<10240x128xf32, #tpu.memory_space<vmem_shared>>
          tpu.enqueue_indirect_dma source(%dma_start3A_915 : memref<128x128xf32, #tpu.memory_space<vmem>>) target(%dma_start3A_921 : memref<10240x128xf32, #tpu.memory_space<vmem_shared>>) offsets(%dma_start3A_918 : memref<128xi32, #tpu.memory_space<vmem>>) semaphore(%run_scoped3A_911 : memref<!tpu.dma_semaphore, #tpu.memory_space<semaphore_mem>>) {add = true}
          %dma_wait3A_922 = arith.constant 0 : i32
          %dma_wait3A_923 = arith.constant 0 : i32
          %dma_wait3A_924 = tpu.memref_slice %arg9[%run_scoped3A_661, %dma_wait3A_922, %dma_wait3A_923] : memref<2x128x128xf32, #tpu.memory_space<vmem>> -> memref<1x128x128xf32, #tpu.memory_space<vmem>>
          %dma_wait3A_925 = tpu.memref_squeeze %dma_wait3A_924 : memref<1x128x128xf32, #tpu.memory_space<vmem>> -> memref<128x128xf32, #tpu.memory_space<vmem>>
          %dma_wait3A_926 = arith.constant 0 : i32
          %dma_wait3A_927 = tpu.memref_slice %arg8[%run_scoped3A_662, %run_scoped3A_663, %dma_wait3A_926] : memref<2x16x128xi32, #tpu.memory_space<vmem>> -> memref<1x1x128xi32, #tpu.memory_space<vmem>>
          %dma_wait3A_928 = tpu.memref_squeeze %dma_wait3A_927 : memref<1x1x128xi32, #tpu.memory_space<vmem>> -> memref<128xi32, #tpu.memory_space<vmem>>
          %dma_wait3A_929 = arith.constant 0 : i32
          %dma_wait3A_930 = arith.constant 0 : i32
          %dma_wait3A_931 = tpu.memref_slice %arg10[%dma_wait3A_929, %dma_wait3A_930] : memref<10240x128xf32, #tpu.memory_space<vmem_shared>> -> memref<10240x128xf32, #tpu.memory_space<vmem_shared>>
          tpu.wait_indirect_dma semaphore(%run_scoped3A_911 : memref<!tpu.dma_semaphore, #tpu.memory_space<semaphore_mem>>) src(%dma_wait3A_925 : memref<128x128xf32, #tpu.memory_space<vmem>>) dst(%dma_wait3A_931 : memref<10240x128xf32, #tpu.memory_space<vmem_shared>>)
          tpu.yield
        }) : () -> ()
        %dma_start3A_664 = arith.constant 0 : i32
        %dma_start3A_665 = arith.constant 9 : i32
        %dma_start3A_666 = arith.constant 1 : i32
        %dma_start3A_667 = arith.constant 0 : i32
        %dma_start3A_668 = arith.constant 0 : i32
        %dma_start3A_669 = tpu.memref_slice %arg9[%dma_start3A_666, %dma_start3A_667, %dma_start3A_668] : memref<2x128x128xf32, #tpu.memory_space<vmem>> -> memref<1x128x128xf32, #tpu.memory_space<vmem>>
        %dma_start3A_670 = tpu.memref_squeeze %dma_start3A_669 : memref<1x128x128xf32, #tpu.memory_space<vmem>> -> memref<128x128xf32, #tpu.memory_space<vmem>>
        %dma_start3A_671 = arith.constant 0 : i32
        %dma_start3A_672 = tpu.memref_slice %arg7[%dma_start3A_664, %dma_start3A_665, %dma_start3A_671] : memref<2x16x128xi32, #tpu.memory_space<vmem>> -> memref<1x1x128xi32, #tpu.memory_space<vmem>>
        %dma_start3A_673 = tpu.memref_squeeze %dma_start3A_672 : memref<1x1x128xi32, #tpu.memory_space<vmem>> -> memref<128xi32, #tpu.memory_space<vmem>>
        %dma_start3A_674 = arith.constant 0 : i32
        %dma_start3A_675 = arith.constant 0 : i32
        %dma_start3A_676 = tpu.memref_slice %arg2[%dma_start3A_674, %dma_start3A_675] : memref<10000x128xf32, #tpu.memory_space<hbm>> -> memref<10000x128xf32, #tpu.memory_space<hbm>>
        tpu.enqueue_indirect_dma source(%dma_start3A_676 : memref<10000x128xf32, #tpu.memory_space<hbm>>) target(%dma_start3A_670 : memref<128x128xf32, #tpu.memory_space<vmem>>) offsets(%dma_start3A_673 : memref<128xi32, #tpu.memory_space<vmem>>) semaphore(%arg12 : memref<!tpu.dma_semaphore, #tpu.memory_space<semaphore_mem>>)
        %dma_wait3A_677 = arith.constant 0 : i32
        %dma_wait3A_678 = arith.constant 8 : i32
        %dma_wait3A_679 = arith.constant 0 : i32
        %dma_wait3A_680 = arith.constant 0 : i32
        %dma_wait3A_681 = arith.constant 0 : i32
        %dma_wait3A_682 = tpu.memref_slice %arg9[%dma_wait3A_679, %dma_wait3A_680, %dma_wait3A_681] : memref<2x128x128xf32, #tpu.memory_space<vmem>> -> memref<1x128x128xf32, #tpu.memory_space<vmem>>
        %dma_wait3A_683 = tpu.memref_squeeze %dma_wait3A_682 : memref<1x128x128xf32, #tpu.memory_space<vmem>> -> memref<128x128xf32, #tpu.memory_space<vmem>>
        %dma_wait3A_684 = arith.constant 0 : i32
        %dma_wait3A_685 = tpu.memref_slice %arg7[%dma_wait3A_677, %dma_wait3A_678, %dma_wait3A_684] : memref<2x16x128xi32, #tpu.memory_space<vmem>> -> memref<1x1x128xi32, #tpu.memory_space<vmem>>
        %dma_wait3A_686 = tpu.memref_squeeze %dma_wait3A_685 : memref<1x1x128xi32, #tpu.memory_space<vmem>> -> memref<128xi32, #tpu.memory_space<vmem>>
        %dma_wait3A_687 = arith.constant 0 : i32
        %dma_wait3A_688 = arith.constant 0 : i32
        %dma_wait3A_689 = tpu.memref_slice %arg2[%dma_wait3A_687, %dma_wait3A_688] : memref<10000x128xf32, #tpu.memory_space<hbm>> -> memref<10000x128xf32, #tpu.memory_space<hbm>>
        tpu.wait_indirect_dma semaphore(%arg11 : memref<!tpu.dma_semaphore, #tpu.memory_space<semaphore_mem>>) src(%dma_wait3A_689 : memref<10000x128xf32, #tpu.memory_space<hbm>>) dst(%dma_wait3A_683 : memref<128x128xf32, #tpu.memory_space<vmem>>)
        %run_scoped3A_690 = arith.constant 0 : i32
        %run_scoped3A_691 = arith.constant 0 : i32
        %run_scoped3A_692 = arith.constant 8 : i32
        "tpu.region"() ({
          %run_scoped3A_911 = tpu.sem_alloc : memref<!tpu.dma_semaphore, #tpu.memory_space<semaphore_mem>>
          %dma_start3A_912 = arith.constant 0 : i32
          %dma_start3A_913 = arith.constant 0 : i32
          %dma_start3A_914 = tpu.memref_slice %arg9[%run_scoped3A_690, %dma_start3A_912, %dma_start3A_913] : memref<2x128x128xf32, #tpu.memory_space<vmem>> -> memref<1x128x128xf32, #tpu.memory_space<vmem>>
          %dma_start3A_915 = tpu.memref_squeeze %dma_start3A_914 : memref<1x128x128xf32, #tpu.memory_space<vmem>> -> memref<128x128xf32, #tpu.memory_space<vmem>>
          %dma_start3A_916 = arith.constant 0 : i32
          %dma_start3A_917 = tpu.memref_slice %arg8[%run_scoped3A_691, %run_scoped3A_692, %dma_start3A_916] : memref<2x16x128xi32, #tpu.memory_space<vmem>> -> memref<1x1x128xi32, #tpu.memory_space<vmem>>
          %dma_start3A_918 = tpu.memref_squeeze %dma_start3A_917 : memref<1x1x128xi32, #tpu.memory_space<vmem>> -> memref<128xi32, #tpu.memory_space<vmem>>
          %dma_start3A_919 = arith.constant 0 : i32
          %dma_start3A_920 = arith.constant 0 : i32
          %dma_start3A_921 = tpu.memref_slice %arg10[%dma_start3A_919, %dma_start3A_920] : memref<10240x128xf32, #tpu.memory_space<vmem_shared>> -> memref<10240x128xf32, #tpu.memory_space<vmem_shared>>
          tpu.enqueue_indirect_dma source(%dma_start3A_915 : memref<128x128xf32, #tpu.memory_space<vmem>>) target(%dma_start3A_921 : memref<10240x128xf32, #tpu.memory_space<vmem_shared>>) offsets(%dma_start3A_918 : memref<128xi32, #tpu.memory_space<vmem>>) semaphore(%run_scoped3A_911 : memref<!tpu.dma_semaphore, #tpu.memory_space<semaphore_mem>>) {add = true}
          %dma_wait3A_922 = arith.constant 0 : i32
          %dma_wait3A_923 = arith.constant 0 : i32
          %dma_wait3A_924 = tpu.memref_slice %arg9[%run_scoped3A_690, %dma_wait3A_922, %dma_wait3A_923] : memref<2x128x128xf32, #tpu.memory_space<vmem>> -> memref<1x128x128xf32, #tpu.memory_space<vmem>>
          %dma_wait3A_925 = tpu.memref_squeeze %dma_wait3A_924 : memref<1x128x128xf32, #tpu.memory_space<vmem>> -> memref<128x128xf32, #tpu.memory_space<vmem>>
          %dma_wait3A_926 = arith.constant 0 : i32
          %dma_wait3A_927 = tpu.memref_slice %arg8[%run_scoped3A_691, %run_scoped3A_692, %dma_wait3A_926] : memref<2x16x128xi32, #tpu.memory_space<vmem>> -> memref<1x1x128xi32, #tpu.memory_space<vmem>>
          %dma_wait3A_928 = tpu.memref_squeeze %dma_wait3A_927 : memref<1x1x128xi32, #tpu.memory_space<vmem>> -> memref<128xi32, #tpu.memory_space<vmem>>
          %dma_wait3A_929 = arith.constant 0 : i32
          %dma_wait3A_930 = arith.constant 0 : i32
          %dma_wait3A_931 = tpu.memref_slice %arg10[%dma_wait3A_929, %dma_wait3A_930] : memref<10240x128xf32, #tpu.memory_space<vmem_shared>> -> memref<10240x128xf32, #tpu.memory_space<vmem_shared>>
          tpu.wait_indirect_dma semaphore(%run_scoped3A_911 : memref<!tpu.dma_semaphore, #tpu.memory_space<semaphore_mem>>) src(%dma_wait3A_925 : memref<128x128xf32, #tpu.memory_space<vmem>>) dst(%dma_wait3A_931 : memref<10240x128xf32, #tpu.memory_space<vmem_shared>>)
          tpu.yield
        }) : () -> ()
        %dma_start3A_693 = arith.constant 0 : i32
        %dma_start3A_694 = arith.constant 10 : i32
        %dma_start3A_695 = arith.constant 0 : i32
        %dma_start3A_696 = arith.constant 0 : i32
        %dma_start3A_697 = arith.constant 0 : i32
        %dma_start3A_698 = tpu.memref_slice %arg9[%dma_start3A_695, %dma_start3A_696, %dma_start3A_697] : memref<2x128x128xf32, #tpu.memory_space<vmem>> -> memref<1x128x128xf32, #tpu.memory_space<vmem>>
        %dma_start3A_699 = tpu.memref_squeeze %dma_start3A_698 : memref<1x128x128xf32, #tpu.memory_space<vmem>> -> memref<128x128xf32, #tpu.memory_space<vmem>>
        %dma_start3A_700 = arith.constant 0 : i32
        %dma_start3A_701 = tpu.memref_slice %arg7[%dma_start3A_693, %dma_start3A_694, %dma_start3A_700] : memref<2x16x128xi32, #tpu.memory_space<vmem>> -> memref<1x1x128xi32, #tpu.memory_space<vmem>>
        %dma_start3A_702 = tpu.memref_squeeze %dma_start3A_701 : memref<1x1x128xi32, #tpu.memory_space<vmem>> -> memref<128xi32, #tpu.memory_space<vmem>>
        %dma_start3A_703 = arith.constant 0 : i32
        %dma_start3A_704 = arith.constant 0 : i32
        %dma_start3A_705 = tpu.memref_slice %arg2[%dma_start3A_703, %dma_start3A_704] : memref<10000x128xf32, #tpu.memory_space<hbm>> -> memref<10000x128xf32, #tpu.memory_space<hbm>>
        tpu.enqueue_indirect_dma source(%dma_start3A_705 : memref<10000x128xf32, #tpu.memory_space<hbm>>) target(%dma_start3A_699 : memref<128x128xf32, #tpu.memory_space<vmem>>) offsets(%dma_start3A_702 : memref<128xi32, #tpu.memory_space<vmem>>) semaphore(%arg11 : memref<!tpu.dma_semaphore, #tpu.memory_space<semaphore_mem>>)
        %dma_wait3A_706 = arith.constant 0 : i32
        %dma_wait3A_707 = arith.constant 9 : i32
        %dma_wait3A_708 = arith.constant 1 : i32
        %dma_wait3A_709 = arith.constant 0 : i32
        %dma_wait3A_710 = arith.constant 0 : i32
        %dma_wait3A_711 = tpu.memref_slice %arg9[%dma_wait3A_708, %dma_wait3A_709, %dma_wait3A_710] : memref<2x128x128xf32, #tpu.memory_space<vmem>> -> memref<1x128x128xf32, #tpu.memory_space<vmem>>
        %dma_wait3A_712 = tpu.memref_squeeze %dma_wait3A_711 : memref<1x128x128xf32, #tpu.memory_space<vmem>> -> memref<128x128xf32, #tpu.memory_space<vmem>>
        %dma_wait3A_713 = arith.constant 0 : i32
        %dma_wait3A_714 = tpu.memref_slice %arg7[%dma_wait3A_706, %dma_wait3A_707, %dma_wait3A_713] : memref<2x16x128xi32, #tpu.memory_space<vmem>> -> memref<1x1x128xi32, #tpu.memory_space<vmem>>
        %dma_wait3A_715 = tpu.memref_squeeze %dma_wait3A_714 : memref<1x1x128xi32, #tpu.memory_space<vmem>> -> memref<128xi32, #tpu.memory_space<vmem>>
        %dma_wait3A_716 = arith.constant 0 : i32
        %dma_wait3A_717 = arith.constant 0 : i32
        %dma_wait3A_718 = tpu.memref_slice %arg2[%dma_wait3A_716, %dma_wait3A_717] : memref<10000x128xf32, #tpu.memory_space<hbm>> -> memref<10000x128xf32, #tpu.memory_space<hbm>>
        tpu.wait_indirect_dma semaphore(%arg12 : memref<!tpu.dma_semaphore, #tpu.memory_space<semaphore_mem>>) src(%dma_wait3A_718 : memref<10000x128xf32, #tpu.memory_space<hbm>>) dst(%dma_wait3A_712 : memref<128x128xf32, #tpu.memory_space<vmem>>)
        %run_scoped3A_719 = arith.constant 1 : i32
        %run_scoped3A_720 = arith.constant 0 : i32
        %run_scoped3A_721 = arith.constant 9 : i32
        "tpu.region"() ({
          %run_scoped3A_911 = tpu.sem_alloc : memref<!tpu.dma_semaphore, #tpu.memory_space<semaphore_mem>>
          %dma_start3A_912 = arith.constant 0 : i32
          %dma_start3A_913 = arith.constant 0 : i32
          %dma_start3A_914 = tpu.memref_slice %arg9[%run_scoped3A_719, %dma_start3A_912, %dma_start3A_913] : memref<2x128x128xf32, #tpu.memory_space<vmem>> -> memref<1x128x128xf32, #tpu.memory_space<vmem>>
          %dma_start3A_915 = tpu.memref_squeeze %dma_start3A_914 : memref<1x128x128xf32, #tpu.memory_space<vmem>> -> memref<128x128xf32, #tpu.memory_space<vmem>>
          %dma_start3A_916 = arith.constant 0 : i32
          %dma_start3A_917 = tpu.memref_slice %arg8[%run_scoped3A_720, %run_scoped3A_721, %dma_start3A_916] : memref<2x16x128xi32, #tpu.memory_space<vmem>> -> memref<1x1x128xi32, #tpu.memory_space<vmem>>
          %dma_start3A_918 = tpu.memref_squeeze %dma_start3A_917 : memref<1x1x128xi32, #tpu.memory_space<vmem>> -> memref<128xi32, #tpu.memory_space<vmem>>
          %dma_start3A_919 = arith.constant 0 : i32
          %dma_start3A_920 = arith.constant 0 : i32
          %dma_start3A_921 = tpu.memref_slice %arg10[%dma_start3A_919, %dma_start3A_920] : memref<10240x128xf32, #tpu.memory_space<vmem_shared>> -> memref<10240x128xf32, #tpu.memory_space<vmem_shared>>
          tpu.enqueue_indirect_dma source(%dma_start3A_915 : memref<128x128xf32, #tpu.memory_space<vmem>>) target(%dma_start3A_921 : memref<10240x128xf32, #tpu.memory_space<vmem_shared>>) offsets(%dma_start3A_918 : memref<128xi32, #tpu.memory_space<vmem>>) semaphore(%run_scoped3A_911 : memref<!tpu.dma_semaphore, #tpu.memory_space<semaphore_mem>>) {add = true}
          %dma_wait3A_922 = arith.constant 0 : i32
          %dma_wait3A_923 = arith.constant 0 : i32
          %dma_wait3A_924 = tpu.memref_slice %arg9[%run_scoped3A_719, %dma_wait3A_922, %dma_wait3A_923] : memref<2x128x128xf32, #tpu.memory_space<vmem>> -> memref<1x128x128xf32, #tpu.memory_space<vmem>>
          %dma_wait3A_925 = tpu.memref_squeeze %dma_wait3A_924 : memref<1x128x128xf32, #tpu.memory_space<vmem>> -> memref<128x128xf32, #tpu.memory_space<vmem>>
          %dma_wait3A_926 = arith.constant 0 : i32
          %dma_wait3A_927 = tpu.memref_slice %arg8[%run_scoped3A_720, %run_scoped3A_721, %dma_wait3A_926] : memref<2x16x128xi32, #tpu.memory_space<vmem>> -> memref<1x1x128xi32, #tpu.memory_space<vmem>>
          %dma_wait3A_928 = tpu.memref_squeeze %dma_wait3A_927 : memref<1x1x128xi32, #tpu.memory_space<vmem>> -> memref<128xi32, #tpu.memory_space<vmem>>
          %dma_wait3A_929 = arith.constant 0 : i32
          %dma_wait3A_930 = arith.constant 0 : i32
          %dma_wait3A_931 = tpu.memref_slice %arg10[%dma_wait3A_929, %dma_wait3A_930] : memref<10240x128xf32, #tpu.memory_space<vmem_shared>> -> memref<10240x128xf32, #tpu.memory_space<vmem_shared>>
          tpu.wait_indirect_dma semaphore(%run_scoped3A_911 : memref<!tpu.dma_semaphore, #tpu.memory_space<semaphore_mem>>) src(%dma_wait3A_925 : memref<128x128xf32, #tpu.memory_space<vmem>>) dst(%dma_wait3A_931 : memref<10240x128xf32, #tpu.memory_space<vmem_shared>>)
          tpu.yield
        }) : () -> ()
        %dma_start3A_722 = arith.constant 0 : i32
        %dma_start3A_723 = arith.constant 11 : i32
        %dma_start3A_724 = arith.constant 1 : i32
        %dma_start3A_725 = arith.constant 0 : i32
        %dma_start3A_726 = arith.constant 0 : i32
        %dma_start3A_727 = tpu.memref_slice %arg9[%dma_start3A_724, %dma_start3A_725, %dma_start3A_726] : memref<2x128x128xf32, #tpu.memory_space<vmem>> -> memref<1x128x128xf32, #tpu.memory_space<vmem>>
        %dma_start3A_728 = tpu.memref_squeeze %dma_start3A_727 : memref<1x128x128xf32, #tpu.memory_space<vmem>> -> memref<128x128xf32, #tpu.memory_space<vmem>>
        %dma_start3A_729 = arith.constant 0 : i32
        %dma_start3A_730 = tpu.memref_slice %arg7[%dma_start3A_722, %dma_start3A_723, %dma_start3A_729] : memref<2x16x128xi32, #tpu.memory_space<vmem>> -> memref<1x1x128xi32, #tpu.memory_space<vmem>>
        %dma_start3A_731 = tpu.memref_squeeze %dma_start3A_730 : memref<1x1x128xi32, #tpu.memory_space<vmem>> -> memref<128xi32, #tpu.memory_space<vmem>>
        %dma_start3A_732 = arith.constant 0 : i32
        %dma_start3A_733 = arith.constant 0 : i32
        %dma_start3A_734 = tpu.memref_slice %arg2[%dma_start3A_732, %dma_start3A_733] : memref<10000x128xf32, #tpu.memory_space<hbm>> -> memref<10000x128xf32, #tpu.memory_space<hbm>>
        tpu.enqueue_indirect_dma source(%dma_start3A_734 : memref<10000x128xf32, #tpu.memory_space<hbm>>) target(%dma_start3A_728 : memref<128x128xf32, #tpu.memory_space<vmem>>) offsets(%dma_start3A_731 : memref<128xi32, #tpu.memory_space<vmem>>) semaphore(%arg12 : memref<!tpu.dma_semaphore, #tpu.memory_space<semaphore_mem>>)
        %dma_wait3A_735 = arith.constant 0 : i32
        %dma_wait3A_736 = arith.constant 10 : i32
        %dma_wait3A_737 = arith.constant 0 : i32
        %dma_wait3A_738 = arith.constant 0 : i32
        %dma_wait3A_739 = arith.constant 0 : i32
        %dma_wait3A_740 = tpu.memref_slice %arg9[%dma_wait3A_737, %dma_wait3A_738, %dma_wait3A_739] : memref<2x128x128xf32, #tpu.memory_space<vmem>> -> memref<1x128x128xf32, #tpu.memory_space<vmem>>
        %dma_wait3A_741 = tpu.memref_squeeze %dma_wait3A_740 : memref<1x128x128xf32, #tpu.memory_space<vmem>> -> memref<128x128xf32, #tpu.memory_space<vmem>>
        %dma_wait3A_742 = arith.constant 0 : i32
        %dma_wait3A_743 = tpu.memref_slice %arg7[%dma_wait3A_735, %dma_wait3A_736, %dma_wait3A_742] : memref<2x16x128xi32, #tpu.memory_space<vmem>> -> memref<1x1x128xi32, #tpu.memory_space<vmem>>
        %dma_wait3A_744 = tpu.memref_squeeze %dma_wait3A_743 : memref<1x1x128xi32, #tpu.memory_space<vmem>> -> memref<128xi32, #tpu.memory_space<vmem>>
        %dma_wait3A_745 = arith.constant 0 : i32
        %dma_wait3A_746 = arith.constant 0 : i32
        %dma_wait3A_747 = tpu.memref_slice %arg2[%dma_wait3A_745, %dma_wait3A_746] : memref<10000x128xf32, #tpu.memory_space<hbm>> -> memref<10000x128xf32, #tpu.memory_space<hbm>>
        tpu.wait_indirect_dma semaphore(%arg11 : memref<!tpu.dma_semaphore, #tpu.memory_space<semaphore_mem>>) src(%dma_wait3A_747 : memref<10000x128xf32, #tpu.memory_space<hbm>>) dst(%dma_wait3A_741 : memref<128x128xf32, #tpu.memory_space<vmem>>)
        %run_scoped3A_748 = arith.constant 0 : i32
        %run_scoped3A_749 = arith.constant 0 : i32
        %run_scoped3A_750 = arith.constant 10 : i32
        "tpu.region"() ({
          %run_scoped3A_911 = tpu.sem_alloc : memref<!tpu.dma_semaphore, #tpu.memory_space<semaphore_mem>>
          %dma_start3A_912 = arith.constant 0 : i32
          %dma_start3A_913 = arith.constant 0 : i32
          %dma_start3A_914 = tpu.memref_slice %arg9[%run_scoped3A_748, %dma_start3A_912, %dma_start3A_913] : memref<2x128x128xf32, #tpu.memory_space<vmem>> -> memref<1x128x128xf32, #tpu.memory_space<vmem>>
          %dma_start3A_915 = tpu.memref_squeeze %dma_start3A_914 : memref<1x128x128xf32, #tpu.memory_space<vmem>> -> memref<128x128xf32, #tpu.memory_space<vmem>>
          %dma_start3A_916 = arith.constant 0 : i32
          %dma_start3A_917 = tpu.memref_slice %arg8[%run_scoped3A_749, %run_scoped3A_750, %dma_start3A_916] : memref<2x16x128xi32, #tpu.memory_space<vmem>> -> memref<1x1x128xi32, #tpu.memory_space<vmem>>
          %dma_start3A_918 = tpu.memref_squeeze %dma_start3A_917 : memref<1x1x128xi32, #tpu.memory_space<vmem>> -> memref<128xi32, #tpu.memory_space<vmem>>
          %dma_start3A_919 = arith.constant 0 : i32
          %dma_start3A_920 = arith.constant 0 : i32
          %dma_start3A_921 = tpu.memref_slice %arg10[%dma_start3A_919, %dma_start3A_920] : memref<10240x128xf32, #tpu.memory_space<vmem_shared>> -> memref<10240x128xf32, #tpu.memory_space<vmem_shared>>
          tpu.enqueue_indirect_dma source(%dma_start3A_915 : memref<128x128xf32, #tpu.memory_space<vmem>>) target(%dma_start3A_921 : memref<10240x128xf32, #tpu.memory_space<vmem_shared>>) offsets(%dma_start3A_918 : memref<128xi32, #tpu.memory_space<vmem>>) semaphore(%run_scoped3A_911 : memref<!tpu.dma_semaphore, #tpu.memory_space<semaphore_mem>>) {add = true}
          %dma_wait3A_922 = arith.constant 0 : i32
          %dma_wait3A_923 = arith.constant 0 : i32
          %dma_wait3A_924 = tpu.memref_slice %arg9[%run_scoped3A_748, %dma_wait3A_922, %dma_wait3A_923] : memref<2x128x128xf32, #tpu.memory_space<vmem>> -> memref<1x128x128xf32, #tpu.memory_space<vmem>>
          %dma_wait3A_925 = tpu.memref_squeeze %dma_wait3A_924 : memref<1x128x128xf32, #tpu.memory_space<vmem>> -> memref<128x128xf32, #tpu.memory_space<vmem>>
          %dma_wait3A_926 = arith.constant 0 : i32
          %dma_wait3A_927 = tpu.memref_slice %arg8[%run_scoped3A_749, %run_scoped3A_750, %dma_wait3A_926] : memref<2x16x128xi32, #tpu.memory_space<vmem>> -> memref<1x1x128xi32, #tpu.memory_space<vmem>>
          %dma_wait3A_928 = tpu.memref_squeeze %dma_wait3A_927 : memref<1x1x128xi32, #tpu.memory_space<vmem>> -> memref<128xi32, #tpu.memory_space<vmem>>
          %dma_wait3A_929 = arith.constant 0 : i32
          %dma_wait3A_930 = arith.constant 0 : i32
          %dma_wait3A_931 = tpu.memref_slice %arg10[%dma_wait3A_929, %dma_wait3A_930] : memref<10240x128xf32, #tpu.memory_space<vmem_shared>> -> memref<10240x128xf32, #tpu.memory_space<vmem_shared>>
          tpu.wait_indirect_dma semaphore(%run_scoped3A_911 : memref<!tpu.dma_semaphore, #tpu.memory_space<semaphore_mem>>) src(%dma_wait3A_925 : memref<128x128xf32, #tpu.memory_space<vmem>>) dst(%dma_wait3A_931 : memref<10240x128xf32, #tpu.memory_space<vmem_shared>>)
          tpu.yield
        }) : () -> ()
        %dma_start3A_751 = arith.constant 0 : i32
        %dma_start3A_752 = arith.constant 12 : i32
        %dma_start3A_753 = arith.constant 0 : i32
        %dma_start3A_754 = arith.constant 0 : i32
        %dma_start3A_755 = arith.constant 0 : i32
        %dma_start3A_756 = tpu.memref_slice %arg9[%dma_start3A_753, %dma_start3A_754, %dma_start3A_755] : memref<2x128x128xf32, #tpu.memory_space<vmem>> -> memref<1x128x128xf32, #tpu.memory_space<vmem>>
        %dma_start3A_757 = tpu.memref_squeeze %dma_start3A_756 : memref<1x128x128xf32, #tpu.memory_space<vmem>> -> memref<128x128xf32, #tpu.memory_space<vmem>>
        %dma_start3A_758 = arith.constant 0 : i32
        %dma_start3A_759 = tpu.memref_slice %arg7[%dma_start3A_751, %dma_start3A_752, %dma_start3A_758] : memref<2x16x128xi32, #tpu.memory_space<vmem>> -> memref<1x1x128xi32, #tpu.memory_space<vmem>>
        %dma_start3A_760 = tpu.memref_squeeze %dma_start3A_759 : memref<1x1x128xi32, #tpu.memory_space<vmem>> -> memref<128xi32, #tpu.memory_space<vmem>>
        %dma_start3A_761 = arith.constant 0 : i32
        %dma_start3A_762 = arith.constant 0 : i32
        %dma_start3A_763 = tpu.memref_slice %arg2[%dma_start3A_761, %dma_start3A_762] : memref<10000x128xf32, #tpu.memory_space<hbm>> -> memref<10000x128xf32, #tpu.memory_space<hbm>>
        tpu.enqueue_indirect_dma source(%dma_start3A_763 : memref<10000x128xf32, #tpu.memory_space<hbm>>) target(%dma_start3A_757 : memref<128x128xf32, #tpu.memory_space<vmem>>) offsets(%dma_start3A_760 : memref<128xi32, #tpu.memory_space<vmem>>) semaphore(%arg11 : memref<!tpu.dma_semaphore, #tpu.memory_space<semaphore_mem>>)
        %dma_wait3A_764 = arith.constant 0 : i32
        %dma_wait3A_765 = arith.constant 11 : i32
        %dma_wait3A_766 = arith.constant 1 : i32
        %dma_wait3A_767 = arith.constant 0 : i32
        %dma_wait3A_768 = arith.constant 0 : i32
        %dma_wait3A_769 = tpu.memref_slice %arg9[%dma_wait3A_766, %dma_wait3A_767, %dma_wait3A_768] : memref<2x128x128xf32, #tpu.memory_space<vmem>> -> memref<1x128x128xf32, #tpu.memory_space<vmem>>
        %dma_wait3A_770 = tpu.memref_squeeze %dma_wait3A_769 : memref<1x128x128xf32, #tpu.memory_space<vmem>> -> memref<128x128xf32, #tpu.memory_space<vmem>>
        %dma_wait3A_771 = arith.constant 0 : i32
        %dma_wait3A_772 = tpu.memref_slice %arg7[%dma_wait3A_764, %dma_wait3A_765, %dma_wait3A_771] : memref<2x16x128xi32, #tpu.memory_space<vmem>> -> memref<1x1x128xi32, #tpu.memory_space<vmem>>
        %dma_wait3A_773 = tpu.memref_squeeze %dma_wait3A_772 : memref<1x1x128xi32, #tpu.memory_space<vmem>> -> memref<128xi32, #tpu.memory_space<vmem>>
        %dma_wait3A_774 = arith.constant 0 : i32
        %dma_wait3A_775 = arith.constant 0 : i32
        %dma_wait3A_776 = tpu.memref_slice %arg2[%dma_wait3A_774, %dma_wait3A_775] : memref<10000x128xf32, #tpu.memory_space<hbm>> -> memref<10000x128xf32, #tpu.memory_space<hbm>>
        tpu.wait_indirect_dma semaphore(%arg12 : memref<!tpu.dma_semaphore, #tpu.memory_space<semaphore_mem>>) src(%dma_wait3A_776 : memref<10000x128xf32, #tpu.memory_space<hbm>>) dst(%dma_wait3A_770 : memref<128x128xf32, #tpu.memory_space<vmem>>)
        %run_scoped3A_777 = arith.constant 1 : i32
        %run_scoped3A_778 = arith.constant 0 : i32
        %run_scoped3A_779 = arith.constant 11 : i32
        "tpu.region"() ({
          %run_scoped3A_911 = tpu.sem_alloc : memref<!tpu.dma_semaphore, #tpu.memory_space<semaphore_mem>>
          %dma_start3A_912 = arith.constant 0 : i32
          %dma_start3A_913 = arith.constant 0 : i32
          %dma_start3A_914 = tpu.memref_slice %arg9[%run_scoped3A_777, %dma_start3A_912, %dma_start3A_913] : memref<2x128x128xf32, #tpu.memory_space<vmem>> -> memref<1x128x128xf32, #tpu.memory_space<vmem>>
          %dma_start3A_915 = tpu.memref_squeeze %dma_start3A_914 : memref<1x128x128xf32, #tpu.memory_space<vmem>> -> memref<128x128xf32, #tpu.memory_space<vmem>>
          %dma_start3A_916 = arith.constant 0 : i32
          %dma_start3A_917 = tpu.memref_slice %arg8[%run_scoped3A_778, %run_scoped3A_779, %dma_start3A_916] : memref<2x16x128xi32, #tpu.memory_space<vmem>> -> memref<1x1x128xi32, #tpu.memory_space<vmem>>
          %dma_start3A_918 = tpu.memref_squeeze %dma_start3A_917 : memref<1x1x128xi32, #tpu.memory_space<vmem>> -> memref<128xi32, #tpu.memory_space<vmem>>
          %dma_start3A_919 = arith.constant 0 : i32
          %dma_start3A_920 = arith.constant 0 : i32
          %dma_start3A_921 = tpu.memref_slice %arg10[%dma_start3A_919, %dma_start3A_920] : memref<10240x128xf32, #tpu.memory_space<vmem_shared>> -> memref<10240x128xf32, #tpu.memory_space<vmem_shared>>
          tpu.enqueue_indirect_dma source(%dma_start3A_915 : memref<128x128xf32, #tpu.memory_space<vmem>>) target(%dma_start3A_921 : memref<10240x128xf32, #tpu.memory_space<vmem_shared>>) offsets(%dma_start3A_918 : memref<128xi32, #tpu.memory_space<vmem>>) semaphore(%run_scoped3A_911 : memref<!tpu.dma_semaphore, #tpu.memory_space<semaphore_mem>>) {add = true}
          %dma_wait3A_922 = arith.constant 0 : i32
          %dma_wait3A_923 = arith.constant 0 : i32
          %dma_wait3A_924 = tpu.memref_slice %arg9[%run_scoped3A_777, %dma_wait3A_922, %dma_wait3A_923] : memref<2x128x128xf32, #tpu.memory_space<vmem>> -> memref<1x128x128xf32, #tpu.memory_space<vmem>>
          %dma_wait3A_925 = tpu.memref_squeeze %dma_wait3A_924 : memref<1x128x128xf32, #tpu.memory_space<vmem>> -> memref<128x128xf32, #tpu.memory_space<vmem>>
          %dma_wait3A_926 = arith.constant 0 : i32
          %dma_wait3A_927 = tpu.memref_slice %arg8[%run_scoped3A_778, %run_scoped3A_779, %dma_wait3A_926] : memref<2x16x128xi32, #tpu.memory_space<vmem>> -> memref<1x1x128xi32, #tpu.memory_space<vmem>>
          %dma_wait3A_928 = tpu.memref_squeeze %dma_wait3A_927 : memref<1x1x128xi32, #tpu.memory_space<vmem>> -> memref<128xi32, #tpu.memory_space<vmem>>
          %dma_wait3A_929 = arith.constant 0 : i32
          %dma_wait3A_930 = arith.constant 0 : i32
          %dma_wait3A_931 = tpu.memref_slice %arg10[%dma_wait3A_929, %dma_wait3A_930] : memref<10240x128xf32, #tpu.memory_space<vmem_shared>> -> memref<10240x128xf32, #tpu.memory_space<vmem_shared>>
          tpu.wait_indirect_dma semaphore(%run_scoped3A_911 : memref<!tpu.dma_semaphore, #tpu.memory_space<semaphore_mem>>) src(%dma_wait3A_925 : memref<128x128xf32, #tpu.memory_space<vmem>>) dst(%dma_wait3A_931 : memref<10240x128xf32, #tpu.memory_space<vmem_shared>>)
          tpu.yield
        }) : () -> ()
        %dma_start3A_780 = arith.constant 0 : i32
        %dma_start3A_781 = arith.constant 13 : i32
        %dma_start3A_782 = arith.constant 1 : i32
        %dma_start3A_783 = arith.constant 0 : i32
        %dma_start3A_784 = arith.constant 0 : i32
        %dma_start3A_785 = tpu.memref_slice %arg9[%dma_start3A_782, %dma_start3A_783, %dma_start3A_784] : memref<2x128x128xf32, #tpu.memory_space<vmem>> -> memref<1x128x128xf32, #tpu.memory_space<vmem>>
        %dma_start3A_786 = tpu.memref_squeeze %dma_start3A_785 : memref<1x128x128xf32, #tpu.memory_space<vmem>> -> memref<128x128xf32, #tpu.memory_space<vmem>>
        %dma_start3A_787 = arith.constant 0 : i32
        %dma_start3A_788 = tpu.memref_slice %arg7[%dma_start3A_780, %dma_start3A_781, %dma_start3A_787] : memref<2x16x128xi32, #tpu.memory_space<vmem>> -> memref<1x1x128xi32, #tpu.memory_space<vmem>>
        %dma_start3A_789 = tpu.memref_squeeze %dma_start3A_788 : memref<1x1x128xi32, #tpu.memory_space<vmem>> -> memref<128xi32, #tpu.memory_space<vmem>>
        %dma_start3A_790 = arith.constant 0 : i32
        %dma_start3A_791 = arith.constant 0 : i32
        %dma_start3A_792 = tpu.memref_slice %arg2[%dma_start3A_790, %dma_start3A_791] : memref<10000x128xf32, #tpu.memory_space<hbm>> -> memref<10000x128xf32, #tpu.memory_space<hbm>>
        tpu.enqueue_indirect_dma source(%dma_start3A_792 : memref<10000x128xf32, #tpu.memory_space<hbm>>) target(%dma_start3A_786 : memref<128x128xf32, #tpu.memory_space<vmem>>) offsets(%dma_start3A_789 : memref<128xi32, #tpu.memory_space<vmem>>) semaphore(%arg12 : memref<!tpu.dma_semaphore, #tpu.memory_space<semaphore_mem>>)
        %dma_wait3A_793 = arith.constant 0 : i32
        %dma_wait3A_794 = arith.constant 12 : i32
        %dma_wait3A_795 = arith.constant 0 : i32
        %dma_wait3A_796 = arith.constant 0 : i32
        %dma_wait3A_797 = arith.constant 0 : i32
        %dma_wait3A_798 = tpu.memref_slice %arg9[%dma_wait3A_795, %dma_wait3A_796, %dma_wait3A_797] : memref<2x128x128xf32, #tpu.memory_space<vmem>> -> memref<1x128x128xf32, #tpu.memory_space<vmem>>
        %dma_wait3A_799 = tpu.memref_squeeze %dma_wait3A_798 : memref<1x128x128xf32, #tpu.memory_space<vmem>> -> memref<128x128xf32, #tpu.memory_space<vmem>>
        %dma_wait3A_800 = arith.constant 0 : i32
        %dma_wait3A_801 = tpu.memref_slice %arg7[%dma_wait3A_793, %dma_wait3A_794, %dma_wait3A_800] : memref<2x16x128xi32, #tpu.memory_space<vmem>> -> memref<1x1x128xi32, #tpu.memory_space<vmem>>
        %dma_wait3A_802 = tpu.memref_squeeze %dma_wait3A_801 : memref<1x1x128xi32, #tpu.memory_space<vmem>> -> memref<128xi32, #tpu.memory_space<vmem>>
        %dma_wait3A_803 = arith.constant 0 : i32
        %dma_wait3A_804 = arith.constant 0 : i32
        %dma_wait3A_805 = tpu.memref_slice %arg2[%dma_wait3A_803, %dma_wait3A_804] : memref<10000x128xf32, #tpu.memory_space<hbm>> -> memref<10000x128xf32, #tpu.memory_space<hbm>>
        tpu.wait_indirect_dma semaphore(%arg11 : memref<!tpu.dma_semaphore, #tpu.memory_space<semaphore_mem>>) src(%dma_wait3A_805 : memref<10000x128xf32, #tpu.memory_space<hbm>>) dst(%dma_wait3A_799 : memref<128x128xf32, #tpu.memory_space<vmem>>)
        %run_scoped3A_806 = arith.constant 0 : i32
        %run_scoped3A_807 = arith.constant 0 : i32
        %run_scoped3A_808 = arith.constant 12 : i32
        "tpu.region"() ({
          %run_scoped3A_911 = tpu.sem_alloc : memref<!tpu.dma_semaphore, #tpu.memory_space<semaphore_mem>>
          %dma_start3A_912 = arith.constant 0 : i32
          %dma_start3A_913 = arith.constant 0 : i32
          %dma_start3A_914 = tpu.memref_slice %arg9[%run_scoped3A_806, %dma_start3A_912, %dma_start3A_913] : memref<2x128x128xf32, #tpu.memory_space<vmem>> -> memref<1x128x128xf32, #tpu.memory_space<vmem>>
          %dma_start3A_915 = tpu.memref_squeeze %dma_start3A_914 : memref<1x128x128xf32, #tpu.memory_space<vmem>> -> memref<128x128xf32, #tpu.memory_space<vmem>>
          %dma_start3A_916 = arith.constant 0 : i32
          %dma_start3A_917 = tpu.memref_slice %arg8[%run_scoped3A_807, %run_scoped3A_808, %dma_start3A_916] : memref<2x16x128xi32, #tpu.memory_space<vmem>> -> memref<1x1x128xi32, #tpu.memory_space<vmem>>
          %dma_start3A_918 = tpu.memref_squeeze %dma_start3A_917 : memref<1x1x128xi32, #tpu.memory_space<vmem>> -> memref<128xi32, #tpu.memory_space<vmem>>
          %dma_start3A_919 = arith.constant 0 : i32
          %dma_start3A_920 = arith.constant 0 : i32
          %dma_start3A_921 = tpu.memref_slice %arg10[%dma_start3A_919, %dma_start3A_920] : memref<10240x128xf32, #tpu.memory_space<vmem_shared>> -> memref<10240x128xf32, #tpu.memory_space<vmem_shared>>
          tpu.enqueue_indirect_dma source(%dma_start3A_915 : memref<128x128xf32, #tpu.memory_space<vmem>>) target(%dma_start3A_921 : memref<10240x128xf32, #tpu.memory_space<vmem_shared>>) offsets(%dma_start3A_918 : memref<128xi32, #tpu.memory_space<vmem>>) semaphore(%run_scoped3A_911 : memref<!tpu.dma_semaphore, #tpu.memory_space<semaphore_mem>>) {add = true}
          %dma_wait3A_922 = arith.constant 0 : i32
          %dma_wait3A_923 = arith.constant 0 : i32
          %dma_wait3A_924 = tpu.memref_slice %arg9[%run_scoped3A_806, %dma_wait3A_922, %dma_wait3A_923] : memref<2x128x128xf32, #tpu.memory_space<vmem>> -> memref<1x128x128xf32, #tpu.memory_space<vmem>>
          %dma_wait3A_925 = tpu.memref_squeeze %dma_wait3A_924 : memref<1x128x128xf32, #tpu.memory_space<vmem>> -> memref<128x128xf32, #tpu.memory_space<vmem>>
          %dma_wait3A_926 = arith.constant 0 : i32
          %dma_wait3A_927 = tpu.memref_slice %arg8[%run_scoped3A_807, %run_scoped3A_808, %dma_wait3A_926] : memref<2x16x128xi32, #tpu.memory_space<vmem>> -> memref<1x1x128xi32, #tpu.memory_space<vmem>>
          %dma_wait3A_928 = tpu.memref_squeeze %dma_wait3A_927 : memref<1x1x128xi32, #tpu.memory_space<vmem>> -> memref<128xi32, #tpu.memory_space<vmem>>
          %dma_wait3A_929 = arith.constant 0 : i32
          %dma_wait3A_930 = arith.constant 0 : i32
          %dma_wait3A_931 = tpu.memref_slice %arg10[%dma_wait3A_929, %dma_wait3A_930] : memref<10240x128xf32, #tpu.memory_space<vmem_shared>> -> memref<10240x128xf32, #tpu.memory_space<vmem_shared>>
          tpu.wait_indirect_dma semaphore(%run_scoped3A_911 : memref<!tpu.dma_semaphore, #tpu.memory_space<semaphore_mem>>) src(%dma_wait3A_925 : memref<128x128xf32, #tpu.memory_space<vmem>>) dst(%dma_wait3A_931 : memref<10240x128xf32, #tpu.memory_space<vmem_shared>>)
          tpu.yield
        }) : () -> ()
        %dma_start3A_809 = arith.constant 0 : i32
        %dma_start3A_810 = arith.constant 14 : i32
        %dma_start3A_811 = arith.constant 0 : i32
        %dma_start3A_812 = arith.constant 0 : i32
        %dma_start3A_813 = arith.constant 0 : i32
        %dma_start3A_814 = tpu.memref_slice %arg9[%dma_start3A_811, %dma_start3A_812, %dma_start3A_813] : memref<2x128x128xf32, #tpu.memory_space<vmem>> -> memref<1x128x128xf32, #tpu.memory_space<vmem>>
        %dma_start3A_815 = tpu.memref_squeeze %dma_start3A_814 : memref<1x128x128xf32, #tpu.memory_space<vmem>> -> memref<128x128xf32, #tpu.memory_space<vmem>>
        %dma_start3A_816 = arith.constant 0 : i32
        %dma_start3A_817 = tpu.memref_slice %arg7[%dma_start3A_809, %dma_start3A_810, %dma_start3A_816] : memref<2x16x128xi32, #tpu.memory_space<vmem>> -> memref<1x1x128xi32, #tpu.memory_space<vmem>>
        %dma_start3A_818 = tpu.memref_squeeze %dma_start3A_817 : memref<1x1x128xi32, #tpu.memory_space<vmem>> -> memref<128xi32, #tpu.memory_space<vmem>>
        %dma_start3A_819 = arith.constant 0 : i32
        %dma_start3A_820 = arith.constant 0 : i32
        %dma_start3A_821 = tpu.memref_slice %arg2[%dma_start3A_819, %dma_start3A_820] : memref<10000x128xf32, #tpu.memory_space<hbm>> -> memref<10000x128xf32, #tpu.memory_space<hbm>>
        tpu.enqueue_indirect_dma source(%dma_start3A_821 : memref<10000x128xf32, #tpu.memory_space<hbm>>) target(%dma_start3A_815 : memref<128x128xf32, #tpu.memory_space<vmem>>) offsets(%dma_start3A_818 : memref<128xi32, #tpu.memory_space<vmem>>) semaphore(%arg11 : memref<!tpu.dma_semaphore, #tpu.memory_space<semaphore_mem>>)
        %dma_wait3A_822 = arith.constant 0 : i32
        %dma_wait3A_823 = arith.constant 13 : i32
        %dma_wait3A_824 = arith.constant 1 : i32
        %dma_wait3A_825 = arith.constant 0 : i32
        %dma_wait3A_826 = arith.constant 0 : i32
        %dma_wait3A_827 = tpu.memref_slice %arg9[%dma_wait3A_824, %dma_wait3A_825, %dma_wait3A_826] : memref<2x128x128xf32, #tpu.memory_space<vmem>> -> memref<1x128x128xf32, #tpu.memory_space<vmem>>
        %dma_wait3A_828 = tpu.memref_squeeze %dma_wait3A_827 : memref<1x128x128xf32, #tpu.memory_space<vmem>> -> memref<128x128xf32, #tpu.memory_space<vmem>>
        %dma_wait3A_829 = arith.constant 0 : i32
        %dma_wait3A_830 = tpu.memref_slice %arg7[%dma_wait3A_822, %dma_wait3A_823, %dma_wait3A_829] : memref<2x16x128xi32, #tpu.memory_space<vmem>> -> memref<1x1x128xi32, #tpu.memory_space<vmem>>
        %dma_wait3A_831 = tpu.memref_squeeze %dma_wait3A_830 : memref<1x1x128xi32, #tpu.memory_space<vmem>> -> memref<128xi32, #tpu.memory_space<vmem>>
        %dma_wait3A_832 = arith.constant 0 : i32
        %dma_wait3A_833 = arith.constant 0 : i32
        %dma_wait3A_834 = tpu.memref_slice %arg2[%dma_wait3A_832, %dma_wait3A_833] : memref<10000x128xf32, #tpu.memory_space<hbm>> -> memref<10000x128xf32, #tpu.memory_space<hbm>>
        tpu.wait_indirect_dma semaphore(%arg12 : memref<!tpu.dma_semaphore, #tpu.memory_space<semaphore_mem>>) src(%dma_wait3A_834 : memref<10000x128xf32, #tpu.memory_space<hbm>>) dst(%dma_wait3A_828 : memref<128x128xf32, #tpu.memory_space<vmem>>)
        %run_scoped3A_835 = arith.constant 1 : i32
        %run_scoped3A_836 = arith.constant 0 : i32
        %run_scoped3A_837 = arith.constant 13 : i32
        "tpu.region"() ({
          %run_scoped3A_911 = tpu.sem_alloc : memref<!tpu.dma_semaphore, #tpu.memory_space<semaphore_mem>>
          %dma_start3A_912 = arith.constant 0 : i32
          %dma_start3A_913 = arith.constant 0 : i32
          %dma_start3A_914 = tpu.memref_slice %arg9[%run_scoped3A_835, %dma_start3A_912, %dma_start3A_913] : memref<2x128x128xf32, #tpu.memory_space<vmem>> -> memref<1x128x128xf32, #tpu.memory_space<vmem>>
          %dma_start3A_915 = tpu.memref_squeeze %dma_start3A_914 : memref<1x128x128xf32, #tpu.memory_space<vmem>> -> memref<128x128xf32, #tpu.memory_space<vmem>>
          %dma_start3A_916 = arith.constant 0 : i32
          %dma_start3A_917 = tpu.memref_slice %arg8[%run_scoped3A_836, %run_scoped3A_837, %dma_start3A_916] : memref<2x16x128xi32, #tpu.memory_space<vmem>> -> memref<1x1x128xi32, #tpu.memory_space<vmem>>
          %dma_start3A_918 = tpu.memref_squeeze %dma_start3A_917 : memref<1x1x128xi32, #tpu.memory_space<vmem>> -> memref<128xi32, #tpu.memory_space<vmem>>
          %dma_start3A_919 = arith.constant 0 : i32
          %dma_start3A_920 = arith.constant 0 : i32
          %dma_start3A_921 = tpu.memref_slice %arg10[%dma_start3A_919, %dma_start3A_920] : memref<10240x128xf32, #tpu.memory_space<vmem_shared>> -> memref<10240x128xf32, #tpu.memory_space<vmem_shared>>
          tpu.enqueue_indirect_dma source(%dma_start3A_915 : memref<128x128xf32, #tpu.memory_space<vmem>>) target(%dma_start3A_921 : memref<10240x128xf32, #tpu.memory_space<vmem_shared>>) offsets(%dma_start3A_918 : memref<128xi32, #tpu.memory_space<vmem>>) semaphore(%run_scoped3A_911 : memref<!tpu.dma_semaphore, #tpu.memory_space<semaphore_mem>>) {add = true}
          %dma_wait3A_922 = arith.constant 0 : i32
          %dma_wait3A_923 = arith.constant 0 : i32
          %dma_wait3A_924 = tpu.memref_slice %arg9[%run_scoped3A_835, %dma_wait3A_922, %dma_wait3A_923] : memref<2x128x128xf32, #tpu.memory_space<vmem>> -> memref<1x128x128xf32, #tpu.memory_space<vmem>>
          %dma_wait3A_925 = tpu.memref_squeeze %dma_wait3A_924 : memref<1x128x128xf32, #tpu.memory_space<vmem>> -> memref<128x128xf32, #tpu.memory_space<vmem>>
          %dma_wait3A_926 = arith.constant 0 : i32
          %dma_wait3A_927 = tpu.memref_slice %arg8[%run_scoped3A_836, %run_scoped3A_837, %dma_wait3A_926] : memref<2x16x128xi32, #tpu.memory_space<vmem>> -> memref<1x1x128xi32, #tpu.memory_space<vmem>>
          %dma_wait3A_928 = tpu.memref_squeeze %dma_wait3A_927 : memref<1x1x128xi32, #tpu.memory_space<vmem>> -> memref<128xi32, #tpu.memory_space<vmem>>
          %dma_wait3A_929 = arith.constant 0 : i32
          %dma_wait3A_930 = arith.constant 0 : i32
          %dma_wait3A_931 = tpu.memref_slice %arg10[%dma_wait3A_929, %dma_wait3A_930] : memref<10240x128xf32, #tpu.memory_space<vmem_shared>> -> memref<10240x128xf32, #tpu.memory_space<vmem_shared>>
          tpu.wait_indirect_dma semaphore(%run_scoped3A_911 : memref<!tpu.dma_semaphore, #tpu.memory_space<semaphore_mem>>) src(%dma_wait3A_925 : memref<128x128xf32, #tpu.memory_space<vmem>>) dst(%dma_wait3A_931 : memref<10240x128xf32, #tpu.memory_space<vmem_shared>>)
          tpu.yield
        }) : () -> ()
        %dma_start3A_838 = arith.constant 0 : i32
        %dma_start3A_839 = arith.constant 15 : i32
        %dma_start3A_840 = arith.constant 1 : i32
        %dma_start3A_841 = arith.constant 0 : i32
        %dma_start3A_842 = arith.constant 0 : i32
        %dma_start3A_843 = tpu.memref_slice %arg9[%dma_start3A_840, %dma_start3A_841, %dma_start3A_842] : memref<2x128x128xf32, #tpu.memory_space<vmem>> -> memref<1x128x128xf32, #tpu.memory_space<vmem>>
        %dma_start3A_844 = tpu.memref_squeeze %dma_start3A_843 : memref<1x128x128xf32, #tpu.memory_space<vmem>> -> memref<128x128xf32, #tpu.memory_space<vmem>>
        %dma_start3A_845 = arith.constant 0 : i32
        %dma_start3A_846 = tpu.memref_slice %arg7[%dma_start3A_838, %dma_start3A_839, %dma_start3A_845] : memref<2x16x128xi32, #tpu.memory_space<vmem>> -> memref<1x1x128xi32, #tpu.memory_space<vmem>>
        %dma_start3A_847 = tpu.memref_squeeze %dma_start3A_846 : memref<1x1x128xi32, #tpu.memory_space<vmem>> -> memref<128xi32, #tpu.memory_space<vmem>>
        %dma_start3A_848 = arith.constant 0 : i32
        %dma_start3A_849 = arith.constant 0 : i32
        %dma_start3A_850 = tpu.memref_slice %arg2[%dma_start3A_848, %dma_start3A_849] : memref<10000x128xf32, #tpu.memory_space<hbm>> -> memref<10000x128xf32, #tpu.memory_space<hbm>>
        tpu.enqueue_indirect_dma source(%dma_start3A_850 : memref<10000x128xf32, #tpu.memory_space<hbm>>) target(%dma_start3A_844 : memref<128x128xf32, #tpu.memory_space<vmem>>) offsets(%dma_start3A_847 : memref<128xi32, #tpu.memory_space<vmem>>) semaphore(%arg12 : memref<!tpu.dma_semaphore, #tpu.memory_space<semaphore_mem>>)
        %dma_wait3A_851 = arith.constant 0 : i32
        %dma_wait3A_852 = arith.constant 14 : i32
        %dma_wait3A_853 = arith.constant 0 : i32
        %dma_wait3A_854 = arith.constant 0 : i32
        %dma_wait3A_855 = arith.constant 0 : i32
        %dma_wait3A_856 = tpu.memref_slice %arg9[%dma_wait3A_853, %dma_wait3A_854, %dma_wait3A_855] : memref<2x128x128xf32, #tpu.memory_space<vmem>> -> memref<1x128x128xf32, #tpu.memory_space<vmem>>
        %dma_wait3A_857 = tpu.memref_squeeze %dma_wait3A_856 : memref<1x128x128xf32, #tpu.memory_space<vmem>> -> memref<128x128xf32, #tpu.memory_space<vmem>>
        %dma_wait3A_858 = arith.constant 0 : i32
        %dma_wait3A_859 = tpu.memref_slice %arg7[%dma_wait3A_851, %dma_wait3A_852, %dma_wait3A_858] : memref<2x16x128xi32, #tpu.memory_space<vmem>> -> memref<1x1x128xi32, #tpu.memory_space<vmem>>
        %dma_wait3A_860 = tpu.memref_squeeze %dma_wait3A_859 : memref<1x1x128xi32, #tpu.memory_space<vmem>> -> memref<128xi32, #tpu.memory_space<vmem>>
        %dma_wait3A_861 = arith.constant 0 : i32
        %dma_wait3A_862 = arith.constant 0 : i32
        %dma_wait3A_863 = tpu.memref_slice %arg2[%dma_wait3A_861, %dma_wait3A_862] : memref<10000x128xf32, #tpu.memory_space<hbm>> -> memref<10000x128xf32, #tpu.memory_space<hbm>>
        tpu.wait_indirect_dma semaphore(%arg11 : memref<!tpu.dma_semaphore, #tpu.memory_space<semaphore_mem>>) src(%dma_wait3A_863 : memref<10000x128xf32, #tpu.memory_space<hbm>>) dst(%dma_wait3A_857 : memref<128x128xf32, #tpu.memory_space<vmem>>)
        %run_scoped3A_864 = arith.constant 0 : i32
        %run_scoped3A_865 = arith.constant 0 : i32
        %run_scoped3A_866 = arith.constant 14 : i32
        "tpu.region"() ({
          %run_scoped3A_911 = tpu.sem_alloc : memref<!tpu.dma_semaphore, #tpu.memory_space<semaphore_mem>>
          %dma_start3A_912 = arith.constant 0 : i32
          %dma_start3A_913 = arith.constant 0 : i32
          %dma_start3A_914 = tpu.memref_slice %arg9[%run_scoped3A_864, %dma_start3A_912, %dma_start3A_913] : memref<2x128x128xf32, #tpu.memory_space<vmem>> -> memref<1x128x128xf32, #tpu.memory_space<vmem>>
          %dma_start3A_915 = tpu.memref_squeeze %dma_start3A_914 : memref<1x128x128xf32, #tpu.memory_space<vmem>> -> memref<128x128xf32, #tpu.memory_space<vmem>>
          %dma_start3A_916 = arith.constant 0 : i32
          %dma_start3A_917 = tpu.memref_slice %arg8[%run_scoped3A_865, %run_scoped3A_866, %dma_start3A_916] : memref<2x16x128xi32, #tpu.memory_space<vmem>> -> memref<1x1x128xi32, #tpu.memory_space<vmem>>
          %dma_start3A_918 = tpu.memref_squeeze %dma_start3A_917 : memref<1x1x128xi32, #tpu.memory_space<vmem>> -> memref<128xi32, #tpu.memory_space<vmem>>
          %dma_start3A_919 = arith.constant 0 : i32
          %dma_start3A_920 = arith.constant 0 : i32
          %dma_start3A_921 = tpu.memref_slice %arg10[%dma_start3A_919, %dma_start3A_920] : memref<10240x128xf32, #tpu.memory_space<vmem_shared>> -> memref<10240x128xf32, #tpu.memory_space<vmem_shared>>
          tpu.enqueue_indirect_dma source(%dma_start3A_915 : memref<128x128xf32, #tpu.memory_space<vmem>>) target(%dma_start3A_921 : memref<10240x128xf32, #tpu.memory_space<vmem_shared>>) offsets(%dma_start3A_918 : memref<128xi32, #tpu.memory_space<vmem>>) semaphore(%run_scoped3A_911 : memref<!tpu.dma_semaphore, #tpu.memory_space<semaphore_mem>>) {add = true}
          %dma_wait3A_922 = arith.constant 0 : i32
          %dma_wait3A_923 = arith.constant 0 : i32
          %dma_wait3A_924 = tpu.memref_slice %arg9[%run_scoped3A_864, %dma_wait3A_922, %dma_wait3A_923] : memref<2x128x128xf32, #tpu.memory_space<vmem>> -> memref<1x128x128xf32, #tpu.memory_space<vmem>>
          %dma_wait3A_925 = tpu.memref_squeeze %dma_wait3A_924 : memref<1x128x128xf32, #tpu.memory_space<vmem>> -> memref<128x128xf32, #tpu.memory_space<vmem>>
          %dma_wait3A_926 = arith.constant 0 : i32
          %dma_wait3A_927 = tpu.memref_slice %arg8[%run_scoped3A_865, %run_scoped3A_866, %dma_wait3A_926] : memref<2x16x128xi32, #tpu.memory_space<vmem>> -> memref<1x1x128xi32, #tpu.memory_space<vmem>>
          %dma_wait3A_928 = tpu.memref_squeeze %dma_wait3A_927 : memref<1x1x128xi32, #tpu.memory_space<vmem>> -> memref<128xi32, #tpu.memory_space<vmem>>
          %dma_wait3A_929 = arith.constant 0 : i32
          %dma_wait3A_930 = arith.constant 0 : i32
          %dma_wait3A_931 = tpu.memref_slice %arg10[%dma_wait3A_929, %dma_wait3A_930] : memref<10240x128xf32, #tpu.memory_space<vmem_shared>> -> memref<10240x128xf32, #tpu.memory_space<vmem_shared>>
          tpu.wait_indirect_dma semaphore(%run_scoped3A_911 : memref<!tpu.dma_semaphore, #tpu.memory_space<semaphore_mem>>) src(%dma_wait3A_925 : memref<128x128xf32, #tpu.memory_space<vmem>>) dst(%dma_wait3A_931 : memref<10240x128xf32, #tpu.memory_space<vmem_shared>>)
          tpu.yield
        }) : () -> ()
        %add3A_867 = arith.constant 1 : i32
        %add3A_868 = arith.addi %scan3A_432, %add3A_867 : i32
        %lt3A_869 = arith.constant 5 : i32
        %lt3A_870 = arith.cmpi slt, %add3A_868, %lt3A_869 : i32
        %convert_element_type3A_871 = arith.extui %lt3A_870 : i1 to i32
        %cond3A_872 = arith.constant 0 : i32
        %cond3A_873 = arith.cmpi ne, %convert_element_type3A_871, %cond3A_872 : i32
        scf.if %cond3A_873 {
          %dma_wait3A_911 = arith.constant 0 : i32
          %dma_wait3A_912 = arith.constant 1 : i32
          %dma_wait3A_913 = arith.constant 0 : i32
          %dma_wait3A_914 = arith.constant 0 : i32
          %dma_wait3A_915 = tpu.memref_slice %arg7[%dma_wait3A_912, %dma_wait3A_913, %dma_wait3A_914] : memref<2x16x128xi32, #tpu.memory_space<vmem>> -> memref<1x16x128xi32, #tpu.memory_space<vmem>>
          %dma_wait3A_916 = tpu.memref_squeeze %dma_wait3A_915 : memref<1x16x128xi32, #tpu.memory_space<vmem>> -> memref<16x128xi32, #tpu.memory_space<vmem>>
          %dma_wait3A_917 = arith.constant 0 : i32
          %dma_wait3A_918 = arith.constant 0 : i32
          %dma_wait3A_919 = tpu.memref_slice %arg3[%dma_wait3A_911, %dma_wait3A_917, %dma_wait3A_918] : memref<2x2500x128xi32, #tpu.memory_space<hbm>> -> memref<1x16x128xi32, #tpu.memory_space<hbm>>
          %dma_wait3A_920 = tpu.memref_squeeze %dma_wait3A_919 : memref<1x16x128xi32, #tpu.memory_space<hbm>> -> memref<16x128xi32, #tpu.memory_space<hbm>>
          %dma_wait3A_921 = arith.constant 0 : i32
          %dma_wait3A_922 = arith.constant 0 : i32
          %dma_wait3A_923 = tpu.memref_slice %arg7[%dma_wait3A_912, %dma_wait3A_921, %dma_wait3A_922] : memref<2x16x128xi32, #tpu.memory_space<vmem>> -> memref<1x16x128xi32, #tpu.memory_space<vmem>>
          %dma_wait3A_924 = tpu.memref_squeeze %dma_wait3A_923 : memref<1x16x128xi32, #tpu.memory_space<vmem>> -> memref<16x128xi32, #tpu.memory_space<vmem>>
          %dma_wait3A_925 = arith.constant 0 : i32
          %dma_wait3A_926 = arith.constant 0 : i32
          %dma_wait3A_927 = tpu.memref_slice %arg3[%dma_wait3A_911, %dma_wait3A_925, %dma_wait3A_926] : memref<2x2500x128xi32, #tpu.memory_space<hbm>> -> memref<1x16x128xi32, #tpu.memory_space<hbm>>
          %dma_wait3A_928 = tpu.memref_squeeze %dma_wait3A_927 : memref<1x16x128xi32, #tpu.memory_space<hbm>> -> memref<16x128xi32, #tpu.memory_space<hbm>>
          tpu.wait_dma2 semaphore(%arg14 : memref<!tpu.dma_semaphore, #tpu.memory_space<semaphore_mem>>) src(%dma_wait3A_928 : memref<16x128xi32, #tpu.memory_space<hbm>>) dst(%dma_wait3A_924 : memref<16x128xi32, #tpu.memory_space<vmem>>)
          %dma_wait3A_929 = arith.constant 1 : i32
          %dma_wait3A_930 = arith.constant 1 : i32
          %dma_wait3A_931 = arith.constant 0 : i32
          %dma_wait3A_932 = arith.constant 0 : i32
          %dma_wait3A_933 = tpu.memref_slice %arg8[%dma_wait3A_930, %dma_wait3A_931, %dma_wait3A_932] : memref<2x16x128xi32, #tpu.memory_space<vmem>> -> memref<1x16x128xi32, #tpu.memory_space<vmem>>
          %dma_wait3A_934 = tpu.memref_squeeze %dma_wait3A_933 : memref<1x16x128xi32, #tpu.memory_space<vmem>> -> memref<16x128xi32, #tpu.memory_space<vmem>>
          %dma_wait3A_935 = arith.constant 0 : i32
          %dma_wait3A_936 = arith.constant 0 : i32
          %dma_wait3A_937 = tpu.memref_slice %arg3[%dma_wait3A_929, %dma_wait3A_935, %dma_wait3A_936] : memref<2x2500x128xi32, #tpu.memory_space<hbm>> -> memref<1x16x128xi32, #tpu.memory_space<hbm>>
          %dma_wait3A_938 = tpu.memref_squeeze %dma_wait3A_937 : memref<1x16x128xi32, #tpu.memory_space<hbm>> -> memref<16x128xi32, #tpu.memory_space<hbm>>
          %dma_wait3A_939 = arith.constant 0 : i32
          %dma_wait3A_940 = arith.constant 0 : i32
          %dma_wait3A_941 = tpu.memref_slice %arg8[%dma_wait3A_930, %dma_wait3A_939, %dma_wait3A_940] : memref<2x16x128xi32, #tpu.memory_space<vmem>> -> memref<1x16x128xi32, #tpu.memory_space<vmem>>
          %dma_wait3A_942 = tpu.memref_squeeze %dma_wait3A_941 : memref<1x16x128xi32, #tpu.memory_space<vmem>> -> memref<16x128xi32, #tpu.memory_space<vmem>>
          %dma_wait3A_943 = arith.constant 0 : i32
          %dma_wait3A_944 = arith.constant 0 : i32
          %dma_wait3A_945 = tpu.memref_slice %arg3[%dma_wait3A_929, %dma_wait3A_943, %dma_wait3A_944] : memref<2x2500x128xi32, #tpu.memory_space<hbm>> -> memref<1x16x128xi32, #tpu.memory_space<hbm>>
          %dma_wait3A_946 = tpu.memref_squeeze %dma_wait3A_945 : memref<1x16x128xi32, #tpu.memory_space<hbm>> -> memref<16x128xi32, #tpu.memory_space<hbm>>
          tpu.wait_dma2 semaphore(%arg16 : memref<!tpu.dma_semaphore, #tpu.memory_space<semaphore_mem>>) src(%dma_wait3A_946 : memref<16x128xi32, #tpu.memory_space<hbm>>) dst(%dma_wait3A_942 : memref<16x128xi32, #tpu.memory_space<vmem>>)
        } else {
        }
        %add3A_874 = arith.constant 1 : i32
        %add3A_875 = arith.addi %scan3A_432, %add3A_874 : i32
        %lt3A_876 = arith.constant 5 : i32
        %lt3A_877 = arith.cmpi slt, %add3A_875, %lt3A_876 : i32
        %convert_element_type3A_878 = arith.extui %lt3A_877 : i1 to i32
        %cond3A_879 = arith.constant 0 : i32
        %cond3A_880 = arith.cmpi ne, %convert_element_type3A_878, %cond3A_879 : i32
        scf.if %cond3A_880 {
          %dma_start3A_911 = arith.constant 1 : i32
          %dma_start3A_912 = arith.constant 0 : i32
          %dma_start3A_913 = arith.constant 0 : i32
          %dma_start3A_914 = arith.constant 0 : i32
          %dma_start3A_915 = arith.constant 0 : i32
          %dma_start3A_916 = tpu.memref_slice %arg9[%dma_start3A_913, %dma_start3A_914, %dma_start3A_915] : memref<2x128x128xf32, #tpu.memory_space<vmem>> -> memref<1x128x128xf32, #tpu.memory_space<vmem>>
          %dma_start3A_917 = tpu.memref_squeeze %dma_start3A_916 : memref<1x128x128xf32, #tpu.memory_space<vmem>> -> memref<128x128xf32, #tpu.memory_space<vmem>>
          %dma_start3A_918 = arith.constant 0 : i32
          %dma_start3A_919 = tpu.memref_slice %arg7[%dma_start3A_911, %dma_start3A_912, %dma_start3A_918] : memref<2x16x128xi32, #tpu.memory_space<vmem>> -> memref<1x1x128xi32, #tpu.memory_space<vmem>>
          %dma_start3A_920 = tpu.memref_squeeze %dma_start3A_919 : memref<1x1x128xi32, #tpu.memory_space<vmem>> -> memref<128xi32, #tpu.memory_space<vmem>>
          %dma_start3A_921 = arith.constant 0 : i32
          %dma_start3A_922 = arith.constant 0 : i32
          %dma_start3A_923 = tpu.memref_slice %arg2[%dma_start3A_921, %dma_start3A_922] : memref<10000x128xf32, #tpu.memory_space<hbm>> -> memref<10000x128xf32, #tpu.memory_space<hbm>>
          tpu.enqueue_indirect_dma source(%dma_start3A_923 : memref<10000x128xf32, #tpu.memory_space<hbm>>) target(%dma_start3A_917 : memref<128x128xf32, #tpu.memory_space<vmem>>) offsets(%dma_start3A_920 : memref<128xi32, #tpu.memory_space<vmem>>) semaphore(%arg11 : memref<!tpu.dma_semaphore, #tpu.memory_space<semaphore_mem>>)
        } else {
        }
        %dma_wait3A_881 = arith.constant 0 : i32
        %dma_wait3A_882 = arith.constant 15 : i32
        %dma_wait3A_883 = arith.constant 1 : i32
        %dma_wait3A_884 = arith.constant 0 : i32
        %dma_wait3A_885 = arith.constant 0 : i32
        %dma_wait3A_886 = tpu.memref_slice %arg9[%dma_wait3A_883, %dma_wait3A_884, %dma_wait3A_885] : memref<2x128x128xf32, #tpu.memory_space<vmem>> -> memref<1x128x128xf32, #tpu.memory_space<vmem>>
        %dma_wait3A_887 = tpu.memref_squeeze %dma_wait3A_886 : memref<1x128x128xf32, #tpu.memory_space<vmem>> -> memref<128x128xf32, #tpu.memory_space<vmem>>
        %dma_wait3A_888 = arith.constant 0 : i32
        %dma_wait3A_889 = tpu.memref_slice %arg7[%dma_wait3A_881, %dma_wait3A_882, %dma_wait3A_888] : memref<2x16x128xi32, #tpu.memory_space<vmem>> -> memref<1x1x128xi32, #tpu.memory_space<vmem>>
        %dma_wait3A_890 = tpu.memref_squeeze %dma_wait3A_889 : memref<1x1x128xi32, #tpu.memory_space<vmem>> -> memref<128xi32, #tpu.memory_space<vmem>>
        %dma_wait3A_891 = arith.constant 0 : i32
        %dma_wait3A_892 = arith.constant 0 : i32
        %dma_wait3A_893 = tpu.memref_slice %arg2[%dma_wait3A_891, %dma_wait3A_892] : memref<10000x128xf32, #tpu.memory_space<hbm>> -> memref<10000x128xf32, #tpu.memory_space<hbm>>
        tpu.wait_indirect_dma semaphore(%arg12 : memref<!tpu.dma_semaphore, #tpu.memory_space<semaphore_mem>>) src(%dma_wait3A_893 : memref<10000x128xf32, #tpu.memory_space<hbm>>) dst(%dma_wait3A_887 : memref<128x128xf32, #tpu.memory_space<vmem>>)
        %run_scoped3A_894 = arith.constant 1 : i32
        %run_scoped3A_895 = arith.constant 0 : i32
        %run_scoped3A_896 = arith.constant 15 : i32
        "tpu.region"() ({
          %run_scoped3A_911 = tpu.sem_alloc : memref<!tpu.dma_semaphore, #tpu.memory_space<semaphore_mem>>
          %dma_start3A_912 = arith.constant 0 : i32
          %dma_start3A_913 = arith.constant 0 : i32
          %dma_start3A_914 = tpu.memref_slice %arg9[%run_scoped3A_894, %dma_start3A_912, %dma_start3A_913] : memref<2x128x128xf32, #tpu.memory_space<vmem>> -> memref<1x128x128xf32, #tpu.memory_space<vmem>>
          %dma_start3A_915 = tpu.memref_squeeze %dma_start3A_914 : memref<1x128x128xf32, #tpu.memory_space<vmem>> -> memref<128x128xf32, #tpu.memory_space<vmem>>
          %dma_start3A_916 = arith.constant 0 : i32
          %dma_start3A_917 = tpu.memref_slice %arg8[%run_scoped3A_895, %run_scoped3A_896, %dma_start3A_916] : memref<2x16x128xi32, #tpu.memory_space<vmem>> -> memref<1x1x128xi32, #tpu.memory_space<vmem>>
          %dma_start3A_918 = tpu.memref_squeeze %dma_start3A_917 : memref<1x1x128xi32, #tpu.memory_space<vmem>> -> memref<128xi32, #tpu.memory_space<vmem>>
          %dma_start3A_919 = arith.constant 0 : i32
          %dma_start3A_920 = arith.constant 0 : i32
          %dma_start3A_921 = tpu.memref_slice %arg10[%dma_start3A_919, %dma_start3A_920] : memref<10240x128xf32, #tpu.memory_space<vmem_shared>> -> memref<10240x128xf32, #tpu.memory_space<vmem_shared>>
          tpu.enqueue_indirect_dma source(%dma_start3A_915 : memref<128x128xf32, #tpu.memory_space<vmem>>) target(%dma_start3A_921 : memref<10240x128xf32, #tpu.memory_space<vmem_shared>>) offsets(%dma_start3A_918 : memref<128xi32, #tpu.memory_space<vmem>>) semaphore(%run_scoped3A_911 : memref<!tpu.dma_semaphore, #tpu.memory_space<semaphore_mem>>) {add = true}
          %dma_wait3A_922 = arith.constant 0 : i32
          %dma_wait3A_923 = arith.constant 0 : i32
          %dma_wait3A_924 = tpu.memref_slice %arg9[%run_scoped3A_894, %dma_wait3A_922, %dma_wait3A_923] : memref<2x128x128xf32, #tpu.memory_space<vmem>> -> memref<1x128x128xf32, #tpu.memory_space<vmem>>
          %dma_wait3A_925 = tpu.memref_squeeze %dma_wait3A_924 : memref<1x128x128xf32, #tpu.memory_space<vmem>> -> memref<128x128xf32, #tpu.memory_space<vmem>>
          %dma_wait3A_926 = arith.constant 0 : i32
          %dma_wait3A_927 = tpu.memref_slice %arg8[%run_scoped3A_895, %run_scoped3A_896, %dma_wait3A_926] : memref<2x16x128xi32, #tpu.memory_space<vmem>> -> memref<1x1x128xi32, #tpu.memory_space<vmem>>
          %dma_wait3A_928 = tpu.memref_squeeze %dma_wait3A_927 : memref<1x1x128xi32, #tpu.memory_space<vmem>> -> memref<128xi32, #tpu.memory_space<vmem>>
          %dma_wait3A_929 = arith.constant 0 : i32
          %dma_wait3A_930 = arith.constant 0 : i32
          %dma_wait3A_931 = tpu.memref_slice %arg10[%dma_wait3A_929, %dma_wait3A_930] : memref<10240x128xf32, #tpu.memory_space<vmem_shared>> -> memref<10240x128xf32, #tpu.memory_space<vmem_shared>>
          tpu.wait_indirect_dma semaphore(%run_scoped3A_911 : memref<!tpu.dma_semaphore, #tpu.memory_space<semaphore_mem>>) src(%dma_wait3A_925 : memref<128x128xf32, #tpu.memory_space<vmem>>) dst(%dma_wait3A_931 : memref<10240x128xf32, #tpu.memory_space<vmem_shared>>)
          tpu.yield
        }) : () -> ()
        %add3A_897 = arith.constant 1 : i32
        %add3A_898 = arith.addi %scan3A_432, %add3A_897 : i32
        %lt3A_899 = arith.constant 5 : i32
        %lt3A_900 = arith.cmpi slt, %add3A_898, %lt3A_899 : i32
        %convert_element_type3A_901 = arith.extui %lt3A_900 : i1 to i32
        %cond3A_902 = arith.constant 0 : i32
        %cond3A_903 = arith.cmpi ne, %convert_element_type3A_901, %cond3A_902 : i32
        scf.if %cond3A_903 {
          %dma_start3A_911 = arith.constant 1 : i32
          %dma_start3A_912 = arith.constant 1 : i32
          %dma_start3A_913 = arith.constant 1 : i32
          %dma_start3A_914 = arith.constant 0 : i32
          %dma_start3A_915 = arith.constant 0 : i32
          %dma_start3A_916 = tpu.memref_slice %arg9[%dma_start3A_913, %dma_start3A_914, %dma_start3A_915] : memref<2x128x128xf32, #tpu.memory_space<vmem>> -> memref<1x128x128xf32, #tpu.memory_space<vmem>>
          %dma_start3A_917 = tpu.memref_squeeze %dma_start3A_916 : memref<1x128x128xf32, #tpu.memory_space<vmem>> -> memref<128x128xf32, #tpu.memory_space<vmem>>
          %dma_start3A_918 = arith.constant 0 : i32
          %dma_start3A_919 = tpu.memref_slice %arg7[%dma_start3A_911, %dma_start3A_912, %dma_start3A_918] : memref<2x16x128xi32, #tpu.memory_space<vmem>> -> memref<1x1x128xi32, #tpu.memory_space<vmem>>
          %dma_start3A_920 = tpu.memref_squeeze %dma_start3A_919 : memref<1x1x128xi32, #tpu.memory_space<vmem>> -> memref<128xi32, #tpu.memory_space<vmem>>
          %dma_start3A_921 = arith.constant 0 : i32
          %dma_start3A_922 = arith.constant 0 : i32
          %dma_start3A_923 = tpu.memref_slice %arg2[%dma_start3A_921, %dma_start3A_922] : memref<10000x128xf32, #tpu.memory_space<hbm>> -> memref<10000x128xf32, #tpu.memory_space<hbm>>
          tpu.enqueue_indirect_dma source(%dma_start3A_923 : memref<10000x128xf32, #tpu.memory_space<hbm>>) target(%dma_start3A_917 : memref<128x128xf32, #tpu.memory_space<vmem>>) offsets(%dma_start3A_920 : memref<128xi32, #tpu.memory_space<vmem>>) semaphore(%arg12 : memref<!tpu.dma_semaphore, #tpu.memory_space<semaphore_mem>>)
        } else {
        }
        %add3A_904 = arith.constant 2 : i32
        %add3A_905 = arith.addi %scan3A_432, %add3A_904 : i32
        %lt3A_906 = arith.constant 5 : i32
        %lt3A_907 = arith.cmpi slt, %add3A_905, %lt3A_906 : i32
        %convert_element_type3A_908 = arith.extui %lt3A_907 : i1 to i32
        %cond3A_909 = arith.constant 0 : i32
        %cond3A_910 = arith.cmpi ne, %convert_element_type3A_908, %cond3A_909 : i32
        scf.if %cond3A_910 {
          %add3A_911 = arith.constant 2 : i32
          %add3A_912 = arith.addi %scan3A_432, %add3A_911 : i32
          %mul3A_913 = arith.constant 16 : i32
          %mul3A_914 = arith.muli %add3A_912, %mul3A_913 : i32
          %add3A_915 = arith.addi %mul3A_2, %mul3A_914 : i32
          %lt3A_916 = arith.constant 2496 : i32
          %lt3A_917 = arith.cmpi slt, %add3A_915, %lt3A_916 : i32
          %convert_element_type3A_918 = arith.extui %lt3A_917 : i1 to i32
          %cond3A_919 = arith.constant 0 : i32
          %cond3A_920 = arith.cmpi ne, %convert_element_type3A_918, %cond3A_919 : i32
          scf.if %cond3A_920 {
            %dma_start3A_926 = arith.constant 0 : i32
            %dma_start3A_927 = arith.constant 0 : i32
            %dma_start3A_928 = arith.constant 0 : i32
            %dma_start3A_929 = arith.constant 0 : i32
            %dma_start3A_930 = tpu.memref_slice %arg7[%dma_start3A_927, %dma_start3A_928, %dma_start3A_929] : memref<2x16x128xi32, #tpu.memory_space<vmem>> -> memref<1x16x128xi32, #tpu.memory_space<vmem>>
            %dma_start3A_931 = tpu.memref_squeeze %dma_start3A_930 : memref<1x16x128xi32, #tpu.memory_space<vmem>> -> memref<16x128xi32, #tpu.memory_space<vmem>>
            %dma_start3A_932 = arith.constant 0 : i32
            %dma_start3A_933 = tpu.memref_slice %arg3[%dma_start3A_926, %add3A_915, %dma_start3A_932] : memref<2x2500x128xi32, #tpu.memory_space<hbm>> -> memref<1x16x128xi32, #tpu.memory_space<hbm>>
            %dma_start3A_934 = tpu.memref_squeeze %dma_start3A_933 : memref<1x16x128xi32, #tpu.memory_space<hbm>> -> memref<16x128xi32, #tpu.memory_space<hbm>>
            %dma_start3A_935 = arith.constant 0 : i32
            %dma_start3A_936 = arith.constant 0 : i32
            %dma_start3A_937 = tpu.memref_slice %arg7[%dma_start3A_927, %dma_start3A_935, %dma_start3A_936] : memref<2x16x128xi32, #tpu.memory_space<vmem>> -> memref<1x16x128xi32, #tpu.memory_space<vmem>>
            %dma_start3A_938 = tpu.memref_squeeze %dma_start3A_937 : memref<1x16x128xi32, #tpu.memory_space<vmem>> -> memref<16x128xi32, #tpu.memory_space<vmem>>
            %dma_start3A_939 = arith.constant 0 : i32
            %dma_start3A_940 = tpu.memref_slice %arg3[%dma_start3A_926, %add3A_915, %dma_start3A_939] : memref<2x2500x128xi32, #tpu.memory_space<hbm>> -> memref<1x16x128xi32, #tpu.memory_space<hbm>>
            %dma_start3A_941 = tpu.memref_squeeze %dma_start3A_940 : memref<1x16x128xi32, #tpu.memory_space<hbm>> -> memref<16x128xi32, #tpu.memory_space<hbm>>
            tpu.enqueue_dma source(%dma_start3A_941 : memref<16x128xi32, #tpu.memory_space<hbm>>) target(%dma_start3A_938 : memref<16x128xi32, #tpu.memory_space<vmem>>) target_semaphore(%arg13 : memref<!tpu.dma_semaphore, #tpu.memory_space<semaphore_mem>>)
            %dma_start3A_942 = arith.constant 1 : i32
            %dma_start3A_943 = arith.constant 0 : i32
            %dma_start3A_944 = arith.constant 0 : i32
            %dma_start3A_945 = arith.constant 0 : i32
            %dma_start3A_946 = tpu.memref_slice %arg8[%dma_start3A_943, %dma_start3A_944, %dma_start3A_945] : memref<2x16x128xi32, #tpu.memory_space<vmem>> -> memref<1x16x128xi32, #tpu.memory_space<vmem>>
            %dma_start3A_947 = tpu.memref_squeeze %dma_start3A_946 : memref<1x16x128xi32, #tpu.memory_space<vmem>> -> memref<16x128xi32, #tpu.memory_space<vmem>>
            %dma_start3A_948 = arith.constant 0 : i32
            %dma_start3A_949 = tpu.memref_slice %arg3[%dma_start3A_942, %add3A_915, %dma_start3A_948] : memref<2x2500x128xi32, #tpu.memory_space<hbm>> -> memref<1x16x128xi32, #tpu.memory_space<hbm>>
            %dma_start3A_950 = tpu.memref_squeeze %dma_start3A_949 : memref<1x16x128xi32, #tpu.memory_space<hbm>> -> memref<16x128xi32, #tpu.memory_space<hbm>>
            %dma_start3A_951 = arith.constant 0 : i32
            %dma_start3A_952 = arith.constant 0 : i32
            %dma_start3A_953 = tpu.memref_slice %arg8[%dma_start3A_943, %dma_start3A_951, %dma_start3A_952] : memref<2x16x128xi32, #tpu.memory_space<vmem>> -> memref<1x16x128xi32, #tpu.memory_space<vmem>>
            %dma_start3A_954 = tpu.memref_squeeze %dma_start3A_953 : memref<1x16x128xi32, #tpu.memory_space<vmem>> -> memref<16x128xi32, #tpu.memory_space<vmem>>
            %dma_start3A_955 = arith.constant 0 : i32
            %dma_start3A_956 = tpu.memref_slice %arg3[%dma_start3A_942, %add3A_915, %dma_start3A_955] : memref<2x2500x128xi32, #tpu.memory_space<hbm>> -> memref<1x16x128xi32, #tpu.memory_space<hbm>>
            %dma_start3A_957 = tpu.memref_squeeze %dma_start3A_956 : memref<1x16x128xi32, #tpu.memory_space<hbm>> -> memref<16x128xi32, #tpu.memory_space<hbm>>
            tpu.enqueue_dma source(%dma_start3A_957 : memref<16x128xi32, #tpu.memory_space<hbm>>) target(%dma_start3A_954 : memref<16x128xi32, #tpu.memory_space<vmem>>) target_semaphore(%arg15 : memref<!tpu.dma_semaphore, #tpu.memory_space<semaphore_mem>>)
          } else {
          }
          %ge3A_921 = arith.constant 2496 : i32
          %ge3A_922 = arith.cmpi sge, %add3A_915, %ge3A_921 : i32
          %convert_element_type3A_923 = arith.extui %ge3A_922 : i1 to i32
          %cond3A_924 = arith.constant 0 : i32
          %cond3A_925 = arith.cmpi ne, %convert_element_type3A_923, %cond3A_924 : i32
          scf.if %cond3A_925 {
            %sub3A = arith.constant 2496 : i32
            %sub3A_926 = arith.subi %add3A_915, %sub3A : i32
            %dma_start3A_927 = arith.constant 0 : i32
            %dma_start3A_928 = arith.constant 0 : i32
            %dma_start3A_929 = arith.constant 0 : i32
            %dma_start3A_930 = arith.constant 0 : i32
            %dma_start3A_931 = tpu.memref_slice %arg7[%dma_start3A_928, %dma_start3A_929, %dma_start3A_930] : memref<2x16x128xi32, #tpu.memory_space<vmem>> -> memref<1x16x128xi32, #tpu.memory_space<vmem>>
            %dma_start3A_932 = tpu.memref_squeeze %dma_start3A_931 : memref<1x16x128xi32, #tpu.memory_space<vmem>> -> memref<16x128xi32, #tpu.memory_space<vmem>>
            %dma_start3A_933 = arith.constant 0 : i32
            %dma_start3A_934 = tpu.memref_slice %arg4[%dma_start3A_927, %sub3A_926, %dma_start3A_933] : memref<2x64x128xi32, #tpu.memory_space<hbm>> -> memref<1x16x128xi32, #tpu.memory_space<hbm>>
            %dma_start3A_935 = tpu.memref_squeeze %dma_start3A_934 : memref<1x16x128xi32, #tpu.memory_space<hbm>> -> memref<16x128xi32, #tpu.memory_space<hbm>>
            %dma_start3A_936 = arith.constant 0 : i32
            %dma_start3A_937 = arith.constant 0 : i32
            %dma_start3A_938 = tpu.memref_slice %arg7[%dma_start3A_928, %dma_start3A_936, %dma_start3A_937] : memref<2x16x128xi32, #tpu.memory_space<vmem>> -> memref<1x16x128xi32, #tpu.memory_space<vmem>>
            %dma_start3A_939 = tpu.memref_squeeze %dma_start3A_938 : memref<1x16x128xi32, #tpu.memory_space<vmem>> -> memref<16x128xi32, #tpu.memory_space<vmem>>
            %dma_start3A_940 = arith.constant 0 : i32
            %dma_start3A_941 = tpu.memref_slice %arg4[%dma_start3A_927, %sub3A_926, %dma_start3A_940] : memref<2x64x128xi32, #tpu.memory_space<hbm>> -> memref<1x16x128xi32, #tpu.memory_space<hbm>>
            %dma_start3A_942 = tpu.memref_squeeze %dma_start3A_941 : memref<1x16x128xi32, #tpu.memory_space<hbm>> -> memref<16x128xi32, #tpu.memory_space<hbm>>
            tpu.enqueue_dma source(%dma_start3A_942 : memref<16x128xi32, #tpu.memory_space<hbm>>) target(%dma_start3A_939 : memref<16x128xi32, #tpu.memory_space<vmem>>) target_semaphore(%arg13 : memref<!tpu.dma_semaphore, #tpu.memory_space<semaphore_mem>>)
            %dma_start3A_943 = arith.constant 1 : i32
            %dma_start3A_944 = arith.constant 0 : i32
            %dma_start3A_945 = arith.constant 0 : i32
            %dma_start3A_946 = arith.constant 0 : i32
            %dma_start3A_947 = tpu.memref_slice %arg8[%dma_start3A_944, %dma_start3A_945, %dma_start3A_946] : memref<2x16x128xi32, #tpu.memory_space<vmem>> -> memref<1x16x128xi32, #tpu.memory_space<vmem>>
            %dma_start3A_948 = tpu.memref_squeeze %dma_start3A_947 : memref<1x16x128xi32, #tpu.memory_space<vmem>> -> memref<16x128xi32, #tpu.memory_space<vmem>>
            %dma_start3A_949 = arith.constant 0 : i32
            %dma_start3A_950 = tpu.memref_slice %arg4[%dma_start3A_943, %sub3A_926, %dma_start3A_949] : memref<2x64x128xi32, #tpu.memory_space<hbm>> -> memref<1x16x128xi32, #tpu.memory_space<hbm>>
            %dma_start3A_951 = tpu.memref_squeeze %dma_start3A_950 : memref<1x16x128xi32, #tpu.memory_space<hbm>> -> memref<16x128xi32, #tpu.memory_space<hbm>>
            %dma_start3A_952 = arith.constant 0 : i32
            %dma_start3A_953 = arith.constant 0 : i32
            %dma_start3A_954 = tpu.memref_slice %arg8[%dma_start3A_944, %dma_start3A_952, %dma_start3A_953] : memref<2x16x128xi32, #tpu.memory_space<vmem>> -> memref<1x16x128xi32, #tpu.memory_space<vmem>>
            %dma_start3A_955 = tpu.memref_squeeze %dma_start3A_954 : memref<1x16x128xi32, #tpu.memory_space<vmem>> -> memref<16x128xi32, #tpu.memory_space<vmem>>
            %dma_start3A_956 = arith.constant 0 : i32
            %dma_start3A_957 = tpu.memref_slice %arg4[%dma_start3A_943, %sub3A_926, %dma_start3A_956] : memref<2x64x128xi32, #tpu.memory_space<hbm>> -> memref<1x16x128xi32, #tpu.memory_space<hbm>>
            %dma_start3A_958 = tpu.memref_squeeze %dma_start3A_957 : memref<1x16x128xi32, #tpu.memory_space<hbm>> -> memref<16x128xi32, #tpu.memory_space<hbm>>
            tpu.enqueue_dma source(%dma_start3A_958 : memref<16x128xi32, #tpu.memory_space<hbm>>) target(%dma_start3A_955 : memref<16x128xi32, #tpu.memory_space<vmem>>) target_semaphore(%arg15 : memref<!tpu.dma_semaphore, #tpu.memory_space<semaphore_mem>>)
          } else {
          }
        } else {
        }
      } else {
      }
      %rem3A_438 = arith.constant 2 : i32
      %rem3A_439 = arith.remsi %scan3A_432, %rem3A_438 : i32
      %eq3A_440 = arith.constant 1 : i32
      %eq3A_441 = arith.cmpi eq, %rem3A_439, %eq3A_440 : i32
      %convert_element_type3A_442 = arith.extui %eq3A_441 : i1 to i32
      %cond3A_443 = arith.constant 0 : i32
      %cond3A_444 = arith.cmpi ne, %convert_element_type3A_442, %cond3A_443 : i32
      scf.if %cond3A_444 {
        %dma_wait3A_445 = arith.constant 1 : i32
        %dma_wait3A_446 = arith.constant 0 : i32
        %dma_wait3A_447 = arith.constant 0 : i32
        %dma_wait3A_448 = arith.constant 0 : i32
        %dma_wait3A_449 = arith.constant 0 : i32
        %dma_wait3A_450 = tpu.memref_slice %arg9[%dma_wait3A_447, %dma_wait3A_448, %dma_wait3A_449] : memref<2x128x128xf32, #tpu.memory_space<vmem>> -> memref<1x128x128xf32, #tpu.memory_space<vmem>>
        %dma_wait3A_451 = tpu.memref_squeeze %dma_wait3A_450 : memref<1x128x128xf32, #tpu.memory_space<vmem>> -> memref<128x128xf32, #tpu.memory_space<vmem>>
        %dma_wait3A_452 = arith.constant 0 : i32
        %dma_wait3A_453 = tpu.memref_slice %arg7[%dma_wait3A_445, %dma_wait3A_446, %dma_wait3A_452] : memref<2x16x128xi32, #tpu.memory_space<vmem>> -> memref<1x1x128xi32, #tpu.memory_space<vmem>>
        %dma_wait3A_454 = tpu.memref_squeeze %dma_wait3A_453 : memref<1x1x128xi32, #tpu.memory_space<vmem>> -> memref<128xi32, #tpu.memory_space<vmem>>
        %dma_wait3A_455 = arith.constant 0 : i32
        %dma_wait3A_456 = arith.constant 0 : i32
        %dma_wait3A_457 = tpu.memref_slice %arg2[%dma_wait3A_455, %dma_wait3A_456] : memref<10000x128xf32, #tpu.memory_space<hbm>> -> memref<10000x128xf32, #tpu.memory_space<hbm>>
        tpu.wait_indirect_dma semaphore(%arg11 : memref<!tpu.dma_semaphore, #tpu.memory_space<semaphore_mem>>) src(%dma_wait3A_457 : memref<10000x128xf32, #tpu.memory_space<hbm>>) dst(%dma_wait3A_451 : memref<128x128xf32, #tpu.memory_space<vmem>>)
        %run_scoped3A_458 = arith.constant 0 : i32
        %run_scoped3A_459 = arith.constant 1 : i32
        %run_scoped3A_460 = arith.constant 0 : i32
        "tpu.region"() ({
          %run_scoped3A_911 = tpu.sem_alloc : memref<!tpu.dma_semaphore, #tpu.memory_space<semaphore_mem>>
          %dma_start3A_912 = arith.constant 0 : i32
          %dma_start3A_913 = arith.constant 0 : i32
          %dma_start3A_914 = tpu.memref_slice %arg9[%run_scoped3A_458, %dma_start3A_912, %dma_start3A_913] : memref<2x128x128xf32, #tpu.memory_space<vmem>> -> memref<1x128x128xf32, #tpu.memory_space<vmem>>
          %dma_start3A_915 = tpu.memref_squeeze %dma_start3A_914 : memref<1x128x128xf32, #tpu.memory_space<vmem>> -> memref<128x128xf32, #tpu.memory_space<vmem>>
          %dma_start3A_916 = arith.constant 0 : i32
          %dma_start3A_917 = tpu.memref_slice %arg8[%run_scoped3A_459, %run_scoped3A_460, %dma_start3A_916] : memref<2x16x128xi32, #tpu.memory_space<vmem>> -> memref<1x1x128xi32, #tpu.memory_space<vmem>>
          %dma_start3A_918 = tpu.memref_squeeze %dma_start3A_917 : memref<1x1x128xi32, #tpu.memory_space<vmem>> -> memref<128xi32, #tpu.memory_space<vmem>>
          %dma_start3A_919 = arith.constant 0 : i32
          %dma_start3A_920 = arith.constant 0 : i32
          %dma_start3A_921 = tpu.memref_slice %arg10[%dma_start3A_919, %dma_start3A_920] : memref<10240x128xf32, #tpu.memory_space<vmem_shared>> -> memref<10240x128xf32, #tpu.memory_space<vmem_shared>>
          tpu.enqueue_indirect_dma source(%dma_start3A_915 : memref<128x128xf32, #tpu.memory_space<vmem>>) target(%dma_start3A_921 : memref<10240x128xf32, #tpu.memory_space<vmem_shared>>) offsets(%dma_start3A_918 : memref<128xi32, #tpu.memory_space<vmem>>) semaphore(%run_scoped3A_911 : memref<!tpu.dma_semaphore, #tpu.memory_space<semaphore_mem>>) {add = true}
          %dma_wait3A_922 = arith.constant 0 : i32
          %dma_wait3A_923 = arith.constant 0 : i32
          %dma_wait3A_924 = tpu.memref_slice %arg9[%run_scoped3A_458, %dma_wait3A_922, %dma_wait3A_923] : memref<2x128x128xf32, #tpu.memory_space<vmem>> -> memref<1x128x128xf32, #tpu.memory_space<vmem>>
          %dma_wait3A_925 = tpu.memref_squeeze %dma_wait3A_924 : memref<1x128x128xf32, #tpu.memory_space<vmem>> -> memref<128x128xf32, #tpu.memory_space<vmem>>
          %dma_wait3A_926 = arith.constant 0 : i32
          %dma_wait3A_927 = tpu.memref_slice %arg8[%run_scoped3A_459, %run_scoped3A_460, %dma_wait3A_926] : memref<2x16x128xi32, #tpu.memory_space<vmem>> -> memref<1x1x128xi32, #tpu.memory_space<vmem>>
          %dma_wait3A_928 = tpu.memref_squeeze %dma_wait3A_927 : memref<1x1x128xi32, #tpu.memory_space<vmem>> -> memref<128xi32, #tpu.memory_space<vmem>>
          %dma_wait3A_929 = arith.constant 0 : i32
          %dma_wait3A_930 = arith.constant 0 : i32
          %dma_wait3A_931 = tpu.memref_slice %arg10[%dma_wait3A_929, %dma_wait3A_930] : memref<10240x128xf32, #tpu.memory_space<vmem_shared>> -> memref<10240x128xf32, #tpu.memory_space<vmem_shared>>
          tpu.wait_indirect_dma semaphore(%run_scoped3A_911 : memref<!tpu.dma_semaphore, #tpu.memory_space<semaphore_mem>>) src(%dma_wait3A_925 : memref<128x128xf32, #tpu.memory_space<vmem>>) dst(%dma_wait3A_931 : memref<10240x128xf32, #tpu.memory_space<vmem_shared>>)
          tpu.yield
        }) : () -> ()
        %dma_start3A_461 = arith.constant 1 : i32
        %dma_start3A_462 = arith.constant 2 : i32
        %dma_start3A_463 = arith.constant 0 : i32
        %dma_start3A_464 = arith.constant 0 : i32
        %dma_start3A_465 = arith.constant 0 : i32
        %dma_start3A_466 = tpu.memref_slice %arg9[%dma_start3A_463, %dma_start3A_464, %dma_start3A_465] : memref<2x128x128xf32, #tpu.memory_space<vmem>> -> memref<1x128x128xf32, #tpu.memory_space<vmem>>
        %dma_start3A_467 = tpu.memref_squeeze %dma_start3A_466 : memref<1x128x128xf32, #tpu.memory_space<vmem>> -> memref<128x128xf32, #tpu.memory_space<vmem>>
        %dma_start3A_468 = arith.constant 0 : i32
        %dma_start3A_469 = tpu.memref_slice %arg7[%dma_start3A_461, %dma_start3A_462, %dma_start3A_468] : memref<2x16x128xi32, #tpu.memory_space<vmem>> -> memref<1x1x128xi32, #tpu.memory_space<vmem>>
        %dma_start3A_470 = tpu.memref_squeeze %dma_start3A_469 : memref<1x1x128xi32, #tpu.memory_space<vmem>> -> memref<128xi32, #tpu.memory_space<vmem>>
        %dma_start3A_471 = arith.constant 0 : i32
        %dma_start3A_472 = arith.constant 0 : i32
        %dma_start3A_473 = tpu.memref_slice %arg2[%dma_start3A_471, %dma_start3A_472] : memref<10000x128xf32, #tpu.memory_space<hbm>> -> memref<10000x128xf32, #tpu.memory_space<hbm>>
        tpu.enqueue_indirect_dma source(%dma_start3A_473 : memref<10000x128xf32, #tpu.memory_space<hbm>>) target(%dma_start3A_467 : memref<128x128xf32, #tpu.memory_space<vmem>>) offsets(%dma_start3A_470 : memref<128xi32, #tpu.memory_space<vmem>>) semaphore(%arg11 : memref<!tpu.dma_semaphore, #tpu.memory_space<semaphore_mem>>)
        %dma_wait3A_474 = arith.constant 1 : i32
        %dma_wait3A_475 = arith.constant 1 : i32
        %dma_wait3A_476 = arith.constant 1 : i32
        %dma_wait3A_477 = arith.constant 0 : i32
        %dma_wait3A_478 = arith.constant 0 : i32
        %dma_wait3A_479 = tpu.memref_slice %arg9[%dma_wait3A_476, %dma_wait3A_477, %dma_wait3A_478] : memref<2x128x128xf32, #tpu.memory_space<vmem>> -> memref<1x128x128xf32, #tpu.memory_space<vmem>>
        %dma_wait3A_480 = tpu.memref_squeeze %dma_wait3A_479 : memref<1x128x128xf32, #tpu.memory_space<vmem>> -> memref<128x128xf32, #tpu.memory_space<vmem>>
        %dma_wait3A_481 = arith.constant 0 : i32
        %dma_wait3A_482 = tpu.memref_slice %arg7[%dma_wait3A_474, %dma_wait3A_475, %dma_wait3A_481] : memref<2x16x128xi32, #tpu.memory_space<vmem>> -> memref<1x1x128xi32, #tpu.memory_space<vmem>>
        %dma_wait3A_483 = tpu.memref_squeeze %dma_wait3A_482 : memref<1x1x128xi32, #tpu.memory_space<vmem>> -> memref<128xi32, #tpu.memory_space<vmem>>
        %dma_wait3A_484 = arith.constant 0 : i32
        %dma_wait3A_485 = arith.constant 0 : i32
        %dma_wait3A_486 = tpu.memref_slice %arg2[%dma_wait3A_484, %dma_wait3A_485] : memref<10000x128xf32, #tpu.memory_space<hbm>> -> memref<10000x128xf32, #tpu.memory_space<hbm>>
        tpu.wait_indirect_dma semaphore(%arg12 : memref<!tpu.dma_semaphore, #tpu.memory_space<semaphore_mem>>) src(%dma_wait3A_486 : memref<10000x128xf32, #tpu.memory_space<hbm>>) dst(%dma_wait3A_480 : memref<128x128xf32, #tpu.memory_space<vmem>>)
        %run_scoped3A_487 = arith.constant 1 : i32
        %run_scoped3A_488 = arith.constant 1 : i32
        %run_scoped3A_489 = arith.constant 1 : i32
        "tpu.region"() ({
          %run_scoped3A_911 = tpu.sem_alloc : memref<!tpu.dma_semaphore, #tpu.memory_space<semaphore_mem>>
          %dma_start3A_912 = arith.constant 0 : i32
          %dma_start3A_913 = arith.constant 0 : i32
          %dma_start3A_914 = tpu.memref_slice %arg9[%run_scoped3A_487, %dma_start3A_912, %dma_start3A_913] : memref<2x128x128xf32, #tpu.memory_space<vmem>> -> memref<1x128x128xf32, #tpu.memory_space<vmem>>
          %dma_start3A_915 = tpu.memref_squeeze %dma_start3A_914 : memref<1x128x128xf32, #tpu.memory_space<vmem>> -> memref<128x128xf32, #tpu.memory_space<vmem>>
          %dma_start3A_916 = arith.constant 0 : i32
          %dma_start3A_917 = tpu.memref_slice %arg8[%run_scoped3A_488, %run_scoped3A_489, %dma_start3A_916] : memref<2x16x128xi32, #tpu.memory_space<vmem>> -> memref<1x1x128xi32, #tpu.memory_space<vmem>>
          %dma_start3A_918 = tpu.memref_squeeze %dma_start3A_917 : memref<1x1x128xi32, #tpu.memory_space<vmem>> -> memref<128xi32, #tpu.memory_space<vmem>>
          %dma_start3A_919 = arith.constant 0 : i32
          %dma_start3A_920 = arith.constant 0 : i32
          %dma_start3A_921 = tpu.memref_slice %arg10[%dma_start3A_919, %dma_start3A_920] : memref<10240x128xf32, #tpu.memory_space<vmem_shared>> -> memref<10240x128xf32, #tpu.memory_space<vmem_shared>>
          tpu.enqueue_indirect_dma source(%dma_start3A_915 : memref<128x128xf32, #tpu.memory_space<vmem>>) target(%dma_start3A_921 : memref<10240x128xf32, #tpu.memory_space<vmem_shared>>) offsets(%dma_start3A_918 : memref<128xi32, #tpu.memory_space<vmem>>) semaphore(%run_scoped3A_911 : memref<!tpu.dma_semaphore, #tpu.memory_space<semaphore_mem>>) {add = true}
          %dma_wait3A_922 = arith.constant 0 : i32
          %dma_wait3A_923 = arith.constant 0 : i32
          %dma_wait3A_924 = tpu.memref_slice %arg9[%run_scoped3A_487, %dma_wait3A_922, %dma_wait3A_923] : memref<2x128x128xf32, #tpu.memory_space<vmem>> -> memref<1x128x128xf32, #tpu.memory_space<vmem>>
          %dma_wait3A_925 = tpu.memref_squeeze %dma_wait3A_924 : memref<1x128x128xf32, #tpu.memory_space<vmem>> -> memref<128x128xf32, #tpu.memory_space<vmem>>
          %dma_wait3A_926 = arith.constant 0 : i32
          %dma_wait3A_927 = tpu.memref_slice %arg8[%run_scoped3A_488, %run_scoped3A_489, %dma_wait3A_926] : memref<2x16x128xi32, #tpu.memory_space<vmem>> -> memref<1x1x128xi32, #tpu.memory_space<vmem>>
          %dma_wait3A_928 = tpu.memref_squeeze %dma_wait3A_927 : memref<1x1x128xi32, #tpu.memory_space<vmem>> -> memref<128xi32, #tpu.memory_space<vmem>>
          %dma_wait3A_929 = arith.constant 0 : i32
          %dma_wait3A_930 = arith.constant 0 : i32
          %dma_wait3A_931 = tpu.memref_slice %arg10[%dma_wait3A_929, %dma_wait3A_930] : memref<10240x128xf32, #tpu.memory_space<vmem_shared>> -> memref<10240x128xf32, #tpu.memory_space<vmem_shared>>
          tpu.wait_indirect_dma semaphore(%run_scoped3A_911 : memref<!tpu.dma_semaphore, #tpu.memory_space<semaphore_mem>>) src(%dma_wait3A_925 : memref<128x128xf32, #tpu.memory_space<vmem>>) dst(%dma_wait3A_931 : memref<10240x128xf32, #tpu.memory_space<vmem_shared>>)
          tpu.yield
        }) : () -> ()
        %dma_start3A_490 = arith.constant 1 : i32
        %dma_start3A_491 = arith.constant 3 : i32
        %dma_start3A_492 = arith.constant 1 : i32
        %dma_start3A_493 = arith.constant 0 : i32
        %dma_start3A_494 = arith.constant 0 : i32
        %dma_start3A_495 = tpu.memref_slice %arg9[%dma_start3A_492, %dma_start3A_493, %dma_start3A_494] : memref<2x128x128xf32, #tpu.memory_space<vmem>> -> memref<1x128x128xf32, #tpu.memory_space<vmem>>
        %dma_start3A_496 = tpu.memref_squeeze %dma_start3A_495 : memref<1x128x128xf32, #tpu.memory_space<vmem>> -> memref<128x128xf32, #tpu.memory_space<vmem>>
        %dma_start3A_497 = arith.constant 0 : i32
        %dma_start3A_498 = tpu.memref_slice %arg7[%dma_start3A_490, %dma_start3A_491, %dma_start3A_497] : memref<2x16x128xi32, #tpu.memory_space<vmem>> -> memref<1x1x128xi32, #tpu.memory_space<vmem>>
        %dma_start3A_499 = tpu.memref_squeeze %dma_start3A_498 : memref<1x1x128xi32, #tpu.memory_space<vmem>> -> memref<128xi32, #tpu.memory_space<vmem>>
        %dma_start3A_500 = arith.constant 0 : i32
        %dma_start3A_501 = arith.constant 0 : i32
        %dma_start3A_502 = tpu.memref_slice %arg2[%dma_start3A_500, %dma_start3A_501] : memref<10000x128xf32, #tpu.memory_space<hbm>> -> memref<10000x128xf32, #tpu.memory_space<hbm>>
        tpu.enqueue_indirect_dma source(%dma_start3A_502 : memref<10000x128xf32, #tpu.memory_space<hbm>>) target(%dma_start3A_496 : memref<128x128xf32, #tpu.memory_space<vmem>>) offsets(%dma_start3A_499 : memref<128xi32, #tpu.memory_space<vmem>>) semaphore(%arg12 : memref<!tpu.dma_semaphore, #tpu.memory_space<semaphore_mem>>)
        %dma_wait3A_503 = arith.constant 1 : i32
        %dma_wait3A_504 = arith.constant 2 : i32
        %dma_wait3A_505 = arith.constant 0 : i32
        %dma_wait3A_506 = arith.constant 0 : i32
        %dma_wait3A_507 = arith.constant 0 : i32
        %dma_wait3A_508 = tpu.memref_slice %arg9[%dma_wait3A_505, %dma_wait3A_506, %dma_wait3A_507] : memref<2x128x128xf32, #tpu.memory_space<vmem>> -> memref<1x128x128xf32, #tpu.memory_space<vmem>>
        %dma_wait3A_509 = tpu.memref_squeeze %dma_wait3A_508 : memref<1x128x128xf32, #tpu.memory_space<vmem>> -> memref<128x128xf32, #tpu.memory_space<vmem>>
        %dma_wait3A_510 = arith.constant 0 : i32
        %dma_wait3A_511 = tpu.memref_slice %arg7[%dma_wait3A_503, %dma_wait3A_504, %dma_wait3A_510] : memref<2x16x128xi32, #tpu.memory_space<vmem>> -> memref<1x1x128xi32, #tpu.memory_space<vmem>>
        %dma_wait3A_512 = tpu.memref_squeeze %dma_wait3A_511 : memref<1x1x128xi32, #tpu.memory_space<vmem>> -> memref<128xi32, #tpu.memory_space<vmem>>
        %dma_wait3A_513 = arith.constant 0 : i32
        %dma_wait3A_514 = arith.constant 0 : i32
        %dma_wait3A_515 = tpu.memref_slice %arg2[%dma_wait3A_513, %dma_wait3A_514] : memref<10000x128xf32, #tpu.memory_space<hbm>> -> memref<10000x128xf32, #tpu.memory_space<hbm>>
        tpu.wait_indirect_dma semaphore(%arg11 : memref<!tpu.dma_semaphore, #tpu.memory_space<semaphore_mem>>) src(%dma_wait3A_515 : memref<10000x128xf32, #tpu.memory_space<hbm>>) dst(%dma_wait3A_509 : memref<128x128xf32, #tpu.memory_space<vmem>>)
        %run_scoped3A_516 = arith.constant 0 : i32
        %run_scoped3A_517 = arith.constant 1 : i32
        %run_scoped3A_518 = arith.constant 2 : i32
        "tpu.region"() ({
          %run_scoped3A_911 = tpu.sem_alloc : memref<!tpu.dma_semaphore, #tpu.memory_space<semaphore_mem>>
          %dma_start3A_912 = arith.constant 0 : i32
          %dma_start3A_913 = arith.constant 0 : i32
          %dma_start3A_914 = tpu.memref_slice %arg9[%run_scoped3A_516, %dma_start3A_912, %dma_start3A_913] : memref<2x128x128xf32, #tpu.memory_space<vmem>> -> memref<1x128x128xf32, #tpu.memory_space<vmem>>
          %dma_start3A_915 = tpu.memref_squeeze %dma_start3A_914 : memref<1x128x128xf32, #tpu.memory_space<vmem>> -> memref<128x128xf32, #tpu.memory_space<vmem>>
          %dma_start3A_916 = arith.constant 0 : i32
          %dma_start3A_917 = tpu.memref_slice %arg8[%run_scoped3A_517, %run_scoped3A_518, %dma_start3A_916] : memref<2x16x128xi32, #tpu.memory_space<vmem>> -> memref<1x1x128xi32, #tpu.memory_space<vmem>>
          %dma_start3A_918 = tpu.memref_squeeze %dma_start3A_917 : memref<1x1x128xi32, #tpu.memory_space<vmem>> -> memref<128xi32, #tpu.memory_space<vmem>>
          %dma_start3A_919 = arith.constant 0 : i32
          %dma_start3A_920 = arith.constant 0 : i32
          %dma_start3A_921 = tpu.memref_slice %arg10[%dma_start3A_919, %dma_start3A_920] : memref<10240x128xf32, #tpu.memory_space<vmem_shared>> -> memref<10240x128xf32, #tpu.memory_space<vmem_shared>>
          tpu.enqueue_indirect_dma source(%dma_start3A_915 : memref<128x128xf32, #tpu.memory_space<vmem>>) target(%dma_start3A_921 : memref<10240x128xf32, #tpu.memory_space<vmem_shared>>) offsets(%dma_start3A_918 : memref<128xi32, #tpu.memory_space<vmem>>) semaphore(%run_scoped3A_911 : memref<!tpu.dma_semaphore, #tpu.memory_space<semaphore_mem>>) {add = true}
          %dma_wait3A_922 = arith.constant 0 : i32
          %dma_wait3A_923 = arith.constant 0 : i32
          %dma_wait3A_924 = tpu.memref_slice %arg9[%run_scoped3A_516, %dma_wait3A_922, %dma_wait3A_923] : memref<2x128x128xf32, #tpu.memory_space<vmem>> -> memref<1x128x128xf32, #tpu.memory_space<vmem>>
          %dma_wait3A_925 = tpu.memref_squeeze %dma_wait3A_924 : memref<1x128x128xf32, #tpu.memory_space<vmem>> -> memref<128x128xf32, #tpu.memory_space<vmem>>
          %dma_wait3A_926 = arith.constant 0 : i32
          %dma_wait3A_927 = tpu.memref_slice %arg8[%run_scoped3A_517, %run_scoped3A_518, %dma_wait3A_926] : memref<2x16x128xi32, #tpu.memory_space<vmem>> -> memref<1x1x128xi32, #tpu.memory_space<vmem>>
          %dma_wait3A_928 = tpu.memref_squeeze %dma_wait3A_927 : memref<1x1x128xi32, #tpu.memory_space<vmem>> -> memref<128xi32, #tpu.memory_space<vmem>>
          %dma_wait3A_929 = arith.constant 0 : i32
          %dma_wait3A_930 = arith.constant 0 : i32
          %dma_wait3A_931 = tpu.memref_slice %arg10[%dma_wait3A_929, %dma_wait3A_930] : memref<10240x128xf32, #tpu.memory_space<vmem_shared>> -> memref<10240x128xf32, #tpu.memory_space<vmem_shared>>
          tpu.wait_indirect_dma semaphore(%run_scoped3A_911 : memref<!tpu.dma_semaphore, #tpu.memory_space<semaphore_mem>>) src(%dma_wait3A_925 : memref<128x128xf32, #tpu.memory_space<vmem>>) dst(%dma_wait3A_931 : memref<10240x128xf32, #tpu.memory_space<vmem_shared>>)
          tpu.yield
        }) : () -> ()
        %dma_start3A_519 = arith.constant 1 : i32
        %dma_start3A_520 = arith.constant 4 : i32
        %dma_start3A_521 = arith.constant 0 : i32
        %dma_start3A_522 = arith.constant 0 : i32
        %dma_start3A_523 = arith.constant 0 : i32
        %dma_start3A_524 = tpu.memref_slice %arg9[%dma_start3A_521, %dma_start3A_522, %dma_start3A_523] : memref<2x128x128xf32, #tpu.memory_space<vmem>> -> memref<1x128x128xf32, #tpu.memory_space<vmem>>
        %dma_start3A_525 = tpu.memref_squeeze %dma_start3A_524 : memref<1x128x128xf32, #tpu.memory_space<vmem>> -> memref<128x128xf32, #tpu.memory_space<vmem>>
        %dma_start3A_526 = arith.constant 0 : i32
        %dma_start3A_527 = tpu.memref_slice %arg7[%dma_start3A_519, %dma_start3A_520, %dma_start3A_526] : memref<2x16x128xi32, #tpu.memory_space<vmem>> -> memref<1x1x128xi32, #tpu.memory_space<vmem>>
        %dma_start3A_528 = tpu.memref_squeeze %dma_start3A_527 : memref<1x1x128xi32, #tpu.memory_space<vmem>> -> memref<128xi32, #tpu.memory_space<vmem>>
        %dma_start3A_529 = arith.constant 0 : i32
        %dma_start3A_530 = arith.constant 0 : i32
        %dma_start3A_531 = tpu.memref_slice %arg2[%dma_start3A_529, %dma_start3A_530] : memref<10000x128xf32, #tpu.memory_space<hbm>> -> memref<10000x128xf32, #tpu.memory_space<hbm>>
        tpu.enqueue_indirect_dma source(%dma_start3A_531 : memref<10000x128xf32, #tpu.memory_space<hbm>>) target(%dma_start3A_525 : memref<128x128xf32, #tpu.memory_space<vmem>>) offsets(%dma_start3A_528 : memref<128xi32, #tpu.memory_space<vmem>>) semaphore(%arg11 : memref<!tpu.dma_semaphore, #tpu.memory_space<semaphore_mem>>)
        %dma_wait3A_532 = arith.constant 1 : i32
        %dma_wait3A_533 = arith.constant 3 : i32
        %dma_wait3A_534 = arith.constant 1 : i32
        %dma_wait3A_535 = arith.constant 0 : i32
        %dma_wait3A_536 = arith.constant 0 : i32
        %dma_wait3A_537 = tpu.memref_slice %arg9[%dma_wait3A_534, %dma_wait3A_535, %dma_wait3A_536] : memref<2x128x128xf32, #tpu.memory_space<vmem>> -> memref<1x128x128xf32, #tpu.memory_space<vmem>>
        %dma_wait3A_538 = tpu.memref_squeeze %dma_wait3A_537 : memref<1x128x128xf32, #tpu.memory_space<vmem>> -> memref<128x128xf32, #tpu.memory_space<vmem>>
        %dma_wait3A_539 = arith.constant 0 : i32
        %dma_wait3A_540 = tpu.memref_slice %arg7[%dma_wait3A_532, %dma_wait3A_533, %dma_wait3A_539] : memref<2x16x128xi32, #tpu.memory_space<vmem>> -> memref<1x1x128xi32, #tpu.memory_space<vmem>>
        %dma_wait3A_541 = tpu.memref_squeeze %dma_wait3A_540 : memref<1x1x128xi32, #tpu.memory_space<vmem>> -> memref<128xi32, #tpu.memory_space<vmem>>
        %dma_wait3A_542 = arith.constant 0 : i32
        %dma_wait3A_543 = arith.constant 0 : i32
        %dma_wait3A_544 = tpu.memref_slice %arg2[%dma_wait3A_542, %dma_wait3A_543] : memref<10000x128xf32, #tpu.memory_space<hbm>> -> memref<10000x128xf32, #tpu.memory_space<hbm>>
        tpu.wait_indirect_dma semaphore(%arg12 : memref<!tpu.dma_semaphore, #tpu.memory_space<semaphore_mem>>) src(%dma_wait3A_544 : memref<10000x128xf32, #tpu.memory_space<hbm>>) dst(%dma_wait3A_538 : memref<128x128xf32, #tpu.memory_space<vmem>>)
        %run_scoped3A_545 = arith.constant 1 : i32
        %run_scoped3A_546 = arith.constant 1 : i32
        %run_scoped3A_547 = arith.constant 3 : i32
        "tpu.region"() ({
          %run_scoped3A_911 = tpu.sem_alloc : memref<!tpu.dma_semaphore, #tpu.memory_space<semaphore_mem>>
          %dma_start3A_912 = arith.constant 0 : i32
          %dma_start3A_913 = arith.constant 0 : i32
          %dma_start3A_914 = tpu.memref_slice %arg9[%run_scoped3A_545, %dma_start3A_912, %dma_start3A_913] : memref<2x128x128xf32, #tpu.memory_space<vmem>> -> memref<1x128x128xf32, #tpu.memory_space<vmem>>
          %dma_start3A_915 = tpu.memref_squeeze %dma_start3A_914 : memref<1x128x128xf32, #tpu.memory_space<vmem>> -> memref<128x128xf32, #tpu.memory_space<vmem>>
          %dma_start3A_916 = arith.constant 0 : i32
          %dma_start3A_917 = tpu.memref_slice %arg8[%run_scoped3A_546, %run_scoped3A_547, %dma_start3A_916] : memref<2x16x128xi32, #tpu.memory_space<vmem>> -> memref<1x1x128xi32, #tpu.memory_space<vmem>>
          %dma_start3A_918 = tpu.memref_squeeze %dma_start3A_917 : memref<1x1x128xi32, #tpu.memory_space<vmem>> -> memref<128xi32, #tpu.memory_space<vmem>>
          %dma_start3A_919 = arith.constant 0 : i32
          %dma_start3A_920 = arith.constant 0 : i32
          %dma_start3A_921 = tpu.memref_slice %arg10[%dma_start3A_919, %dma_start3A_920] : memref<10240x128xf32, #tpu.memory_space<vmem_shared>> -> memref<10240x128xf32, #tpu.memory_space<vmem_shared>>
          tpu.enqueue_indirect_dma source(%dma_start3A_915 : memref<128x128xf32, #tpu.memory_space<vmem>>) target(%dma_start3A_921 : memref<10240x128xf32, #tpu.memory_space<vmem_shared>>) offsets(%dma_start3A_918 : memref<128xi32, #tpu.memory_space<vmem>>) semaphore(%run_scoped3A_911 : memref<!tpu.dma_semaphore, #tpu.memory_space<semaphore_mem>>) {add = true}
          %dma_wait3A_922 = arith.constant 0 : i32
          %dma_wait3A_923 = arith.constant 0 : i32
          %dma_wait3A_924 = tpu.memref_slice %arg9[%run_scoped3A_545, %dma_wait3A_922, %dma_wait3A_923] : memref<2x128x128xf32, #tpu.memory_space<vmem>> -> memref<1x128x128xf32, #tpu.memory_space<vmem>>
          %dma_wait3A_925 = tpu.memref_squeeze %dma_wait3A_924 : memref<1x128x128xf32, #tpu.memory_space<vmem>> -> memref<128x128xf32, #tpu.memory_space<vmem>>
          %dma_wait3A_926 = arith.constant 0 : i32
          %dma_wait3A_927 = tpu.memref_slice %arg8[%run_scoped3A_546, %run_scoped3A_547, %dma_wait3A_926] : memref<2x16x128xi32, #tpu.memory_space<vmem>> -> memref<1x1x128xi32, #tpu.memory_space<vmem>>
          %dma_wait3A_928 = tpu.memref_squeeze %dma_wait3A_927 : memref<1x1x128xi32, #tpu.memory_space<vmem>> -> memref<128xi32, #tpu.memory_space<vmem>>
          %dma_wait3A_929 = arith.constant 0 : i32
          %dma_wait3A_930 = arith.constant 0 : i32
          %dma_wait3A_931 = tpu.memref_slice %arg10[%dma_wait3A_929, %dma_wait3A_930] : memref<10240x128xf32, #tpu.memory_space<vmem_shared>> -> memref<10240x128xf32, #tpu.memory_space<vmem_shared>>
          tpu.wait_indirect_dma semaphore(%run_scoped3A_911 : memref<!tpu.dma_semaphore, #tpu.memory_space<semaphore_mem>>) src(%dma_wait3A_925 : memref<128x128xf32, #tpu.memory_space<vmem>>) dst(%dma_wait3A_931 : memref<10240x128xf32, #tpu.memory_space<vmem_shared>>)
          tpu.yield
        }) : () -> ()
        %dma_start3A_548 = arith.constant 1 : i32
        %dma_start3A_549 = arith.constant 5 : i32
        %dma_start3A_550 = arith.constant 1 : i32
        %dma_start3A_551 = arith.constant 0 : i32
        %dma_start3A_552 = arith.constant 0 : i32
        %dma_start3A_553 = tpu.memref_slice %arg9[%dma_start3A_550, %dma_start3A_551, %dma_start3A_552] : memref<2x128x128xf32, #tpu.memory_space<vmem>> -> memref<1x128x128xf32, #tpu.memory_space<vmem>>
        %dma_start3A_554 = tpu.memref_squeeze %dma_start3A_553 : memref<1x128x128xf32, #tpu.memory_space<vmem>> -> memref<128x128xf32, #tpu.memory_space<vmem>>
        %dma_start3A_555 = arith.constant 0 : i32
        %dma_start3A_556 = tpu.memref_slice %arg7[%dma_start3A_548, %dma_start3A_549, %dma_start3A_555] : memref<2x16x128xi32, #tpu.memory_space<vmem>> -> memref<1x1x128xi32, #tpu.memory_space<vmem>>
        %dma_start3A_557 = tpu.memref_squeeze %dma_start3A_556 : memref<1x1x128xi32, #tpu.memory_space<vmem>> -> memref<128xi32, #tpu.memory_space<vmem>>
        %dma_start3A_558 = arith.constant 0 : i32
        %dma_start3A_559 = arith.constant 0 : i32
        %dma_start3A_560 = tpu.memref_slice %arg2[%dma_start3A_558, %dma_start3A_559] : memref<10000x128xf32, #tpu.memory_space<hbm>> -> memref<10000x128xf32, #tpu.memory_space<hbm>>
        tpu.enqueue_indirect_dma source(%dma_start3A_560 : memref<10000x128xf32, #tpu.memory_space<hbm>>) target(%dma_start3A_554 : memref<128x128xf32, #tpu.memory_space<vmem>>) offsets(%dma_start3A_557 : memref<128xi32, #tpu.memory_space<vmem>>) semaphore(%arg12 : memref<!tpu.dma_semaphore, #tpu.memory_space<semaphore_mem>>)
        %dma_wait3A_561 = arith.constant 1 : i32
        %dma_wait3A_562 = arith.constant 4 : i32
        %dma_wait3A_563 = arith.constant 0 : i32
        %dma_wait3A_564 = arith.constant 0 : i32
        %dma_wait3A_565 = arith.constant 0 : i32
        %dma_wait3A_566 = tpu.memref_slice %arg9[%dma_wait3A_563, %dma_wait3A_564, %dma_wait3A_565] : memref<2x128x128xf32, #tpu.memory_space<vmem>> -> memref<1x128x128xf32, #tpu.memory_space<vmem>>
        %dma_wait3A_567 = tpu.memref_squeeze %dma_wait3A_566 : memref<1x128x128xf32, #tpu.memory_space<vmem>> -> memref<128x128xf32, #tpu.memory_space<vmem>>
        %dma_wait3A_568 = arith.constant 0 : i32
        %dma_wait3A_569 = tpu.memref_slice %arg7[%dma_wait3A_561, %dma_wait3A_562, %dma_wait3A_568] : memref<2x16x128xi32, #tpu.memory_space<vmem>> -> memref<1x1x128xi32, #tpu.memory_space<vmem>>
        %dma_wait3A_570 = tpu.memref_squeeze %dma_wait3A_569 : memref<1x1x128xi32, #tpu.memory_space<vmem>> -> memref<128xi32, #tpu.memory_space<vmem>>
        %dma_wait3A_571 = arith.constant 0 : i32
        %dma_wait3A_572 = arith.constant 0 : i32
        %dma_wait3A_573 = tpu.memref_slice %arg2[%dma_wait3A_571, %dma_wait3A_572] : memref<10000x128xf32, #tpu.memory_space<hbm>> -> memref<10000x128xf32, #tpu.memory_space<hbm>>
        tpu.wait_indirect_dma semaphore(%arg11 : memref<!tpu.dma_semaphore, #tpu.memory_space<semaphore_mem>>) src(%dma_wait3A_573 : memref<10000x128xf32, #tpu.memory_space<hbm>>) dst(%dma_wait3A_567 : memref<128x128xf32, #tpu.memory_space<vmem>>)
        %run_scoped3A_574 = arith.constant 0 : i32
        %run_scoped3A_575 = arith.constant 1 : i32
        %run_scoped3A_576 = arith.constant 4 : i32
        "tpu.region"() ({
          %run_scoped3A_911 = tpu.sem_alloc : memref<!tpu.dma_semaphore, #tpu.memory_space<semaphore_mem>>
          %dma_start3A_912 = arith.constant 0 : i32
          %dma_start3A_913 = arith.constant 0 : i32
          %dma_start3A_914 = tpu.memref_slice %arg9[%run_scoped3A_574, %dma_start3A_912, %dma_start3A_913] : memref<2x128x128xf32, #tpu.memory_space<vmem>> -> memref<1x128x128xf32, #tpu.memory_space<vmem>>
          %dma_start3A_915 = tpu.memref_squeeze %dma_start3A_914 : memref<1x128x128xf32, #tpu.memory_space<vmem>> -> memref<128x128xf32, #tpu.memory_space<vmem>>
          %dma_start3A_916 = arith.constant 0 : i32
          %dma_start3A_917 = tpu.memref_slice %arg8[%run_scoped3A_575, %run_scoped3A_576, %dma_start3A_916] : memref<2x16x128xi32, #tpu.memory_space<vmem>> -> memref<1x1x128xi32, #tpu.memory_space<vmem>>
          %dma_start3A_918 = tpu.memref_squeeze %dma_start3A_917 : memref<1x1x128xi32, #tpu.memory_space<vmem>> -> memref<128xi32, #tpu.memory_space<vmem>>
          %dma_start3A_919 = arith.constant 0 : i32
          %dma_start3A_920 = arith.constant 0 : i32
          %dma_start3A_921 = tpu.memref_slice %arg10[%dma_start3A_919, %dma_start3A_920] : memref<10240x128xf32, #tpu.memory_space<vmem_shared>> -> memref<10240x128xf32, #tpu.memory_space<vmem_shared>>
          tpu.enqueue_indirect_dma source(%dma_start3A_915 : memref<128x128xf32, #tpu.memory_space<vmem>>) target(%dma_start3A_921 : memref<10240x128xf32, #tpu.memory_space<vmem_shared>>) offsets(%dma_start3A_918 : memref<128xi32, #tpu.memory_space<vmem>>) semaphore(%run_scoped3A_911 : memref<!tpu.dma_semaphore, #tpu.memory_space<semaphore_mem>>) {add = true}
          %dma_wait3A_922 = arith.constant 0 : i32
          %dma_wait3A_923 = arith.constant 0 : i32
          %dma_wait3A_924 = tpu.memref_slice %arg9[%run_scoped3A_574, %dma_wait3A_922, %dma_wait3A_923] : memref<2x128x128xf32, #tpu.memory_space<vmem>> -> memref<1x128x128xf32, #tpu.memory_space<vmem>>
          %dma_wait3A_925 = tpu.memref_squeeze %dma_wait3A_924 : memref<1x128x128xf32, #tpu.memory_space<vmem>> -> memref<128x128xf32, #tpu.memory_space<vmem>>
          %dma_wait3A_926 = arith.constant 0 : i32
          %dma_wait3A_927 = tpu.memref_slice %arg8[%run_scoped3A_575, %run_scoped3A_576, %dma_wait3A_926] : memref<2x16x128xi32, #tpu.memory_space<vmem>> -> memref<1x1x128xi32, #tpu.memory_space<vmem>>
          %dma_wait3A_928 = tpu.memref_squeeze %dma_wait3A_927 : memref<1x1x128xi32, #tpu.memory_space<vmem>> -> memref<128xi32, #tpu.memory_space<vmem>>
          %dma_wait3A_929 = arith.constant 0 : i32
          %dma_wait3A_930 = arith.constant 0 : i32
          %dma_wait3A_931 = tpu.memref_slice %arg10[%dma_wait3A_929, %dma_wait3A_930] : memref<10240x128xf32, #tpu.memory_space<vmem_shared>> -> memref<10240x128xf32, #tpu.memory_space<vmem_shared>>
          tpu.wait_indirect_dma semaphore(%run_scoped3A_911 : memref<!tpu.dma_semaphore, #tpu.memory_space<semaphore_mem>>) src(%dma_wait3A_925 : memref<128x128xf32, #tpu.memory_space<vmem>>) dst(%dma_wait3A_931 : memref<10240x128xf32, #tpu.memory_space<vmem_shared>>)
          tpu.yield
        }) : () -> ()
        %dma_start3A_577 = arith.constant 1 : i32
        %dma_start3A_578 = arith.constant 6 : i32
        %dma_start3A_579 = arith.constant 0 : i32
        %dma_start3A_580 = arith.constant 0 : i32
        %dma_start3A_581 = arith.constant 0 : i32
        %dma_start3A_582 = tpu.memref_slice %arg9[%dma_start3A_579, %dma_start3A_580, %dma_start3A_581] : memref<2x128x128xf32, #tpu.memory_space<vmem>> -> memref<1x128x128xf32, #tpu.memory_space<vmem>>
        %dma_start3A_583 = tpu.memref_squeeze %dma_start3A_582 : memref<1x128x128xf32, #tpu.memory_space<vmem>> -> memref<128x128xf32, #tpu.memory_space<vmem>>
        %dma_start3A_584 = arith.constant 0 : i32
        %dma_start3A_585 = tpu.memref_slice %arg7[%dma_start3A_577, %dma_start3A_578, %dma_start3A_584] : memref<2x16x128xi32, #tpu.memory_space<vmem>> -> memref<1x1x128xi32, #tpu.memory_space<vmem>>
        %dma_start3A_586 = tpu.memref_squeeze %dma_start3A_585 : memref<1x1x128xi32, #tpu.memory_space<vmem>> -> memref<128xi32, #tpu.memory_space<vmem>>
        %dma_start3A_587 = arith.constant 0 : i32
        %dma_start3A_588 = arith.constant 0 : i32
        %dma_start3A_589 = tpu.memref_slice %arg2[%dma_start3A_587, %dma_start3A_588] : memref<10000x128xf32, #tpu.memory_space<hbm>> -> memref<10000x128xf32, #tpu.memory_space<hbm>>
        tpu.enqueue_indirect_dma source(%dma_start3A_589 : memref<10000x128xf32, #tpu.memory_space<hbm>>) target(%dma_start3A_583 : memref<128x128xf32, #tpu.memory_space<vmem>>) offsets(%dma_start3A_586 : memref<128xi32, #tpu.memory_space<vmem>>) semaphore(%arg11 : memref<!tpu.dma_semaphore, #tpu.memory_space<semaphore_mem>>)
        %dma_wait3A_590 = arith.constant 1 : i32
        %dma_wait3A_591 = arith.constant 5 : i32
        %dma_wait3A_592 = arith.constant 1 : i32
        %dma_wait3A_593 = arith.constant 0 : i32
        %dma_wait3A_594 = arith.constant 0 : i32
        %dma_wait3A_595 = tpu.memref_slice %arg9[%dma_wait3A_592, %dma_wait3A_593, %dma_wait3A_594] : memref<2x128x128xf32, #tpu.memory_space<vmem>> -> memref<1x128x128xf32, #tpu.memory_space<vmem>>
        %dma_wait3A_596 = tpu.memref_squeeze %dma_wait3A_595 : memref<1x128x128xf32, #tpu.memory_space<vmem>> -> memref<128x128xf32, #tpu.memory_space<vmem>>
        %dma_wait3A_597 = arith.constant 0 : i32
        %dma_wait3A_598 = tpu.memref_slice %arg7[%dma_wait3A_590, %dma_wait3A_591, %dma_wait3A_597] : memref<2x16x128xi32, #tpu.memory_space<vmem>> -> memref<1x1x128xi32, #tpu.memory_space<vmem>>
        %dma_wait3A_599 = tpu.memref_squeeze %dma_wait3A_598 : memref<1x1x128xi32, #tpu.memory_space<vmem>> -> memref<128xi32, #tpu.memory_space<vmem>>
        %dma_wait3A_600 = arith.constant 0 : i32
        %dma_wait3A_601 = arith.constant 0 : i32
        %dma_wait3A_602 = tpu.memref_slice %arg2[%dma_wait3A_600, %dma_wait3A_601] : memref<10000x128xf32, #tpu.memory_space<hbm>> -> memref<10000x128xf32, #tpu.memory_space<hbm>>
        tpu.wait_indirect_dma semaphore(%arg12 : memref<!tpu.dma_semaphore, #tpu.memory_space<semaphore_mem>>) src(%dma_wait3A_602 : memref<10000x128xf32, #tpu.memory_space<hbm>>) dst(%dma_wait3A_596 : memref<128x128xf32, #tpu.memory_space<vmem>>)
        %run_scoped3A_603 = arith.constant 1 : i32
        %run_scoped3A_604 = arith.constant 1 : i32
        %run_scoped3A_605 = arith.constant 5 : i32
        "tpu.region"() ({
          %run_scoped3A_911 = tpu.sem_alloc : memref<!tpu.dma_semaphore, #tpu.memory_space<semaphore_mem>>
          %dma_start3A_912 = arith.constant 0 : i32
          %dma_start3A_913 = arith.constant 0 : i32
          %dma_start3A_914 = tpu.memref_slice %arg9[%run_scoped3A_603, %dma_start3A_912, %dma_start3A_913] : memref<2x128x128xf32, #tpu.memory_space<vmem>> -> memref<1x128x128xf32, #tpu.memory_space<vmem>>
          %dma_start3A_915 = tpu.memref_squeeze %dma_start3A_914 : memref<1x128x128xf32, #tpu.memory_space<vmem>> -> memref<128x128xf32, #tpu.memory_space<vmem>>
          %dma_start3A_916 = arith.constant 0 : i32
          %dma_start3A_917 = tpu.memref_slice %arg8[%run_scoped3A_604, %run_scoped3A_605, %dma_start3A_916] : memref<2x16x128xi32, #tpu.memory_space<vmem>> -> memref<1x1x128xi32, #tpu.memory_space<vmem>>
          %dma_start3A_918 = tpu.memref_squeeze %dma_start3A_917 : memref<1x1x128xi32, #tpu.memory_space<vmem>> -> memref<128xi32, #tpu.memory_space<vmem>>
          %dma_start3A_919 = arith.constant 0 : i32
          %dma_start3A_920 = arith.constant 0 : i32
          %dma_start3A_921 = tpu.memref_slice %arg10[%dma_start3A_919, %dma_start3A_920] : memref<10240x128xf32, #tpu.memory_space<vmem_shared>> -> memref<10240x128xf32, #tpu.memory_space<vmem_shared>>
          tpu.enqueue_indirect_dma source(%dma_start3A_915 : memref<128x128xf32, #tpu.memory_space<vmem>>) target(%dma_start3A_921 : memref<10240x128xf32, #tpu.memory_space<vmem_shared>>) offsets(%dma_start3A_918 : memref<128xi32, #tpu.memory_space<vmem>>) semaphore(%run_scoped3A_911 : memref<!tpu.dma_semaphore, #tpu.memory_space<semaphore_mem>>) {add = true}
          %dma_wait3A_922 = arith.constant 0 : i32
          %dma_wait3A_923 = arith.constant 0 : i32
          %dma_wait3A_924 = tpu.memref_slice %arg9[%run_scoped3A_603, %dma_wait3A_922, %dma_wait3A_923] : memref<2x128x128xf32, #tpu.memory_space<vmem>> -> memref<1x128x128xf32, #tpu.memory_space<vmem>>
          %dma_wait3A_925 = tpu.memref_squeeze %dma_wait3A_924 : memref<1x128x128xf32, #tpu.memory_space<vmem>> -> memref<128x128xf32, #tpu.memory_space<vmem>>
          %dma_wait3A_926 = arith.constant 0 : i32
          %dma_wait3A_927 = tpu.memref_slice %arg8[%run_scoped3A_604, %run_scoped3A_605, %dma_wait3A_926] : memref<2x16x128xi32, #tpu.memory_space<vmem>> -> memref<1x1x128xi32, #tpu.memory_space<vmem>>
          %dma_wait3A_928 = tpu.memref_squeeze %dma_wait3A_927 : memref<1x1x128xi32, #tpu.memory_space<vmem>> -> memref<128xi32, #tpu.memory_space<vmem>>
          %dma_wait3A_929 = arith.constant 0 : i32
          %dma_wait3A_930 = arith.constant 0 : i32
          %dma_wait3A_931 = tpu.memref_slice %arg10[%dma_wait3A_929, %dma_wait3A_930] : memref<10240x128xf32, #tpu.memory_space<vmem_shared>> -> memref<10240x128xf32, #tpu.memory_space<vmem_shared>>
          tpu.wait_indirect_dma semaphore(%run_scoped3A_911 : memref<!tpu.dma_semaphore, #tpu.memory_space<semaphore_mem>>) src(%dma_wait3A_925 : memref<128x128xf32, #tpu.memory_space<vmem>>) dst(%dma_wait3A_931 : memref<10240x128xf32, #tpu.memory_space<vmem_shared>>)
          tpu.yield
        }) : () -> ()
        %dma_start3A_606 = arith.constant 1 : i32
        %dma_start3A_607 = arith.constant 7 : i32
        %dma_start3A_608 = arith.constant 1 : i32
        %dma_start3A_609 = arith.constant 0 : i32
        %dma_start3A_610 = arith.constant 0 : i32
        %dma_start3A_611 = tpu.memref_slice %arg9[%dma_start3A_608, %dma_start3A_609, %dma_start3A_610] : memref<2x128x128xf32, #tpu.memory_space<vmem>> -> memref<1x128x128xf32, #tpu.memory_space<vmem>>
        %dma_start3A_612 = tpu.memref_squeeze %dma_start3A_611 : memref<1x128x128xf32, #tpu.memory_space<vmem>> -> memref<128x128xf32, #tpu.memory_space<vmem>>
        %dma_start3A_613 = arith.constant 0 : i32
        %dma_start3A_614 = tpu.memref_slice %arg7[%dma_start3A_606, %dma_start3A_607, %dma_start3A_613] : memref<2x16x128xi32, #tpu.memory_space<vmem>> -> memref<1x1x128xi32, #tpu.memory_space<vmem>>
        %dma_start3A_615 = tpu.memref_squeeze %dma_start3A_614 : memref<1x1x128xi32, #tpu.memory_space<vmem>> -> memref<128xi32, #tpu.memory_space<vmem>>
        %dma_start3A_616 = arith.constant 0 : i32
        %dma_start3A_617 = arith.constant 0 : i32
        %dma_start3A_618 = tpu.memref_slice %arg2[%dma_start3A_616, %dma_start3A_617] : memref<10000x128xf32, #tpu.memory_space<hbm>> -> memref<10000x128xf32, #tpu.memory_space<hbm>>
        tpu.enqueue_indirect_dma source(%dma_start3A_618 : memref<10000x128xf32, #tpu.memory_space<hbm>>) target(%dma_start3A_612 : memref<128x128xf32, #tpu.memory_space<vmem>>) offsets(%dma_start3A_615 : memref<128xi32, #tpu.memory_space<vmem>>) semaphore(%arg12 : memref<!tpu.dma_semaphore, #tpu.memory_space<semaphore_mem>>)
        %dma_wait3A_619 = arith.constant 1 : i32
        %dma_wait3A_620 = arith.constant 6 : i32
        %dma_wait3A_621 = arith.constant 0 : i32
        %dma_wait3A_622 = arith.constant 0 : i32
        %dma_wait3A_623 = arith.constant 0 : i32
        %dma_wait3A_624 = tpu.memref_slice %arg9[%dma_wait3A_621, %dma_wait3A_622, %dma_wait3A_623] : memref<2x128x128xf32, #tpu.memory_space<vmem>> -> memref<1x128x128xf32, #tpu.memory_space<vmem>>
        %dma_wait3A_625 = tpu.memref_squeeze %dma_wait3A_624 : memref<1x128x128xf32, #tpu.memory_space<vmem>> -> memref<128x128xf32, #tpu.memory_space<vmem>>
        %dma_wait3A_626 = arith.constant 0 : i32
        %dma_wait3A_627 = tpu.memref_slice %arg7[%dma_wait3A_619, %dma_wait3A_620, %dma_wait3A_626] : memref<2x16x128xi32, #tpu.memory_space<vmem>> -> memref<1x1x128xi32, #tpu.memory_space<vmem>>
        %dma_wait3A_628 = tpu.memref_squeeze %dma_wait3A_627 : memref<1x1x128xi32, #tpu.memory_space<vmem>> -> memref<128xi32, #tpu.memory_space<vmem>>
        %dma_wait3A_629 = arith.constant 0 : i32
        %dma_wait3A_630 = arith.constant 0 : i32
        %dma_wait3A_631 = tpu.memref_slice %arg2[%dma_wait3A_629, %dma_wait3A_630] : memref<10000x128xf32, #tpu.memory_space<hbm>> -> memref<10000x128xf32, #tpu.memory_space<hbm>>
        tpu.wait_indirect_dma semaphore(%arg11 : memref<!tpu.dma_semaphore, #tpu.memory_space<semaphore_mem>>) src(%dma_wait3A_631 : memref<10000x128xf32, #tpu.memory_space<hbm>>) dst(%dma_wait3A_625 : memref<128x128xf32, #tpu.memory_space<vmem>>)
        %run_scoped3A_632 = arith.constant 0 : i32
        %run_scoped3A_633 = arith.constant 1 : i32
        %run_scoped3A_634 = arith.constant 6 : i32
        "tpu.region"() ({
          %run_scoped3A_911 = tpu.sem_alloc : memref<!tpu.dma_semaphore, #tpu.memory_space<semaphore_mem>>
          %dma_start3A_912 = arith.constant 0 : i32
          %dma_start3A_913 = arith.constant 0 : i32
          %dma_start3A_914 = tpu.memref_slice %arg9[%run_scoped3A_632, %dma_start3A_912, %dma_start3A_913] : memref<2x128x128xf32, #tpu.memory_space<vmem>> -> memref<1x128x128xf32, #tpu.memory_space<vmem>>
          %dma_start3A_915 = tpu.memref_squeeze %dma_start3A_914 : memref<1x128x128xf32, #tpu.memory_space<vmem>> -> memref<128x128xf32, #tpu.memory_space<vmem>>
          %dma_start3A_916 = arith.constant 0 : i32
          %dma_start3A_917 = tpu.memref_slice %arg8[%run_scoped3A_633, %run_scoped3A_634, %dma_start3A_916] : memref<2x16x128xi32, #tpu.memory_space<vmem>> -> memref<1x1x128xi32, #tpu.memory_space<vmem>>
          %dma_start3A_918 = tpu.memref_squeeze %dma_start3A_917 : memref<1x1x128xi32, #tpu.memory_space<vmem>> -> memref<128xi32, #tpu.memory_space<vmem>>
          %dma_start3A_919 = arith.constant 0 : i32
          %dma_start3A_920 = arith.constant 0 : i32
          %dma_start3A_921 = tpu.memref_slice %arg10[%dma_start3A_919, %dma_start3A_920] : memref<10240x128xf32, #tpu.memory_space<vmem_shared>> -> memref<10240x128xf32, #tpu.memory_space<vmem_shared>>
          tpu.enqueue_indirect_dma source(%dma_start3A_915 : memref<128x128xf32, #tpu.memory_space<vmem>>) target(%dma_start3A_921 : memref<10240x128xf32, #tpu.memory_space<vmem_shared>>) offsets(%dma_start3A_918 : memref<128xi32, #tpu.memory_space<vmem>>) semaphore(%run_scoped3A_911 : memref<!tpu.dma_semaphore, #tpu.memory_space<semaphore_mem>>) {add = true}
          %dma_wait3A_922 = arith.constant 0 : i32
          %dma_wait3A_923 = arith.constant 0 : i32
          %dma_wait3A_924 = tpu.memref_slice %arg9[%run_scoped3A_632, %dma_wait3A_922, %dma_wait3A_923] : memref<2x128x128xf32, #tpu.memory_space<vmem>> -> memref<1x128x128xf32, #tpu.memory_space<vmem>>
          %dma_wait3A_925 = tpu.memref_squeeze %dma_wait3A_924 : memref<1x128x128xf32, #tpu.memory_space<vmem>> -> memref<128x128xf32, #tpu.memory_space<vmem>>
          %dma_wait3A_926 = arith.constant 0 : i32
          %dma_wait3A_927 = tpu.memref_slice %arg8[%run_scoped3A_633, %run_scoped3A_634, %dma_wait3A_926] : memref<2x16x128xi32, #tpu.memory_space<vmem>> -> memref<1x1x128xi32, #tpu.memory_space<vmem>>
          %dma_wait3A_928 = tpu.memref_squeeze %dma_wait3A_927 : memref<1x1x128xi32, #tpu.memory_space<vmem>> -> memref<128xi32, #tpu.memory_space<vmem>>
          %dma_wait3A_929 = arith.constant 0 : i32
          %dma_wait3A_930 = arith.constant 0 : i32
          %dma_wait3A_931 = tpu.memref_slice %arg10[%dma_wait3A_929, %dma_wait3A_930] : memref<10240x128xf32, #tpu.memory_space<vmem_shared>> -> memref<10240x128xf32, #tpu.memory_space<vmem_shared>>
          tpu.wait_indirect_dma semaphore(%run_scoped3A_911 : memref<!tpu.dma_semaphore, #tpu.memory_space<semaphore_mem>>) src(%dma_wait3A_925 : memref<128x128xf32, #tpu.memory_space<vmem>>) dst(%dma_wait3A_931 : memref<10240x128xf32, #tpu.memory_space<vmem_shared>>)
          tpu.yield
        }) : () -> ()
        %dma_start3A_635 = arith.constant 1 : i32
        %dma_start3A_636 = arith.constant 8 : i32
        %dma_start3A_637 = arith.constant 0 : i32
        %dma_start3A_638 = arith.constant 0 : i32
        %dma_start3A_639 = arith.constant 0 : i32
        %dma_start3A_640 = tpu.memref_slice %arg9[%dma_start3A_637, %dma_start3A_638, %dma_start3A_639] : memref<2x128x128xf32, #tpu.memory_space<vmem>> -> memref<1x128x128xf32, #tpu.memory_space<vmem>>
        %dma_start3A_641 = tpu.memref_squeeze %dma_start3A_640 : memref<1x128x128xf32, #tpu.memory_space<vmem>> -> memref<128x128xf32, #tpu.memory_space<vmem>>
        %dma_start3A_642 = arith.constant 0 : i32
        %dma_start3A_643 = tpu.memref_slice %arg7[%dma_start3A_635, %dma_start3A_636, %dma_start3A_642] : memref<2x16x128xi32, #tpu.memory_space<vmem>> -> memref<1x1x128xi32, #tpu.memory_space<vmem>>
        %dma_start3A_644 = tpu.memref_squeeze %dma_start3A_643 : memref<1x1x128xi32, #tpu.memory_space<vmem>> -> memref<128xi32, #tpu.memory_space<vmem>>
        %dma_start3A_645 = arith.constant 0 : i32
        %dma_start3A_646 = arith.constant 0 : i32
        %dma_start3A_647 = tpu.memref_slice %arg2[%dma_start3A_645, %dma_start3A_646] : memref<10000x128xf32, #tpu.memory_space<hbm>> -> memref<10000x128xf32, #tpu.memory_space<hbm>>
        tpu.enqueue_indirect_dma source(%dma_start3A_647 : memref<10000x128xf32, #tpu.memory_space<hbm>>) target(%dma_start3A_641 : memref<128x128xf32, #tpu.memory_space<vmem>>) offsets(%dma_start3A_644 : memref<128xi32, #tpu.memory_space<vmem>>) semaphore(%arg11 : memref<!tpu.dma_semaphore, #tpu.memory_space<semaphore_mem>>)
        %dma_wait3A_648 = arith.constant 1 : i32
        %dma_wait3A_649 = arith.constant 7 : i32
        %dma_wait3A_650 = arith.constant 1 : i32
        %dma_wait3A_651 = arith.constant 0 : i32
        %dma_wait3A_652 = arith.constant 0 : i32
        %dma_wait3A_653 = tpu.memref_slice %arg9[%dma_wait3A_650, %dma_wait3A_651, %dma_wait3A_652] : memref<2x128x128xf32, #tpu.memory_space<vmem>> -> memref<1x128x128xf32, #tpu.memory_space<vmem>>
        %dma_wait3A_654 = tpu.memref_squeeze %dma_wait3A_653 : memref<1x128x128xf32, #tpu.memory_space<vmem>> -> memref<128x128xf32, #tpu.memory_space<vmem>>
        %dma_wait3A_655 = arith.constant 0 : i32
        %dma_wait3A_656 = tpu.memref_slice %arg7[%dma_wait3A_648, %dma_wait3A_649, %dma_wait3A_655] : memref<2x16x128xi32, #tpu.memory_space<vmem>> -> memref<1x1x128xi32, #tpu.memory_space<vmem>>
        %dma_wait3A_657 = tpu.memref_squeeze %dma_wait3A_656 : memref<1x1x128xi32, #tpu.memory_space<vmem>> -> memref<128xi32, #tpu.memory_space<vmem>>
        %dma_wait3A_658 = arith.constant 0 : i32
        %dma_wait3A_659 = arith.constant 0 : i32
        %dma_wait3A_660 = tpu.memref_slice %arg2[%dma_wait3A_658, %dma_wait3A_659] : memref<10000x128xf32, #tpu.memory_space<hbm>> -> memref<10000x128xf32, #tpu.memory_space<hbm>>
        tpu.wait_indirect_dma semaphore(%arg12 : memref<!tpu.dma_semaphore, #tpu.memory_space<semaphore_mem>>) src(%dma_wait3A_660 : memref<10000x128xf32, #tpu.memory_space<hbm>>) dst(%dma_wait3A_654 : memref<128x128xf32, #tpu.memory_space<vmem>>)
        %run_scoped3A_661 = arith.constant 1 : i32
        %run_scoped3A_662 = arith.constant 1 : i32
        %run_scoped3A_663 = arith.constant 7 : i32
        "tpu.region"() ({
          %run_scoped3A_911 = tpu.sem_alloc : memref<!tpu.dma_semaphore, #tpu.memory_space<semaphore_mem>>
          %dma_start3A_912 = arith.constant 0 : i32
          %dma_start3A_913 = arith.constant 0 : i32
          %dma_start3A_914 = tpu.memref_slice %arg9[%run_scoped3A_661, %dma_start3A_912, %dma_start3A_913] : memref<2x128x128xf32, #tpu.memory_space<vmem>> -> memref<1x128x128xf32, #tpu.memory_space<vmem>>
          %dma_start3A_915 = tpu.memref_squeeze %dma_start3A_914 : memref<1x128x128xf32, #tpu.memory_space<vmem>> -> memref<128x128xf32, #tpu.memory_space<vmem>>
          %dma_start3A_916 = arith.constant 0 : i32
          %dma_start3A_917 = tpu.memref_slice %arg8[%run_scoped3A_662, %run_scoped3A_663, %dma_start3A_916] : memref<2x16x128xi32, #tpu.memory_space<vmem>> -> memref<1x1x128xi32, #tpu.memory_space<vmem>>
          %dma_start3A_918 = tpu.memref_squeeze %dma_start3A_917 : memref<1x1x128xi32, #tpu.memory_space<vmem>> -> memref<128xi32, #tpu.memory_space<vmem>>
          %dma_start3A_919 = arith.constant 0 : i32
          %dma_start3A_920 = arith.constant 0 : i32
          %dma_start3A_921 = tpu.memref_slice %arg10[%dma_start3A_919, %dma_start3A_920] : memref<10240x128xf32, #tpu.memory_space<vmem_shared>> -> memref<10240x128xf32, #tpu.memory_space<vmem_shared>>
          tpu.enqueue_indirect_dma source(%dma_start3A_915 : memref<128x128xf32, #tpu.memory_space<vmem>>) target(%dma_start3A_921 : memref<10240x128xf32, #tpu.memory_space<vmem_shared>>) offsets(%dma_start3A_918 : memref<128xi32, #tpu.memory_space<vmem>>) semaphore(%run_scoped3A_911 : memref<!tpu.dma_semaphore, #tpu.memory_space<semaphore_mem>>) {add = true}
          %dma_wait3A_922 = arith.constant 0 : i32
          %dma_wait3A_923 = arith.constant 0 : i32
          %dma_wait3A_924 = tpu.memref_slice %arg9[%run_scoped3A_661, %dma_wait3A_922, %dma_wait3A_923] : memref<2x128x128xf32, #tpu.memory_space<vmem>> -> memref<1x128x128xf32, #tpu.memory_space<vmem>>
          %dma_wait3A_925 = tpu.memref_squeeze %dma_wait3A_924 : memref<1x128x128xf32, #tpu.memory_space<vmem>> -> memref<128x128xf32, #tpu.memory_space<vmem>>
          %dma_wait3A_926 = arith.constant 0 : i32
          %dma_wait3A_927 = tpu.memref_slice %arg8[%run_scoped3A_662, %run_scoped3A_663, %dma_wait3A_926] : memref<2x16x128xi32, #tpu.memory_space<vmem>> -> memref<1x1x128xi32, #tpu.memory_space<vmem>>
          %dma_wait3A_928 = tpu.memref_squeeze %dma_wait3A_927 : memref<1x1x128xi32, #tpu.memory_space<vmem>> -> memref<128xi32, #tpu.memory_space<vmem>>
          %dma_wait3A_929 = arith.constant 0 : i32
          %dma_wait3A_930 = arith.constant 0 : i32
          %dma_wait3A_931 = tpu.memref_slice %arg10[%dma_wait3A_929, %dma_wait3A_930] : memref<10240x128xf32, #tpu.memory_space<vmem_shared>> -> memref<10240x128xf32, #tpu.memory_space<vmem_shared>>
          tpu.wait_indirect_dma semaphore(%run_scoped3A_911 : memref<!tpu.dma_semaphore, #tpu.memory_space<semaphore_mem>>) src(%dma_wait3A_925 : memref<128x128xf32, #tpu.memory_space<vmem>>) dst(%dma_wait3A_931 : memref<10240x128xf32, #tpu.memory_space<vmem_shared>>)
          tpu.yield
        }) : () -> ()
        %dma_start3A_664 = arith.constant 1 : i32
        %dma_start3A_665 = arith.constant 9 : i32
        %dma_start3A_666 = arith.constant 1 : i32
        %dma_start3A_667 = arith.constant 0 : i32
        %dma_start3A_668 = arith.constant 0 : i32
        %dma_start3A_669 = tpu.memref_slice %arg9[%dma_start3A_666, %dma_start3A_667, %dma_start3A_668] : memref<2x128x128xf32, #tpu.memory_space<vmem>> -> memref<1x128x128xf32, #tpu.memory_space<vmem>>
        %dma_start3A_670 = tpu.memref_squeeze %dma_start3A_669 : memref<1x128x128xf32, #tpu.memory_space<vmem>> -> memref<128x128xf32, #tpu.memory_space<vmem>>
        %dma_start3A_671 = arith.constant 0 : i32
        %dma_start3A_672 = tpu.memref_slice %arg7[%dma_start3A_664, %dma_start3A_665, %dma_start3A_671] : memref<2x16x128xi32, #tpu.memory_space<vmem>> -> memref<1x1x128xi32, #tpu.memory_space<vmem>>
        %dma_start3A_673 = tpu.memref_squeeze %dma_start3A_672 : memref<1x1x128xi32, #tpu.memory_space<vmem>> -> memref<128xi32, #tpu.memory_space<vmem>>
        %dma_start3A_674 = arith.constant 0 : i32
        %dma_start3A_675 = arith.constant 0 : i32
        %dma_start3A_676 = tpu.memref_slice %arg2[%dma_start3A_674, %dma_start3A_675] : memref<10000x128xf32, #tpu.memory_space<hbm>> -> memref<10000x128xf32, #tpu.memory_space<hbm>>
        tpu.enqueue_indirect_dma source(%dma_start3A_676 : memref<10000x128xf32, #tpu.memory_space<hbm>>) target(%dma_start3A_670 : memref<128x128xf32, #tpu.memory_space<vmem>>) offsets(%dma_start3A_673 : memref<128xi32, #tpu.memory_space<vmem>>) semaphore(%arg12 : memref<!tpu.dma_semaphore, #tpu.memory_space<semaphore_mem>>)
        %dma_wait3A_677 = arith.constant 1 : i32
        %dma_wait3A_678 = arith.constant 8 : i32
        %dma_wait3A_679 = arith.constant 0 : i32
        %dma_wait3A_680 = arith.constant 0 : i32
        %dma_wait3A_681 = arith.constant 0 : i32
        %dma_wait3A_682 = tpu.memref_slice %arg9[%dma_wait3A_679, %dma_wait3A_680, %dma_wait3A_681] : memref<2x128x128xf32, #tpu.memory_space<vmem>> -> memref<1x128x128xf32, #tpu.memory_space<vmem>>
        %dma_wait3A_683 = tpu.memref_squeeze %dma_wait3A_682 : memref<1x128x128xf32, #tpu.memory_space<vmem>> -> memref<128x128xf32, #tpu.memory_space<vmem>>
        %dma_wait3A_684 = arith.constant 0 : i32
        %dma_wait3A_685 = tpu.memref_slice %arg7[%dma_wait3A_677, %dma_wait3A_678, %dma_wait3A_684] : memref<2x16x128xi32, #tpu.memory_space<vmem>> -> memref<1x1x128xi32, #tpu.memory_space<vmem>>
        %dma_wait3A_686 = tpu.memref_squeeze %dma_wait3A_685 : memref<1x1x128xi32, #tpu.memory_space<vmem>> -> memref<128xi32, #tpu.memory_space<vmem>>
        %dma_wait3A_687 = arith.constant 0 : i32
        %dma_wait3A_688 = arith.constant 0 : i32
        %dma_wait3A_689 = tpu.memref_slice %arg2[%dma_wait3A_687, %dma_wait3A_688] : memref<10000x128xf32, #tpu.memory_space<hbm>> -> memref<10000x128xf32, #tpu.memory_space<hbm>>
        tpu.wait_indirect_dma semaphore(%arg11 : memref<!tpu.dma_semaphore, #tpu.memory_space<semaphore_mem>>) src(%dma_wait3A_689 : memref<10000x128xf32, #tpu.memory_space<hbm>>) dst(%dma_wait3A_683 : memref<128x128xf32, #tpu.memory_space<vmem>>)
        %run_scoped3A_690 = arith.constant 0 : i32
        %run_scoped3A_691 = arith.constant 1 : i32
        %run_scoped3A_692 = arith.constant 8 : i32
        "tpu.region"() ({
          %run_scoped3A_911 = tpu.sem_alloc : memref<!tpu.dma_semaphore, #tpu.memory_space<semaphore_mem>>
          %dma_start3A_912 = arith.constant 0 : i32
          %dma_start3A_913 = arith.constant 0 : i32
          %dma_start3A_914 = tpu.memref_slice %arg9[%run_scoped3A_690, %dma_start3A_912, %dma_start3A_913] : memref<2x128x128xf32, #tpu.memory_space<vmem>> -> memref<1x128x128xf32, #tpu.memory_space<vmem>>
          %dma_start3A_915 = tpu.memref_squeeze %dma_start3A_914 : memref<1x128x128xf32, #tpu.memory_space<vmem>> -> memref<128x128xf32, #tpu.memory_space<vmem>>
          %dma_start3A_916 = arith.constant 0 : i32
          %dma_start3A_917 = tpu.memref_slice %arg8[%run_scoped3A_691, %run_scoped3A_692, %dma_start3A_916] : memref<2x16x128xi32, #tpu.memory_space<vmem>> -> memref<1x1x128xi32, #tpu.memory_space<vmem>>
          %dma_start3A_918 = tpu.memref_squeeze %dma_start3A_917 : memref<1x1x128xi32, #tpu.memory_space<vmem>> -> memref<128xi32, #tpu.memory_space<vmem>>
          %dma_start3A_919 = arith.constant 0 : i32
          %dma_start3A_920 = arith.constant 0 : i32
          %dma_start3A_921 = tpu.memref_slice %arg10[%dma_start3A_919, %dma_start3A_920] : memref<10240x128xf32, #tpu.memory_space<vmem_shared>> -> memref<10240x128xf32, #tpu.memory_space<vmem_shared>>
          tpu.enqueue_indirect_dma source(%dma_start3A_915 : memref<128x128xf32, #tpu.memory_space<vmem>>) target(%dma_start3A_921 : memref<10240x128xf32, #tpu.memory_space<vmem_shared>>) offsets(%dma_start3A_918 : memref<128xi32, #tpu.memory_space<vmem>>) semaphore(%run_scoped3A_911 : memref<!tpu.dma_semaphore, #tpu.memory_space<semaphore_mem>>) {add = true}
          %dma_wait3A_922 = arith.constant 0 : i32
          %dma_wait3A_923 = arith.constant 0 : i32
          %dma_wait3A_924 = tpu.memref_slice %arg9[%run_scoped3A_690, %dma_wait3A_922, %dma_wait3A_923] : memref<2x128x128xf32, #tpu.memory_space<vmem>> -> memref<1x128x128xf32, #tpu.memory_space<vmem>>
          %dma_wait3A_925 = tpu.memref_squeeze %dma_wait3A_924 : memref<1x128x128xf32, #tpu.memory_space<vmem>> -> memref<128x128xf32, #tpu.memory_space<vmem>>
          %dma_wait3A_926 = arith.constant 0 : i32
          %dma_wait3A_927 = tpu.memref_slice %arg8[%run_scoped3A_691, %run_scoped3A_692, %dma_wait3A_926] : memref<2x16x128xi32, #tpu.memory_space<vmem>> -> memref<1x1x128xi32, #tpu.memory_space<vmem>>
          %dma_wait3A_928 = tpu.memref_squeeze %dma_wait3A_927 : memref<1x1x128xi32, #tpu.memory_space<vmem>> -> memref<128xi32, #tpu.memory_space<vmem>>
          %dma_wait3A_929 = arith.constant 0 : i32
          %dma_wait3A_930 = arith.constant 0 : i32
          %dma_wait3A_931 = tpu.memref_slice %arg10[%dma_wait3A_929, %dma_wait3A_930] : memref<10240x128xf32, #tpu.memory_space<vmem_shared>> -> memref<10240x128xf32, #tpu.memory_space<vmem_shared>>
          tpu.wait_indirect_dma semaphore(%run_scoped3A_911 : memref<!tpu.dma_semaphore, #tpu.memory_space<semaphore_mem>>) src(%dma_wait3A_925 : memref<128x128xf32, #tpu.memory_space<vmem>>) dst(%dma_wait3A_931 : memref<10240x128xf32, #tpu.memory_space<vmem_shared>>)
          tpu.yield
        }) : () -> ()
        %dma_start3A_693 = arith.constant 1 : i32
        %dma_start3A_694 = arith.constant 10 : i32
        %dma_start3A_695 = arith.constant 0 : i32
        %dma_start3A_696 = arith.constant 0 : i32
        %dma_start3A_697 = arith.constant 0 : i32
        %dma_start3A_698 = tpu.memref_slice %arg9[%dma_start3A_695, %dma_start3A_696, %dma_start3A_697] : memref<2x128x128xf32, #tpu.memory_space<vmem>> -> memref<1x128x128xf32, #tpu.memory_space<vmem>>
        %dma_start3A_699 = tpu.memref_squeeze %dma_start3A_698 : memref<1x128x128xf32, #tpu.memory_space<vmem>> -> memref<128x128xf32, #tpu.memory_space<vmem>>
        %dma_start3A_700 = arith.constant 0 : i32
        %dma_start3A_701 = tpu.memref_slice %arg7[%dma_start3A_693, %dma_start3A_694, %dma_start3A_700] : memref<2x16x128xi32, #tpu.memory_space<vmem>> -> memref<1x1x128xi32, #tpu.memory_space<vmem>>
        %dma_start3A_702 = tpu.memref_squeeze %dma_start3A_701 : memref<1x1x128xi32, #tpu.memory_space<vmem>> -> memref<128xi32, #tpu.memory_space<vmem>>
        %dma_start3A_703 = arith.constant 0 : i32
        %dma_start3A_704 = arith.constant 0 : i32
        %dma_start3A_705 = tpu.memref_slice %arg2[%dma_start3A_703, %dma_start3A_704] : memref<10000x128xf32, #tpu.memory_space<hbm>> -> memref<10000x128xf32, #tpu.memory_space<hbm>>
        tpu.enqueue_indirect_dma source(%dma_start3A_705 : memref<10000x128xf32, #tpu.memory_space<hbm>>) target(%dma_start3A_699 : memref<128x128xf32, #tpu.memory_space<vmem>>) offsets(%dma_start3A_702 : memref<128xi32, #tpu.memory_space<vmem>>) semaphore(%arg11 : memref<!tpu.dma_semaphore, #tpu.memory_space<semaphore_mem>>)
        %dma_wait3A_706 = arith.constant 1 : i32
        %dma_wait3A_707 = arith.constant 9 : i32
        %dma_wait3A_708 = arith.constant 1 : i32
        %dma_wait3A_709 = arith.constant 0 : i32
        %dma_wait3A_710 = arith.constant 0 : i32
        %dma_wait3A_711 = tpu.memref_slice %arg9[%dma_wait3A_708, %dma_wait3A_709, %dma_wait3A_710] : memref<2x128x128xf32, #tpu.memory_space<vmem>> -> memref<1x128x128xf32, #tpu.memory_space<vmem>>
        %dma_wait3A_712 = tpu.memref_squeeze %dma_wait3A_711 : memref<1x128x128xf32, #tpu.memory_space<vmem>> -> memref<128x128xf32, #tpu.memory_space<vmem>>
        %dma_wait3A_713 = arith.constant 0 : i32
        %dma_wait3A_714 = tpu.memref_slice %arg7[%dma_wait3A_706, %dma_wait3A_707, %dma_wait3A_713] : memref<2x16x128xi32, #tpu.memory_space<vmem>> -> memref<1x1x128xi32, #tpu.memory_space<vmem>>
        %dma_wait3A_715 = tpu.memref_squeeze %dma_wait3A_714 : memref<1x1x128xi32, #tpu.memory_space<vmem>> -> memref<128xi32, #tpu.memory_space<vmem>>
        %dma_wait3A_716 = arith.constant 0 : i32
        %dma_wait3A_717 = arith.constant 0 : i32
        %dma_wait3A_718 = tpu.memref_slice %arg2[%dma_wait3A_716, %dma_wait3A_717] : memref<10000x128xf32, #tpu.memory_space<hbm>> -> memref<10000x128xf32, #tpu.memory_space<hbm>>
        tpu.wait_indirect_dma semaphore(%arg12 : memref<!tpu.dma_semaphore, #tpu.memory_space<semaphore_mem>>) src(%dma_wait3A_718 : memref<10000x128xf32, #tpu.memory_space<hbm>>) dst(%dma_wait3A_712 : memref<128x128xf32, #tpu.memory_space<vmem>>)
        %run_scoped3A_719 = arith.constant 1 : i32
        %run_scoped3A_720 = arith.constant 1 : i32
        %run_scoped3A_721 = arith.constant 9 : i32
        "tpu.region"() ({
          %run_scoped3A_911 = tpu.sem_alloc : memref<!tpu.dma_semaphore, #tpu.memory_space<semaphore_mem>>
          %dma_start3A_912 = arith.constant 0 : i32
          %dma_start3A_913 = arith.constant 0 : i32
          %dma_start3A_914 = tpu.memref_slice %arg9[%run_scoped3A_719, %dma_start3A_912, %dma_start3A_913] : memref<2x128x128xf32, #tpu.memory_space<vmem>> -> memref<1x128x128xf32, #tpu.memory_space<vmem>>
          %dma_start3A_915 = tpu.memref_squeeze %dma_start3A_914 : memref<1x128x128xf32, #tpu.memory_space<vmem>> -> memref<128x128xf32, #tpu.memory_space<vmem>>
          %dma_start3A_916 = arith.constant 0 : i32
          %dma_start3A_917 = tpu.memref_slice %arg8[%run_scoped3A_720, %run_scoped3A_721, %dma_start3A_916] : memref<2x16x128xi32, #tpu.memory_space<vmem>> -> memref<1x1x128xi32, #tpu.memory_space<vmem>>
          %dma_start3A_918 = tpu.memref_squeeze %dma_start3A_917 : memref<1x1x128xi32, #tpu.memory_space<vmem>> -> memref<128xi32, #tpu.memory_space<vmem>>
          %dma_start3A_919 = arith.constant 0 : i32
          %dma_start3A_920 = arith.constant 0 : i32
          %dma_start3A_921 = tpu.memref_slice %arg10[%dma_start3A_919, %dma_start3A_920] : memref<10240x128xf32, #tpu.memory_space<vmem_shared>> -> memref<10240x128xf32, #tpu.memory_space<vmem_shared>>
          tpu.enqueue_indirect_dma source(%dma_start3A_915 : memref<128x128xf32, #tpu.memory_space<vmem>>) target(%dma_start3A_921 : memref<10240x128xf32, #tpu.memory_space<vmem_shared>>) offsets(%dma_start3A_918 : memref<128xi32, #tpu.memory_space<vmem>>) semaphore(%run_scoped3A_911 : memref<!tpu.dma_semaphore, #tpu.memory_space<semaphore_mem>>) {add = true}
          %dma_wait3A_922 = arith.constant 0 : i32
          %dma_wait3A_923 = arith.constant 0 : i32
          %dma_wait3A_924 = tpu.memref_slice %arg9[%run_scoped3A_719, %dma_wait3A_922, %dma_wait3A_923] : memref<2x128x128xf32, #tpu.memory_space<vmem>> -> memref<1x128x128xf32, #tpu.memory_space<vmem>>
          %dma_wait3A_925 = tpu.memref_squeeze %dma_wait3A_924 : memref<1x128x128xf32, #tpu.memory_space<vmem>> -> memref<128x128xf32, #tpu.memory_space<vmem>>
          %dma_wait3A_926 = arith.constant 0 : i32
          %dma_wait3A_927 = tpu.memref_slice %arg8[%run_scoped3A_720, %run_scoped3A_721, %dma_wait3A_926] : memref<2x16x128xi32, #tpu.memory_space<vmem>> -> memref<1x1x128xi32, #tpu.memory_space<vmem>>
          %dma_wait3A_928 = tpu.memref_squeeze %dma_wait3A_927 : memref<1x1x128xi32, #tpu.memory_space<vmem>> -> memref<128xi32, #tpu.memory_space<vmem>>
          %dma_wait3A_929 = arith.constant 0 : i32
          %dma_wait3A_930 = arith.constant 0 : i32
          %dma_wait3A_931 = tpu.memref_slice %arg10[%dma_wait3A_929, %dma_wait3A_930] : memref<10240x128xf32, #tpu.memory_space<vmem_shared>> -> memref<10240x128xf32, #tpu.memory_space<vmem_shared>>
          tpu.wait_indirect_dma semaphore(%run_scoped3A_911 : memref<!tpu.dma_semaphore, #tpu.memory_space<semaphore_mem>>) src(%dma_wait3A_925 : memref<128x128xf32, #tpu.memory_space<vmem>>) dst(%dma_wait3A_931 : memref<10240x128xf32, #tpu.memory_space<vmem_shared>>)
          tpu.yield
        }) : () -> ()
        %dma_start3A_722 = arith.constant 1 : i32
        %dma_start3A_723 = arith.constant 11 : i32
        %dma_start3A_724 = arith.constant 1 : i32
        %dma_start3A_725 = arith.constant 0 : i32
        %dma_start3A_726 = arith.constant 0 : i32
        %dma_start3A_727 = tpu.memref_slice %arg9[%dma_start3A_724, %dma_start3A_725, %dma_start3A_726] : memref<2x128x128xf32, #tpu.memory_space<vmem>> -> memref<1x128x128xf32, #tpu.memory_space<vmem>>
        %dma_start3A_728 = tpu.memref_squeeze %dma_start3A_727 : memref<1x128x128xf32, #tpu.memory_space<vmem>> -> memref<128x128xf32, #tpu.memory_space<vmem>>
        %dma_start3A_729 = arith.constant 0 : i32
        %dma_start3A_730 = tpu.memref_slice %arg7[%dma_start3A_722, %dma_start3A_723, %dma_start3A_729] : memref<2x16x128xi32, #tpu.memory_space<vmem>> -> memref<1x1x128xi32, #tpu.memory_space<vmem>>
        %dma_start3A_731 = tpu.memref_squeeze %dma_start3A_730 : memref<1x1x128xi32, #tpu.memory_space<vmem>> -> memref<128xi32, #tpu.memory_space<vmem>>
        %dma_start3A_732 = arith.constant 0 : i32
        %dma_start3A_733 = arith.constant 0 : i32
        %dma_start3A_734 = tpu.memref_slice %arg2[%dma_start3A_732, %dma_start3A_733] : memref<10000x128xf32, #tpu.memory_space<hbm>> -> memref<10000x128xf32, #tpu.memory_space<hbm>>
        tpu.enqueue_indirect_dma source(%dma_start3A_734 : memref<10000x128xf32, #tpu.memory_space<hbm>>) target(%dma_start3A_728 : memref<128x128xf32, #tpu.memory_space<vmem>>) offsets(%dma_start3A_731 : memref<128xi32, #tpu.memory_space<vmem>>) semaphore(%arg12 : memref<!tpu.dma_semaphore, #tpu.memory_space<semaphore_mem>>)
        %dma_wait3A_735 = arith.constant 1 : i32
        %dma_wait3A_736 = arith.constant 10 : i32
        %dma_wait3A_737 = arith.constant 0 : i32
        %dma_wait3A_738 = arith.constant 0 : i32
        %dma_wait3A_739 = arith.constant 0 : i32
        %dma_wait3A_740 = tpu.memref_slice %arg9[%dma_wait3A_737, %dma_wait3A_738, %dma_wait3A_739] : memref<2x128x128xf32, #tpu.memory_space<vmem>> -> memref<1x128x128xf32, #tpu.memory_space<vmem>>
        %dma_wait3A_741 = tpu.memref_squeeze %dma_wait3A_740 : memref<1x128x128xf32, #tpu.memory_space<vmem>> -> memref<128x128xf32, #tpu.memory_space<vmem>>
        %dma_wait3A_742 = arith.constant 0 : i32
        %dma_wait3A_743 = tpu.memref_slice %arg7[%dma_wait3A_735, %dma_wait3A_736, %dma_wait3A_742] : memref<2x16x128xi32, #tpu.memory_space<vmem>> -> memref<1x1x128xi32, #tpu.memory_space<vmem>>
        %dma_wait3A_744 = tpu.memref_squeeze %dma_wait3A_743 : memref<1x1x128xi32, #tpu.memory_space<vmem>> -> memref<128xi32, #tpu.memory_space<vmem>>
        %dma_wait3A_745 = arith.constant 0 : i32
        %dma_wait3A_746 = arith.constant 0 : i32
        %dma_wait3A_747 = tpu.memref_slice %arg2[%dma_wait3A_745, %dma_wait3A_746] : memref<10000x128xf32, #tpu.memory_space<hbm>> -> memref<10000x128xf32, #tpu.memory_space<hbm>>
        tpu.wait_indirect_dma semaphore(%arg11 : memref<!tpu.dma_semaphore, #tpu.memory_space<semaphore_mem>>) src(%dma_wait3A_747 : memref<10000x128xf32, #tpu.memory_space<hbm>>) dst(%dma_wait3A_741 : memref<128x128xf32, #tpu.memory_space<vmem>>)
        %run_scoped3A_748 = arith.constant 0 : i32
        %run_scoped3A_749 = arith.constant 1 : i32
        %run_scoped3A_750 = arith.constant 10 : i32
        "tpu.region"() ({
          %run_scoped3A_911 = tpu.sem_alloc : memref<!tpu.dma_semaphore, #tpu.memory_space<semaphore_mem>>
          %dma_start3A_912 = arith.constant 0 : i32
          %dma_start3A_913 = arith.constant 0 : i32
          %dma_start3A_914 = tpu.memref_slice %arg9[%run_scoped3A_748, %dma_start3A_912, %dma_start3A_913] : memref<2x128x128xf32, #tpu.memory_space<vmem>> -> memref<1x128x128xf32, #tpu.memory_space<vmem>>
          %dma_start3A_915 = tpu.memref_squeeze %dma_start3A_914 : memref<1x128x128xf32, #tpu.memory_space<vmem>> -> memref<128x128xf32, #tpu.memory_space<vmem>>
          %dma_start3A_916 = arith.constant 0 : i32
          %dma_start3A_917 = tpu.memref_slice %arg8[%run_scoped3A_749, %run_scoped3A_750, %dma_start3A_916] : memref<2x16x128xi32, #tpu.memory_space<vmem>> -> memref<1x1x128xi32, #tpu.memory_space<vmem>>
          %dma_start3A_918 = tpu.memref_squeeze %dma_start3A_917 : memref<1x1x128xi32, #tpu.memory_space<vmem>> -> memref<128xi32, #tpu.memory_space<vmem>>
          %dma_start3A_919 = arith.constant 0 : i32
          %dma_start3A_920 = arith.constant 0 : i32
          %dma_start3A_921 = tpu.memref_slice %arg10[%dma_start3A_919, %dma_start3A_920] : memref<10240x128xf32, #tpu.memory_space<vmem_shared>> -> memref<10240x128xf32, #tpu.memory_space<vmem_shared>>
          tpu.enqueue_indirect_dma source(%dma_start3A_915 : memref<128x128xf32, #tpu.memory_space<vmem>>) target(%dma_start3A_921 : memref<10240x128xf32, #tpu.memory_space<vmem_shared>>) offsets(%dma_start3A_918 : memref<128xi32, #tpu.memory_space<vmem>>) semaphore(%run_scoped3A_911 : memref<!tpu.dma_semaphore, #tpu.memory_space<semaphore_mem>>) {add = true}
          %dma_wait3A_922 = arith.constant 0 : i32
          %dma_wait3A_923 = arith.constant 0 : i32
          %dma_wait3A_924 = tpu.memref_slice %arg9[%run_scoped3A_748, %dma_wait3A_922, %dma_wait3A_923] : memref<2x128x128xf32, #tpu.memory_space<vmem>> -> memref<1x128x128xf32, #tpu.memory_space<vmem>>
          %dma_wait3A_925 = tpu.memref_squeeze %dma_wait3A_924 : memref<1x128x128xf32, #tpu.memory_space<vmem>> -> memref<128x128xf32, #tpu.memory_space<vmem>>
          %dma_wait3A_926 = arith.constant 0 : i32
          %dma_wait3A_927 = tpu.memref_slice %arg8[%run_scoped3A_749, %run_scoped3A_750, %dma_wait3A_926] : memref<2x16x128xi32, #tpu.memory_space<vmem>> -> memref<1x1x128xi32, #tpu.memory_space<vmem>>
          %dma_wait3A_928 = tpu.memref_squeeze %dma_wait3A_927 : memref<1x1x128xi32, #tpu.memory_space<vmem>> -> memref<128xi32, #tpu.memory_space<vmem>>
          %dma_wait3A_929 = arith.constant 0 : i32
          %dma_wait3A_930 = arith.constant 0 : i32
          %dma_wait3A_931 = tpu.memref_slice %arg10[%dma_wait3A_929, %dma_wait3A_930] : memref<10240x128xf32, #tpu.memory_space<vmem_shared>> -> memref<10240x128xf32, #tpu.memory_space<vmem_shared>>
          tpu.wait_indirect_dma semaphore(%run_scoped3A_911 : memref<!tpu.dma_semaphore, #tpu.memory_space<semaphore_mem>>) src(%dma_wait3A_925 : memref<128x128xf32, #tpu.memory_space<vmem>>) dst(%dma_wait3A_931 : memref<10240x128xf32, #tpu.memory_space<vmem_shared>>)
          tpu.yield
        }) : () -> ()
        %dma_start3A_751 = arith.constant 1 : i32
        %dma_start3A_752 = arith.constant 12 : i32
        %dma_start3A_753 = arith.constant 0 : i32
        %dma_start3A_754 = arith.constant 0 : i32
        %dma_start3A_755 = arith.constant 0 : i32
        %dma_start3A_756 = tpu.memref_slice %arg9[%dma_start3A_753, %dma_start3A_754, %dma_start3A_755] : memref<2x128x128xf32, #tpu.memory_space<vmem>> -> memref<1x128x128xf32, #tpu.memory_space<vmem>>
        %dma_start3A_757 = tpu.memref_squeeze %dma_start3A_756 : memref<1x128x128xf32, #tpu.memory_space<vmem>> -> memref<128x128xf32, #tpu.memory_space<vmem>>
        %dma_start3A_758 = arith.constant 0 : i32
        %dma_start3A_759 = tpu.memref_slice %arg7[%dma_start3A_751, %dma_start3A_752, %dma_start3A_758] : memref<2x16x128xi32, #tpu.memory_space<vmem>> -> memref<1x1x128xi32, #tpu.memory_space<vmem>>
        %dma_start3A_760 = tpu.memref_squeeze %dma_start3A_759 : memref<1x1x128xi32, #tpu.memory_space<vmem>> -> memref<128xi32, #tpu.memory_space<vmem>>
        %dma_start3A_761 = arith.constant 0 : i32
        %dma_start3A_762 = arith.constant 0 : i32
        %dma_start3A_763 = tpu.memref_slice %arg2[%dma_start3A_761, %dma_start3A_762] : memref<10000x128xf32, #tpu.memory_space<hbm>> -> memref<10000x128xf32, #tpu.memory_space<hbm>>
        tpu.enqueue_indirect_dma source(%dma_start3A_763 : memref<10000x128xf32, #tpu.memory_space<hbm>>) target(%dma_start3A_757 : memref<128x128xf32, #tpu.memory_space<vmem>>) offsets(%dma_start3A_760 : memref<128xi32, #tpu.memory_space<vmem>>) semaphore(%arg11 : memref<!tpu.dma_semaphore, #tpu.memory_space<semaphore_mem>>)
        %dma_wait3A_764 = arith.constant 1 : i32
        %dma_wait3A_765 = arith.constant 11 : i32
        %dma_wait3A_766 = arith.constant 1 : i32
        %dma_wait3A_767 = arith.constant 0 : i32
        %dma_wait3A_768 = arith.constant 0 : i32
        %dma_wait3A_769 = tpu.memref_slice %arg9[%dma_wait3A_766, %dma_wait3A_767, %dma_wait3A_768] : memref<2x128x128xf32, #tpu.memory_space<vmem>> -> memref<1x128x128xf32, #tpu.memory_space<vmem>>
        %dma_wait3A_770 = tpu.memref_squeeze %dma_wait3A_769 : memref<1x128x128xf32, #tpu.memory_space<vmem>> -> memref<128x128xf32, #tpu.memory_space<vmem>>
        %dma_wait3A_771 = arith.constant 0 : i32
        %dma_wait3A_772 = tpu.memref_slice %arg7[%dma_wait3A_764, %dma_wait3A_765, %dma_wait3A_771] : memref<2x16x128xi32, #tpu.memory_space<vmem>> -> memref<1x1x128xi32, #tpu.memory_space<vmem>>
        %dma_wait3A_773 = tpu.memref_squeeze %dma_wait3A_772 : memref<1x1x128xi32, #tpu.memory_space<vmem>> -> memref<128xi32, #tpu.memory_space<vmem>>
        %dma_wait3A_774 = arith.constant 0 : i32
        %dma_wait3A_775 = arith.constant 0 : i32
        %dma_wait3A_776 = tpu.memref_slice %arg2[%dma_wait3A_774, %dma_wait3A_775] : memref<10000x128xf32, #tpu.memory_space<hbm>> -> memref<10000x128xf32, #tpu.memory_space<hbm>>
        tpu.wait_indirect_dma semaphore(%arg12 : memref<!tpu.dma_semaphore, #tpu.memory_space<semaphore_mem>>) src(%dma_wait3A_776 : memref<10000x128xf32, #tpu.memory_space<hbm>>) dst(%dma_wait3A_770 : memref<128x128xf32, #tpu.memory_space<vmem>>)
        %run_scoped3A_777 = arith.constant 1 : i32
        %run_scoped3A_778 = arith.constant 1 : i32
        %run_scoped3A_779 = arith.constant 11 : i32
        "tpu.region"() ({
          %run_scoped3A_911 = tpu.sem_alloc : memref<!tpu.dma_semaphore, #tpu.memory_space<semaphore_mem>>
          %dma_start3A_912 = arith.constant 0 : i32
          %dma_start3A_913 = arith.constant 0 : i32
          %dma_start3A_914 = tpu.memref_slice %arg9[%run_scoped3A_777, %dma_start3A_912, %dma_start3A_913] : memref<2x128x128xf32, #tpu.memory_space<vmem>> -> memref<1x128x128xf32, #tpu.memory_space<vmem>>
          %dma_start3A_915 = tpu.memref_squeeze %dma_start3A_914 : memref<1x128x128xf32, #tpu.memory_space<vmem>> -> memref<128x128xf32, #tpu.memory_space<vmem>>
          %dma_start3A_916 = arith.constant 0 : i32
          %dma_start3A_917 = tpu.memref_slice %arg8[%run_scoped3A_778, %run_scoped3A_779, %dma_start3A_916] : memref<2x16x128xi32, #tpu.memory_space<vmem>> -> memref<1x1x128xi32, #tpu.memory_space<vmem>>
          %dma_start3A_918 = tpu.memref_squeeze %dma_start3A_917 : memref<1x1x128xi32, #tpu.memory_space<vmem>> -> memref<128xi32, #tpu.memory_space<vmem>>
          %dma_start3A_919 = arith.constant 0 : i32
          %dma_start3A_920 = arith.constant 0 : i32
          %dma_start3A_921 = tpu.memref_slice %arg10[%dma_start3A_919, %dma_start3A_920] : memref<10240x128xf32, #tpu.memory_space<vmem_shared>> -> memref<10240x128xf32, #tpu.memory_space<vmem_shared>>
          tpu.enqueue_indirect_dma source(%dma_start3A_915 : memref<128x128xf32, #tpu.memory_space<vmem>>) target(%dma_start3A_921 : memref<10240x128xf32, #tpu.memory_space<vmem_shared>>) offsets(%dma_start3A_918 : memref<128xi32, #tpu.memory_space<vmem>>) semaphore(%run_scoped3A_911 : memref<!tpu.dma_semaphore, #tpu.memory_space<semaphore_mem>>) {add = true}
          %dma_wait3A_922 = arith.constant 0 : i32
          %dma_wait3A_923 = arith.constant 0 : i32
          %dma_wait3A_924 = tpu.memref_slice %arg9[%run_scoped3A_777, %dma_wait3A_922, %dma_wait3A_923] : memref<2x128x128xf32, #tpu.memory_space<vmem>> -> memref<1x128x128xf32, #tpu.memory_space<vmem>>
          %dma_wait3A_925 = tpu.memref_squeeze %dma_wait3A_924 : memref<1x128x128xf32, #tpu.memory_space<vmem>> -> memref<128x128xf32, #tpu.memory_space<vmem>>
          %dma_wait3A_926 = arith.constant 0 : i32
          %dma_wait3A_927 = tpu.memref_slice %arg8[%run_scoped3A_778, %run_scoped3A_779, %dma_wait3A_926] : memref<2x16x128xi32, #tpu.memory_space<vmem>> -> memref<1x1x128xi32, #tpu.memory_space<vmem>>
          %dma_wait3A_928 = tpu.memref_squeeze %dma_wait3A_927 : memref<1x1x128xi32, #tpu.memory_space<vmem>> -> memref<128xi32, #tpu.memory_space<vmem>>
          %dma_wait3A_929 = arith.constant 0 : i32
          %dma_wait3A_930 = arith.constant 0 : i32
          %dma_wait3A_931 = tpu.memref_slice %arg10[%dma_wait3A_929, %dma_wait3A_930] : memref<10240x128xf32, #tpu.memory_space<vmem_shared>> -> memref<10240x128xf32, #tpu.memory_space<vmem_shared>>
          tpu.wait_indirect_dma semaphore(%run_scoped3A_911 : memref<!tpu.dma_semaphore, #tpu.memory_space<semaphore_mem>>) src(%dma_wait3A_925 : memref<128x128xf32, #tpu.memory_space<vmem>>) dst(%dma_wait3A_931 : memref<10240x128xf32, #tpu.memory_space<vmem_shared>>)
          tpu.yield
        }) : () -> ()
        %dma_start3A_780 = arith.constant 1 : i32
        %dma_start3A_781 = arith.constant 13 : i32
        %dma_start3A_782 = arith.constant 1 : i32
        %dma_start3A_783 = arith.constant 0 : i32
        %dma_start3A_784 = arith.constant 0 : i32
        %dma_start3A_785 = tpu.memref_slice %arg9[%dma_start3A_782, %dma_start3A_783, %dma_start3A_784] : memref<2x128x128xf32, #tpu.memory_space<vmem>> -> memref<1x128x128xf32, #tpu.memory_space<vmem>>
        %dma_start3A_786 = tpu.memref_squeeze %dma_start3A_785 : memref<1x128x128xf32, #tpu.memory_space<vmem>> -> memref<128x128xf32, #tpu.memory_space<vmem>>
        %dma_start3A_787 = arith.constant 0 : i32
        %dma_start3A_788 = tpu.memref_slice %arg7[%dma_start3A_780, %dma_start3A_781, %dma_start3A_787] : memref<2x16x128xi32, #tpu.memory_space<vmem>> -> memref<1x1x128xi32, #tpu.memory_space<vmem>>
        %dma_start3A_789 = tpu.memref_squeeze %dma_start3A_788 : memref<1x1x128xi32, #tpu.memory_space<vmem>> -> memref<128xi32, #tpu.memory_space<vmem>>
        %dma_start3A_790 = arith.constant 0 : i32
        %dma_start3A_791 = arith.constant 0 : i32
        %dma_start3A_792 = tpu.memref_slice %arg2[%dma_start3A_790, %dma_start3A_791] : memref<10000x128xf32, #tpu.memory_space<hbm>> -> memref<10000x128xf32, #tpu.memory_space<hbm>>
        tpu.enqueue_indirect_dma source(%dma_start3A_792 : memref<10000x128xf32, #tpu.memory_space<hbm>>) target(%dma_start3A_786 : memref<128x128xf32, #tpu.memory_space<vmem>>) offsets(%dma_start3A_789 : memref<128xi32, #tpu.memory_space<vmem>>) semaphore(%arg12 : memref<!tpu.dma_semaphore, #tpu.memory_space<semaphore_mem>>)
        %dma_wait3A_793 = arith.constant 1 : i32
        %dma_wait3A_794 = arith.constant 12 : i32
        %dma_wait3A_795 = arith.constant 0 : i32
        %dma_wait3A_796 = arith.constant 0 : i32
        %dma_wait3A_797 = arith.constant 0 : i32
        %dma_wait3A_798 = tpu.memref_slice %arg9[%dma_wait3A_795, %dma_wait3A_796, %dma_wait3A_797] : memref<2x128x128xf32, #tpu.memory_space<vmem>> -> memref<1x128x128xf32, #tpu.memory_space<vmem>>
        %dma_wait3A_799 = tpu.memref_squeeze %dma_wait3A_798 : memref<1x128x128xf32, #tpu.memory_space<vmem>> -> memref<128x128xf32, #tpu.memory_space<vmem>>
        %dma_wait3A_800 = arith.constant 0 : i32
        %dma_wait3A_801 = tpu.memref_slice %arg7[%dma_wait3A_793, %dma_wait3A_794, %dma_wait3A_800] : memref<2x16x128xi32, #tpu.memory_space<vmem>> -> memref<1x1x128xi32, #tpu.memory_space<vmem>>
        %dma_wait3A_802 = tpu.memref_squeeze %dma_wait3A_801 : memref<1x1x128xi32, #tpu.memory_space<vmem>> -> memref<128xi32, #tpu.memory_space<vmem>>
        %dma_wait3A_803 = arith.constant 0 : i32
        %dma_wait3A_804 = arith.constant 0 : i32
        %dma_wait3A_805 = tpu.memref_slice %arg2[%dma_wait3A_803, %dma_wait3A_804] : memref<10000x128xf32, #tpu.memory_space<hbm>> -> memref<10000x128xf32, #tpu.memory_space<hbm>>
        tpu.wait_indirect_dma semaphore(%arg11 : memref<!tpu.dma_semaphore, #tpu.memory_space<semaphore_mem>>) src(%dma_wait3A_805 : memref<10000x128xf32, #tpu.memory_space<hbm>>) dst(%dma_wait3A_799 : memref<128x128xf32, #tpu.memory_space<vmem>>)
        %run_scoped3A_806 = arith.constant 0 : i32
        %run_scoped3A_807 = arith.constant 1 : i32
        %run_scoped3A_808 = arith.constant 12 : i32
        "tpu.region"() ({
          %run_scoped3A_911 = tpu.sem_alloc : memref<!tpu.dma_semaphore, #tpu.memory_space<semaphore_mem>>
          %dma_start3A_912 = arith.constant 0 : i32
          %dma_start3A_913 = arith.constant 0 : i32
          %dma_start3A_914 = tpu.memref_slice %arg9[%run_scoped3A_806, %dma_start3A_912, %dma_start3A_913] : memref<2x128x128xf32, #tpu.memory_space<vmem>> -> memref<1x128x128xf32, #tpu.memory_space<vmem>>
          %dma_start3A_915 = tpu.memref_squeeze %dma_start3A_914 : memref<1x128x128xf32, #tpu.memory_space<vmem>> -> memref<128x128xf32, #tpu.memory_space<vmem>>
          %dma_start3A_916 = arith.constant 0 : i32
          %dma_start3A_917 = tpu.memref_slice %arg8[%run_scoped3A_807, %run_scoped3A_808, %dma_start3A_916] : memref<2x16x128xi32, #tpu.memory_space<vmem>> -> memref<1x1x128xi32, #tpu.memory_space<vmem>>
          %dma_start3A_918 = tpu.memref_squeeze %dma_start3A_917 : memref<1x1x128xi32, #tpu.memory_space<vmem>> -> memref<128xi32, #tpu.memory_space<vmem>>
          %dma_start3A_919 = arith.constant 0 : i32
          %dma_start3A_920 = arith.constant 0 : i32
          %dma_start3A_921 = tpu.memref_slice %arg10[%dma_start3A_919, %dma_start3A_920] : memref<10240x128xf32, #tpu.memory_space<vmem_shared>> -> memref<10240x128xf32, #tpu.memory_space<vmem_shared>>
          tpu.enqueue_indirect_dma source(%dma_start3A_915 : memref<128x128xf32, #tpu.memory_space<vmem>>) target(%dma_start3A_921 : memref<10240x128xf32, #tpu.memory_space<vmem_shared>>) offsets(%dma_start3A_918 : memref<128xi32, #tpu.memory_space<vmem>>) semaphore(%run_scoped3A_911 : memref<!tpu.dma_semaphore, #tpu.memory_space<semaphore_mem>>) {add = true}
          %dma_wait3A_922 = arith.constant 0 : i32
          %dma_wait3A_923 = arith.constant 0 : i32
          %dma_wait3A_924 = tpu.memref_slice %arg9[%run_scoped3A_806, %dma_wait3A_922, %dma_wait3A_923] : memref<2x128x128xf32, #tpu.memory_space<vmem>> -> memref<1x128x128xf32, #tpu.memory_space<vmem>>
          %dma_wait3A_925 = tpu.memref_squeeze %dma_wait3A_924 : memref<1x128x128xf32, #tpu.memory_space<vmem>> -> memref<128x128xf32, #tpu.memory_space<vmem>>
          %dma_wait3A_926 = arith.constant 0 : i32
          %dma_wait3A_927 = tpu.memref_slice %arg8[%run_scoped3A_807, %run_scoped3A_808, %dma_wait3A_926] : memref<2x16x128xi32, #tpu.memory_space<vmem>> -> memref<1x1x128xi32, #tpu.memory_space<vmem>>
          %dma_wait3A_928 = tpu.memref_squeeze %dma_wait3A_927 : memref<1x1x128xi32, #tpu.memory_space<vmem>> -> memref<128xi32, #tpu.memory_space<vmem>>
          %dma_wait3A_929 = arith.constant 0 : i32
          %dma_wait3A_930 = arith.constant 0 : i32
          %dma_wait3A_931 = tpu.memref_slice %arg10[%dma_wait3A_929, %dma_wait3A_930] : memref<10240x128xf32, #tpu.memory_space<vmem_shared>> -> memref<10240x128xf32, #tpu.memory_space<vmem_shared>>
          tpu.wait_indirect_dma semaphore(%run_scoped3A_911 : memref<!tpu.dma_semaphore, #tpu.memory_space<semaphore_mem>>) src(%dma_wait3A_925 : memref<128x128xf32, #tpu.memory_space<vmem>>) dst(%dma_wait3A_931 : memref<10240x128xf32, #tpu.memory_space<vmem_shared>>)
          tpu.yield
        }) : () -> ()
        %dma_start3A_809 = arith.constant 1 : i32
        %dma_start3A_810 = arith.constant 14 : i32
        %dma_start3A_811 = arith.constant 0 : i32
        %dma_start3A_812 = arith.constant 0 : i32
        %dma_start3A_813 = arith.constant 0 : i32
        %dma_start3A_814 = tpu.memref_slice %arg9[%dma_start3A_811, %dma_start3A_812, %dma_start3A_813] : memref<2x128x128xf32, #tpu.memory_space<vmem>> -> memref<1x128x128xf32, #tpu.memory_space<vmem>>
        %dma_start3A_815 = tpu.memref_squeeze %dma_start3A_814 : memref<1x128x128xf32, #tpu.memory_space<vmem>> -> memref<128x128xf32, #tpu.memory_space<vmem>>
        %dma_start3A_816 = arith.constant 0 : i32
        %dma_start3A_817 = tpu.memref_slice %arg7[%dma_start3A_809, %dma_start3A_810, %dma_start3A_816] : memref<2x16x128xi32, #tpu.memory_space<vmem>> -> memref<1x1x128xi32, #tpu.memory_space<vmem>>
        %dma_start3A_818 = tpu.memref_squeeze %dma_start3A_817 : memref<1x1x128xi32, #tpu.memory_space<vmem>> -> memref<128xi32, #tpu.memory_space<vmem>>
        %dma_start3A_819 = arith.constant 0 : i32
        %dma_start3A_820 = arith.constant 0 : i32
        %dma_start3A_821 = tpu.memref_slice %arg2[%dma_start3A_819, %dma_start3A_820] : memref<10000x128xf32, #tpu.memory_space<hbm>> -> memref<10000x128xf32, #tpu.memory_space<hbm>>
        tpu.enqueue_indirect_dma source(%dma_start3A_821 : memref<10000x128xf32, #tpu.memory_space<hbm>>) target(%dma_start3A_815 : memref<128x128xf32, #tpu.memory_space<vmem>>) offsets(%dma_start3A_818 : memref<128xi32, #tpu.memory_space<vmem>>) semaphore(%arg11 : memref<!tpu.dma_semaphore, #tpu.memory_space<semaphore_mem>>)
        %dma_wait3A_822 = arith.constant 1 : i32
        %dma_wait3A_823 = arith.constant 13 : i32
        %dma_wait3A_824 = arith.constant 1 : i32
        %dma_wait3A_825 = arith.constant 0 : i32
        %dma_wait3A_826 = arith.constant 0 : i32
        %dma_wait3A_827 = tpu.memref_slice %arg9[%dma_wait3A_824, %dma_wait3A_825, %dma_wait3A_826] : memref<2x128x128xf32, #tpu.memory_space<vmem>> -> memref<1x128x128xf32, #tpu.memory_space<vmem>>
        %dma_wait3A_828 = tpu.memref_squeeze %dma_wait3A_827 : memref<1x128x128xf32, #tpu.memory_space<vmem>> -> memref<128x128xf32, #tpu.memory_space<vmem>>
        %dma_wait3A_829 = arith.constant 0 : i32
        %dma_wait3A_830 = tpu.memref_slice %arg7[%dma_wait3A_822, %dma_wait3A_823, %dma_wait3A_829] : memref<2x16x128xi32, #tpu.memory_space<vmem>> -> memref<1x1x128xi32, #tpu.memory_space<vmem>>
        %dma_wait3A_831 = tpu.memref_squeeze %dma_wait3A_830 : memref<1x1x128xi32, #tpu.memory_space<vmem>> -> memref<128xi32, #tpu.memory_space<vmem>>
        %dma_wait3A_832 = arith.constant 0 : i32
        %dma_wait3A_833 = arith.constant 0 : i32
        %dma_wait3A_834 = tpu.memref_slice %arg2[%dma_wait3A_832, %dma_wait3A_833] : memref<10000x128xf32, #tpu.memory_space<hbm>> -> memref<10000x128xf32, #tpu.memory_space<hbm>>
        tpu.wait_indirect_dma semaphore(%arg12 : memref<!tpu.dma_semaphore, #tpu.memory_space<semaphore_mem>>) src(%dma_wait3A_834 : memref<10000x128xf32, #tpu.memory_space<hbm>>) dst(%dma_wait3A_828 : memref<128x128xf32, #tpu.memory_space<vmem>>)
        %run_scoped3A_835 = arith.constant 1 : i32
        %run_scoped3A_836 = arith.constant 1 : i32
        %run_scoped3A_837 = arith.constant 13 : i32
        "tpu.region"() ({
          %run_scoped3A_911 = tpu.sem_alloc : memref<!tpu.dma_semaphore, #tpu.memory_space<semaphore_mem>>
          %dma_start3A_912 = arith.constant 0 : i32
          %dma_start3A_913 = arith.constant 0 : i32
          %dma_start3A_914 = tpu.memref_slice %arg9[%run_scoped3A_835, %dma_start3A_912, %dma_start3A_913] : memref<2x128x128xf32, #tpu.memory_space<vmem>> -> memref<1x128x128xf32, #tpu.memory_space<vmem>>
          %dma_start3A_915 = tpu.memref_squeeze %dma_start3A_914 : memref<1x128x128xf32, #tpu.memory_space<vmem>> -> memref<128x128xf32, #tpu.memory_space<vmem>>
          %dma_start3A_916 = arith.constant 0 : i32
          %dma_start3A_917 = tpu.memref_slice %arg8[%run_scoped3A_836, %run_scoped3A_837, %dma_start3A_916] : memref<2x16x128xi32, #tpu.memory_space<vmem>> -> memref<1x1x128xi32, #tpu.memory_space<vmem>>
          %dma_start3A_918 = tpu.memref_squeeze %dma_start3A_917 : memref<1x1x128xi32, #tpu.memory_space<vmem>> -> memref<128xi32, #tpu.memory_space<vmem>>
          %dma_start3A_919 = arith.constant 0 : i32
          %dma_start3A_920 = arith.constant 0 : i32
          %dma_start3A_921 = tpu.memref_slice %arg10[%dma_start3A_919, %dma_start3A_920] : memref<10240x128xf32, #tpu.memory_space<vmem_shared>> -> memref<10240x128xf32, #tpu.memory_space<vmem_shared>>
          tpu.enqueue_indirect_dma source(%dma_start3A_915 : memref<128x128xf32, #tpu.memory_space<vmem>>) target(%dma_start3A_921 : memref<10240x128xf32, #tpu.memory_space<vmem_shared>>) offsets(%dma_start3A_918 : memref<128xi32, #tpu.memory_space<vmem>>) semaphore(%run_scoped3A_911 : memref<!tpu.dma_semaphore, #tpu.memory_space<semaphore_mem>>) {add = true}
          %dma_wait3A_922 = arith.constant 0 : i32
          %dma_wait3A_923 = arith.constant 0 : i32
          %dma_wait3A_924 = tpu.memref_slice %arg9[%run_scoped3A_835, %dma_wait3A_922, %dma_wait3A_923] : memref<2x128x128xf32, #tpu.memory_space<vmem>> -> memref<1x128x128xf32, #tpu.memory_space<vmem>>
          %dma_wait3A_925 = tpu.memref_squeeze %dma_wait3A_924 : memref<1x128x128xf32, #tpu.memory_space<vmem>> -> memref<128x128xf32, #tpu.memory_space<vmem>>
          %dma_wait3A_926 = arith.constant 0 : i32
          %dma_wait3A_927 = tpu.memref_slice %arg8[%run_scoped3A_836, %run_scoped3A_837, %dma_wait3A_926] : memref<2x16x128xi32, #tpu.memory_space<vmem>> -> memref<1x1x128xi32, #tpu.memory_space<vmem>>
          %dma_wait3A_928 = tpu.memref_squeeze %dma_wait3A_927 : memref<1x1x128xi32, #tpu.memory_space<vmem>> -> memref<128xi32, #tpu.memory_space<vmem>>
          %dma_wait3A_929 = arith.constant 0 : i32
          %dma_wait3A_930 = arith.constant 0 : i32
          %dma_wait3A_931 = tpu.memref_slice %arg10[%dma_wait3A_929, %dma_wait3A_930] : memref<10240x128xf32, #tpu.memory_space<vmem_shared>> -> memref<10240x128xf32, #tpu.memory_space<vmem_shared>>
          tpu.wait_indirect_dma semaphore(%run_scoped3A_911 : memref<!tpu.dma_semaphore, #tpu.memory_space<semaphore_mem>>) src(%dma_wait3A_925 : memref<128x128xf32, #tpu.memory_space<vmem>>) dst(%dma_wait3A_931 : memref<10240x128xf32, #tpu.memory_space<vmem_shared>>)
          tpu.yield
        }) : () -> ()
        %dma_start3A_838 = arith.constant 1 : i32
        %dma_start3A_839 = arith.constant 15 : i32
        %dma_start3A_840 = arith.constant 1 : i32
        %dma_start3A_841 = arith.constant 0 : i32
        %dma_start3A_842 = arith.constant 0 : i32
        %dma_start3A_843 = tpu.memref_slice %arg9[%dma_start3A_840, %dma_start3A_841, %dma_start3A_842] : memref<2x128x128xf32, #tpu.memory_space<vmem>> -> memref<1x128x128xf32, #tpu.memory_space<vmem>>
        %dma_start3A_844 = tpu.memref_squeeze %dma_start3A_843 : memref<1x128x128xf32, #tpu.memory_space<vmem>> -> memref<128x128xf32, #tpu.memory_space<vmem>>
        %dma_start3A_845 = arith.constant 0 : i32
        %dma_start3A_846 = tpu.memref_slice %arg7[%dma_start3A_838, %dma_start3A_839, %dma_start3A_845] : memref<2x16x128xi32, #tpu.memory_space<vmem>> -> memref<1x1x128xi32, #tpu.memory_space<vmem>>
        %dma_start3A_847 = tpu.memref_squeeze %dma_start3A_846 : memref<1x1x128xi32, #tpu.memory_space<vmem>> -> memref<128xi32, #tpu.memory_space<vmem>>
        %dma_start3A_848 = arith.constant 0 : i32
        %dma_start3A_849 = arith.constant 0 : i32
        %dma_start3A_850 = tpu.memref_slice %arg2[%dma_start3A_848, %dma_start3A_849] : memref<10000x128xf32, #tpu.memory_space<hbm>> -> memref<10000x128xf32, #tpu.memory_space<hbm>>
        tpu.enqueue_indirect_dma source(%dma_start3A_850 : memref<10000x128xf32, #tpu.memory_space<hbm>>) target(%dma_start3A_844 : memref<128x128xf32, #tpu.memory_space<vmem>>) offsets(%dma_start3A_847 : memref<128xi32, #tpu.memory_space<vmem>>) semaphore(%arg12 : memref<!tpu.dma_semaphore, #tpu.memory_space<semaphore_mem>>)
        %dma_wait3A_851 = arith.constant 1 : i32
        %dma_wait3A_852 = arith.constant 14 : i32
        %dma_wait3A_853 = arith.constant 0 : i32
        %dma_wait3A_854 = arith.constant 0 : i32
        %dma_wait3A_855 = arith.constant 0 : i32
        %dma_wait3A_856 = tpu.memref_slice %arg9[%dma_wait3A_853, %dma_wait3A_854, %dma_wait3A_855] : memref<2x128x128xf32, #tpu.memory_space<vmem>> -> memref<1x128x128xf32, #tpu.memory_space<vmem>>
        %dma_wait3A_857 = tpu.memref_squeeze %dma_wait3A_856 : memref<1x128x128xf32, #tpu.memory_space<vmem>> -> memref<128x128xf32, #tpu.memory_space<vmem>>
        %dma_wait3A_858 = arith.constant 0 : i32
        %dma_wait3A_859 = tpu.memref_slice %arg7[%dma_wait3A_851, %dma_wait3A_852, %dma_wait3A_858] : memref<2x16x128xi32, #tpu.memory_space<vmem>> -> memref<1x1x128xi32, #tpu.memory_space<vmem>>
        %dma_wait3A_860 = tpu.memref_squeeze %dma_wait3A_859 : memref<1x1x128xi32, #tpu.memory_space<vmem>> -> memref<128xi32, #tpu.memory_space<vmem>>
        %dma_wait3A_861 = arith.constant 0 : i32
        %dma_wait3A_862 = arith.constant 0 : i32
        %dma_wait3A_863 = tpu.memref_slice %arg2[%dma_wait3A_861, %dma_wait3A_862] : memref<10000x128xf32, #tpu.memory_space<hbm>> -> memref<10000x128xf32, #tpu.memory_space<hbm>>
        tpu.wait_indirect_dma semaphore(%arg11 : memref<!tpu.dma_semaphore, #tpu.memory_space<semaphore_mem>>) src(%dma_wait3A_863 : memref<10000x128xf32, #tpu.memory_space<hbm>>) dst(%dma_wait3A_857 : memref<128x128xf32, #tpu.memory_space<vmem>>)
        %run_scoped3A_864 = arith.constant 0 : i32
        %run_scoped3A_865 = arith.constant 1 : i32
        %run_scoped3A_866 = arith.constant 14 : i32
        "tpu.region"() ({
          %run_scoped3A_911 = tpu.sem_alloc : memref<!tpu.dma_semaphore, #tpu.memory_space<semaphore_mem>>
          %dma_start3A_912 = arith.constant 0 : i32
          %dma_start3A_913 = arith.constant 0 : i32
          %dma_start3A_914 = tpu.memref_slice %arg9[%run_scoped3A_864, %dma_start3A_912, %dma_start3A_913] : memref<2x128x128xf32, #tpu.memory_space<vmem>> -> memref<1x128x128xf32, #tpu.memory_space<vmem>>
          %dma_start3A_915 = tpu.memref_squeeze %dma_start3A_914 : memref<1x128x128xf32, #tpu.memory_space<vmem>> -> memref<128x128xf32, #tpu.memory_space<vmem>>
          %dma_start3A_916 = arith.constant 0 : i32
          %dma_start3A_917 = tpu.memref_slice %arg8[%run_scoped3A_865, %run_scoped3A_866, %dma_start3A_916] : memref<2x16x128xi32, #tpu.memory_space<vmem>> -> memref<1x1x128xi32, #tpu.memory_space<vmem>>
          %dma_start3A_918 = tpu.memref_squeeze %dma_start3A_917 : memref<1x1x128xi32, #tpu.memory_space<vmem>> -> memref<128xi32, #tpu.memory_space<vmem>>
          %dma_start3A_919 = arith.constant 0 : i32
          %dma_start3A_920 = arith.constant 0 : i32
          %dma_start3A_921 = tpu.memref_slice %arg10[%dma_start3A_919, %dma_start3A_920] : memref<10240x128xf32, #tpu.memory_space<vmem_shared>> -> memref<10240x128xf32, #tpu.memory_space<vmem_shared>>
          tpu.enqueue_indirect_dma source(%dma_start3A_915 : memref<128x128xf32, #tpu.memory_space<vmem>>) target(%dma_start3A_921 : memref<10240x128xf32, #tpu.memory_space<vmem_shared>>) offsets(%dma_start3A_918 : memref<128xi32, #tpu.memory_space<vmem>>) semaphore(%run_scoped3A_911 : memref<!tpu.dma_semaphore, #tpu.memory_space<semaphore_mem>>) {add = true}
          %dma_wait3A_922 = arith.constant 0 : i32
          %dma_wait3A_923 = arith.constant 0 : i32
          %dma_wait3A_924 = tpu.memref_slice %arg9[%run_scoped3A_864, %dma_wait3A_922, %dma_wait3A_923] : memref<2x128x128xf32, #tpu.memory_space<vmem>> -> memref<1x128x128xf32, #tpu.memory_space<vmem>>
          %dma_wait3A_925 = tpu.memref_squeeze %dma_wait3A_924 : memref<1x128x128xf32, #tpu.memory_space<vmem>> -> memref<128x128xf32, #tpu.memory_space<vmem>>
          %dma_wait3A_926 = arith.constant 0 : i32
          %dma_wait3A_927 = tpu.memref_slice %arg8[%run_scoped3A_865, %run_scoped3A_866, %dma_wait3A_926] : memref<2x16x128xi32, #tpu.memory_space<vmem>> -> memref<1x1x128xi32, #tpu.memory_space<vmem>>
          %dma_wait3A_928 = tpu.memref_squeeze %dma_wait3A_927 : memref<1x1x128xi32, #tpu.memory_space<vmem>> -> memref<128xi32, #tpu.memory_space<vmem>>
          %dma_wait3A_929 = arith.constant 0 : i32
          %dma_wait3A_930 = arith.constant 0 : i32
          %dma_wait3A_931 = tpu.memref_slice %arg10[%dma_wait3A_929, %dma_wait3A_930] : memref<10240x128xf32, #tpu.memory_space<vmem_shared>> -> memref<10240x128xf32, #tpu.memory_space<vmem_shared>>
          tpu.wait_indirect_dma semaphore(%run_scoped3A_911 : memref<!tpu.dma_semaphore, #tpu.memory_space<semaphore_mem>>) src(%dma_wait3A_925 : memref<128x128xf32, #tpu.memory_space<vmem>>) dst(%dma_wait3A_931 : memref<10240x128xf32, #tpu.memory_space<vmem_shared>>)
          tpu.yield
        }) : () -> ()
        %add3A_867 = arith.constant 1 : i32
        %add3A_868 = arith.addi %scan3A_432, %add3A_867 : i32
        %lt3A_869 = arith.constant 5 : i32
        %lt3A_870 = arith.cmpi slt, %add3A_868, %lt3A_869 : i32
        %convert_element_type3A_871 = arith.extui %lt3A_870 : i1 to i32
        %cond3A_872 = arith.constant 0 : i32
        %cond3A_873 = arith.cmpi ne, %convert_element_type3A_871, %cond3A_872 : i32
        scf.if %cond3A_873 {
          %dma_wait3A_911 = arith.constant 0 : i32
          %dma_wait3A_912 = arith.constant 0 : i32
          %dma_wait3A_913 = arith.constant 0 : i32
          %dma_wait3A_914 = arith.constant 0 : i32
          %dma_wait3A_915 = tpu.memref_slice %arg7[%dma_wait3A_912, %dma_wait3A_913, %dma_wait3A_914] : memref<2x16x128xi32, #tpu.memory_space<vmem>> -> memref<1x16x128xi32, #tpu.memory_space<vmem>>
          %dma_wait3A_916 = tpu.memref_squeeze %dma_wait3A_915 : memref<1x16x128xi32, #tpu.memory_space<vmem>> -> memref<16x128xi32, #tpu.memory_space<vmem>>
          %dma_wait3A_917 = arith.constant 0 : i32
          %dma_wait3A_918 = arith.constant 0 : i32
          %dma_wait3A_919 = tpu.memref_slice %arg3[%dma_wait3A_911, %dma_wait3A_917, %dma_wait3A_918] : memref<2x2500x128xi32, #tpu.memory_space<hbm>> -> memref<1x16x128xi32, #tpu.memory_space<hbm>>
          %dma_wait3A_920 = tpu.memref_squeeze %dma_wait3A_919 : memref<1x16x128xi32, #tpu.memory_space<hbm>> -> memref<16x128xi32, #tpu.memory_space<hbm>>
          %dma_wait3A_921 = arith.constant 0 : i32
          %dma_wait3A_922 = arith.constant 0 : i32
          %dma_wait3A_923 = tpu.memref_slice %arg7[%dma_wait3A_912, %dma_wait3A_921, %dma_wait3A_922] : memref<2x16x128xi32, #tpu.memory_space<vmem>> -> memref<1x16x128xi32, #tpu.memory_space<vmem>>
          %dma_wait3A_924 = tpu.memref_squeeze %dma_wait3A_923 : memref<1x16x128xi32, #tpu.memory_space<vmem>> -> memref<16x128xi32, #tpu.memory_space<vmem>>
          %dma_wait3A_925 = arith.constant 0 : i32
          %dma_wait3A_926 = arith.constant 0 : i32
          %dma_wait3A_927 = tpu.memref_slice %arg3[%dma_wait3A_911, %dma_wait3A_925, %dma_wait3A_926] : memref<2x2500x128xi32, #tpu.memory_space<hbm>> -> memref<1x16x128xi32, #tpu.memory_space<hbm>>
          %dma_wait3A_928 = tpu.memref_squeeze %dma_wait3A_927 : memref<1x16x128xi32, #tpu.memory_space<hbm>> -> memref<16x128xi32, #tpu.memory_space<hbm>>
          tpu.wait_dma2 semaphore(%arg13 : memref<!tpu.dma_semaphore, #tpu.memory_space<semaphore_mem>>) src(%dma_wait3A_928 : memref<16x128xi32, #tpu.memory_space<hbm>>) dst(%dma_wait3A_924 : memref<16x128xi32, #tpu.memory_space<vmem>>)
          %dma_wait3A_929 = arith.constant 1 : i32
          %dma_wait3A_930 = arith.constant 0 : i32
          %dma_wait3A_931 = arith.constant 0 : i32
          %dma_wait3A_932 = arith.constant 0 : i32
          %dma_wait3A_933 = tpu.memref_slice %arg8[%dma_wait3A_930, %dma_wait3A_931, %dma_wait3A_932] : memref<2x16x128xi32, #tpu.memory_space<vmem>> -> memref<1x16x128xi32, #tpu.memory_space<vmem>>
          %dma_wait3A_934 = tpu.memref_squeeze %dma_wait3A_933 : memref<1x16x128xi32, #tpu.memory_space<vmem>> -> memref<16x128xi32, #tpu.memory_space<vmem>>
          %dma_wait3A_935 = arith.constant 0 : i32
          %dma_wait3A_936 = arith.constant 0 : i32
          %dma_wait3A_937 = tpu.memref_slice %arg3[%dma_wait3A_929, %dma_wait3A_935, %dma_wait3A_936] : memref<2x2500x128xi32, #tpu.memory_space<hbm>> -> memref<1x16x128xi32, #tpu.memory_space<hbm>>
          %dma_wait3A_938 = tpu.memref_squeeze %dma_wait3A_937 : memref<1x16x128xi32, #tpu.memory_space<hbm>> -> memref<16x128xi32, #tpu.memory_space<hbm>>
          %dma_wait3A_939 = arith.constant 0 : i32
          %dma_wait3A_940 = arith.constant 0 : i32
          %dma_wait3A_941 = tpu.memref_slice %arg8[%dma_wait3A_930, %dma_wait3A_939, %dma_wait3A_940] : memref<2x16x128xi32, #tpu.memory_space<vmem>> -> memref<1x16x128xi32, #tpu.memory_space<vmem>>
          %dma_wait3A_942 = tpu.memref_squeeze %dma_wait3A_941 : memref<1x16x128xi32, #tpu.memory_space<vmem>> -> memref<16x128xi32, #tpu.memory_space<vmem>>
          %dma_wait3A_943 = arith.constant 0 : i32
          %dma_wait3A_944 = arith.constant 0 : i32
          %dma_wait3A_945 = tpu.memref_slice %arg3[%dma_wait3A_929, %dma_wait3A_943, %dma_wait3A_944] : memref<2x2500x128xi32, #tpu.memory_space<hbm>> -> memref<1x16x128xi32, #tpu.memory_space<hbm>>
          %dma_wait3A_946 = tpu.memref_squeeze %dma_wait3A_945 : memref<1x16x128xi32, #tpu.memory_space<hbm>> -> memref<16x128xi32, #tpu.memory_space<hbm>>
          tpu.wait_dma2 semaphore(%arg15 : memref<!tpu.dma_semaphore, #tpu.memory_space<semaphore_mem>>) src(%dma_wait3A_946 : memref<16x128xi32, #tpu.memory_space<hbm>>) dst(%dma_wait3A_942 : memref<16x128xi32, #tpu.memory_space<vmem>>)
        } else {
        }
        %add3A_874 = arith.constant 1 : i32
        %add3A_875 = arith.addi %scan3A_432, %add3A_874 : i32
        %lt3A_876 = arith.constant 5 : i32
        %lt3A_877 = arith.cmpi slt, %add3A_875, %lt3A_876 : i32
        %convert_element_type3A_878 = arith.extui %lt3A_877 : i1 to i32
        %cond3A_879 = arith.constant 0 : i32
        %cond3A_880 = arith.cmpi ne, %convert_element_type3A_878, %cond3A_879 : i32
        scf.if %cond3A_880 {
          %dma_start3A_911 = arith.constant 0 : i32
          %dma_start3A_912 = arith.constant 0 : i32
          %dma_start3A_913 = arith.constant 0 : i32
          %dma_start3A_914 = arith.constant 0 : i32
          %dma_start3A_915 = arith.constant 0 : i32
          %dma_start3A_916 = tpu.memref_slice %arg9[%dma_start3A_913, %dma_start3A_914, %dma_start3A_915] : memref<2x128x128xf32, #tpu.memory_space<vmem>> -> memref<1x128x128xf32, #tpu.memory_space<vmem>>
          %dma_start3A_917 = tpu.memref_squeeze %dma_start3A_916 : memref<1x128x128xf32, #tpu.memory_space<vmem>> -> memref<128x128xf32, #tpu.memory_space<vmem>>
          %dma_start3A_918 = arith.constant 0 : i32
          %dma_start3A_919 = tpu.memref_slice %arg7[%dma_start3A_911, %dma_start3A_912, %dma_start3A_918] : memref<2x16x128xi32, #tpu.memory_space<vmem>> -> memref<1x1x128xi32, #tpu.memory_space<vmem>>
          %dma_start3A_920 = tpu.memref_squeeze %dma_start3A_919 : memref<1x1x128xi32, #tpu.memory_space<vmem>> -> memref<128xi32, #tpu.memory_space<vmem>>
          %dma_start3A_921 = arith.constant 0 : i32
          %dma_start3A_922 = arith.constant 0 : i32
          %dma_start3A_923 = tpu.memref_slice %arg2[%dma_start3A_921, %dma_start3A_922] : memref<10000x128xf32, #tpu.memory_space<hbm>> -> memref<10000x128xf32, #tpu.memory_space<hbm>>
          tpu.enqueue_indirect_dma source(%dma_start3A_923 : memref<10000x128xf32, #tpu.memory_space<hbm>>) target(%dma_start3A_917 : memref<128x128xf32, #tpu.memory_space<vmem>>) offsets(%dma_start3A_920 : memref<128xi32, #tpu.memory_space<vmem>>) semaphore(%arg11 : memref<!tpu.dma_semaphore, #tpu.memory_space<semaphore_mem>>)
        } else {
        }
        %dma_wait3A_881 = arith.constant 1 : i32
        %dma_wait3A_882 = arith.constant 15 : i32
        %dma_wait3A_883 = arith.constant 1 : i32
        %dma_wait3A_884 = arith.constant 0 : i32
        %dma_wait3A_885 = arith.constant 0 : i32
        %dma_wait3A_886 = tpu.memref_slice %arg9[%dma_wait3A_883, %dma_wait3A_884, %dma_wait3A_885] : memref<2x128x128xf32, #tpu.memory_space<vmem>> -> memref<1x128x128xf32, #tpu.memory_space<vmem>>
        %dma_wait3A_887 = tpu.memref_squeeze %dma_wait3A_886 : memref<1x128x128xf32, #tpu.memory_space<vmem>> -> memref<128x128xf32, #tpu.memory_space<vmem>>
        %dma_wait3A_888 = arith.constant 0 : i32
        %dma_wait3A_889 = tpu.memref_slice %arg7[%dma_wait3A_881, %dma_wait3A_882, %dma_wait3A_888] : memref<2x16x128xi32, #tpu.memory_space<vmem>> -> memref<1x1x128xi32, #tpu.memory_space<vmem>>
        %dma_wait3A_890 = tpu.memref_squeeze %dma_wait3A_889 : memref<1x1x128xi32, #tpu.memory_space<vmem>> -> memref<128xi32, #tpu.memory_space<vmem>>
        %dma_wait3A_891 = arith.constant 0 : i32
        %dma_wait3A_892 = arith.constant 0 : i32
        %dma_wait3A_893 = tpu.memref_slice %arg2[%dma_wait3A_891, %dma_wait3A_892] : memref<10000x128xf32, #tpu.memory_space<hbm>> -> memref<10000x128xf32, #tpu.memory_space<hbm>>
        tpu.wait_indirect_dma semaphore(%arg12 : memref<!tpu.dma_semaphore, #tpu.memory_space<semaphore_mem>>) src(%dma_wait3A_893 : memref<10000x128xf32, #tpu.memory_space<hbm>>) dst(%dma_wait3A_887 : memref<128x128xf32, #tpu.memory_space<vmem>>)
        %run_scoped3A_894 = arith.constant 1 : i32
        %run_scoped3A_895 = arith.constant 1 : i32
        %run_scoped3A_896 = arith.constant 15 : i32
        "tpu.region"() ({
          %run_scoped3A_911 = tpu.sem_alloc : memref<!tpu.dma_semaphore, #tpu.memory_space<semaphore_mem>>
          %dma_start3A_912 = arith.constant 0 : i32
          %dma_start3A_913 = arith.constant 0 : i32
          %dma_start3A_914 = tpu.memref_slice %arg9[%run_scoped3A_894, %dma_start3A_912, %dma_start3A_913] : memref<2x128x128xf32, #tpu.memory_space<vmem>> -> memref<1x128x128xf32, #tpu.memory_space<vmem>>
          %dma_start3A_915 = tpu.memref_squeeze %dma_start3A_914 : memref<1x128x128xf32, #tpu.memory_space<vmem>> -> memref<128x128xf32, #tpu.memory_space<vmem>>
          %dma_start3A_916 = arith.constant 0 : i32
          %dma_start3A_917 = tpu.memref_slice %arg8[%run_scoped3A_895, %run_scoped3A_896, %dma_start3A_916] : memref<2x16x128xi32, #tpu.memory_space<vmem>> -> memref<1x1x128xi32, #tpu.memory_space<vmem>>
          %dma_start3A_918 = tpu.memref_squeeze %dma_start3A_917 : memref<1x1x128xi32, #tpu.memory_space<vmem>> -> memref<128xi32, #tpu.memory_space<vmem>>
          %dma_start3A_919 = arith.constant 0 : i32
          %dma_start3A_920 = arith.constant 0 : i32
          %dma_start3A_921 = tpu.memref_slice %arg10[%dma_start3A_919, %dma_start3A_920] : memref<10240x128xf32, #tpu.memory_space<vmem_shared>> -> memref<10240x128xf32, #tpu.memory_space<vmem_shared>>
          tpu.enqueue_indirect_dma source(%dma_start3A_915 : memref<128x128xf32, #tpu.memory_space<vmem>>) target(%dma_start3A_921 : memref<10240x128xf32, #tpu.memory_space<vmem_shared>>) offsets(%dma_start3A_918 : memref<128xi32, #tpu.memory_space<vmem>>) semaphore(%run_scoped3A_911 : memref<!tpu.dma_semaphore, #tpu.memory_space<semaphore_mem>>) {add = true}
          %dma_wait3A_922 = arith.constant 0 : i32
          %dma_wait3A_923 = arith.constant 0 : i32
          %dma_wait3A_924 = tpu.memref_slice %arg9[%run_scoped3A_894, %dma_wait3A_922, %dma_wait3A_923] : memref<2x128x128xf32, #tpu.memory_space<vmem>> -> memref<1x128x128xf32, #tpu.memory_space<vmem>>
          %dma_wait3A_925 = tpu.memref_squeeze %dma_wait3A_924 : memref<1x128x128xf32, #tpu.memory_space<vmem>> -> memref<128x128xf32, #tpu.memory_space<vmem>>
          %dma_wait3A_926 = arith.constant 0 : i32
          %dma_wait3A_927 = tpu.memref_slice %arg8[%run_scoped3A_895, %run_scoped3A_896, %dma_wait3A_926] : memref<2x16x128xi32, #tpu.memory_space<vmem>> -> memref<1x1x128xi32, #tpu.memory_space<vmem>>
          %dma_wait3A_928 = tpu.memref_squeeze %dma_wait3A_927 : memref<1x1x128xi32, #tpu.memory_space<vmem>> -> memref<128xi32, #tpu.memory_space<vmem>>
          %dma_wait3A_929 = arith.constant 0 : i32
          %dma_wait3A_930 = arith.constant 0 : i32
          %dma_wait3A_931 = tpu.memref_slice %arg10[%dma_wait3A_929, %dma_wait3A_930] : memref<10240x128xf32, #tpu.memory_space<vmem_shared>> -> memref<10240x128xf32, #tpu.memory_space<vmem_shared>>
          tpu.wait_indirect_dma semaphore(%run_scoped3A_911 : memref<!tpu.dma_semaphore, #tpu.memory_space<semaphore_mem>>) src(%dma_wait3A_925 : memref<128x128xf32, #tpu.memory_space<vmem>>) dst(%dma_wait3A_931 : memref<10240x128xf32, #tpu.memory_space<vmem_shared>>)
          tpu.yield
        }) : () -> ()
        %add3A_897 = arith.constant 1 : i32
        %add3A_898 = arith.addi %scan3A_432, %add3A_897 : i32
        %lt3A_899 = arith.constant 5 : i32
        %lt3A_900 = arith.cmpi slt, %add3A_898, %lt3A_899 : i32
        %convert_element_type3A_901 = arith.extui %lt3A_900 : i1 to i32
        %cond3A_902 = arith.constant 0 : i32
        %cond3A_903 = arith.cmpi ne, %convert_element_type3A_901, %cond3A_902 : i32
        scf.if %cond3A_903 {
          %dma_start3A_911 = arith.constant 0 : i32
          %dma_start3A_912 = arith.constant 1 : i32
          %dma_start3A_913 = arith.constant 1 : i32
          %dma_start3A_914 = arith.constant 0 : i32
          %dma_start3A_915 = arith.constant 0 : i32
          %dma_start3A_916 = tpu.memref_slice %arg9[%dma_start3A_913, %dma_start3A_914, %dma_start3A_915] : memref<2x128x128xf32, #tpu.memory_space<vmem>> -> memref<1x128x128xf32, #tpu.memory_space<vmem>>
          %dma_start3A_917 = tpu.memref_squeeze %dma_start3A_916 : memref<1x128x128xf32, #tpu.memory_space<vmem>> -> memref<128x128xf32, #tpu.memory_space<vmem>>
          %dma_start3A_918 = arith.constant 0 : i32
          %dma_start3A_919 = tpu.memref_slice %arg7[%dma_start3A_911, %dma_start3A_912, %dma_start3A_918] : memref<2x16x128xi32, #tpu.memory_space<vmem>> -> memref<1x1x128xi32, #tpu.memory_space<vmem>>
          %dma_start3A_920 = tpu.memref_squeeze %dma_start3A_919 : memref<1x1x128xi32, #tpu.memory_space<vmem>> -> memref<128xi32, #tpu.memory_space<vmem>>
          %dma_start3A_921 = arith.constant 0 : i32
          %dma_start3A_922 = arith.constant 0 : i32
          %dma_start3A_923 = tpu.memref_slice %arg2[%dma_start3A_921, %dma_start3A_922] : memref<10000x128xf32, #tpu.memory_space<hbm>> -> memref<10000x128xf32, #tpu.memory_space<hbm>>
          tpu.enqueue_indirect_dma source(%dma_start3A_923 : memref<10000x128xf32, #tpu.memory_space<hbm>>) target(%dma_start3A_917 : memref<128x128xf32, #tpu.memory_space<vmem>>) offsets(%dma_start3A_920 : memref<128xi32, #tpu.memory_space<vmem>>) semaphore(%arg12 : memref<!tpu.dma_semaphore, #tpu.memory_space<semaphore_mem>>)
        } else {
        }
        %add3A_904 = arith.constant 2 : i32
        %add3A_905 = arith.addi %scan3A_432, %add3A_904 : i32
        %lt3A_906 = arith.constant 5 : i32
        %lt3A_907 = arith.cmpi slt, %add3A_905, %lt3A_906 : i32
        %convert_element_type3A_908 = arith.extui %lt3A_907 : i1 to i32
        %cond3A_909 = arith.constant 0 : i32
        %cond3A_910 = arith.cmpi ne, %convert_element_type3A_908, %cond3A_909 : i32
        scf.if %cond3A_910 {
          %add3A_911 = arith.constant 2 : i32
          %add3A_912 = arith.addi %scan3A_432, %add3A_911 : i32
          %mul3A_913 = arith.constant 16 : i32
          %mul3A_914 = arith.muli %add3A_912, %mul3A_913 : i32
          %add3A_915 = arith.addi %mul3A_2, %mul3A_914 : i32
          %lt3A_916 = arith.constant 2496 : i32
          %lt3A_917 = arith.cmpi slt, %add3A_915, %lt3A_916 : i32
          %convert_element_type3A_918 = arith.extui %lt3A_917 : i1 to i32
          %cond3A_919 = arith.constant 0 : i32
          %cond3A_920 = arith.cmpi ne, %convert_element_type3A_918, %cond3A_919 : i32
          scf.if %cond3A_920 {
            %dma_start3A_926 = arith.constant 0 : i32
            %dma_start3A_927 = arith.constant 1 : i32
            %dma_start3A_928 = arith.constant 0 : i32
            %dma_start3A_929 = arith.constant 0 : i32
            %dma_start3A_930 = tpu.memref_slice %arg7[%dma_start3A_927, %dma_start3A_928, %dma_start3A_929] : memref<2x16x128xi32, #tpu.memory_space<vmem>> -> memref<1x16x128xi32, #tpu.memory_space<vmem>>
            %dma_start3A_931 = tpu.memref_squeeze %dma_start3A_930 : memref<1x16x128xi32, #tpu.memory_space<vmem>> -> memref<16x128xi32, #tpu.memory_space<vmem>>
            %dma_start3A_932 = arith.constant 0 : i32
            %dma_start3A_933 = tpu.memref_slice %arg3[%dma_start3A_926, %add3A_915, %dma_start3A_932] : memref<2x2500x128xi32, #tpu.memory_space<hbm>> -> memref<1x16x128xi32, #tpu.memory_space<hbm>>
            %dma_start3A_934 = tpu.memref_squeeze %dma_start3A_933 : memref<1x16x128xi32, #tpu.memory_space<hbm>> -> memref<16x128xi32, #tpu.memory_space<hbm>>
            %dma_start3A_935 = arith.constant 0 : i32
            %dma_start3A_936 = arith.constant 0 : i32
            %dma_start3A_937 = tpu.memref_slice %arg7[%dma_start3A_927, %dma_start3A_935, %dma_start3A_936] : memref<2x16x128xi32, #tpu.memory_space<vmem>> -> memref<1x16x128xi32, #tpu.memory_space<vmem>>
            %dma_start3A_938 = tpu.memref_squeeze %dma_start3A_937 : memref<1x16x128xi32, #tpu.memory_space<vmem>> -> memref<16x128xi32, #tpu.memory_space<vmem>>
            %dma_start3A_939 = arith.constant 0 : i32
            %dma_start3A_940 = tpu.memref_slice %arg3[%dma_start3A_926, %add3A_915, %dma_start3A_939] : memref<2x2500x128xi32, #tpu.memory_space<hbm>> -> memref<1x16x128xi32, #tpu.memory_space<hbm>>
            %dma_start3A_941 = tpu.memref_squeeze %dma_start3A_940 : memref<1x16x128xi32, #tpu.memory_space<hbm>> -> memref<16x128xi32, #tpu.memory_space<hbm>>
            tpu.enqueue_dma source(%dma_start3A_941 : memref<16x128xi32, #tpu.memory_space<hbm>>) target(%dma_start3A_938 : memref<16x128xi32, #tpu.memory_space<vmem>>) target_semaphore(%arg14 : memref<!tpu.dma_semaphore, #tpu.memory_space<semaphore_mem>>)
            %dma_start3A_942 = arith.constant 1 : i32
            %dma_start3A_943 = arith.constant 1 : i32
            %dma_start3A_944 = arith.constant 0 : i32
            %dma_start3A_945 = arith.constant 0 : i32
            %dma_start3A_946 = tpu.memref_slice %arg8[%dma_start3A_943, %dma_start3A_944, %dma_start3A_945] : memref<2x16x128xi32, #tpu.memory_space<vmem>> -> memref<1x16x128xi32, #tpu.memory_space<vmem>>
            %dma_start3A_947 = tpu.memref_squeeze %dma_start3A_946 : memref<1x16x128xi32, #tpu.memory_space<vmem>> -> memref<16x128xi32, #tpu.memory_space<vmem>>
            %dma_start3A_948 = arith.constant 0 : i32
            %dma_start3A_949 = tpu.memref_slice %arg3[%dma_start3A_942, %add3A_915, %dma_start3A_948] : memref<2x2500x128xi32, #tpu.memory_space<hbm>> -> memref<1x16x128xi32, #tpu.memory_space<hbm>>
            %dma_start3A_950 = tpu.memref_squeeze %dma_start3A_949 : memref<1x16x128xi32, #tpu.memory_space<hbm>> -> memref<16x128xi32, #tpu.memory_space<hbm>>
            %dma_start3A_951 = arith.constant 0 : i32
            %dma_start3A_952 = arith.constant 0 : i32
            %dma_start3A_953 = tpu.memref_slice %arg8[%dma_start3A_943, %dma_start3A_951, %dma_start3A_952] : memref<2x16x128xi32, #tpu.memory_space<vmem>> -> memref<1x16x128xi32, #tpu.memory_space<vmem>>
            %dma_start3A_954 = tpu.memref_squeeze %dma_start3A_953 : memref<1x16x128xi32, #tpu.memory_space<vmem>> -> memref<16x128xi32, #tpu.memory_space<vmem>>
            %dma_start3A_955 = arith.constant 0 : i32
            %dma_start3A_956 = tpu.memref_slice %arg3[%dma_start3A_942, %add3A_915, %dma_start3A_955] : memref<2x2500x128xi32, #tpu.memory_space<hbm>> -> memref<1x16x128xi32, #tpu.memory_space<hbm>>
            %dma_start3A_957 = tpu.memref_squeeze %dma_start3A_956 : memref<1x16x128xi32, #tpu.memory_space<hbm>> -> memref<16x128xi32, #tpu.memory_space<hbm>>
            tpu.enqueue_dma source(%dma_start3A_957 : memref<16x128xi32, #tpu.memory_space<hbm>>) target(%dma_start3A_954 : memref<16x128xi32, #tpu.memory_space<vmem>>) target_semaphore(%arg16 : memref<!tpu.dma_semaphore, #tpu.memory_space<semaphore_mem>>)
          } else {
          }
          %ge3A_921 = arith.constant 2496 : i32
          %ge3A_922 = arith.cmpi sge, %add3A_915, %ge3A_921 : i32
          %convert_element_type3A_923 = arith.extui %ge3A_922 : i1 to i32
          %cond3A_924 = arith.constant 0 : i32
          %cond3A_925 = arith.cmpi ne, %convert_element_type3A_923, %cond3A_924 : i32
          scf.if %cond3A_925 {
            %sub3A = arith.constant 2496 : i32
            %sub3A_926 = arith.subi %add3A_915, %sub3A : i32
            %dma_start3A_927 = arith.constant 0 : i32
            %dma_start3A_928 = arith.constant 1 : i32
            %dma_start3A_929 = arith.constant 0 : i32
            %dma_start3A_930 = arith.constant 0 : i32
            %dma_start3A_931 = tpu.memref_slice %arg7[%dma_start3A_928, %dma_start3A_929, %dma_start3A_930] : memref<2x16x128xi32, #tpu.memory_space<vmem>> -> memref<1x16x128xi32, #tpu.memory_space<vmem>>
            %dma_start3A_932 = tpu.memref_squeeze %dma_start3A_931 : memref<1x16x128xi32, #tpu.memory_space<vmem>> -> memref<16x128xi32, #tpu.memory_space<vmem>>
            %dma_start3A_933 = arith.constant 0 : i32
            %dma_start3A_934 = tpu.memref_slice %arg4[%dma_start3A_927, %sub3A_926, %dma_start3A_933] : memref<2x64x128xi32, #tpu.memory_space<hbm>> -> memref<1x16x128xi32, #tpu.memory_space<hbm>>
            %dma_start3A_935 = tpu.memref_squeeze %dma_start3A_934 : memref<1x16x128xi32, #tpu.memory_space<hbm>> -> memref<16x128xi32, #tpu.memory_space<hbm>>
            %dma_start3A_936 = arith.constant 0 : i32
            %dma_start3A_937 = arith.constant 0 : i32
            %dma_start3A_938 = tpu.memref_slice %arg7[%dma_start3A_928, %dma_start3A_936, %dma_start3A_937] : memref<2x16x128xi32, #tpu.memory_space<vmem>> -> memref<1x16x128xi32, #tpu.memory_space<vmem>>
            %dma_start3A_939 = tpu.memref_squeeze %dma_start3A_938 : memref<1x16x128xi32, #tpu.memory_space<vmem>> -> memref<16x128xi32, #tpu.memory_space<vmem>>
            %dma_start3A_940 = arith.constant 0 : i32
            %dma_start3A_941 = tpu.memref_slice %arg4[%dma_start3A_927, %sub3A_926, %dma_start3A_940] : memref<2x64x128xi32, #tpu.memory_space<hbm>> -> memref<1x16x128xi32, #tpu.memory_space<hbm>>
            %dma_start3A_942 = tpu.memref_squeeze %dma_start3A_941 : memref<1x16x128xi32, #tpu.memory_space<hbm>> -> memref<16x128xi32, #tpu.memory_space<hbm>>
            tpu.enqueue_dma source(%dma_start3A_942 : memref<16x128xi32, #tpu.memory_space<hbm>>) target(%dma_start3A_939 : memref<16x128xi32, #tpu.memory_space<vmem>>) target_semaphore(%arg14 : memref<!tpu.dma_semaphore, #tpu.memory_space<semaphore_mem>>)
            %dma_start3A_943 = arith.constant 1 : i32
            %dma_start3A_944 = arith.constant 1 : i32
            %dma_start3A_945 = arith.constant 0 : i32
            %dma_start3A_946 = arith.constant 0 : i32
            %dma_start3A_947 = tpu.memref_slice %arg8[%dma_start3A_944, %dma_start3A_945, %dma_start3A_946] : memref<2x16x128xi32, #tpu.memory_space<vmem>> -> memref<1x16x128xi32, #tpu.memory_space<vmem>>
            %dma_start3A_948 = tpu.memref_squeeze %dma_start3A_947 : memref<1x16x128xi32, #tpu.memory_space<vmem>> -> memref<16x128xi32, #tpu.memory_space<vmem>>
            %dma_start3A_949 = arith.constant 0 : i32
            %dma_start3A_950 = tpu.memref_slice %arg4[%dma_start3A_943, %sub3A_926, %dma_start3A_949] : memref<2x64x128xi32, #tpu.memory_space<hbm>> -> memref<1x16x128xi32, #tpu.memory_space<hbm>>
            %dma_start3A_951 = tpu.memref_squeeze %dma_start3A_950 : memref<1x16x128xi32, #tpu.memory_space<hbm>> -> memref<16x128xi32, #tpu.memory_space<hbm>>
            %dma_start3A_952 = arith.constant 0 : i32
            %dma_start3A_953 = arith.constant 0 : i32
            %dma_start3A_954 = tpu.memref_slice %arg8[%dma_start3A_944, %dma_start3A_952, %dma_start3A_953] : memref<2x16x128xi32, #tpu.memory_space<vmem>> -> memref<1x16x128xi32, #tpu.memory_space<vmem>>
            %dma_start3A_955 = tpu.memref_squeeze %dma_start3A_954 : memref<1x16x128xi32, #tpu.memory_space<vmem>> -> memref<16x128xi32, #tpu.memory_space<vmem>>
            %dma_start3A_956 = arith.constant 0 : i32
            %dma_start3A_957 = tpu.memref_slice %arg4[%dma_start3A_943, %sub3A_926, %dma_start3A_956] : memref<2x64x128xi32, #tpu.memory_space<hbm>> -> memref<1x16x128xi32, #tpu.memory_space<hbm>>
            %dma_start3A_958 = tpu.memref_squeeze %dma_start3A_957 : memref<1x16x128xi32, #tpu.memory_space<hbm>> -> memref<16x128xi32, #tpu.memory_space<hbm>>
            tpu.enqueue_dma source(%dma_start3A_958 : memref<16x128xi32, #tpu.memory_space<hbm>>) target(%dma_start3A_955 : memref<16x128xi32, #tpu.memory_space<vmem>>) target_semaphore(%arg16 : memref<!tpu.dma_semaphore, #tpu.memory_space<semaphore_mem>>)
          } else {
          }
        } else {
        }
      } else {
      }
    }
    %scan3A_245 = arith.constant 5 : i32
    %barrier3A_246 = arith.constant 0 : index
    tpu.barrier barrier_id(%barrier3A_246)
    %mul3A_247 = arith.constant 640 : i32
    %mul3A_248 = arith.muli %arg1, %mul3A_247 : i32
    %add3A_249 = arith.constant 0 : i32
    %add3A_250 = arith.addi %mul3A_248, %add3A_249 : i32
    %run_scoped3A_251 = arith.constant 0 : i32
    "tpu.region"() ({
      %run_scoped3A_432 = tpu.sem_alloc : memref<!tpu.dma_semaphore, #tpu.memory_space<semaphore_mem>>
      %dma_start3A_433 = arith.constant 0 : i32
      %dma_start3A_434 = arith.constant 0 : i32
      %dma_start3A_435 = tpu.memref_slice %arg9[%run_scoped3A_251, %dma_start3A_433, %dma_start3A_434] : memref<2x128x128xf32, #tpu.memory_space<vmem>> -> memref<1x128x128xf32, #tpu.memory_space<vmem>>
      %dma_start3A_436 = tpu.memref_squeeze %dma_start3A_435 : memref<1x128x128xf32, #tpu.memory_space<vmem>> -> memref<128x128xf32, #tpu.memory_space<vmem>>
      %dma_start3A_437 = arith.constant 0 : i32
      %dma_start3A_438 = tpu.memref_slice %arg10[%add3A_250, %dma_start3A_437] : memref<10240x128xf32, #tpu.memory_space<vmem_shared>> -> memref<128x128xf32, #tpu.memory_space<vmem_shared>>
      %dma_start3A_439 = arith.constant 0 : i32
      %dma_start3A_440 = arith.constant 0 : i32
      %dma_start3A_441 = tpu.memref_slice %arg9[%run_scoped3A_251, %dma_start3A_439, %dma_start3A_440] : memref<2x128x128xf32, #tpu.memory_space<vmem>> -> memref<1x128x128xf32, #tpu.memory_space<vmem>>
      %dma_start3A_442 = tpu.memref_squeeze %dma_start3A_441 : memref<1x128x128xf32, #tpu.memory_space<vmem>> -> memref<128x128xf32, #tpu.memory_space<vmem>>
      %dma_start3A_443 = arith.constant 0 : i32
      %dma_start3A_444 = tpu.memref_slice %arg10[%add3A_250, %dma_start3A_443] : memref<10240x128xf32, #tpu.memory_space<vmem_shared>> -> memref<128x128xf32, #tpu.memory_space<vmem_shared>>
      tpu.enqueue_dma source(%dma_start3A_444 : memref<128x128xf32, #tpu.memory_space<vmem_shared>>) target(%dma_start3A_442 : memref<128x128xf32, #tpu.memory_space<vmem>>) target_semaphore(%run_scoped3A_432 : memref<!tpu.dma_semaphore, #tpu.memory_space<semaphore_mem>>)
      %dma_wait3A_445 = arith.constant 0 : i32
      %dma_wait3A_446 = arith.constant 0 : i32
      %dma_wait3A_447 = tpu.memref_slice %arg9[%run_scoped3A_251, %dma_wait3A_445, %dma_wait3A_446] : memref<2x128x128xf32, #tpu.memory_space<vmem>> -> memref<1x128x128xf32, #tpu.memory_space<vmem>>
      %dma_wait3A_448 = tpu.memref_squeeze %dma_wait3A_447 : memref<1x128x128xf32, #tpu.memory_space<vmem>> -> memref<128x128xf32, #tpu.memory_space<vmem>>
      %dma_wait3A_449 = arith.constant 0 : i32
      %dma_wait3A_450 = tpu.memref_slice %arg10[%add3A_250, %dma_wait3A_449] : memref<10240x128xf32, #tpu.memory_space<vmem_shared>> -> memref<128x128xf32, #tpu.memory_space<vmem_shared>>
      %dma_wait3A_451 = arith.constant 0 : i32
      %dma_wait3A_452 = arith.constant 0 : i32
      %dma_wait3A_453 = tpu.memref_slice %arg9[%run_scoped3A_251, %dma_wait3A_451, %dma_wait3A_452] : memref<2x128x128xf32, #tpu.memory_space<vmem>> -> memref<1x128x128xf32, #tpu.memory_space<vmem>>
      %dma_wait3A_454 = tpu.memref_squeeze %dma_wait3A_453 : memref<1x128x128xf32, #tpu.memory_space<vmem>> -> memref<128x128xf32, #tpu.memory_space<vmem>>
      %dma_wait3A_455 = arith.constant 0 : i32
      %dma_wait3A_456 = tpu.memref_slice %arg10[%add3A_250, %dma_wait3A_455] : memref<10240x128xf32, #tpu.memory_space<vmem_shared>> -> memref<128x128xf32, #tpu.memory_space<vmem_shared>>
      tpu.wait_dma2 semaphore(%run_scoped3A_432 : memref<!tpu.dma_semaphore, #tpu.memory_space<semaphore_mem>>) src(%dma_wait3A_456 : memref<128x128xf32, #tpu.memory_space<vmem_shared>>) dst(%dma_wait3A_454 : memref<128x128xf32, #tpu.memory_space<vmem>>)
      tpu.yield
    }) : () -> ()
    %dma_start3A_252 = arith.constant 0 : i32
    %dma_start3A_253 = arith.constant 0 : i32
    %dma_start3A_254 = arith.constant 0 : i32
    %dma_start3A_255 = tpu.memref_slice %arg9[%dma_start3A_252, %dma_start3A_253, %dma_start3A_254] : memref<2x128x128xf32, #tpu.memory_space<vmem>> -> memref<1x128x128xf32, #tpu.memory_space<vmem>>
    %dma_start3A_256 = tpu.memref_squeeze %dma_start3A_255 : memref<1x128x128xf32, #tpu.memory_space<vmem>> -> memref<128x128xf32, #tpu.memory_space<vmem>>
    %dma_start3A_257 = arith.constant 0 : i32
    %dma_start3A_258 = tpu.memref_slice %arg6[%arg0, %add3A_250, %dma_start3A_257] : memref<2x10240x128xf32, #tpu.memory_space<hbm>> -> memref<1x128x128xf32, #tpu.memory_space<hbm>>
    %dma_start3A_259 = tpu.memref_squeeze %dma_start3A_258 : memref<1x128x128xf32, #tpu.memory_space<hbm>> -> memref<128x128xf32, #tpu.memory_space<hbm>>
    %dma_start3A_260 = arith.constant 0 : i32
    %dma_start3A_261 = tpu.memref_slice %arg6[%arg0, %add3A_250, %dma_start3A_260] : memref<2x10240x128xf32, #tpu.memory_space<hbm>> -> memref<1x128x128xf32, #tpu.memory_space<hbm>>
    %dma_start3A_262 = tpu.memref_squeeze %dma_start3A_261 : memref<1x128x128xf32, #tpu.memory_space<hbm>> -> memref<128x128xf32, #tpu.memory_space<hbm>>
    %dma_start3A_263 = arith.constant 0 : i32
    %dma_start3A_264 = arith.constant 0 : i32
    %dma_start3A_265 = tpu.memref_slice %arg9[%dma_start3A_252, %dma_start3A_263, %dma_start3A_264] : memref<2x128x128xf32, #tpu.memory_space<vmem>> -> memref<1x128x128xf32, #tpu.memory_space<vmem>>
    %dma_start3A_266 = tpu.memref_squeeze %dma_start3A_265 : memref<1x128x128xf32, #tpu.memory_space<vmem>> -> memref<128x128xf32, #tpu.memory_space<vmem>>
    tpu.enqueue_dma source(%dma_start3A_266 : memref<128x128xf32, #tpu.memory_space<vmem>>) target(%dma_start3A_262 : memref<128x128xf32, #tpu.memory_space<hbm>>) target_semaphore(%arg11 : memref<!tpu.dma_semaphore, #tpu.memory_space<semaphore_mem>>)
    %mul3A_267 = arith.constant 640 : i32
    %mul3A_268 = arith.muli %arg1, %mul3A_267 : i32
    %add3A_269 = arith.constant 128 : i32
    %add3A_270 = arith.addi %mul3A_268, %add3A_269 : i32
    %run_scoped3A_271 = arith.constant 1 : i32
    "tpu.region"() ({
      %run_scoped3A_432 = tpu.sem_alloc : memref<!tpu.dma_semaphore, #tpu.memory_space<semaphore_mem>>
      %dma_start3A_433 = arith.constant 0 : i32
      %dma_start3A_434 = arith.constant 0 : i32
      %dma_start3A_435 = tpu.memref_slice %arg9[%run_scoped3A_271, %dma_start3A_433, %dma_start3A_434] : memref<2x128x128xf32, #tpu.memory_space<vmem>> -> memref<1x128x128xf32, #tpu.memory_space<vmem>>
      %dma_start3A_436 = tpu.memref_squeeze %dma_start3A_435 : memref<1x128x128xf32, #tpu.memory_space<vmem>> -> memref<128x128xf32, #tpu.memory_space<vmem>>
      %dma_start3A_437 = arith.constant 0 : i32
      %dma_start3A_438 = tpu.memref_slice %arg10[%add3A_270, %dma_start3A_437] : memref<10240x128xf32, #tpu.memory_space<vmem_shared>> -> memref<128x128xf32, #tpu.memory_space<vmem_shared>>
      %dma_start3A_439 = arith.constant 0 : i32
      %dma_start3A_440 = arith.constant 0 : i32
      %dma_start3A_441 = tpu.memref_slice %arg9[%run_scoped3A_271, %dma_start3A_439, %dma_start3A_440] : memref<2x128x128xf32, #tpu.memory_space<vmem>> -> memref<1x128x128xf32, #tpu.memory_space<vmem>>
      %dma_start3A_442 = tpu.memref_squeeze %dma_start3A_441 : memref<1x128x128xf32, #tpu.memory_space<vmem>> -> memref<128x128xf32, #tpu.memory_space<vmem>>
      %dma_start3A_443 = arith.constant 0 : i32
      %dma_start3A_444 = tpu.memref_slice %arg10[%add3A_270, %dma_start3A_443] : memref<10240x128xf32, #tpu.memory_space<vmem_shared>> -> memref<128x128xf32, #tpu.memory_space<vmem_shared>>
      tpu.enqueue_dma source(%dma_start3A_444 : memref<128x128xf32, #tpu.memory_space<vmem_shared>>) target(%dma_start3A_442 : memref<128x128xf32, #tpu.memory_space<vmem>>) target_semaphore(%run_scoped3A_432 : memref<!tpu.dma_semaphore, #tpu.memory_space<semaphore_mem>>)
      %dma_wait3A_445 = arith.constant 0 : i32
      %dma_wait3A_446 = arith.constant 0 : i32
      %dma_wait3A_447 = tpu.memref_slice %arg9[%run_scoped3A_271, %dma_wait3A_445, %dma_wait3A_446] : memref<2x128x128xf32, #tpu.memory_space<vmem>> -> memref<1x128x128xf32, #tpu.memory_space<vmem>>
      %dma_wait3A_448 = tpu.memref_squeeze %dma_wait3A_447 : memref<1x128x128xf32, #tpu.memory_space<vmem>> -> memref<128x128xf32, #tpu.memory_space<vmem>>
      %dma_wait3A_449 = arith.constant 0 : i32
      %dma_wait3A_450 = tpu.memref_slice %arg10[%add3A_270, %dma_wait3A_449] : memref<10240x128xf32, #tpu.memory_space<vmem_shared>> -> memref<128x128xf32, #tpu.memory_space<vmem_shared>>
      %dma_wait3A_451 = arith.constant 0 : i32
      %dma_wait3A_452 = arith.constant 0 : i32
      %dma_wait3A_453 = tpu.memref_slice %arg9[%run_scoped3A_271, %dma_wait3A_451, %dma_wait3A_452] : memref<2x128x128xf32, #tpu.memory_space<vmem>> -> memref<1x128x128xf32, #tpu.memory_space<vmem>>
      %dma_wait3A_454 = tpu.memref_squeeze %dma_wait3A_453 : memref<1x128x128xf32, #tpu.memory_space<vmem>> -> memref<128x128xf32, #tpu.memory_space<vmem>>
      %dma_wait3A_455 = arith.constant 0 : i32
      %dma_wait3A_456 = tpu.memref_slice %arg10[%add3A_270, %dma_wait3A_455] : memref<10240x128xf32, #tpu.memory_space<vmem_shared>> -> memref<128x128xf32, #tpu.memory_space<vmem_shared>>
      tpu.wait_dma2 semaphore(%run_scoped3A_432 : memref<!tpu.dma_semaphore, #tpu.memory_space<semaphore_mem>>) src(%dma_wait3A_456 : memref<128x128xf32, #tpu.memory_space<vmem_shared>>) dst(%dma_wait3A_454 : memref<128x128xf32, #tpu.memory_space<vmem>>)
      tpu.yield
    }) : () -> ()
    %dma_start3A_272 = arith.constant 1 : i32
    %dma_start3A_273 = arith.constant 0 : i32
    %dma_start3A_274 = arith.constant 0 : i32
    %dma_start3A_275 = tpu.memref_slice %arg9[%dma_start3A_272, %dma_start3A_273, %dma_start3A_274] : memref<2x128x128xf32, #tpu.memory_space<vmem>> -> memref<1x128x128xf32, #tpu.memory_space<vmem>>
    %dma_start3A_276 = tpu.memref_squeeze %dma_start3A_275 : memref<1x128x128xf32, #tpu.memory_space<vmem>> -> memref<128x128xf32, #tpu.memory_space<vmem>>
    %dma_start3A_277 = arith.constant 0 : i32
    %dma_start3A_278 = tpu.memref_slice %arg6[%arg0, %add3A_270, %dma_start3A_277] : memref<2x10240x128xf32, #tpu.memory_space<hbm>> -> memref<1x128x128xf32, #tpu.memory_space<hbm>>
    %dma_start3A_279 = tpu.memref_squeeze %dma_start3A_278 : memref<1x128x128xf32, #tpu.memory_space<hbm>> -> memref<128x128xf32, #tpu.memory_space<hbm>>
    %dma_start3A_280 = arith.constant 0 : i32
    %dma_start3A_281 = tpu.memref_slice %arg6[%arg0, %add3A_270, %dma_start3A_280] : memref<2x10240x128xf32, #tpu.memory_space<hbm>> -> memref<1x128x128xf32, #tpu.memory_space<hbm>>
    %dma_start3A_282 = tpu.memref_squeeze %dma_start3A_281 : memref<1x128x128xf32, #tpu.memory_space<hbm>> -> memref<128x128xf32, #tpu.memory_space<hbm>>
    %dma_start3A_283 = arith.constant 0 : i32
    %dma_start3A_284 = arith.constant 0 : i32
    %dma_start3A_285 = tpu.memref_slice %arg9[%dma_start3A_272, %dma_start3A_283, %dma_start3A_284] : memref<2x128x128xf32, #tpu.memory_space<vmem>> -> memref<1x128x128xf32, #tpu.memory_space<vmem>>
    %dma_start3A_286 = tpu.memref_squeeze %dma_start3A_285 : memref<1x128x128xf32, #tpu.memory_space<vmem>> -> memref<128x128xf32, #tpu.memory_space<vmem>>
    tpu.enqueue_dma source(%dma_start3A_286 : memref<128x128xf32, #tpu.memory_space<vmem>>) target(%dma_start3A_282 : memref<128x128xf32, #tpu.memory_space<hbm>>) target_semaphore(%arg12 : memref<!tpu.dma_semaphore, #tpu.memory_space<semaphore_mem>>)
    %mul3A_287 = arith.constant 640 : i32
    %mul3A_288 = arith.muli %arg1, %mul3A_287 : i32
    %dma_wait3A_289 = arith.constant 0 : i32
    %dma_wait3A_290 = arith.constant 0 : i32
    %dma_wait3A_291 = arith.constant 0 : i32
    %dma_wait3A_292 = tpu.memref_slice %arg9[%dma_wait3A_289, %dma_wait3A_290, %dma_wait3A_291] : memref<2x128x128xf32, #tpu.memory_space<vmem>> -> memref<1x128x128xf32, #tpu.memory_space<vmem>>
    %dma_wait3A_293 = tpu.memref_squeeze %dma_wait3A_292 : memref<1x128x128xf32, #tpu.memory_space<vmem>> -> memref<128x128xf32, #tpu.memory_space<vmem>>
    %dma_wait3A_294 = arith.constant 0 : i32
    %dma_wait3A_295 = tpu.memref_slice %arg6[%arg0, %mul3A_288, %dma_wait3A_294] : memref<2x10240x128xf32, #tpu.memory_space<hbm>> -> memref<1x128x128xf32, #tpu.memory_space<hbm>>
    %dma_wait3A_296 = tpu.memref_squeeze %dma_wait3A_295 : memref<1x128x128xf32, #tpu.memory_space<hbm>> -> memref<128x128xf32, #tpu.memory_space<hbm>>
    %dma_wait3A_297 = arith.constant 0 : i32
    %dma_wait3A_298 = tpu.memref_slice %arg6[%arg0, %mul3A_288, %dma_wait3A_297] : memref<2x10240x128xf32, #tpu.memory_space<hbm>> -> memref<1x128x128xf32, #tpu.memory_space<hbm>>
    %dma_wait3A_299 = tpu.memref_squeeze %dma_wait3A_298 : memref<1x128x128xf32, #tpu.memory_space<hbm>> -> memref<128x128xf32, #tpu.memory_space<hbm>>
    %dma_wait3A_300 = arith.constant 0 : i32
    %dma_wait3A_301 = arith.constant 0 : i32
    %dma_wait3A_302 = tpu.memref_slice %arg9[%dma_wait3A_289, %dma_wait3A_300, %dma_wait3A_301] : memref<2x128x128xf32, #tpu.memory_space<vmem>> -> memref<1x128x128xf32, #tpu.memory_space<vmem>>
    %dma_wait3A_303 = tpu.memref_squeeze %dma_wait3A_302 : memref<1x128x128xf32, #tpu.memory_space<vmem>> -> memref<128x128xf32, #tpu.memory_space<vmem>>
    tpu.wait_dma2 semaphore(%arg11 : memref<!tpu.dma_semaphore, #tpu.memory_space<semaphore_mem>>) src(%dma_wait3A_303 : memref<128x128xf32, #tpu.memory_space<vmem>>) dst(%dma_wait3A_299 : memref<128x128xf32, #tpu.memory_space<hbm>>)
    %mul3A_304 = arith.constant 640 : i32
    %mul3A_305 = arith.muli %arg1, %mul3A_304 : i32
    %add3A_306 = arith.constant 256 : i32
    %add3A_307 = arith.addi %mul3A_305, %add3A_306 : i32
    %run_scoped3A_308 = arith.constant 0 : i32
    "tpu.region"() ({
      %run_scoped3A_432 = tpu.sem_alloc : memref<!tpu.dma_semaphore, #tpu.memory_space<semaphore_mem>>
      %dma_start3A_433 = arith.constant 0 : i32
      %dma_start3A_434 = arith.constant 0 : i32
      %dma_start3A_435 = tpu.memref_slice %arg9[%run_scoped3A_308, %dma_start3A_433, %dma_start3A_434] : memref<2x128x128xf32, #tpu.memory_space<vmem>> -> memref<1x128x128xf32, #tpu.memory_space<vmem>>
      %dma_start3A_436 = tpu.memref_squeeze %dma_start3A_435 : memref<1x128x128xf32, #tpu.memory_space<vmem>> -> memref<128x128xf32, #tpu.memory_space<vmem>>
      %dma_start3A_437 = arith.constant 0 : i32
      %dma_start3A_438 = tpu.memref_slice %arg10[%add3A_307, %dma_start3A_437] : memref<10240x128xf32, #tpu.memory_space<vmem_shared>> -> memref<128x128xf32, #tpu.memory_space<vmem_shared>>
      %dma_start3A_439 = arith.constant 0 : i32
      %dma_start3A_440 = arith.constant 0 : i32
      %dma_start3A_441 = tpu.memref_slice %arg9[%run_scoped3A_308, %dma_start3A_439, %dma_start3A_440] : memref<2x128x128xf32, #tpu.memory_space<vmem>> -> memref<1x128x128xf32, #tpu.memory_space<vmem>>
      %dma_start3A_442 = tpu.memref_squeeze %dma_start3A_441 : memref<1x128x128xf32, #tpu.memory_space<vmem>> -> memref<128x128xf32, #tpu.memory_space<vmem>>
      %dma_start3A_443 = arith.constant 0 : i32
      %dma_start3A_444 = tpu.memref_slice %arg10[%add3A_307, %dma_start3A_443] : memref<10240x128xf32, #tpu.memory_space<vmem_shared>> -> memref<128x128xf32, #tpu.memory_space<vmem_shared>>
      tpu.enqueue_dma source(%dma_start3A_444 : memref<128x128xf32, #tpu.memory_space<vmem_shared>>) target(%dma_start3A_442 : memref<128x128xf32, #tpu.memory_space<vmem>>) target_semaphore(%run_scoped3A_432 : memref<!tpu.dma_semaphore, #tpu.memory_space<semaphore_mem>>)
      %dma_wait3A_445 = arith.constant 0 : i32
      %dma_wait3A_446 = arith.constant 0 : i32
      %dma_wait3A_447 = tpu.memref_slice %arg9[%run_scoped3A_308, %dma_wait3A_445, %dma_wait3A_446] : memref<2x128x128xf32, #tpu.memory_space<vmem>> -> memref<1x128x128xf32, #tpu.memory_space<vmem>>
      %dma_wait3A_448 = tpu.memref_squeeze %dma_wait3A_447 : memref<1x128x128xf32, #tpu.memory_space<vmem>> -> memref<128x128xf32, #tpu.memory_space<vmem>>
      %dma_wait3A_449 = arith.constant 0 : i32
      %dma_wait3A_450 = tpu.memref_slice %arg10[%add3A_307, %dma_wait3A_449] : memref<10240x128xf32, #tpu.memory_space<vmem_shared>> -> memref<128x128xf32, #tpu.memory_space<vmem_shared>>
      %dma_wait3A_451 = arith.constant 0 : i32
      %dma_wait3A_452 = arith.constant 0 : i32
      %dma_wait3A_453 = tpu.memref_slice %arg9[%run_scoped3A_308, %dma_wait3A_451, %dma_wait3A_452] : memref<2x128x128xf32, #tpu.memory_space<vmem>> -> memref<1x128x128xf32, #tpu.memory_space<vmem>>
      %dma_wait3A_454 = tpu.memref_squeeze %dma_wait3A_453 : memref<1x128x128xf32, #tpu.memory_space<vmem>> -> memref<128x128xf32, #tpu.memory_space<vmem>>
      %dma_wait3A_455 = arith.constant 0 : i32
      %dma_wait3A_456 = tpu.memref_slice %arg10[%add3A_307, %dma_wait3A_455] : memref<10240x128xf32, #tpu.memory_space<vmem_shared>> -> memref<128x128xf32, #tpu.memory_space<vmem_shared>>
      tpu.wait_dma2 semaphore(%run_scoped3A_432 : memref<!tpu.dma_semaphore, #tpu.memory_space<semaphore_mem>>) src(%dma_wait3A_456 : memref<128x128xf32, #tpu.memory_space<vmem_shared>>) dst(%dma_wait3A_454 : memref<128x128xf32, #tpu.memory_space<vmem>>)
      tpu.yield
    }) : () -> ()
    %dma_start3A_309 = arith.constant 0 : i32
    %dma_start3A_310 = arith.constant 0 : i32
    %dma_start3A_311 = arith.constant 0 : i32
    %dma_start3A_312 = tpu.memref_slice %arg9[%dma_start3A_309, %dma_start3A_310, %dma_start3A_311] : memref<2x128x128xf32, #tpu.memory_space<vmem>> -> memref<1x128x128xf32, #tpu.memory_space<vmem>>
    %dma_start3A_313 = tpu.memref_squeeze %dma_start3A_312 : memref<1x128x128xf32, #tpu.memory_space<vmem>> -> memref<128x128xf32, #tpu.memory_space<vmem>>
    %dma_start3A_314 = arith.constant 0 : i32
    %dma_start3A_315 = tpu.memref_slice %arg6[%arg0, %add3A_307, %dma_start3A_314] : memref<2x10240x128xf32, #tpu.memory_space<hbm>> -> memref<1x128x128xf32, #tpu.memory_space<hbm>>
    %dma_start3A_316 = tpu.memref_squeeze %dma_start3A_315 : memref<1x128x128xf32, #tpu.memory_space<hbm>> -> memref<128x128xf32, #tpu.memory_space<hbm>>
    %dma_start3A_317 = arith.constant 0 : i32
    %dma_start3A_318 = tpu.memref_slice %arg6[%arg0, %add3A_307, %dma_start3A_317] : memref<2x10240x128xf32, #tpu.memory_space<hbm>> -> memref<1x128x128xf32, #tpu.memory_space<hbm>>
    %dma_start3A_319 = tpu.memref_squeeze %dma_start3A_318 : memref<1x128x128xf32, #tpu.memory_space<hbm>> -> memref<128x128xf32, #tpu.memory_space<hbm>>
    %dma_start3A_320 = arith.constant 0 : i32
    %dma_start3A_321 = arith.constant 0 : i32
    %dma_start3A_322 = tpu.memref_slice %arg9[%dma_start3A_309, %dma_start3A_320, %dma_start3A_321] : memref<2x128x128xf32, #tpu.memory_space<vmem>> -> memref<1x128x128xf32, #tpu.memory_space<vmem>>
    %dma_start3A_323 = tpu.memref_squeeze %dma_start3A_322 : memref<1x128x128xf32, #tpu.memory_space<vmem>> -> memref<128x128xf32, #tpu.memory_space<vmem>>
    tpu.enqueue_dma source(%dma_start3A_323 : memref<128x128xf32, #tpu.memory_space<vmem>>) target(%dma_start3A_319 : memref<128x128xf32, #tpu.memory_space<hbm>>) target_semaphore(%arg11 : memref<!tpu.dma_semaphore, #tpu.memory_space<semaphore_mem>>)
    %mul3A_324 = arith.constant 640 : i32
    %mul3A_325 = arith.muli %arg1, %mul3A_324 : i32
    %dma_wait3A_326 = arith.constant 1 : i32
    %dma_wait3A_327 = arith.constant 0 : i32
    %dma_wait3A_328 = arith.constant 0 : i32
    %dma_wait3A_329 = tpu.memref_slice %arg9[%dma_wait3A_326, %dma_wait3A_327, %dma_wait3A_328] : memref<2x128x128xf32, #tpu.memory_space<vmem>> -> memref<1x128x128xf32, #tpu.memory_space<vmem>>
    %dma_wait3A_330 = tpu.memref_squeeze %dma_wait3A_329 : memref<1x128x128xf32, #tpu.memory_space<vmem>> -> memref<128x128xf32, #tpu.memory_space<vmem>>
    %dma_wait3A_331 = arith.constant 0 : i32
    %dma_wait3A_332 = tpu.memref_slice %arg6[%arg0, %mul3A_325, %dma_wait3A_331] : memref<2x10240x128xf32, #tpu.memory_space<hbm>> -> memref<1x128x128xf32, #tpu.memory_space<hbm>>
    %dma_wait3A_333 = tpu.memref_squeeze %dma_wait3A_332 : memref<1x128x128xf32, #tpu.memory_space<hbm>> -> memref<128x128xf32, #tpu.memory_space<hbm>>
    %dma_wait3A_334 = arith.constant 0 : i32
    %dma_wait3A_335 = tpu.memref_slice %arg6[%arg0, %mul3A_325, %dma_wait3A_334] : memref<2x10240x128xf32, #tpu.memory_space<hbm>> -> memref<1x128x128xf32, #tpu.memory_space<hbm>>
    %dma_wait3A_336 = tpu.memref_squeeze %dma_wait3A_335 : memref<1x128x128xf32, #tpu.memory_space<hbm>> -> memref<128x128xf32, #tpu.memory_space<hbm>>
    %dma_wait3A_337 = arith.constant 0 : i32
    %dma_wait3A_338 = arith.constant 0 : i32
    %dma_wait3A_339 = tpu.memref_slice %arg9[%dma_wait3A_326, %dma_wait3A_337, %dma_wait3A_338] : memref<2x128x128xf32, #tpu.memory_space<vmem>> -> memref<1x128x128xf32, #tpu.memory_space<vmem>>
    %dma_wait3A_340 = tpu.memref_squeeze %dma_wait3A_339 : memref<1x128x128xf32, #tpu.memory_space<vmem>> -> memref<128x128xf32, #tpu.memory_space<vmem>>
    tpu.wait_dma2 semaphore(%arg12 : memref<!tpu.dma_semaphore, #tpu.memory_space<semaphore_mem>>) src(%dma_wait3A_340 : memref<128x128xf32, #tpu.memory_space<vmem>>) dst(%dma_wait3A_336 : memref<128x128xf32, #tpu.memory_space<hbm>>)
    %mul3A_341 = arith.constant 640 : i32
    %mul3A_342 = arith.muli %arg1, %mul3A_341 : i32
    %add3A_343 = arith.constant 384 : i32
    %add3A_344 = arith.addi %mul3A_342, %add3A_343 : i32
    %run_scoped3A_345 = arith.constant 1 : i32
    "tpu.region"() ({
      %run_scoped3A_432 = tpu.sem_alloc : memref<!tpu.dma_semaphore, #tpu.memory_space<semaphore_mem>>
      %dma_start3A_433 = arith.constant 0 : i32
      %dma_start3A_434 = arith.constant 0 : i32
      %dma_start3A_435 = tpu.memref_slice %arg9[%run_scoped3A_345, %dma_start3A_433, %dma_start3A_434] : memref<2x128x128xf32, #tpu.memory_space<vmem>> -> memref<1x128x128xf32, #tpu.memory_space<vmem>>
      %dma_start3A_436 = tpu.memref_squeeze %dma_start3A_435 : memref<1x128x128xf32, #tpu.memory_space<vmem>> -> memref<128x128xf32, #tpu.memory_space<vmem>>
      %dma_start3A_437 = arith.constant 0 : i32
      %dma_start3A_438 = tpu.memref_slice %arg10[%add3A_344, %dma_start3A_437] : memref<10240x128xf32, #tpu.memory_space<vmem_shared>> -> memref<128x128xf32, #tpu.memory_space<vmem_shared>>
      %dma_start3A_439 = arith.constant 0 : i32
      %dma_start3A_440 = arith.constant 0 : i32
      %dma_start3A_441 = tpu.memref_slice %arg9[%run_scoped3A_345, %dma_start3A_439, %dma_start3A_440] : memref<2x128x128xf32, #tpu.memory_space<vmem>> -> memref<1x128x128xf32, #tpu.memory_space<vmem>>
      %dma_start3A_442 = tpu.memref_squeeze %dma_start3A_441 : memref<1x128x128xf32, #tpu.memory_space<vmem>> -> memref<128x128xf32, #tpu.memory_space<vmem>>
      %dma_start3A_443 = arith.constant 0 : i32
      %dma_start3A_444 = tpu.memref_slice %arg10[%add3A_344, %dma_start3A_443] : memref<10240x128xf32, #tpu.memory_space<vmem_shared>> -> memref<128x128xf32, #tpu.memory_space<vmem_shared>>
      tpu.enqueue_dma source(%dma_start3A_444 : memref<128x128xf32, #tpu.memory_space<vmem_shared>>) target(%dma_start3A_442 : memref<128x128xf32, #tpu.memory_space<vmem>>) target_semaphore(%run_scoped3A_432 : memref<!tpu.dma_semaphore, #tpu.memory_space<semaphore_mem>>)
      %dma_wait3A_445 = arith.constant 0 : i32
      %dma_wait3A_446 = arith.constant 0 : i32
      %dma_wait3A_447 = tpu.memref_slice %arg9[%run_scoped3A_345, %dma_wait3A_445, %dma_wait3A_446] : memref<2x128x128xf32, #tpu.memory_space<vmem>> -> memref<1x128x128xf32, #tpu.memory_space<vmem>>
      %dma_wait3A_448 = tpu.memref_squeeze %dma_wait3A_447 : memref<1x128x128xf32, #tpu.memory_space<vmem>> -> memref<128x128xf32, #tpu.memory_space<vmem>>
      %dma_wait3A_449 = arith.constant 0 : i32
      %dma_wait3A_450 = tpu.memref_slice %arg10[%add3A_344, %dma_wait3A_449] : memref<10240x128xf32, #tpu.memory_space<vmem_shared>> -> memref<128x128xf32, #tpu.memory_space<vmem_shared>>
      %dma_wait3A_451 = arith.constant 0 : i32
      %dma_wait3A_452 = arith.constant 0 : i32
      %dma_wait3A_453 = tpu.memref_slice %arg9[%run_scoped3A_345, %dma_wait3A_451, %dma_wait3A_452] : memref<2x128x128xf32, #tpu.memory_space<vmem>> -> memref<1x128x128xf32, #tpu.memory_space<vmem>>
      %dma_wait3A_454 = tpu.memref_squeeze %dma_wait3A_453 : memref<1x128x128xf32, #tpu.memory_space<vmem>> -> memref<128x128xf32, #tpu.memory_space<vmem>>
      %dma_wait3A_455 = arith.constant 0 : i32
      %dma_wait3A_456 = tpu.memref_slice %arg10[%add3A_344, %dma_wait3A_455] : memref<10240x128xf32, #tpu.memory_space<vmem_shared>> -> memref<128x128xf32, #tpu.memory_space<vmem_shared>>
      tpu.wait_dma2 semaphore(%run_scoped3A_432 : memref<!tpu.dma_semaphore, #tpu.memory_space<semaphore_mem>>) src(%dma_wait3A_456 : memref<128x128xf32, #tpu.memory_space<vmem_shared>>) dst(%dma_wait3A_454 : memref<128x128xf32, #tpu.memory_space<vmem>>)
      tpu.yield
    }) : () -> ()
    %dma_start3A_346 = arith.constant 1 : i32
    %dma_start3A_347 = arith.constant 0 : i32
    %dma_start3A_348 = arith.constant 0 : i32
    %dma_start3A_349 = tpu.memref_slice %arg9[%dma_start3A_346, %dma_start3A_347, %dma_start3A_348] : memref<2x128x128xf32, #tpu.memory_space<vmem>> -> memref<1x128x128xf32, #tpu.memory_space<vmem>>
    %dma_start3A_350 = tpu.memref_squeeze %dma_start3A_349 : memref<1x128x128xf32, #tpu.memory_space<vmem>> -> memref<128x128xf32, #tpu.memory_space<vmem>>
    %dma_start3A_351 = arith.constant 0 : i32
    %dma_start3A_352 = tpu.memref_slice %arg6[%arg0, %add3A_344, %dma_start3A_351] : memref<2x10240x128xf32, #tpu.memory_space<hbm>> -> memref<1x128x128xf32, #tpu.memory_space<hbm>>
    %dma_start3A_353 = tpu.memref_squeeze %dma_start3A_352 : memref<1x128x128xf32, #tpu.memory_space<hbm>> -> memref<128x128xf32, #tpu.memory_space<hbm>>
    %dma_start3A_354 = arith.constant 0 : i32
    %dma_start3A_355 = tpu.memref_slice %arg6[%arg0, %add3A_344, %dma_start3A_354] : memref<2x10240x128xf32, #tpu.memory_space<hbm>> -> memref<1x128x128xf32, #tpu.memory_space<hbm>>
    %dma_start3A_356 = tpu.memref_squeeze %dma_start3A_355 : memref<1x128x128xf32, #tpu.memory_space<hbm>> -> memref<128x128xf32, #tpu.memory_space<hbm>>
    %dma_start3A_357 = arith.constant 0 : i32
    %dma_start3A_358 = arith.constant 0 : i32
    %dma_start3A_359 = tpu.memref_slice %arg9[%dma_start3A_346, %dma_start3A_357, %dma_start3A_358] : memref<2x128x128xf32, #tpu.memory_space<vmem>> -> memref<1x128x128xf32, #tpu.memory_space<vmem>>
    %dma_start3A_360 = tpu.memref_squeeze %dma_start3A_359 : memref<1x128x128xf32, #tpu.memory_space<vmem>> -> memref<128x128xf32, #tpu.memory_space<vmem>>
    tpu.enqueue_dma source(%dma_start3A_360 : memref<128x128xf32, #tpu.memory_space<vmem>>) target(%dma_start3A_356 : memref<128x128xf32, #tpu.memory_space<hbm>>) target_semaphore(%arg12 : memref<!tpu.dma_semaphore, #tpu.memory_space<semaphore_mem>>)
    %mul3A_361 = arith.constant 640 : i32
    %mul3A_362 = arith.muli %arg1, %mul3A_361 : i32
    %dma_wait3A_363 = arith.constant 0 : i32
    %dma_wait3A_364 = arith.constant 0 : i32
    %dma_wait3A_365 = arith.constant 0 : i32
    %dma_wait3A_366 = tpu.memref_slice %arg9[%dma_wait3A_363, %dma_wait3A_364, %dma_wait3A_365] : memref<2x128x128xf32, #tpu.memory_space<vmem>> -> memref<1x128x128xf32, #tpu.memory_space<vmem>>
    %dma_wait3A_367 = tpu.memref_squeeze %dma_wait3A_366 : memref<1x128x128xf32, #tpu.memory_space<vmem>> -> memref<128x128xf32, #tpu.memory_space<vmem>>
    %dma_wait3A_368 = arith.constant 0 : i32
    %dma_wait3A_369 = tpu.memref_slice %arg6[%arg0, %mul3A_362, %dma_wait3A_368] : memref<2x10240x128xf32, #tpu.memory_space<hbm>> -> memref<1x128x128xf32, #tpu.memory_space<hbm>>
    %dma_wait3A_370 = tpu.memref_squeeze %dma_wait3A_369 : memref<1x128x128xf32, #tpu.memory_space<hbm>> -> memref<128x128xf32, #tpu.memory_space<hbm>>
    %dma_wait3A_371 = arith.constant 0 : i32
    %dma_wait3A_372 = tpu.memref_slice %arg6[%arg0, %mul3A_362, %dma_wait3A_371] : memref<2x10240x128xf32, #tpu.memory_space<hbm>> -> memref<1x128x128xf32, #tpu.memory_space<hbm>>
    %dma_wait3A_373 = tpu.memref_squeeze %dma_wait3A_372 : memref<1x128x128xf32, #tpu.memory_space<hbm>> -> memref<128x128xf32, #tpu.memory_space<hbm>>
    %dma_wait3A_374 = arith.constant 0 : i32
    %dma_wait3A_375 = arith.constant 0 : i32
    %dma_wait3A_376 = tpu.memref_slice %arg9[%dma_wait3A_363, %dma_wait3A_374, %dma_wait3A_375] : memref<2x128x128xf32, #tpu.memory_space<vmem>> -> memref<1x128x128xf32, #tpu.memory_space<vmem>>
    %dma_wait3A_377 = tpu.memref_squeeze %dma_wait3A_376 : memref<1x128x128xf32, #tpu.memory_space<vmem>> -> memref<128x128xf32, #tpu.memory_space<vmem>>
    tpu.wait_dma2 semaphore(%arg11 : memref<!tpu.dma_semaphore, #tpu.memory_space<semaphore_mem>>) src(%dma_wait3A_377 : memref<128x128xf32, #tpu.memory_space<vmem>>) dst(%dma_wait3A_373 : memref<128x128xf32, #tpu.memory_space<hbm>>)
    %mul3A_378 = arith.constant 640 : i32
    %mul3A_379 = arith.muli %arg1, %mul3A_378 : i32
    %add3A_380 = arith.constant 512 : i32
    %add3A_381 = arith.addi %mul3A_379, %add3A_380 : i32
    %run_scoped3A_382 = arith.constant 0 : i32
    "tpu.region"() ({
      %run_scoped3A_432 = tpu.sem_alloc : memref<!tpu.dma_semaphore, #tpu.memory_space<semaphore_mem>>
      %dma_start3A_433 = arith.constant 0 : i32
      %dma_start3A_434 = arith.constant 0 : i32
      %dma_start3A_435 = tpu.memref_slice %arg9[%run_scoped3A_382, %dma_start3A_433, %dma_start3A_434] : memref<2x128x128xf32, #tpu.memory_space<vmem>> -> memref<1x128x128xf32, #tpu.memory_space<vmem>>
      %dma_start3A_436 = tpu.memref_squeeze %dma_start3A_435 : memref<1x128x128xf32, #tpu.memory_space<vmem>> -> memref<128x128xf32, #tpu.memory_space<vmem>>
      %dma_start3A_437 = arith.constant 0 : i32
      %dma_start3A_438 = tpu.memref_slice %arg10[%add3A_381, %dma_start3A_437] : memref<10240x128xf32, #tpu.memory_space<vmem_shared>> -> memref<128x128xf32, #tpu.memory_space<vmem_shared>>
      %dma_start3A_439 = arith.constant 0 : i32
      %dma_start3A_440 = arith.constant 0 : i32
      %dma_start3A_441 = tpu.memref_slice %arg9[%run_scoped3A_382, %dma_start3A_439, %dma_start3A_440] : memref<2x128x128xf32, #tpu.memory_space<vmem>> -> memref<1x128x128xf32, #tpu.memory_space<vmem>>
      %dma_start3A_442 = tpu.memref_squeeze %dma_start3A_441 : memref<1x128x128xf32, #tpu.memory_space<vmem>> -> memref<128x128xf32, #tpu.memory_space<vmem>>
      %dma_start3A_443 = arith.constant 0 : i32
      %dma_start3A_444 = tpu.memref_slice %arg10[%add3A_381, %dma_start3A_443] : memref<10240x128xf32, #tpu.memory_space<vmem_shared>> -> memref<128x128xf32, #tpu.memory_space<vmem_shared>>
      tpu.enqueue_dma source(%dma_start3A_444 : memref<128x128xf32, #tpu.memory_space<vmem_shared>>) target(%dma_start3A_442 : memref<128x128xf32, #tpu.memory_space<vmem>>) target_semaphore(%run_scoped3A_432 : memref<!tpu.dma_semaphore, #tpu.memory_space<semaphore_mem>>)
      %dma_wait3A_445 = arith.constant 0 : i32
      %dma_wait3A_446 = arith.constant 0 : i32
      %dma_wait3A_447 = tpu.memref_slice %arg9[%run_scoped3A_382, %dma_wait3A_445, %dma_wait3A_446] : memref<2x128x128xf32, #tpu.memory_space<vmem>> -> memref<1x128x128xf32, #tpu.memory_space<vmem>>
      %dma_wait3A_448 = tpu.memref_squeeze %dma_wait3A_447 : memref<1x128x128xf32, #tpu.memory_space<vmem>> -> memref<128x128xf32, #tpu.memory_space<vmem>>
      %dma_wait3A_449 = arith.constant 0 : i32
      %dma_wait3A_450 = tpu.memref_slice %arg10[%add3A_381, %dma_wait3A_449] : memref<10240x128xf32, #tpu.memory_space<vmem_shared>> -> memref<128x128xf32, #tpu.memory_space<vmem_shared>>
      %dma_wait3A_451 = arith.constant 0 : i32
      %dma_wait3A_452 = arith.constant 0 : i32
      %dma_wait3A_453 = tpu.memref_slice %arg9[%run_scoped3A_382, %dma_wait3A_451, %dma_wait3A_452] : memref<2x128x128xf32, #tpu.memory_space<vmem>> -> memref<1x128x128xf32, #tpu.memory_space<vmem>>
      %dma_wait3A_454 = tpu.memref_squeeze %dma_wait3A_453 : memref<1x128x128xf32, #tpu.memory_space<vmem>> -> memref<128x128xf32, #tpu.memory_space<vmem>>
      %dma_wait3A_455 = arith.constant 0 : i32
      %dma_wait3A_456 = tpu.memref_slice %arg10[%add3A_381, %dma_wait3A_455] : memref<10240x128xf32, #tpu.memory_space<vmem_shared>> -> memref<128x128xf32, #tpu.memory_space<vmem_shared>>
      tpu.wait_dma2 semaphore(%run_scoped3A_432 : memref<!tpu.dma_semaphore, #tpu.memory_space<semaphore_mem>>) src(%dma_wait3A_456 : memref<128x128xf32, #tpu.memory_space<vmem_shared>>) dst(%dma_wait3A_454 : memref<128x128xf32, #tpu.memory_space<vmem>>)
      tpu.yield
    }) : () -> ()
    %dma_start3A_383 = arith.constant 0 : i32
    %dma_start3A_384 = arith.constant 0 : i32
    %dma_start3A_385 = arith.constant 0 : i32
    %dma_start3A_386 = tpu.memref_slice %arg9[%dma_start3A_383, %dma_start3A_384, %dma_start3A_385] : memref<2x128x128xf32, #tpu.memory_space<vmem>> -> memref<1x128x128xf32, #tpu.memory_space<vmem>>
    %dma_start3A_387 = tpu.memref_squeeze %dma_start3A_386 : memref<1x128x128xf32, #tpu.memory_space<vmem>> -> memref<128x128xf32, #tpu.memory_space<vmem>>
    %dma_start3A_388 = arith.constant 0 : i32
    %dma_start3A_389 = tpu.memref_slice %arg6[%arg0, %add3A_381, %dma_start3A_388] : memref<2x10240x128xf32, #tpu.memory_space<hbm>> -> memref<1x128x128xf32, #tpu.memory_space<hbm>>
    %dma_start3A_390 = tpu.memref_squeeze %dma_start3A_389 : memref<1x128x128xf32, #tpu.memory_space<hbm>> -> memref<128x128xf32, #tpu.memory_space<hbm>>
    %dma_start3A_391 = arith.constant 0 : i32
    %dma_start3A_392 = tpu.memref_slice %arg6[%arg0, %add3A_381, %dma_start3A_391] : memref<2x10240x128xf32, #tpu.memory_space<hbm>> -> memref<1x128x128xf32, #tpu.memory_space<hbm>>
    %dma_start3A_393 = tpu.memref_squeeze %dma_start3A_392 : memref<1x128x128xf32, #tpu.memory_space<hbm>> -> memref<128x128xf32, #tpu.memory_space<hbm>>
    %dma_start3A_394 = arith.constant 0 : i32
    %dma_start3A_395 = arith.constant 0 : i32
    %dma_start3A_396 = tpu.memref_slice %arg9[%dma_start3A_383, %dma_start3A_394, %dma_start3A_395] : memref<2x128x128xf32, #tpu.memory_space<vmem>> -> memref<1x128x128xf32, #tpu.memory_space<vmem>>
    %dma_start3A_397 = tpu.memref_squeeze %dma_start3A_396 : memref<1x128x128xf32, #tpu.memory_space<vmem>> -> memref<128x128xf32, #tpu.memory_space<vmem>>
    tpu.enqueue_dma source(%dma_start3A_397 : memref<128x128xf32, #tpu.memory_space<vmem>>) target(%dma_start3A_393 : memref<128x128xf32, #tpu.memory_space<hbm>>) target_semaphore(%arg11 : memref<!tpu.dma_semaphore, #tpu.memory_space<semaphore_mem>>)
    %mul3A_398 = arith.constant 640 : i32
    %mul3A_399 = arith.muli %arg1, %mul3A_398 : i32
    %dma_wait3A_400 = arith.constant 1 : i32
    %dma_wait3A_401 = arith.constant 0 : i32
    %dma_wait3A_402 = arith.constant 0 : i32
    %dma_wait3A_403 = tpu.memref_slice %arg9[%dma_wait3A_400, %dma_wait3A_401, %dma_wait3A_402] : memref<2x128x128xf32, #tpu.memory_space<vmem>> -> memref<1x128x128xf32, #tpu.memory_space<vmem>>
    %dma_wait3A_404 = tpu.memref_squeeze %dma_wait3A_403 : memref<1x128x128xf32, #tpu.memory_space<vmem>> -> memref<128x128xf32, #tpu.memory_space<vmem>>
    %dma_wait3A_405 = arith.constant 0 : i32
    %dma_wait3A_406 = tpu.memref_slice %arg6[%arg0, %mul3A_399, %dma_wait3A_405] : memref<2x10240x128xf32, #tpu.memory_space<hbm>> -> memref<1x128x128xf32, #tpu.memory_space<hbm>>
    %dma_wait3A_407 = tpu.memref_squeeze %dma_wait3A_406 : memref<1x128x128xf32, #tpu.memory_space<hbm>> -> memref<128x128xf32, #tpu.memory_space<hbm>>
    %dma_wait3A_408 = arith.constant 0 : i32
    %dma_wait3A_409 = tpu.memref_slice %arg6[%arg0, %mul3A_399, %dma_wait3A_408] : memref<2x10240x128xf32, #tpu.memory_space<hbm>> -> memref<1x128x128xf32, #tpu.memory_space<hbm>>
    %dma_wait3A_410 = tpu.memref_squeeze %dma_wait3A_409 : memref<1x128x128xf32, #tpu.memory_space<hbm>> -> memref<128x128xf32, #tpu.memory_space<hbm>>
    %dma_wait3A_411 = arith.constant 0 : i32
    %dma_wait3A_412 = arith.constant 0 : i32
    %dma_wait3A_413 = tpu.memref_slice %arg9[%dma_wait3A_400, %dma_wait3A_411, %dma_wait3A_412] : memref<2x128x128xf32, #tpu.memory_space<vmem>> -> memref<1x128x128xf32, #tpu.memory_space<vmem>>
    %dma_wait3A_414 = tpu.memref_squeeze %dma_wait3A_413 : memref<1x128x128xf32, #tpu.memory_space<vmem>> -> memref<128x128xf32, #tpu.memory_space<vmem>>
    tpu.wait_dma2 semaphore(%arg12 : memref<!tpu.dma_semaphore, #tpu.memory_space<semaphore_mem>>) src(%dma_wait3A_414 : memref<128x128xf32, #tpu.memory_space<vmem>>) dst(%dma_wait3A_410 : memref<128x128xf32, #tpu.memory_space<hbm>>)
    %mul3A_415 = arith.constant 640 : i32
    %mul3A_416 = arith.muli %arg1, %mul3A_415 : i32
    %dma_wait3A_417 = arith.constant 0 : i32
    %dma_wait3A_418 = arith.constant 0 : i32
    %dma_wait3A_419 = arith.constant 0 : i32
    %dma_wait3A_420 = tpu.memref_slice %arg9[%dma_wait3A_417, %dma_wait3A_418, %dma_wait3A_419] : memref<2x128x128xf32, #tpu.memory_space<vmem>> -> memref<1x128x128xf32, #tpu.memory_space<vmem>>
    %dma_wait3A_421 = tpu.memref_squeeze %dma_wait3A_420 : memref<1x128x128xf32, #tpu.memory_space<vmem>> -> memref<128x128xf32, #tpu.memory_space<vmem>>
    %dma_wait3A_422 = arith.constant 0 : i32
    %dma_wait3A_423 = tpu.memref_slice %arg6[%arg0, %mul3A_416, %dma_wait3A_422] : memref<2x10240x128xf32, #tpu.memory_space<hbm>> -> memref<1x128x128xf32, #tpu.memory_space<hbm>>
    %dma_wait3A_424 = tpu.memref_squeeze %dma_wait3A_423 : memref<1x128x128xf32, #tpu.memory_space<hbm>> -> memref<128x128xf32, #tpu.memory_space<hbm>>
    %dma_wait3A_425 = arith.constant 0 : i32
    %dma_wait3A_426 = tpu.memref_slice %arg6[%arg0, %mul3A_416, %dma_wait3A_425] : memref<2x10240x128xf32, #tpu.memory_space<hbm>> -> memref<1x128x128xf32, #tpu.memory_space<hbm>>
    %dma_wait3A_427 = tpu.memref_squeeze %dma_wait3A_426 : memref<1x128x128xf32, #tpu.memory_space<hbm>> -> memref<128x128xf32, #tpu.memory_space<hbm>>
    %dma_wait3A_428 = arith.constant 0 : i32
    %dma_wait3A_429 = arith.constant 0 : i32
    %dma_wait3A_430 = tpu.memref_slice %arg9[%dma_wait3A_417, %dma_wait3A_428, %dma_wait3A_429] : memref<2x128x128xf32, #tpu.memory_space<vmem>> -> memref<1x128x128xf32, #tpu.memory_space<vmem>>
    %dma_wait3A_431 = tpu.memref_squeeze %dma_wait3A_430 : memref<1x128x128xf32, #tpu.memory_space<vmem>> -> memref<128x128xf32, #tpu.memory_space<vmem>>
    tpu.wait_dma2 semaphore(%arg11 : memref<!tpu.dma_semaphore, #tpu.memory_space<semaphore_mem>>) src(%dma_wait3A_431 : memref<128x128xf32, #tpu.memory_space<vmem>>) dst(%dma_wait3A_427 : memref<128x128xf32, #tpu.memory_space<hbm>>)
    return
  }
}

module attributes {stable_mosaic.version = 14 : i64} {
  func.func @body(%arg0: i32, %arg1: memref<2x5000x128xf32, #tpu.memory_space<vmem>>, %arg2: memref<128x128xf32, #tpu.memory_space<vmem>>, %arg3: memref<5000x128xf32, #tpu.memory_space<vmem>>) attributes {dimension_semantics = [#tpu.dimension_semantics<arbitrary>], iteration_bounds = array<i64: 2>, scalar_prefetch = 0 : i64, scratch_operands = 0 : i64, tpu.core_type = #tpu.core_type<tc>, window_params = [{transform_indices = @transform_0, window_bounds = array<i64: 2, 5000, 128>}, {pipeline_mode = #tpu.pipeline_mode<synchronous>, transform_indices = @transform_1, window_bounds = array<i64: 128, 128>}, {transform_indices = @transform_2, window_bounds = array<i64: 5000, 128>}]} {
    %get3A = arith.constant 0 : index
    %get3A_0 = arith.constant 0 : index
    %get3A_1 = arith.constant 0 : index
    %get3A_2 = vector.load %arg1[%get3A, %get3A_0, %get3A_1] : memref<2x5000x128xf32, #tpu.memory_space<vmem>>, vector<1x5000x128xf32>
    %get3A_3 = vector.shape_cast %get3A_2 : vector<1x5000x128xf32> to vector<5000x128xf32>
    %get3A_4 = arith.constant 1 : index
    %get3A_5 = arith.constant 0 : index
    %get3A_6 = arith.constant 0 : index
    %get3A_7 = vector.load %arg1[%get3A_4, %get3A_5, %get3A_6] : memref<2x5000x128xf32, #tpu.memory_space<vmem>>, vector<1x5000x128xf32>
    %get3A_8 = vector.shape_cast %get3A_7 : vector<1x5000x128xf32> to vector<5000x128xf32>
    %add3A = arith.addf %get3A_3, %get3A_8 : vector<5000x128xf32>
    %get3A_9 = arith.constant 0 : index
    %get3A_10 = arith.constant 0 : index
    %get3A_11 = vector.load %arg2[%get3A_9, %get3A_10] : memref<128x128xf32, #tpu.memory_space<vmem>>, vector<128x128xf32>
    %dot_general3A = arith.constant dense<0.000000e+00> : vector<5000x128xf32>
    %dot_general3A_12 = tpu.matmul %add3A, %get3A_11, %dot_general3A {dimension_numbers = #tpu.dot_dimension_numbers<[1], [0], [0], [1], [0, 0, 1, 1], [], []>, transpose_lhs_hint = false} : vector<5000x128xf32>, vector<128x128xf32>, vector<5000x128xf32> -> vector<5000x128xf32>
    %swap3A = arith.constant 0 : index
    %swap3A_13 = arith.constant 0 : index
    %swap3A_14 = vector.load %arg3[%swap3A, %swap3A_13] : memref<5000x128xf32, #tpu.memory_space<vmem>>, vector<5000x128xf32>
    tpu.vector_store %arg3[%swap3A, %swap3A_13], %dot_general3A_12 {strides = array<i32>} : memref<5000x128xf32, #tpu.memory_space<vmem>>, vector<5000x128xf32>,
    return
  }
  func.func @transform_0(%arg0: i32) -> (i32, i32, i32) {
    %c0_i32 = arith.constant 0 : i32
    %c0_i32_0 = arith.constant 0 : i32
    %c0_i32_1 = arith.constant 0 : i32
    return %c0_i32, %arg0, %c0_i32_0 : i32, i32, i32
  }
  func.func @transform_1(%arg0: i32) -> (i32, i32) {
    %c0_i32 = arith.constant 0 : i32
    %c0_i32_0 = arith.constant 0 : i32
    %c0_i32_1 = arith.constant 0 : i32
    return %c0_i32, %c0_i32_0 : i32, i32
  }
  func.func @transform_2(%arg0: i32) -> (i32, i32) {
    %c0_i32 = arith.constant 0 : i32
    %c0_i32_0 = arith.constant 0 : i32
    return %arg0, %c0_i32 : i32, i32
  }
}

</mosaic_0001>

<sc_bundles>
// kernel: kernel.4.cloned.1.call-start
scs
__scs_entry_jumppad:
0x0: {  	(pc) =	sbr.rel $0x88, $3  }
0x1: {  	(tag) =	ssettag $0x0;
	lr =	simm.s32 $0x1  }
0x2: {  	[smem:$0x3F9E] =	sst lr;
	_ =	strace $0xD0000000  }
0x3: {  	_ = 	snop  }
0x4: {  	_ = 	snop  }
0x5: {  	_ = 	snop  }
0x6: {  	_ = 	snop  }
0x7: {  	_ = 	snop  }
__scs_overlays_trampoline_lowered:
0x8: {  	[smem:$0x3FAD] =	sst s0  }
0x9: {  	[smem:$0x3FAE] =	sst s1  }
0xa: {  	[smem:$0x3FAF] =	sst s2  }
0xb: {  	[smem:$0x3FB0] =	sst s3  }
0xc: {  	[smem:$0x3FB1] =	sst s4  }
0xd: {  	[smem:$0x3FB2] =	sst s5  }
0xe: {  	[smem:$0x3FB3] =	sst s6  }
0xf: {  	[smem:$0x3FB4] =	sst s7  }
0x10: {  	[smem:$0x3FB5] =	sst s8  }
0x11: {  	[smem:$0x3FB6] =	sst s9;
	s0 =	simm.s32 @!p0 $0x0  }
0x12: {  	s1 =	sld [smem:$0x3F9C];
	s0 =	simm.s32 @p0 $0x1  }
0x13: {  	[smem:$0x3FB7] =	sst s0;
	s0 =	simm.s32 @!p1 $0x0  }
0x14: {  	s2 =	sld [smem:$0x3F9B];
	s0 =	simm.s32 @p1 $0x1  }
0x15: {  	[smem:$0x3FB8] =	sst s0;
	s0 =	simm.s32 @!p2 $0x0  }
0x16: {  	s3 =	sld [smem:$0x3FDB];
	s0 =	simm.s32 @p2 $0x1  }
0x17: {  	s4 =	simm.s32 $0x1BF5;
	[smem:$0x3FBA] =	sst s0  }
0x18: {  	s0 =	sld [smem:$0x3F9D];
	_ =	swait.ge [sflag:s4], $0x0  }
0x19: {  	s7 =	sld [smem:$0x3F9E]  }
0x1a: {  	s8 =	sadd.s32 $0xFFFFE003, lr  }
0x1b: {  	s9 =	sadd.s32 $0xFFFFFEF7, lr;
	s5 =	simm.s32 $0xFFFFFFFF;
	p2 =	slt.u32 s8, $0xFFFFF086  }
0x1c: {  	p1 =	slt.u32 s9, $0xF7A;
	s5 =	simm.s32 @!p2 $0x0  }
0x1d: {  	s5 =	simm.s32 @p1 $0x1;
	p0 =	seq.s32 s7, s2  }
0x1e: {  	s7 =	smul.u32 @!p0 $0xF7A, s2;
	p2 =	seq.s32 @!p0 s5, $0x0  }
0x1f: {  	s9 =	smul.u32 $0xF7A, s1;
	s8 =	simm.s32 @!p0 $0x1BF5;
	p2 =	por !p2, p0  }
0x20: {  	[sflag:s8] =	ssyncset.s32 @!p0 $0xFFFFF086;
	s6 =	sadd.s32 @!p0 s3, s7;
	s7 =	simm.s32 @!p0 $0x108  }
0x21: {  	s3 =	sadd.s32 s3, s9;
	s6 =	sadd.s32 @!p0 $0x88, s6;
	s7 =	simm.s32 @p2 $0x1082  }
0x22: {  	[simem:s7], [sflag:s8] =	dma.local @!p0 [hbm:s6], $0xF7A  }
0x23: {  	s9 =	sor.u32 $0xD0000000, s2;
	s6 =	simm.s32 $0x108;
	_ =	swait.ge @!p0 [sflag:s8], $0x0  }
0x24: {  	s3 =	sadd.s32 $0x88, s3;
	s6 =	simm.s32 @!p1 $0x1082;
	[sflag:s4] =	ssyncset.s32 $0xFFFFF086  }
0x25: {  	[simem:s6], [sflag:s4] =	dma.local [hbm:s3], $0xF7A  }
0x26: {  	[smem:$0x3F9E] =	sst s1;
	(tag) =	ssettag s2;
	_ =	strace s9  }
0x27: {  	s1 =	sld [smem:$0x3FAE]  }
0x28: {  	s2 =	sld [smem:$0x3FAF]  }
0x29: {  	s4 =	sld [smem:$0x3FB1]  }
0x2a: {  	p0 =	seq.s32 s5, $0x0;
	s5 =	sld [smem:$0x3FB2]  }
0x2b: {  	s6 =	sld [smem:$0x3FB3]  }
0x2c: {  	s7 =	sld [smem:$0x3FB4]  }
0x2d: {  	s3 =	simm.s32 $0x108;
	s8 =	sld [smem:$0x3FB5]  }
0x2e: {  	s3 =	simm.s32 @!p0 $0x1082;
	s9 =	sld [smem:$0x3FB6]  }
0x2f: {  	lr =	sadd.s32 s0, s3;
	s0 =	sld [smem:$0x3FAD]  }
0x30: {  	s3 =	sld [smem:$0x3FB0]  }
0x31: {  	[smem:$0x3FB9] =	sst s10  }
0x32: {  	s10 =	sld [smem:$0x3FB7];
	_ =	sdelay $0x3  }
0x33: {  	p0 =	seq.s32 s10, $0x1;
	s10 =	sld [smem:$0x3FB9];
	_ =	sdelay $0x3  }
0x34: {  	[smem:$0x3FB9] =	sst s10  }
0x35: {  	s10 =	sld [smem:$0x3FB8];
	_ =	sdelay $0x3  }
0x36: {  	p1 =	seq.s32 s10, $0x1;
	s10 =	sld [smem:$0x3FB9];
	_ =	sdelay $0x3  }
0x37: {  	[smem:$0x3FB9] =	sst s10  }
0x38: {  	s10 =	sld [smem:$0x3FBA]  }
0x39: {  	_ = 	snop;
	(pc) =	sbr.ind lr, $3  }
0x3a: {  	_ = 	snop  }
0x3b: {  	_ = 	snop  }
0x3c: {  	p2 =	seq.s32 s10, $0x1;
	s10 =	sld [smem:$0x3FB9]  }
0x3d: {  	_ =	shalt  }
0x3e: {  	_ =	shalt  }
0x3f: {  	_ =	shalt  }
0x40: {  	_ =	shalt  }
0x41: {  	_ =	shalt  }
0x42: {  	_ =	shalt  }
0x43: {  	_ =	shalt  }
0x44: {  	_ =	shalt  }
0x45: {  	_ =	shalt  }
0x46: {  	_ =	shalt  }
0x47: {  	_ =	shalt  }
0x48: {  	_ =	shalt  }
0x49: {  	_ =	shalt  }
0x4a: {  	_ =	shalt  }
0x4b: {  	_ =	shalt  }
0x4c: {  	_ =	shalt  }
0x4d: {  	_ =	shalt  }
0x4e: {  	_ =	shalt  }
0x4f: {  	_ =	shalt  }
0x50: {  	_ =	shalt  }
0x51: {  	_ =	shalt  }
0x52: {  	_ =	shalt  }
0x53: {  	_ =	shalt  }
0x54: {  	_ =	shalt  }
0x55: {  	_ =	shalt  }
0x56: {  	_ =	shalt  }
0x57: {  	_ =	shalt  }
0x58: {  	_ =	shalt  }
0x59: {  	_ =	shalt  }
0x5a: {  	_ =	shalt  }
0x5b: {  	_ =	shalt  }
0x5c: {  	_ =	shalt  }
0x5d: {  	_ =	shalt  }
0x5e: {  	_ =	shalt  }
0x5f: {  	_ =	shalt  }
0x60: {  	_ =	shalt  }
0x61: {  	_ =	shalt  }
0x62: {  	_ =	shalt  }
0x63: {  	_ =	shalt  }
0x64: {  	_ =	shalt  }
0x65: {  	_ =	shalt  }
0x66: {  	_ =	shalt  }
0x67: {  	_ =	shalt  }
0x68: {  	_ =	shalt  }
0x69: {  	_ =	shalt  }
0x6a: {  	_ =	shalt  }
0x6b: {  	_ =	shalt  }
0x6c: {  	_ =	shalt  }
0x6d: {  	_ =	shalt  }
0x6e: {  	_ =	shalt  }
0x6f: {  	_ =	shalt  }
0x70: {  	_ =	shalt  }
0x71: {  	_ =	shalt  }
0x72: {  	_ =	shalt  }
0x73: {  	_ =	shalt  }
0x74: {  	_ =	shalt  }
0x75: {  	_ =	shalt  }
0x76: {  	_ =	shalt  }
0x77: {  	_ =	shalt  }
0x78: {  	_ =	shalt  }
0x79: {  	_ =	shalt  }
0x7a: {  	_ =	shalt  }
0x7b: {  	_ =	shalt  }
0x7c: {  	_ =	shalt  }
0x7d: {  	_ =	shalt  }
0x7e: {  	_ =	shalt  }
0x7f: {  	_ =	shalt  }
0x80: {  	_ =	shalt  }
0x81: {  	_ =	shalt  }
0x82: {  	_ =	shalt  }
0x83: {  	_ =	shalt  }
0x84: {  	_ =	shalt  }
0x85: {  	_ =	shalt  }
0x86: {  	_ =	shalt  }
0x87: {  	_ =	shalt  }
.Lfunc_end0:
.L_simem_size_0:
called_computation_lowered:
.L_overlay_start_0:
0x88: {  	s2 =	sld [smem:$0x3FD9]  }
0x89: {  	s3 =	sld [smem:$0x3FFE];
	_ =	sdelay $0x1  }
0x8a: {  	s1 =	srdreg.scid  }
0x8b: {  	s0 =	sand.u32 $0x1, s1  }
0x8c: {  	s17 =	sshll.u32 s0, $0xA;
	s2 =	sadd.s32 s3, s2  }
0x8d: {  	s2 =	sadd.s32 s2, s17  }
0x8e: {  	[smem:$0x3FC5] =	sst s2  }
0x8f: {  	_ = 	snop  }
0x90: {  	s2 =	sld [smem:$0x3FC9]  }
0x91: {  	s18 =	sld [smem:$0x3FD0];
	(tm) =	ssettm $0x1  }
0x92: {  	s4 =	sld [smem:$0x3FFB];
	_ =	sdelay $0x3  }
0x93: {  	_ =	strace s4  }
0x94: {  	s4 =	sld [smem:$0x3FFC];
	_ =	sdelay $0x3  }
0x95: {  	_ =	strace s4  }
0x96: {  	s4 =	sld [smem:$0x3FFD];
	_ =	sdelay $0x3  }
0x97: {  	_ =	strace s4  }
0x98: {  	_ =	strace $0x8FFFFFFF  }
0x99: {  	s19 =	sld [smem:$0x3FDB];
	_ =	sdelay $0x1  }
0x9a: {  	s5 =	simm.s32 $_scs_section_size  }
0x9b: {  	s6 =	simm.s32 $_size__tile_overlayer_lowered;
	s7 =	simm.s32 $_tile_overlayer_lowered  }
0x9c: {  	s22 =	simm.s32 $0x1BFF;
	s21 =	sshll.u32 s7, $0x1;
	s4 =	sadd.s32 s5, s19  }
0x9d: {  	s8 =	simm.s32 $0x0;
	s20 =	sshll.u32 s6, $0x1;
	s6 =	sadd.s32 s21, s4  }
0x9e: {  	[timem:s8], [sflag:s22] =	dma.local [hbm:s6], s20  }
0x9f: {  	_ =	swait.ge [sflag:s22], s20  }
0xa0: {  	s5 =	ssub.s32 $0x0, s20;
	[sflag:s22] =	ssyncset.done $0x0  }
0xa1: {  	[sflag:s22] =	ssyncadd.s32 s5;
	_ =	sdelay $0x1  }
0xa2: {  	s23 =	simm.s32 $0x1B8B  }
0xa3: {  	_ =	swait.ge [sflag:s23], $0x1  }
0xa4: {  	[sflag:s23] =	ssyncset.done $0x0  }
0xa5: {  	s25 =	simm.s32 $0x1B8E;
	s24 =	sld [smem:$0x3FFE];
	[sflag:s23] =	ssyncadd.s32 $0xFFFFFFFF  }
0xa6: {  	s26 =	simm.s32 $execute0_lowered;
	[smem:$0x3FD2] =	sst s25  }
0xa7: {  	s6 =	sshll.u32 s26, $0x1;
	_ =	strace $0x80000046;
	[dreg:$0x1] =	wrdreg $0xFFFFFFFF  }
0xa8: {  	s28 =	simm.s32 $_size_execute0_lowered;
	s4 =	sadd.s32 s4, s6;
	[dreg:$0x0] =	wrdreg $0x0  }
0xa9: {  	s6 =	sshll.u32 s28, $0x1;
	[dreg:$0x2] =	wrdreg s4  }
0xaa: {  	[dreg:$0x3] =	wrdreg s6  }
0xab: {  	[dreg:$0x4] =	wrdreg $0xC0  }
0xac: {  	_ =	task [dreg:s8], $0x5FFFF  }
0xad: {  	[dreg:$0x1] =	wrdreg $0xFFFFFFFF  }
0xae: {  	[dreg:$0x0] =	wrdreg $0x60  }
0xaf: {  	[dreg:$0x2] =	wrdreg s2  }
0xb0: {  	[dreg:$0x3] =	wrdreg s18  }
0xb1: {  	[dreg:$0x4] =	wrdreg s24  }
0xb2: {  	[dreg:$0x5] =	wrdreg $0xA0000  }
0xb3: {  	[dreg:$0x6] =	wrdreg $0x9  }
0xb4: {  	_ =	task.clear_ibuf [dreg:s8], $0x7FFFF;
	_ =	strace $0x90000046  }
0xb5: {  	s29 =	simm.s32 $0x9;
	_ =	strace $0x80000048  }
0xb6: {  	_ =	swait.ge [sflag:s29], $0x1  }
0xb7: {  	[sflag:s29] =	ssyncadd.s32 $0xFFFFFFFF  }
0xb8: {  	_ =	strace $0x90000048  }
0xb9: {  	_ =	sfence  }
0xba: {  	s30 =	sld [smem:$0x0];
	_ =	sdelay $0x2  }
0xbb: {  	s31 =	sshll.u32 s1, $0xD;
	s1 =	sshrl.u32 s1, $0x2  }
0xbc: {  	s3 =	sand.u32 $0x4000, s31;
	s1 =	sadd.s32 s1, s30  }
0xbd: {  	s0 =	sor.u32 s3, s0;
	s1 =	sshll.u32 s1, $0x11  }
0xbe: {  	s0 =	sor.u32 s1, s0  }
0xbf: {  	s0 =	sadd.s32 $0x8F2B, s0  }
0xc0: {  	[sflag:s0] =	ssyncadd.remote.s32 $0x1  }
0xc1: {  	_ =	sfence.sel $0xFFFF  }
0xc2: {  	[dreg:$0x0] =	wrdreg $0xFFFFFFFF;
	(pc) =	sbr.abs _section_cstart, $3  }
0xc3: {  	[dreg:$0x1] =	wrdreg $0xFFFFFFFF  }
0xc4: {  	_ =	task.clear_ibuf [dreg:s8], $0x2FFFF;
	_ =	strace $0x9FFFFFFF  }
0xc5: {  	(tm) =	ssettm $0x7FFFFFFF  }
tec
execute0_lowered:
.L_overlay_start_1:
0x0: {  	(tag) =	ssettag $0x1  }
0x1: {  	s1 =	rddreg [dreg:$0x0]  }
0x2: {  	s0 =	rddreg [dreg:$0x1]  }
0x3: {  	s3 =	rddreg [dreg:$0x2]  }
0x4: {  	s2 =	rddreg [dreg:$0x3]  }
0x5: {  	s4 =	simm.s32 $0x0;
	s5 =	srdreg.scid;
	s21 =	stileid.u32  }
0x6: {  	s31 =	simm.s32 $0x1;
	s28 =	simm.s32 $0x1600;
	s30 =	simm.s32 $0x1680  }
0x7: {  	s29 =	simm.s32 $0x1700;
	[smem:$0x7FF] =	sst s4;
	s6 =	sand.u32 $0x1, s5  }
0x8: {  	s5 =	sadd.s32 $0xE00, s3;
	s8 =	sshll.u32 s21, $0x1;
	s10 =	smul.u32 $0x14000, s21  }
0x9: {  	s11 =	sadd.s32 $0x1E00, s3;
	s25 =	smul.u32 $0x5000, s21;
	_ =	strace $0x80000047  }
0xa: {  	s7 =	ssub.s32 $0x2, s6;
	s8 =	sor.u32 s6, s8;
	s14 =	smul.u32 $0x140000, s6  }
0xb: {  	s26 =	smul.u32 $0x2800, s6;
	s9 =	sshrl.u32 s7, $0x1;
	s12 =	sadd.s32 $0x4000, s10  }
0xc: {  	s13 =	sadd.s32 $0x8000, s10;
	s15 =	sadd.s32 $0xC000, s10;
	s16 =	sadd.s32 $0x10000, s10  }
0xd: {  	s17 =	smul.u32 $0x500, s8;
	p0 =	seq.s32 s8, $0x1F;
	s7 =	ssub.s32 s7, s9  }
0xe: {  	s9 =	smul.u32 $0x2800, s8;
	s18 =	sadd.s32 s10, s14;
	s19 =	sadd.s32 s14, s12  }
0xf: {  	s20 =	sadd.s32 s14, s13;
	s24 =	sadd.s32 s14, s15;
	s10 =	sadd.s32 s10, s2  }
0x10: {  	s14 =	sadd.s32 s14, s16;
	s12 =	sadd.s32 s12, s2;
	[dreg:$0xc] =	wrdreg s10  }
0x11: {  	s13 =	sadd.s32 s13, s2;
	s15 =	sadd.s32 s15, s2;
	[dreg:$0xd] =	wrdreg s12  }
0x12: {  	s18 =	sshrl.u32 s18, $0x3;
	s19 =	sshrl.u32 s19, $0x3;
	[dreg:$0xe] =	wrdreg s13  }
0x13: {  	s20 =	sshrl.u32 s20, $0x3;
	s7 =	smax.u32 s7, $0x1;
	[dreg:$0xf] =	wrdreg s15  }
0x14: {  	s14 =	sshrl.u32 s14, $0x3;
	s18 =	sadd.s32 s11, s18;
	[dreg:$0x14] =	wrdreg s7  }
0x15: {  	s22 =	sadd.s32 s11, s19;
	s23 =	sadd.s32 s11, s20;
	[dreg:$0x5] =	wrdreg s18  }
0x16: {  	s9 =	sshrl.u32 s9, $0x3;
	s19 =	smul.u32 $0x500, s6;
	[dreg:$0x6] =	wrdreg s22  }
0x17: {  	s6 =	smul.u32 $0x50, s6;
	s7 =	simm.s32 $0x6000;
	[dreg:$0x7] =	wrdreg s23  }
0x18: {  	s18 =	sshrl.u32 s24, $0x3;
	s20 =	sadd.s32 s0, s9;
	s22 =	sadd.s32 s17, s0  }
0x19: {  	s23 =	sadd.s32 $0x1600, s3;
	s24 =	smul.u32 $0xA0, s21;
	s17 =	sadd.s32 s16, s2  }
0x1a: {  	s3 =	sadd.s32 $0x1200, s3;
	s16 =	simm.s32 $0x0;
	[dreg:$0xb] =	wrdreg s23  }
0x1b: {  	s18 =	sadd.s32 s11, s18;
	s11 =	sadd.s32 s11, s14;
	[dreg:$0xa] =	wrdreg s20  }
0x1c: {  	s8 =	sadd.s32 $0x100, s22;
	s9 =	sadd.s32 $0x9D40, s22;
	[dreg:$0x10] =	wrdreg s17  }
0x1d: {  	s22 =	simm.s32 $0x680;
	s23 =	simm.s32 $0x700;
	[dreg:$0x8] =	wrdreg s18  }
0x1e: {  	s14 =	simm.s32 $0x6;
	[dreg:$0x9] =	wrdreg s11;
	s18 =	smul.u32 $0xA00, s21  }
0x1f: {  	s11 =	sadd.s32 s26, s25;
	s6 =	sadd.s32 s6, s24;
	s25 =	sadd.s32 $0x9C40, s20  }
0x20: {  	s9 =	smov.u32 @p0 s3;
	s8 =	smov.u32 @p0 s5;
	s3 =	simm.s32 $0x5  }
0x21: {  	s24 =	simm.s32 $0x780;
	s20 =	simm.s32 $0x1780;
	s21 =	simm.s32 $0x4  }
.Ltmp0:
0x22: {  	[dreg:$0x11] =	wrdreg s25;
	s26 =	sadd.s32 $0x20, s6;
	(pc) =	sbr.rel .LBB2_1-.Ltmp0, $4  }
0x23: {  	[dreg:$0x13] =	wrdreg s9;
	s25 =	simm.s32 $0x2000;
	s0 =	sadd.s32 s18, s0  }
0x24: {  	[dreg:$0x12] =	wrdreg s8;
	s6 =	simm.s32 $0x80;
	s0 =	sadd.s32 s19, s0  }
0x25: {  	s9 =	simm.s32 $0x2;
	[dreg:$0x16] =	wrdreg s26;
	s0 =	sadd.s32 $0x9E40, s0  }
0x26: {  	s26 =	simm.s32 $0x7;
	[dreg:$0x15] =	wrdreg s0;
	s0 =	simm.s32 $0x3  }
.LBB2_4:
0x27: {  	_ =	swait.ge [sflag:s9], $0x4000  }
0x28: {  	[sflag:s9] =	ssyncset.done $0x0  }
0x29: {  	[sflag:s9] =	ssyncadd.s32 $0xFFFFC000  }
0x2a: {  	[spmem:s2] =	stream.indirect.scatter.add.f32 [tilespmem:s7], [sflag:$0x7], $0x80, s20, s6, $0xb8;
	[tilespmem:$0x1E000] =	vst v63  }
0x2b: {  	_ =	swait.ge [sflag:s26], $0x4000  }
0x2c: {  	[sflag:s26] =	ssyncset.done $0x0  }
0x2d: {  	[sflag:s26] =	ssyncadd.s32 $0xFFFFC000  }
.LBB2_8:
0x2e: {  	[bflag:$0x0] =	sbarrier.arrive $0xFFFF  }
0x2f: {  	s10 =	rddreg [dreg:$0xc]  }
0x30: {  	[tilespmem:s25], [sflag:$0x7] =	stream.linear.gather [spmem:s10], $0x4000, $0x38;
	[tilespmem:$0x1E000] =	vst v63  }
0x31: {  	_ =	swait.ge [sflag:s26], $0x4000  }
0x32: {  	[sflag:s26] =	ssyncset.done $0x0  }
0x33: {  	s8 =	rddreg [dreg:$0x5];
	[sflag:s26] =	ssyncadd.s32 $0xFFFFC000  }
0x34: {  	[hbm4b:s8+s4] =	stream.linear.scatter [tilespmem:s25], [sflag:$0x1], $0x4000, $0x38;
	[tilespmem:$0x1E000] =	vst v63  }
0x35: {  	s12 =	rddreg [dreg:$0xd]  }
0x36: {  	[tilespmem:s7], [sflag:$0x7] =	stream.linear.gather [spmem:s12], $0x4000, $0x38;
	[tilespmem:$0x1E000] =	vst v63  }
0x37: {  	_ =	swait.ge [sflag:s26], $0x4000  }
0x38: {  	[sflag:s26] =	ssyncset.done $0x0  }
0x39: {  	s13 =	rddreg [dreg:$0x6];
	[sflag:s26] =	ssyncadd.s32 $0xFFFFC000  }
0x3a: {  	[hbm4b:s13+s4] =	stream.linear.scatter [tilespmem:s7], [sflag:$0x2], $0x4000, $0x38;
	[tilespmem:$0x1E000] =	vst v63  }
0x3b: {  	_ =	swait.ge [sflag:s31], $0x4000  }
0x3c: {  	[sflag:s31] =	ssyncset.done $0x0  }
0x3d: {  	s13 =	rddreg [dreg:$0xe];
	[sflag:s31] =	ssyncadd.s32 $0xFFFFC000  }
0x3e: {  	[tilespmem:s25], [sflag:$0x7] =	stream.linear.gather [spmem:s13], $0x4000, $0x38;
	[tilespmem:$0x1E000] =	vst v63  }
0x3f: {  	_ =	swait.ge [sflag:s26], $0x4000  }
0x40: {  	[sflag:s26] =	ssyncset.done $0x0  }
0x41: {  	s15 =	rddreg [dreg:$0x7];
	[sflag:s26] =	ssyncadd.s32 $0xFFFFC000  }
0x42: {  	[hbm4b:s15+s4] =	stream.linear.scatter [tilespmem:s25], [sflag:$0x1], $0x4000, $0x38;
	[tilespmem:$0x1E000] =	vst v63  }
0x43: {  	_ =	swait.ge [sflag:s9], $0x4000  }
0x44: {  	[sflag:s9] =	ssyncset.done $0x0  }
0x45: {  	s15 =	rddreg [dreg:$0xf];
	[sflag:s9] =	ssyncadd.s32 $0xFFFFC000  }
0x46: {  	[tilespmem:s7], [sflag:$0x7] =	stream.linear.gather [spmem:s15], $0x4000, $0x38;
	[tilespmem:$0x1E000] =	vst v63  }
0x47: {  	_ =	swait.ge [sflag:s26], $0x4000  }
0x48: {  	[sflag:s26] =	ssyncset.done $0x0  }
0x49: {  	s17 =	rddreg [dreg:$0x8];
	[sflag:s26] =	ssyncadd.s32 $0xFFFFC000  }
0x4a: {  	[hbm4b:s17+s4] =	stream.linear.scatter [tilespmem:s7], [sflag:$0x2], $0x4000, $0x38;
	[tilespmem:$0x1E000] =	vst v63  }
0x4b: {  	_ =	swait.ge [sflag:s31], $0x4000  }
0x4c: {  	[sflag:s31] =	ssyncset.done $0x0  }
0x4d: {  	s17 =	rddreg [dreg:$0x10];
	[sflag:s31] =	ssyncadd.s32 $0xFFFFC000  }
0x4e: {  	[tilespmem:s25], [sflag:$0x7] =	stream.linear.gather [spmem:s17], $0x4000, $0x38;
	[tilespmem:$0x1E000] =	vst v63  }
0x4f: {  	_ =	swait.ge [sflag:s26], $0x4000  }
0x50: {  	[sflag:s26] =	ssyncset.done $0x0  }
0x51: {  	s18 =	rddreg [dreg:$0x9];
	[sflag:s26] =	ssyncadd.s32 $0xFFFFC000  }
0x52: {  	[hbm4b:s18+s4] =	stream.linear.scatter [tilespmem:s25], [sflag:$0x1], $0x4000, $0x38;
	[tilespmem:$0x1E000] =	vst v63  }
0x53: {  	_ =	swait.ge [sflag:s9], $0x4000  }
0x54: {  	[sflag:s9] =	ssyncset.done $0x0  }
0x55: {  	[sflag:s9] =	ssyncadd.s32 $0xFFFFC000  }
0x56: {  	_ =	swait.ge [sflag:s31], $0x4000  }
0x57: {  	s16 =	sadd.s32 $0x1, s16;
	s19 =	rddreg [dreg:$0x14]  }
0x58: {  	p0 =	sne.s32 s16, s19  }
.Ltmp1:
0x59: {  	_ = 	snop;
	(pc) =	sbr.rel @!p0 .LBB2_9-.Ltmp1, $3  }
0x5a: {  	_ =	sdelay $0x1  }
0x5b: {  	[sflag:s31] =	ssyncset.done $0x0  }
0x5c: {  	[sflag:s31] =	ssyncadd.s32 $0xFFFFC000  }
.LBB2_1:
0x5d: {  	s8 =	rddreg [dreg:$0xb]  }
0x5e: {  	[tilespmem:s25], [sflag:$0x7] =	stream.linear.gather [hbm4b:s8+s4], $0x4000, $0x38;
	[tilespmem:$0x1E000] =	vst v63  }
0x5f: {  	_ =	swait.ge [sflag:s26], $0x4000  }
0x60: {  	[sflag:s26] =	ssyncset.done $0x0  }
0x61: {  	[sflag:s26] =	ssyncadd.s32 $0xFFFFC000  }
0x62: {  	[spmem:s10] =	stream.linear.scatter [tilespmem:s25], [sflag:$0x1], $0x4000, $0x38;
	[tilespmem:$0x1E000] =	vst v63  }
0x63: {  	_ = 	snop  }
0x64: {  	[spmem:s12] =	stream.linear.scatter [tilespmem:s25], [sflag:$0x1], $0x4000, $0x38;
	[tilespmem:$0x1E000] =	vst v63  }
0x65: {  	_ = 	snop  }
0x66: {  	[spmem:s13] =	stream.linear.scatter [tilespmem:s25], [sflag:$0x1], $0x4000, $0x38;
	[tilespmem:$0x1E000] =	vst v63  }
0x67: {  	_ = 	snop  }
0x68: {  	[spmem:s15] =	stream.linear.scatter [tilespmem:s25], [sflag:$0x1], $0x4000, $0x38;
	[tilespmem:$0x1E000] =	vst v63  }
0x69: {  	_ = 	snop  }
0x6a: {  	[spmem:s17] =	stream.linear.scatter [tilespmem:s25], [sflag:$0x1], $0x4000, $0x38;
	[tilespmem:$0x1E000] =	vst v63  }
0x6b: {  	s10 =	rddreg [dreg:$0xa]  }
0x6c: {  	[tilespmem:s4], [sflag:$0x3] =	stream.linear.gather [hbm4b:s10+s4], $0x800, $0x38;
	[tilespmem:$0x1E000] =	vst v63  }
0x6d: {  	s12 =	rddreg [dreg:$0x11];
	s13 =	simm.s32 $0x1000  }
0x6e: {  	[tilespmem:s13], [sflag:$0x5] =	stream.linear.gather [hbm4b:s12+s4], $0x800, $0x38;
	[tilespmem:$0x1E000] =	vst v63  }
0x6f: {  	s15 =	rddreg [dreg:$0x12];
	s17 =	simm.s32 $0x800  }
0x70: {  	[tilespmem:s17], [sflag:$0x4] =	stream.linear.gather [hbm4b:s15+s4], $0x800, $0x38;
	[tilespmem:$0x1E000] =	vst v63  }
0x71: {  	s19 =	simm.s32 $0x1800;
	s18 =	rddreg [dreg:$0x13]  }
0x72: {  	[tilespmem:s19], [sflag:$0x6] =	stream.linear.gather [hbm4b:s18+s4], $0x800, $0x38;
	[tilespmem:$0x1E000] =	vst v63  }
0x73: {  	_ =	swait.ge [sflag:s31], $0x4000  }
0x74: {  	[sflag:s31] =	ssyncset.done $0x0  }
0x75: {  	[sflag:s31] =	ssyncadd.s32 $0xFFFFC000  }
0x76: {  	_ =	swait.ge [sflag:s31], $0x4000  }
0x77: {  	[sflag:s31] =	ssyncset.done $0x0  }
0x78: {  	[sflag:s31] =	ssyncadd.s32 $0xFFFFC000  }
0x79: {  	_ =	swait.ge [sflag:s31], $0x4000  }
0x7a: {  	[sflag:s31] =	ssyncset.done $0x0  }
0x7b: {  	[sflag:s31] =	ssyncadd.s32 $0xFFFFC000  }
0x7c: {  	_ =	swait.ge [sflag:s31], $0x4000  }
0x7d: {  	[sflag:s31] =	ssyncset.done $0x0  }
0x7e: {  	[sflag:s31] =	ssyncadd.s32 $0xFFFFC000  }
0x7f: {  	_ =	swait.ge [sflag:s31], $0x4000  }
0x80: {  	[sflag:s31] =	ssyncset.done $0x0  }
0x81: {  	[sflag:s31] =	ssyncadd.s32 $0xFFFFC000  }
0x82: {  	[bflag:$0x0] =	sbarrier.arrive $0xFFFF  }
0x83: {  	_ =	swait.ge [sflag:s0], $0x800  }
0x84: {  	[sflag:s0] =	ssyncset.done $0x0  }
0x85: {  	[sflag:s0] =	ssyncadd.s32 $0xFFFFF800  }
0x86: {  	_ =	swait.ge [sflag:s3], $0x800  }
.Ltmp2:
0x87: {  	[sflag:s3] =	ssyncset.done $0x0;
	(pc) =	sbr.rel .LBB2_2-.Ltmp2, $4  }
0x88: {  	s17 =	rddreg [dreg:$0x16];
	[sflag:s3] =	ssyncadd.s32 $0xFFFFF800  }
0x89: {  	[tilespmem:s25], [sflag:$0x1] =	stream.indirect.gather [hbm4b:s1+s6], $0x80, s4, s6, $0xb8;
	[tilespmem:$0x1E000] =	vst v63  }
0x8a: {  	s8 =	simm.s32 $0x0;
	s15 =	simm.s32 $0x0;
	s18 =	rddreg [dreg:$0x15]  }
0x8b: {  	[tilespmem:s7], [sflag:$0x2] =	stream.indirect.gather [hbm4b:s1+s6], $0x80, s6, s6, $0xb8;
	[tilespmem:$0x1E000] =	vst v63  }
.LBB2_6:
0x8c: {  	s10 =	simm.s32 $0x1800  }
0x8d: {  	[spmem:s2] =	stream.indirect.scatter.add.f32 [tilespmem:s25], [sflag:$0x7], $0x80, s10, s6, $0xb8;
	[tilespmem:$0x1E000] =	vst v63  }
0x8e: {  	_ =	swait.ge [sflag:s26], $0x4000  }
0x8f: {  	[sflag:s26] =	ssyncset.done $0x0  }
0x90: {  	s13 =	simm.s32 $0x900;
	[sflag:s26] =	ssyncadd.s32 $0xFFFFC000  }
0x91: {  	[tilespmem:s25], [sflag:$0x1] =	stream.indirect.gather [hbm4b:s1+s6], $0x80, s13, s6, $0xb8;
	[tilespmem:$0x1E000] =	vst v63  }
0x92: {  	_ =	swait.ge [sflag:s9], $0x4000  }
0x93: {  	[sflag:s9] =	ssyncset.done $0x0  }
0x94: {  	s19 =	simm.s32 $0x1880;
	[sflag:s9] =	ssyncadd.s32 $0xFFFFC000  }
0x95: {  	[spmem:s2] =	stream.indirect.scatter.add.f32 [tilespmem:s7], [sflag:$0x7], $0x80, s19, s6, $0xb8;
	[tilespmem:$0x1E000] =	vst v63  }
0x96: {  	_ =	swait.ge [sflag:s26], $0x4000  }
0x97: {  	[sflag:s26] =	ssyncset.done $0x0  }
0x98: {  	s12 =	simm.s32 $0x980;
	[sflag:s26] =	ssyncadd.s32 $0xFFFFC000  }
0x99: {  	[tilespmem:s7], [sflag:$0x2] =	stream.indirect.gather [hbm4b:s1+s6], $0x80, s12, s6, $0xb8;
	[tilespmem:$0x1E000] =	vst v63  }
0x9a: {  	_ =	swait.ge [sflag:s31], $0x4000  }
0x9b: {  	[sflag:s31] =	ssyncset.done $0x0  }
0x9c: {  	s13 =	simm.s32 $0x1900;
	[sflag:s31] =	ssyncadd.s32 $0xFFFFC000  }
0x9d: {  	[spmem:s2] =	stream.indirect.scatter.add.f32 [tilespmem:s25], [sflag:$0x7], $0x80, s13, s6, $0xb8;
	[tilespmem:$0x1E000] =	vst v63  }
0x9e: {  	_ =	swait.ge [sflag:s26], $0x4000  }
0x9f: {  	[sflag:s26] =	ssyncset.done $0x0  }
0xa0: {  	s19 =	simm.s32 $0xA00;
	[sflag:s26] =	ssyncadd.s32 $0xFFFFC000  }
0xa1: {  	[tilespmem:s25], [sflag:$0x1] =	stream.indirect.gather [hbm4b:s1+s6], $0x80, s19, s6, $0xb8;
	[tilespmem:$0x1E000] =	vst v63  }
0xa2: {  	_ =	swait.ge [sflag:s9], $0x4000  }
0xa3: {  	[sflag:s9] =	ssyncset.done $0x0  }
0xa4: {  	s12 =	simm.s32 $0x1980;
	[sflag:s9] =	ssyncadd.s32 $0xFFFFC000  }
0xa5: {  	[spmem:s2] =	stream.indirect.scatter.add.f32 [tilespmem:s7], [sflag:$0x7], $0x80, s12, s6, $0xb8;
	[tilespmem:$0x1E000] =	vst v63  }
0xa6: {  	_ =	swait.ge [sflag:s26], $0x4000  }
0xa7: {  	[sflag:s26] =	ssyncset.done $0x0  }
0xa8: {  	s13 =	simm.s32 $0xA80;
	[sflag:s26] =	ssyncadd.s32 $0xFFFFC000  }
0xa9: {  	[tilespmem:s7], [sflag:$0x2] =	stream.indirect.gather [hbm4b:s1+s6], $0x80, s13, s6, $0xb8;
	[tilespmem:$0x1E000] =	vst v63  }
0xaa: {  	_ =	swait.ge [sflag:s31], $0x4000  }
0xab: {  	[sflag:s31] =	ssyncset.done $0x0  }
0xac: {  	s19 =	simm.s32 $0x1A00;
	[sflag:s31] =	ssyncadd.s32 $0xFFFFC000  }
0xad: {  	[spmem:s2] =	stream.indirect.scatter.add.f32 [tilespmem:s25], [sflag:$0x7], $0x80, s19, s6, $0xb8;
	[tilespmem:$0x1E000] =	vst v63  }
0xae: {  	_ =	swait.ge [sflag:s26], $0x4000  }
0xaf: {  	[sflag:s26] =	ssyncset.done $0x0  }
0xb0: {  	s12 =	simm.s32 $0xB00;
	[sflag:s26] =	ssyncadd.s32 $0xFFFFC000  }
0xb1: {  	[tilespmem:s25], [sflag:$0x1] =	stream.indirect.gather [hbm4b:s1+s6], $0x80, s12, s6, $0xb8;
	[tilespmem:$0x1E000] =	vst v63  }
0xb2: {  	_ =	swait.ge [sflag:s9], $0x4000  }
0xb3: {  	[sflag:s9] =	ssyncset.done $0x0  }
0xb4: {  	s13 =	simm.s32 $0x1A80;
	[sflag:s9] =	ssyncadd.s32 $0xFFFFC000  }
0xb5: {  	[spmem:s2] =	stream.indirect.scatter.add.f32 [tilespmem:s7], [sflag:$0x7], $0x80, s13, s6, $0xb8;
	[tilespmem:$0x1E000] =	vst v63  }
0xb6: {  	_ =	swait.ge [sflag:s26], $0x4000  }
0xb7: {  	[sflag:s26] =	ssyncset.done $0x0  }
0xb8: {  	s19 =	simm.s32 $0xB80;
	[sflag:s26] =	ssyncadd.s32 $0xFFFFC000  }
0xb9: {  	[tilespmem:s7], [sflag:$0x2] =	stream.indirect.gather [hbm4b:s1+s6], $0x80, s19, s6, $0xb8;
	[tilespmem:$0x1E000] =	vst v63  }
0xba: {  	_ =	swait.ge [sflag:s31], $0x4000  }
0xbb: {  	[sflag:s31] =	ssyncset.done $0x0  }
0xbc: {  	s12 =	simm.s32 $0x1B00;
	[sflag:s31] =	ssyncadd.s32 $0xFFFFC000  }
0xbd: {  	[spmem:s2] =	stream.indirect.scatter.add.f32 [tilespmem:s25], [sflag:$0x7], $0x80, s12, s6, $0xb8;
	[tilespmem:$0x1E000] =	vst v63  }
0xbe: {  	_ =	swait.ge [sflag:s26], $0x4000  }
0xbf: {  	[sflag:s26] =	ssyncset.done $0x0  }
0xc0: {  	s13 =	simm.s32 $0xC00;
	[sflag:s26] =	ssyncadd.s32 $0xFFFFC000  }
0xc1: {  	[tilespmem:s25], [sflag:$0x1] =	stream.indirect.gather [hbm4b:s1+s6], $0x80, s13, s6, $0xb8;
	[tilespmem:$0x1E000] =	vst v63  }
0xc2: {  	_ =	swait.ge [sflag:s9], $0x4000  }
0xc3: {  	[sflag:s9] =	ssyncset.done $0x0  }
0xc4: {  	s19 =	simm.s32 $0x1B80;
	[sflag:s9] =	ssyncadd.s32 $0xFFFFC000  }
0xc5: {  	[spmem:s2] =	stream.indirect.scatter.add.f32 [tilespmem:s7], [sflag:$0x7], $0x80, s19, s6, $0xb8;
	[tilespmem:$0x1E000] =	vst v63  }
0xc6: {  	_ =	swait.ge [sflag:s26], $0x4000  }
0xc7: {  	[sflag:s26] =	ssyncset.done $0x0  }
0xc8: {  	s12 =	simm.s32 $0xC80;
	[sflag:s26] =	ssyncadd.s32 $0xFFFFC000  }
0xc9: {  	[tilespmem:s7], [sflag:$0x2] =	stream.indirect.gather [hbm4b:s1+s6], $0x80, s12, s6, $0xb8;
	[tilespmem:$0x1E000] =	vst v63  }
0xca: {  	_ =	swait.ge [sflag:s31], $0x4000  }
0xcb: {  	[sflag:s31] =	ssyncset.done $0x0  }
0xcc: {  	s13 =	simm.s32 $0x1C00;
	[sflag:s31] =	ssyncadd.s32 $0xFFFFC000  }
0xcd: {  	[spmem:s2] =	stream.indirect.scatter.add.f32 [tilespmem:s25], [sflag:$0x7], $0x80, s13, s6, $0xb8;
	[tilespmem:$0x1E000] =	vst v63  }
0xce: {  	_ =	swait.ge [sflag:s26], $0x4000  }
0xcf: {  	[sflag:s26] =	ssyncset.done $0x0  }
0xd0: {  	s19 =	simm.s32 $0xD00;
	[sflag:s26] =	ssyncadd.s32 $0xFFFFC000  }
0xd1: {  	[tilespmem:s25], [sflag:$0x1] =	stream.indirect.gather [hbm4b:s1+s6], $0x80, s19, s6, $0xb8;
	[tilespmem:$0x1E000] =	vst v63  }
0xd2: {  	_ =	swait.ge [sflag:s9], $0x4000  }
0xd3: {  	[sflag:s9] =	ssyncset.done $0x0  }
0xd4: {  	s12 =	simm.s32 $0x1C80;
	[sflag:s9] =	ssyncadd.s32 $0xFFFFC000  }
0xd5: {  	[spmem:s2] =	stream.indirect.scatter.add.f32 [tilespmem:s7], [sflag:$0x7], $0x80, s12, s6, $0xb8;
	[tilespmem:$0x1E000] =	vst v63  }
0xd6: {  	_ =	swait.ge [sflag:s26], $0x4000  }
0xd7: {  	[sflag:s26] =	ssyncset.done $0x0  }
0xd8: {  	s13 =	simm.s32 $0xD80;
	[sflag:s26] =	ssyncadd.s32 $0xFFFFC000  }
0xd9: {  	[tilespmem:s7], [sflag:$0x2] =	stream.indirect.gather [hbm4b:s1+s6], $0x80, s13, s6, $0xb8;
	[tilespmem:$0x1E000] =	vst v63  }
0xda: {  	_ =	swait.ge [sflag:s31], $0x4000  }
0xdb: {  	[sflag:s31] =	ssyncset.done $0x0  }
0xdc: {  	s19 =	simm.s32 $0x1D00;
	[sflag:s31] =	ssyncadd.s32 $0xFFFFC000  }
0xdd: {  	[spmem:s2] =	stream.indirect.scatter.add.f32 [tilespmem:s25], [sflag:$0x7], $0x80, s19, s6, $0xb8;
	[tilespmem:$0x1E000] =	vst v63  }
0xde: {  	_ =	swait.ge [sflag:s26], $0x4000  }
0xdf: {  	[sflag:s26] =	ssyncset.done $0x0  }
0xe0: {  	s12 =	simm.s32 $0xE00;
	[sflag:s26] =	ssyncadd.s32 $0xFFFFC000  }
0xe1: {  	[tilespmem:s25], [sflag:$0x1] =	stream.indirect.gather [hbm4b:s1+s6], $0x80, s12, s6, $0xb8;
	[tilespmem:$0x1E000] =	vst v63  }
0xe2: {  	_ =	swait.ge [sflag:s9], $0x4000  }
0xe3: {  	[sflag:s9] =	ssyncset.done $0x0  }
0xe4: {  	s13 =	simm.s32 $0x1D80;
	[sflag:s9] =	ssyncadd.s32 $0xFFFFC000  }
0xe5: {  	[spmem:s2] =	stream.indirect.scatter.add.f32 [tilespmem:s7], [sflag:$0x7], $0x80, s13, s6, $0xb8;
	[tilespmem:$0x1E000] =	vst v63  }
0xe6: {  	_ =	swait.ge [sflag:s26], $0x4000  }
0xe7: {  	[sflag:s26] =	ssyncset.done $0x0  }
0xe8: {  	s19 =	simm.s32 $0xE80;
	[sflag:s26] =	ssyncadd.s32 $0xFFFFC000  }
0xe9: {  	[tilespmem:s7], [sflag:$0x2] =	stream.indirect.gather [hbm4b:s1+s6], $0x80, s19, s6, $0xb8;
	[tilespmem:$0x1E000] =	vst v63  }
0xea: {  	_ =	swait.ge [sflag:s31], $0x4000  }
0xeb: {  	[sflag:s31] =	ssyncset.done $0x0  }
0xec: {  	s12 =	simm.s32 $0x1E00;
	[sflag:s31] =	ssyncadd.s32 $0xFFFFC000  }
0xed: {  	[spmem:s2] =	stream.indirect.scatter.add.f32 [tilespmem:s25], [sflag:$0x7], $0x80, s12, s6, $0xb8;
	[tilespmem:$0x1E000] =	vst v63  }
0xee: {  	_ =	swait.ge [sflag:s26], $0x4000  }
0xef: {  	[sflag:s26] =	ssyncset.done $0x0  }
0xf0: {  	s13 =	simm.s32 $0xF00;
	[sflag:s26] =	ssyncadd.s32 $0xFFFFC000  }
0xf1: {  	[tilespmem:s25], [sflag:$0x1] =	stream.indirect.gather [hbm4b:s1+s6], $0x80, s13, s6, $0xb8;
	[tilespmem:$0x1E000] =	vst v63  }
0xf2: {  	_ =	swait.ge [sflag:s9], $0x4000  }
0xf3: {  	[sflag:s9] =	ssyncset.done $0x0  }
0xf4: {  	s19 =	simm.s32 $0x1E80;
	[sflag:s9] =	ssyncadd.s32 $0xFFFFC000  }
0xf5: {  	[spmem:s2] =	stream.indirect.scatter.add.f32 [tilespmem:s7], [sflag:$0x7], $0x80, s19, s6, $0xb8;
	[tilespmem:$0x1E000] =	vst v63  }
0xf6: {  	_ =	swait.ge [sflag:s26], $0x4000  }
0xf7: {  	[sflag:s26] =	ssyncset.done $0x0  }
0xf8: {  	s12 =	simm.s32 $0xF80;
	[sflag:s26] =	ssyncadd.s32 $0xFFFFC000  }
0xf9: {  	[tilespmem:s7], [sflag:$0x2] =	stream.indirect.gather [hbm4b:s1+s6], $0x80, s12, s6, $0xb8;
	[tilespmem:$0x1E000] =	vst v63  }
0xfa: {  	_ =	swait.ge [sflag:s31], $0x4000  }
0xfb: {  	[sflag:s31] =	ssyncset.done $0x0  }
0xfc: {  	s13 =	simm.s32 $0x1F00;
	[sflag:s31] =	ssyncadd.s32 $0xFFFFC000  }
0xfd: {  	[spmem:s2] =	stream.indirect.scatter.add.f32 [tilespmem:s25], [sflag:$0x7], $0x80, s13, s6, $0xb8;
	[tilespmem:$0x1E000] =	vst v63  }
0xfe: {  	_ =	swait.ge [sflag:s26], $0x4000  }
0xff: {  	[sflag:s26] =	ssyncset.done $0x0  }
0x100: {  	[sflag:s26] =	ssyncadd.s32 $0xFFFFC000  }
0x101: {  	_ =	swait.ge [sflag:s0], $0x800  }
0x102: {  	[sflag:s0] =	ssyncset.done $0x0  }
0x103: {  	[sflag:s0] =	ssyncadd.s32 $0xFFFFF800  }
0x104: {  	_ =	swait.ge [sflag:s3], $0x800  }
0x105: {  	[sflag:s3] =	ssyncset.done $0x0  }
0x106: {  	[sflag:s3] =	ssyncadd.s32 $0xFFFFF800  }
0x107: {  	[tilespmem:s25], [sflag:$0x1] =	stream.indirect.gather [hbm4b:s1+s6], $0x80, s4, s6, $0xb8;
	[tilespmem:$0x1E000] =	vst v63  }
0x108: {  	p0 =	sgt.u32 s8, $0x2;
	_ =	swait.ge [sflag:s9], $0x4000  }
0x109: {  	p1 =	sgt.u32 @!p0 s17, $0x9BF;
	[sflag:s9] =	ssyncset.done $0x0  }
0x10a: {  	p2 =	por !p1, p0;
	s19 =	simm.s32 $0x1F80;
	[sflag:s9] =	ssyncadd.s32 $0xFFFFC000  }
0x10b: {  	[spmem:s2] =	stream.indirect.scatter.add.f32 [tilespmem:s7], [sflag:$0x7], $0x80, s19, s6, $0xb8;
	[tilespmem:$0x1E000] =	vst v63  }
0x10c: {  	s10 =	sadd.s32 @!p2 s15, s11;
	_ =	swait.ge [sflag:s26], $0x4000  }
0x10d: {  	s12 =	simm.s32 @!p2 $0x800;
	s13 =	sadd.s32 @!p2 $0xFFFB3000, s10;
	[sflag:s26] =	ssyncset.done $0x0  }
0x10e: {  	s10 =	sadd.s32 @!p2 $0xFFFB5000, s10;
	s13 =	sshrl.u32 @!p2 s13, $0x3;
	[sflag:s26] =	ssyncadd.s32 $0xFFFFC000  }
0x10f: {  	[tilespmem:s7], [sflag:$0x2] =	stream.indirect.gather [hbm4b:s1+s6], $0x80, s6, s6, $0xb8;
	[tilespmem:$0x1E000] =	vst v63  }
0x110: {  	s10 =	sshrl.u32 @!p2 s10, $0x3;
	s13 =	sadd.s32 @!p2 s5, s13;
	s19 =	simm.s32 @!p2 $0x0  }
0x111: {  	[tilespmem:s12], [sflag:$0x4] =	stream.linear.gather @!p2 [hbm4b:s13+s19], $0x800, $0x38;
	[tilespmem:$0x1E000] =	vst v63  }
0x112: {  	p0 =	por p1, p0;
	s10 =	sadd.s32 @!p2 s5, s10;
	s12 =	simm.s32 @!p2 $0x1800  }
0x113: {  	[tilespmem:s12], [sflag:$0x6] =	stream.linear.gather @!p2 [hbm4b:s10+s19], $0x800, $0x38;
	[tilespmem:$0x1E000] =	vst v63  }
0x114: {  	s13 =	simm.s32 @!p0 $0x800;
	s10 =	sadd.s32 @!p0 $0xFFFF63C0, s18;
	s12 =	simm.s32 @!p0 $0x0  }
0x115: {  	[tilespmem:s13], [sflag:$0x4] =	stream.linear.gather @!p0 [hbm4b:s10+s12], $0x800, $0x38;
	[tilespmem:$0x1E000] =	vst v63  }
0x116: {  	s10 =	simm.s32 @!p0 $0x1800  }
0x117: {  	[tilespmem:s10], [sflag:$0x6] =	stream.linear.gather @!p0 [hbm4b:s18+s12], $0x800, $0x38;
	[tilespmem:$0x1E000] =	vst v63  }
.LBB2_7:
0x118: {  	s15 =	sadd.s32 $0x800, s15  }
0x119: {  	p0 =	sne.s32 s15, $0x2800  }
.Ltmp3:
0x11a: {  	_ = 	snop;
	(pc) =	sbr.rel @!p0 .LBB2_8-.Ltmp3, $2  }
0x11b: {  	_ =	sdelay $0x2  }
0x11c: {  	s8 =	sadd.s32 $0x1, s8;
	s18 =	sadd.s32 $0x100, s18;
	s17 =	sadd.s32 $0x10, s17  }
.LBB2_2:
0x11d: {  	s10 =	sand.u32 $0x1, s8  }
0x11e: {  	p0 =	seq.s32 s10, $0x1  }
.Ltmp4:
0x11f: {  	_ = 	snop;
	(pc) =	sbr.rel @p0 .LBB2_6-.Ltmp4, $4  }
0x120: {  	_ = 	snop  }
0x121: {  	_ =	swait.ge [sflag:s31], $0x4000  }
0x122: {  	[sflag:s31] =	ssyncset.done $0x0  }
0x123: {  	[sflag:s31] =	ssyncadd.s32 $0xFFFFC000  }
0x124: {  	s10 =	simm.s32 $0x1000  }
0x125: {  	[spmem:s2] =	stream.indirect.scatter.add.f32 [tilespmem:s25], [sflag:$0x7], $0x80, s10, s6, $0xb8;
	[tilespmem:$0x1E000] =	vst v63  }
0x126: {  	_ =	swait.ge [sflag:s26], $0x4000  }
0x127: {  	[sflag:s26] =	ssyncset.done $0x0  }
0x128: {  	s19 =	simm.s32 $0x100;
	[sflag:s26] =	ssyncadd.s32 $0xFFFFC000  }
0x129: {  	[tilespmem:s25], [sflag:$0x1] =	stream.indirect.gather [hbm4b:s1+s6], $0x80, s19, s6, $0xb8;
	[tilespmem:$0x1E000] =	vst v63  }
0x12a: {  	_ =	swait.ge [sflag:s9], $0x4000  }
0x12b: {  	[sflag:s9] =	ssyncset.done $0x0  }
0x12c: {  	s12 =	simm.s32 $0x1080;
	[sflag:s9] =	ssyncadd.s32 $0xFFFFC000  }
0x12d: {  	[spmem:s2] =	stream.indirect.scatter.add.f32 [tilespmem:s7], [sflag:$0x7], $0x80, s12, s6, $0xb8;
	[tilespmem:$0x1E000] =	vst v63  }
0x12e: {  	_ =	swait.ge [sflag:s26], $0x4000  }
0x12f: {  	[sflag:s26] =	ssyncset.done $0x0  }
0x130: {  	s13 =	simm.s32 $0x180;
	[sflag:s26] =	ssyncadd.s32 $0xFFFFC000  }
0x131: {  	[tilespmem:s7], [sflag:$0x2] =	stream.indirect.gather [hbm4b:s1+s6], $0x80, s13, s6, $0xb8;
	[tilespmem:$0x1E000] =	vst v63  }
0x132: {  	_ =	swait.ge [sflag:s31], $0x4000  }
0x133: {  	[sflag:s31] =	ssyncset.done $0x0  }
0x134: {  	s19 =	simm.s32 $0x1100;
	[sflag:s31] =	ssyncadd.s32 $0xFFFFC000  }
0x135: {  	[spmem:s2] =	stream.indirect.scatter.add.f32 [tilespmem:s25], [sflag:$0x7], $0x80, s19, s6, $0xb8;
	[tilespmem:$0x1E000] =	vst v63  }
0x136: {  	_ =	swait.ge [sflag:s26], $0x4000  }
0x137: {  	[sflag:s26] =	ssyncset.done $0x0  }
0x138: {  	s12 =	simm.s32 $0x200;
	[sflag:s26] =	ssyncadd.s32 $0xFFFFC000  }
0x139: {  	[tilespmem:s25], [sflag:$0x1] =	stream.indirect.gather [hbm4b:s1+s6], $0x80, s12, s6, $0xb8;
	[tilespmem:$0x1E000] =	vst v63  }
0x13a: {  	_ =	swait.ge [sflag:s9], $0x4000  }
0x13b: {  	[sflag:s9] =	ssyncset.done $0x0  }
0x13c: {  	s13 =	simm.s32 $0x1180;
	[sflag:s9] =	ssyncadd.s32 $0xFFFFC000  }
0x13d: {  	[spmem:s2] =	stream.indirect.scatter.add.f32 [tilespmem:s7], [sflag:$0x7], $0x80, s13, s6, $0xb8;
	[tilespmem:$0x1E000] =	vst v63  }
0x13e: {  	_ =	swait.ge [sflag:s26], $0x4000  }
0x13f: {  	[sflag:s26] =	ssyncset.done $0x0  }
0x140: {  	s19 =	simm.s32 $0x280;
	[sflag:s26] =	ssyncadd.s32 $0xFFFFC000  }
0x141: {  	[tilespmem:s7], [sflag:$0x2] =	stream.indirect.gather [hbm4b:s1+s6], $0x80, s19, s6, $0xb8;
	[tilespmem:$0x1E000] =	vst v63  }
0x142: {  	_ =	swait.ge [sflag:s31], $0x4000  }
0x143: {  	[sflag:s31] =	ssyncset.done $0x0  }
0x144: {  	s12 =	simm.s32 $0x1200;
	[sflag:s31] =	ssyncadd.s32 $0xFFFFC000  }
0x145: {  	[spmem:s2] =	stream.indirect.scatter.add.f32 [tilespmem:s25], [sflag:$0x7], $0x80, s12, s6, $0xb8;
	[tilespmem:$0x1E000] =	vst v63  }
0x146: {  	_ =	swait.ge [sflag:s26], $0x4000  }
0x147: {  	[sflag:s26] =	ssyncset.done $0x0  }
0x148: {  	s13 =	simm.s32 $0x300;
	[sflag:s26] =	ssyncadd.s32 $0xFFFFC000  }
0x149: {  	[tilespmem:s25], [sflag:$0x1] =	stream.indirect.gather [hbm4b:s1+s6], $0x80, s13, s6, $0xb8;
	[tilespmem:$0x1E000] =	vst v63  }
0x14a: {  	_ =	swait.ge [sflag:s9], $0x4000  }
0x14b: {  	[sflag:s9] =	ssyncset.done $0x0  }
0x14c: {  	s19 =	simm.s32 $0x1280;
	[sflag:s9] =	ssyncadd.s32 $0xFFFFC000  }
0x14d: {  	[spmem:s2] =	stream.indirect.scatter.add.f32 [tilespmem:s7], [sflag:$0x7], $0x80, s19, s6, $0xb8;
	[tilespmem:$0x1E000] =	vst v63  }
0x14e: {  	_ =	swait.ge [sflag:s26], $0x4000  }
0x14f: {  	[sflag:s26] =	ssyncset.done $0x0  }
0x150: {  	s12 =	simm.s32 $0x380;
	[sflag:s26] =	ssyncadd.s32 $0xFFFFC000  }
0x151: {  	[tilespmem:s7], [sflag:$0x2] =	stream.indirect.gather [hbm4b:s1+s6], $0x80, s12, s6, $0xb8;
	[tilespmem:$0x1E000] =	vst v63  }
0x152: {  	_ =	swait.ge [sflag:s31], $0x4000  }
0x153: {  	[sflag:s31] =	ssyncset.done $0x0  }
0x154: {  	s13 =	simm.s32 $0x1300;
	[sflag:s31] =	ssyncadd.s32 $0xFFFFC000  }
0x155: {  	[spmem:s2] =	stream.indirect.scatter.add.f32 [tilespmem:s25], [sflag:$0x7], $0x80, s13, s6, $0xb8;
	[tilespmem:$0x1E000] =	vst v63  }
0x156: {  	_ =	swait.ge [sflag:s26], $0x4000  }
0x157: {  	[sflag:s26] =	ssyncset.done $0x0  }
0x158: {  	s19 =	simm.s32 $0x400;
	[sflag:s26] =	ssyncadd.s32 $0xFFFFC000  }
0x159: {  	[tilespmem:s25], [sflag:$0x1] =	stream.indirect.gather [hbm4b:s1+s6], $0x80, s19, s6, $0xb8;
	[tilespmem:$0x1E000] =	vst v63  }
0x15a: {  	_ =	swait.ge [sflag:s9], $0x4000  }
0x15b: {  	[sflag:s9] =	ssyncset.done $0x0  }
0x15c: {  	s12 =	simm.s32 $0x1380;
	[sflag:s9] =	ssyncadd.s32 $0xFFFFC000  }
0x15d: {  	[spmem:s2] =	stream.indirect.scatter.add.f32 [tilespmem:s7], [sflag:$0x7], $0x80, s12, s6, $0xb8;
	[tilespmem:$0x1E000] =	vst v63  }
0x15e: {  	_ =	swait.ge [sflag:s26], $0x4000  }
0x15f: {  	[sflag:s26] =	ssyncset.done $0x0  }
0x160: {  	s13 =	simm.s32 $0x480;
	[sflag:s26] =	ssyncadd.s32 $0xFFFFC000  }
0x161: {  	[tilespmem:s7], [sflag:$0x2] =	stream.indirect.gather [hbm4b:s1+s6], $0x80, s13, s6, $0xb8;
	[tilespmem:$0x1E000] =	vst v63  }
0x162: {  	_ =	swait.ge [sflag:s31], $0x4000  }
0x163: {  	[sflag:s31] =	ssyncset.done $0x0  }
0x164: {  	s19 =	simm.s32 $0x1400;
	[sflag:s31] =	ssyncadd.s32 $0xFFFFC000  }
0x165: {  	[spmem:s2] =	stream.indirect.scatter.add.f32 [tilespmem:s25], [sflag:$0x7], $0x80, s19, s6, $0xb8;
	[tilespmem:$0x1E000] =	vst v63  }
0x166: {  	_ =	swait.ge [sflag:s26], $0x4000  }
0x167: {  	[sflag:s26] =	ssyncset.done $0x0  }
0x168: {  	s12 =	simm.s32 $0x500;
	[sflag:s26] =	ssyncadd.s32 $0xFFFFC000  }
0x169: {  	[tilespmem:s25], [sflag:$0x1] =	stream.indirect.gather [hbm4b:s1+s6], $0x80, s12, s6, $0xb8;
	[tilespmem:$0x1E000] =	vst v63  }
0x16a: {  	_ =	swait.ge [sflag:s9], $0x4000  }
0x16b: {  	[sflag:s9] =	ssyncset.done $0x0  }
0x16c: {  	s13 =	simm.s32 $0x1480;
	[sflag:s9] =	ssyncadd.s32 $0xFFFFC000  }
0x16d: {  	[spmem:s2] =	stream.indirect.scatter.add.f32 [tilespmem:s7], [sflag:$0x7], $0x80, s13, s6, $0xb8;
	[tilespmem:$0x1E000] =	vst v63  }
0x16e: {  	_ =	swait.ge [sflag:s26], $0x4000  }
0x16f: {  	[sflag:s26] =	ssyncset.done $0x0  }
0x170: {  	s19 =	simm.s32 $0x580;
	[sflag:s26] =	ssyncadd.s32 $0xFFFFC000  }
0x171: {  	[tilespmem:s7], [sflag:$0x2] =	stream.indirect.gather [hbm4b:s1+s6], $0x80, s19, s6, $0xb8;
	[tilespmem:$0x1E000] =	vst v63  }
0x172: {  	_ =	swait.ge [sflag:s31], $0x4000  }
0x173: {  	[sflag:s31] =	ssyncset.done $0x0  }
0x174: {  	s12 =	simm.s32 $0x1500;
	[sflag:s31] =	ssyncadd.s32 $0xFFFFC000  }
0x175: {  	[spmem:s2] =	stream.indirect.scatter.add.f32 [tilespmem:s25], [sflag:$0x7], $0x80, s12, s6, $0xb8;
	[tilespmem:$0x1E000] =	vst v63  }
0x176: {  	_ =	swait.ge [sflag:s26], $0x4000  }
0x177: {  	[sflag:s26] =	ssyncset.done $0x0  }
0x178: {  	s13 =	simm.s32 $0x600;
	[sflag:s26] =	ssyncadd.s32 $0xFFFFC000  }
0x179: {  	[tilespmem:s25], [sflag:$0x1] =	stream.indirect.gather [hbm4b:s1+s6], $0x80, s13, s6, $0xb8;
	[tilespmem:$0x1E000] =	vst v63  }
0x17a: {  	_ =	swait.ge [sflag:s9], $0x4000  }
0x17b: {  	[sflag:s9] =	ssyncset.done $0x0  }
0x17c: {  	s19 =	simm.s32 $0x1580;
	[sflag:s9] =	ssyncadd.s32 $0xFFFFC000  }
0x17d: {  	[spmem:s2] =	stream.indirect.scatter.add.f32 [tilespmem:s7], [sflag:$0x7], $0x80, s19, s6, $0xb8;
	[tilespmem:$0x1E000] =	vst v63  }
0x17e: {  	_ =	swait.ge [sflag:s26], $0x4000  }
0x17f: {  	[sflag:s26] =	ssyncset.done $0x0  }
0x180: {  	[sflag:s26] =	ssyncadd.s32 $0xFFFFC000  }
0x181: {  	[tilespmem:s7], [sflag:$0x2] =	stream.indirect.gather [hbm4b:s1+s6], $0x80, s22, s6, $0xb8;
	[tilespmem:$0x1E000] =	vst v63  }
0x182: {  	_ =	swait.ge [sflag:s31], $0x4000  }
0x183: {  	[sflag:s31] =	ssyncset.done $0x0  }
0x184: {  	[sflag:s31] =	ssyncadd.s32 $0xFFFFC000  }
0x185: {  	[spmem:s2] =	stream.indirect.scatter.add.f32 [tilespmem:s25], [sflag:$0x7], $0x80, s28, s6, $0xb8;
	[tilespmem:$0x1E000] =	vst v63  }
0x186: {  	_ =	swait.ge [sflag:s26], $0x4000  }
0x187: {  	[sflag:s26] =	ssyncset.done $0x0  }
0x188: {  	[sflag:s26] =	ssyncadd.s32 $0xFFFFC000  }
0x189: {  	[tilespmem:s25], [sflag:$0x1] =	stream.indirect.gather [hbm4b:s1+s6], $0x80, s23, s6, $0xb8;
	[tilespmem:$0x1E000] =	vst v63  }
0x18a: {  	_ =	swait.ge [sflag:s9], $0x4000  }
0x18b: {  	[sflag:s9] =	ssyncset.done $0x0  }
0x18c: {  	[sflag:s9] =	ssyncadd.s32 $0xFFFFC000  }
0x18d: {  	[spmem:s2] =	stream.indirect.scatter.add.f32 [tilespmem:s7], [sflag:$0x7], $0x80, s30, s6, $0xb8;
	[tilespmem:$0x1E000] =	vst v63  }
0x18e: {  	_ =	swait.ge [sflag:s26], $0x4000  }
0x18f: {  	[sflag:s26] =	ssyncset.done $0x0  }
0x190: {  	[sflag:s26] =	ssyncadd.s32 $0xFFFFC000  }
0x191: {  	[tilespmem:s7], [sflag:$0x2] =	stream.indirect.gather [hbm4b:s1+s6], $0x80, s24, s6, $0xb8;
	[tilespmem:$0x1E000] =	vst v63  }
0x192: {  	_ =	swait.ge [sflag:s31], $0x4000  }
0x193: {  	p0 =	sne.s32 s15, $0x2000;
	[sflag:s31] =	ssyncset.done $0x0  }
.Ltmp5:
0x194: {  	[sflag:s31] =	ssyncadd.s32 $0xFFFFC000;
	(pc) =	sbr.rel @!p0 .LBB2_4-.Ltmp5, $4  }
0x195: {  	[spmem:s2] =	stream.indirect.scatter.add.f32 [tilespmem:s25], [sflag:$0x7], $0x80, s29, s6, $0xb8;
	[tilespmem:$0x1E000] =	vst v63  }
0x196: {  	_ =	swait.ge [sflag:s26], $0x4000  }
0x197: {  	[sflag:s26] =	ssyncset.done $0x0  }
0x198: {  	[sflag:s26] =	ssyncadd.s32 $0xFFFFC000  }
0x199: {  	_ =	swait.ge [sflag:s21], $0x800  }
0x19a: {  	[sflag:s21] =	ssyncset.done $0x0  }
0x19b: {  	[sflag:s21] =	ssyncadd.s32 $0xFFFFF800  }
0x19c: {  	_ =	swait.ge [sflag:s14], $0x800  }
0x19d: {  	[sflag:s14] =	ssyncset.done $0x0  }
0x19e: {  	s10 =	simm.s32 $0x800;
	[sflag:s14] =	ssyncadd.s32 $0xFFFFF800  }
0x19f: {  	[tilespmem:s25], [sflag:$0x1] =	stream.indirect.gather [hbm4b:s1+s6], $0x80, s10, s6, $0xb8;
	[tilespmem:$0x1E000] =	vst v63  }
0x1a0: {  	p0 =	sgt.u32 s8, $0x2;
	_ =	swait.ge [sflag:s9], $0x4000  }
0x1a1: {  	p1 =	sgt.u32 @!p0 s17, $0x9BF;
	[sflag:s9] =	ssyncset.done $0x0  }
0x1a2: {  	p2 =	por !p1, p0;
	[sflag:s9] =	ssyncadd.s32 $0xFFFFC000  }
0x1a3: {  	[spmem:s2] =	stream.indirect.scatter.add.f32 [tilespmem:s7], [sflag:$0x7], $0x80, s20, s6, $0xb8;
	[tilespmem:$0x1E000] =	vst v63  }
0x1a4: {  	s10 =	sadd.s32 @!p2 s15, s11;
	_ =	swait.ge [sflag:s26], $0x4000  }
0x1a5: {  	s19 =	simm.s32 $0x880;
	s13 =	sadd.s32 @!p2 $0xFFFB3000, s10;
	[sflag:s26] =	ssyncset.done $0x0  }
0x1a6: {  	s10 =	sadd.s32 @!p2 $0xFFFB5000, s10;
	s13 =	sshrl.u32 @!p2 s13, $0x3;
	[sflag:s26] =	ssyncadd.s32 $0xFFFFC000  }
0x1a7: {  	[tilespmem:s7], [sflag:$0x2] =	stream.indirect.gather [hbm4b:s1+s6], $0x80, s19, s6, $0xb8;
	[tilespmem:$0x1E000] =	vst v63  }
0x1a8: {  	s10 =	sshrl.u32 @!p2 s10, $0x3;
	s13 =	sadd.s32 @!p2 s5, s13;
	s19 =	simm.s32 @!p2 $0x0  }
0x1a9: {  	[tilespmem:s19], [sflag:$0x3] =	stream.linear.gather @!p2 [hbm4b:s13+s19], $0x800, $0x38;
	[tilespmem:$0x1E000] =	vst v63  }
0x1aa: {  	s10 =	sadd.s32 @!p2 s5, s10;
	s13 =	simm.s32 @!p2 $0x1000  }
0x1ab: {  	[tilespmem:s13], [sflag:$0x5] =	stream.linear.gather @!p2 [hbm4b:s10+s19], $0x800, $0x38;
	[tilespmem:$0x1E000] =	vst v63  }
.Ltmp6:
0x1ac: {  	p0 =	por p1, p0;
	(pc) =	sbr.rel .LBB2_7-.Ltmp6, $4  }
0x1ad: {  	s10 =	sadd.s32 @!p0 $0xFFFF63C0, s18;
	s13 =	simm.s32 @!p0 $0x0  }
0x1ae: {  	[tilespmem:s13], [sflag:$0x3] =	stream.linear.gather @!p0 [hbm4b:s10+s13], $0x800, $0x38;
	[tilespmem:$0x1E000] =	vst v63  }
0x1af: {  	s10 =	simm.s32 @!p0 $0x1000  }
0x1b0: {  	[tilespmem:s10], [sflag:$0x5] =	stream.linear.gather @!p0 [hbm4b:s18+s13], $0x800, $0x38;
	[tilespmem:$0x1E000] =	vst v63  }
.LBB2_9:
0x1b1: {  	_ =	sfence.sel $0x180000  }
0x1b2: {  	[bflag:$0x0] =	sbarrier.arrive $0xFFFF  }
0x1b3: {  	_ =	strace $0x90000047  }
0x1b4: {  	s0 =	stileid.u32;
	[bflag:$0x2] =	sbarrier.arrive $0xFFFF  }
0x1b5: {  	p0 =	sne.s32 s0, $0x0;
	s0 =	rddreg [dreg:$0x4]  }
0x1b6: {  	s0 =	sadd.s32 @!p0 $0x100000, s0  }
0x1b7: {  	[sflag:s0] =	ssyncadd.tile.s32 @!p0 $0x1;
	_ =	shalt  }
.Lfunc_end2:
_tile_overlayer_lowered:
.L_overlay_start_2:
0x1b8: {  	(tag) =	ssettag $0x2  }
0x1b9: {  	s0 =	rddreg [dreg:$0x0];
	s2 =	stileid.u32  }
0x1ba: {  	s1 =	rddreg [dreg:$0x1];
	p0 =	sne.s32 s2, $0x0  }
0x1bb: {  	s3 =	rddreg [dreg:$0x2];
	[bflag:$0x3] =	sbarrier.arrive $0xFFFF;
	s2 =	simm.s32 @!p0 $0x1C07  }
0x1bc: {  	[timem:s3], [sflag:s2] =	dma.local @!p0 [hbm:s0], s1  }
0x1bd: {  	s0 =	simm.s32 @!p0 $0x7  }
0x1be: {  	_ =	swait.ge @!p0 [sflag:s0], s1  }
0x1bf: {  	s1 =	ssub.s32 @!p0 $0x0, s1;
	[sflag:s0] =	ssyncset.done @!p0 $0x0  }
0x1c0: {  	[sflag:s0] =	ssyncadd.s32 @!p0 s1  }
0x1c1: {  	[bflag:$0x3] =	sbarrier.arrive $0xFFFF  }
0x1c2: {  	_ =	shalt  }

</sc_bundles>
